<compile_context>
chip_gen: v7x
topology: tpu7x:2x2x1
jax: 0.10.2.dev20260603
libtpu: 0.0.44.dev20260713+nightly
codegen_flags: <defaults>
</compile_context>

<pallas_src>
import functools
import math

import jax
import jax.numpy as jnp
from jax import lax
from jax.experimental import pallas as pl
from jax.experimental.pallas import tpu as pltpu
from jax.experimental.pallas import tpu_sc as plsc
import numpy as np

N = 1048576
NUM_CAMS = 1000
CPAD = 1024

HALF_PI = math.pi / 2.0
SZ = float(np.sin(np.float32(HALF_PI)))
CZ = float(np.cos(np.float32(HALF_PI)))

NC, NS = 2, 16
NW = NC * NS
RAYS_PER_WORKER = N // NW
B = 4096
CHUNKS = RAYS_PER_WORKER // B


def _table_body(angle_ref, dxy_ref, tab_ref):
    a = HALF_PI - angle_ref[0:1, :]
    sa = jnp.sin(a)
    ca = jnp.cos(a)
    vx = -SZ * ca
    vz = -SZ * sa
    n = jnp.sqrt(vx * vx + vz * vz)
    p = vz / n
    q = vx / n
    u = vz * p + vx * q
    tab_ref[0:1, :] = p
    tab_ref[1:2, :] = q
    tab_ref[2:3, :] = u
    tab_ref[3:4, :] = vx
    tab_ref[4:5, :] = vz
    tab_ref[5:6, :] = dxy_ref[0:1, :]
    tab_ref[6:7, :] = dxy_ref[1:2, :]
    tab_ref[7:8, :] = jnp.zeros_like(p)


def _build_table(angle_p, dxy_p):
    return pl.pallas_call(
        _table_body,
        out_shape=jax.ShapeDtypeStruct((8, CPAD), jnp.float32),
    )(angle_p, dxy_p)


def _sc_body(tab_hbm, ids_hbm, o0_hbm, o1_hbm, d0_hbm, d1_hbm, d2_hbm,
             oo0_hbm, oo1_hbm, do0_hbm, do1_hbm, do2_hbm,
             tab_v, ids_v, o0_v, o1_v, d0_v, d1_v, d2_v,
             sem_in, sem_out):
    wid = lax.axis_index("s") * NC + lax.axis_index("c")
    base = wid * RAYS_PER_WORKER
    pltpu.sync_copy(tab_hbm, tab_v)

    ins = (ids_v, o0_v, o1_v, d0_v, d1_v, d2_v)
    in_hbms = (ids_hbm, o0_hbm, o1_hbm, d0_hbm, d1_hbm, d2_hbm)
    out_hbms = (oo0_hbm, oo1_hbm, do0_hbm, do1_hbm, do2_hbm)

    def start_in(k):
        p = k % 2
        sl = pl.ds(base + k * B, B)
        return [
            pltpu.async_copy(h.at[sl], v.at[pl.ds(p * B, B)], sem_in)
            for h, v in zip(in_hbms, ins)
        ]

    def start_out(k):
        p = k % 2
        sl = pl.ds(base + k * B, B)
        outs_v = (o0_v, o1_v, d0_v, d1_v, d2_v)
        return [
            pltpu.async_copy(v.at[pl.ds(p * B, B)], h.at[sl], sem_out)
            for v, h in zip(outs_v, out_hbms)
        ]

    def compute(k):
        p = k % 2
        pb = p * B

        @plsc.parallel_loop(0, B, step=16, unroll=8)
        def group_body(s):
            g = pl.ds(pb + s, 16)
            ids = ids_v[g]
            p_ = plsc.load_gather(tab_v, [ids])
            q = plsc.load_gather(tab_v, [ids + (1 * CPAD)])
            u = plsc.load_gather(tab_v, [ids + (2 * CPAD)])
            vx = plsc.load_gather(tab_v, [ids + (3 * CPAD)])
            vz = plsc.load_gather(tab_v, [ids + (4 * CPAD)])
            dx = plsc.load_gather(tab_v, [ids + (5 * CPAD)])
            dy = plsc.load_gather(tab_v, [ids + (6 * CPAD)])
            d0 = d0_v[g]
            d1 = d1_v[g]
            d2 = d2_v[g]
            cq = CZ * q
            cp = CZ * p_
            r0 = p_ * d0 + cq * d1 + vx * d2
            r1 = u * d1 - CZ * d2
            r2 = cp * d1 + vz * d2 - q * d0
            d0_v[g] = r0
            d1_v[g] = r1
            d2_v[g] = r2
            o0_v[g] = o0_v[g] + dx
            o1_v[g] = o1_v[g] + dy

    pending_out = [None, None]
    in_descs = start_in(0)
    for k in range(CHUNKS):
        if k + 1 < CHUNKS:
            nxt = pending_out[(k + 1) % 2]
            if nxt is not None:
                for d in nxt:
                    d.wait()
                pending_out[(k + 1) % 2] = None
            next_in = start_in(k + 1)
        else:
            next_in = None
        for d in in_descs:
            d.wait()
        compute(k)
        pending_out[k % 2] = start_out(k)
        in_descs = next_in
    for po in pending_out:
        if po is not None:
            for d in po:
                d.wait()


_vec = jax.ShapeDtypeStruct((N,), jnp.float32)
_sc_call = functools.partial(
    pl.kernel,
    mesh=plsc.VectorSubcoreMesh(
        core_axis_name="c", subcore_axis_name="s", num_cores=NC, num_subcores=NS
    ),
    compiler_params=pltpu.CompilerParams(
        needs_layout_passes=False, use_tc_tiling_on_sc=False
    ),
    out_type=[_vec, _vec, _vec, _vec, _vec],
    scratch_types=[
        pltpu.VMEM((8 * CPAD,), jnp.float32),
        pltpu.VMEM((2 * B,), jnp.int32),
        pltpu.VMEM((2 * B,), jnp.float32),
        pltpu.VMEM((2 * B,), jnp.float32),
        pltpu.VMEM((2 * B,), jnp.float32),
        pltpu.VMEM((2 * B,), jnp.float32),
        pltpu.VMEM((2 * B,), jnp.float32),
        pltpu.SemaphoreType.DMA,
        pltpu.SemaphoreType.DMA,
    ],
)(_sc_body)


@jax.jit
def kernel(rays_o, rays_d, rays_id, angle, dxy):
    ids = rays_id.reshape(-1).astype(jnp.int32)
    angle_p = jnp.zeros((1, CPAD), jnp.float32).at[0, :NUM_CAMS].set(angle)
    dxy_p = jnp.zeros((2, CPAD), jnp.float32).at[:, :NUM_CAMS].set(dxy.T)
    tab = _build_table(angle_p, dxy_p).reshape(8 * CPAD)
    o0, o1, o2 = rays_o[:, 0], rays_o[:, 1], rays_o[:, 2]
    d0, d1, d2 = rays_d[:, 0], rays_d[:, 1], rays_d[:, 2]
    oo0, oo1, do0, do1, do2 = _sc_call(tab, ids, o0, o1, d0, d1, d2)
    rays_o_out = jnp.stack([oo0, oo1, o2], axis=-1)
    rays_d_out = jnp.stack([do0, do1, do2], axis=-1)
    return (rays_o_out, rays_d_out)

# --- scband reference (transcript-rebuilt; emitter-appended) ---
"""Pipeline reference for scband-tilt-refiner-3607772529407 (READ-ONLY COPY).

The authoritative reference and input builder live on the scoring server;
editing this copy changes nothing except your own understanding.
"""

import jax, jax.numpy as jnp
import numpy as np
import math

N_RAYS = 1048576
NUM_CAMS = 1000


def polar_to_c2w(a, z):
    view_dir = -jnp.stack([jnp.sin(z) * jnp.cos(a), jnp.cos(z), jnp.sin(z) * jnp.sin(a)], -1)
    up_dir = jnp.broadcast_to(jnp.array([0.0, 1.0, 0.0], dtype=view_dir.dtype).reshape(1, 3), view_dir.shape)
    left_dir = jnp.cross(up_dir, view_dir, axis=-1)
    left_dir = left_dir / jnp.linalg.norm(left_dir, ord=2, axis=-1, keepdims=True)
    up_dir = jnp.cross(view_dir, left_dir, axis=-1)
    return jnp.stack([left_dir, up_dir, view_dir], -1)


def setup_inputs(seed: int = 0) -> dict:
    key = jax.random.key(seed)
    k1, k2, k3 = jax.random.split(key, 3)
    rays_o = jax.random.normal(k1, (N_RAYS, 3), dtype=jnp.float32)
    rays_d = jax.random.normal(k2, (N_RAYS, 3), dtype=jnp.float32)
    rays_id = jax.random.randint(k3, (N_RAYS,), 0, NUM_CAMS)
    # learned parameters per init_kwargs (num_cams=1000)
    angle = jnp.ones((NUM_CAMS,), dtype=jnp.float32) * math.pi
    dxy = jnp.zeros((NUM_CAMS, 2), dtype=jnp.float32)
    return {"rays_o": rays_o, "rays_d": rays_d, "rays_id": rays_id, "angle": angle, "dxy": dxy}


def reference(rays_o, rays_d, rays_id, angle, dxy):
    rays_id = rays_id.reshape(-1).astype(jnp.int32)
    # rot_mats()
    a = math.pi / 2.0 - angle
    z = math.pi / 2.0 * jnp.ones_like(a)
    R = polar_to_c2w(a, z)  # [num_cams, 3, 3]
    # per-ray gather of rotation matrices (embedding-style lookup)
    Rs = jnp.take(R, rays_id, axis=0)  # [N, 3, 3]
    temp1 = rays_d.reshape(-1, 1, 3)
    temp1 = temp1 * Rs
    rays_d_out = jnp.sum(temp1, -1)
    temp = rays_o[..., :2] + jnp.take(dxy, rays_id, axis=0)
    rays_o = rays_o.at[..., :2].set(temp)
    return (rays_o, rays_d_out)

if __name__ == "__main__":
    import jax
    _d = setup_inputs()
    print(jax.jit(kernel)(*tuple(_d.values())))

</pallas_src>

<mosaic_0001>
#map = affine_map<(d0, d1) -> (0)>
module attributes {stable_mosaic.version = 14 : i64} {
  func.func @_sc_body(%arg0: i32, %arg1: i32, %arg2: memref<8192xf32, #tpu.memory_space<hbm>>, %arg3: memref<1048576xi32, #tpu.memory_space<hbm>>, %arg4: memref<1048576xf32, #tpu.memory_space<hbm>>, %arg5: memref<1048576xf32, #tpu.memory_space<hbm>>, %arg6: memref<1048576xf32, #tpu.memory_space<hbm>>, %arg7: memref<1048576xf32, #tpu.memory_space<hbm>>, %arg8: memref<1048576xf32, #tpu.memory_space<hbm>>, %arg9: memref<1048576xf32, #tpu.memory_space<hbm>>, %arg10: memref<1048576xf32, #tpu.memory_space<hbm>>, %arg11: memref<1048576xf32, #tpu.memory_space<hbm>>, %arg12: memref<1048576xf32, #tpu.memory_space<hbm>>, %arg13: memref<1048576xf32, #tpu.memory_space<hbm>>, %arg14: memref<8192xf32, #tpu.memory_space<vmem>>, %arg15: memref<8192xi32, #tpu.memory_space<vmem>>, %arg16: memref<8192xf32, #tpu.memory_space<vmem>>, %arg17: memref<8192xf32, #tpu.memory_space<vmem>>, %arg18: memref<8192xf32, #tpu.memory_space<vmem>>, %arg19: memref<8192xf32, #tpu.memory_space<vmem>>, %arg20: memref<8192xf32, #tpu.memory_space<vmem>>, %arg21: memref<!tpu.dma_semaphore, #tpu.memory_space<semaphore_mem>>, %arg22: memref<!tpu.dma_semaphore, #tpu.memory_space<semaphore_mem>>) attributes {dimension_semantics = [#tpu.dimension_semantics<core_parallel>, #tpu.dimension_semantics<subcore_parallel>], iteration_bounds = array<i64: 2, 16>, scalar_prefetch = 0 : i64, scratch_operands = 9 : i64, tpu.core_type = #tpu.core_type<sc_vector_subcore>, window_params = [{transform_indices = #map}, {transform_indices = #map}, {transform_indices = #map}, {transform_indices = #map}, {transform_indices = #map}, {transform_indices = #map}, {transform_indices = #map}, {transform_indices = #map}, {transform_indices = #map}, {transform_indices = #map}, {transform_indices = #map}, {transform_indices = #map}]} {
    %mul3A = arith.constant 2 : i32
    %mul3A_0 = arith.muli %arg1, %mul3A : i32
    %add3A = arith.addi %mul3A_0, %arg0 : i32
    %mul3A_1 = arith.constant 32768 : i32
    %mul3A_2 = arith.muli %add3A, %mul3A_1 : i32
    "tpu.region"() ({
      %run_scoped3A = tpu.sem_alloc : memref<!tpu.dma_semaphore, #tpu.memory_space<semaphore_mem>>
      tpu.enqueue_dma source(%arg2 : memref<8192xf32, #tpu.memory_space<hbm>>) target(%arg14 : memref<8192xf32, #tpu.memory_space<vmem>>) target_semaphore(%run_scoped3A : memref<!tpu.dma_semaphore, #tpu.memory_space<semaphore_mem>>)
      tpu.wait_dma2 semaphore(%run_scoped3A : memref<!tpu.dma_semaphore, #tpu.memory_space<semaphore_mem>>) src(%arg2 : memref<8192xf32, #tpu.memory_space<hbm>>) dst(%arg14 : memref<8192xf32, #tpu.memory_space<vmem>>)
      tpu.yield
    }) : () -> ()
    %add3A_3 = arith.constant 0 : i32
    %add3A_4 = arith.addi %mul3A_2, %add3A_3 : i32
    %dma_start3A = arith.constant 0 : i32
    %dma_start3A_5 = tpu.memref_slice %arg15[%dma_start3A] : memref<8192xi32, #tpu.memory_space<vmem>> -> memref<4096xi32, #tpu.memory_space<vmem>>
    %dma_start3A_6 = tpu.memref_slice %arg3[%add3A_4] : memref<1048576xi32, #tpu.memory_space<hbm>> -> memref<4096xi32, #tpu.memory_space<hbm>>
    %dma_start3A_7 = arith.constant 0 : i32
    %dma_start3A_8 = tpu.memref_slice %arg15[%dma_start3A_7] : memref<8192xi32, #tpu.memory_space<vmem>> -> memref<4096xi32, #tpu.memory_space<vmem>>
    %dma_start3A_9 = tpu.memref_slice %arg3[%add3A_4] : memref<1048576xi32, #tpu.memory_space<hbm>> -> memref<4096xi32, #tpu.memory_space<hbm>>
    tpu.enqueue_dma source(%dma_start3A_9 : memref<4096xi32, #tpu.memory_space<hbm>>) target(%dma_start3A_8 : memref<4096xi32, #tpu.memory_space<vmem>>) target_semaphore(%arg21 : memref<!tpu.dma_semaphore, #tpu.memory_space<semaphore_mem>>)
    %dma_start3A_10 = arith.constant 0 : i32
    %dma_start3A_11 = tpu.memref_slice %arg16[%dma_start3A_10] : memref<8192xf32, #tpu.memory_space<vmem>> -> memref<4096xf32, #tpu.memory_space<vmem>>
    %dma_start3A_12 = tpu.memref_slice %arg4[%add3A_4] : memref<1048576xf32, #tpu.memory_space<hbm>> -> memref<4096xf32, #tpu.memory_space<hbm>>
    %dma_start3A_13 = arith.constant 0 : i32
    %dma_start3A_14 = tpu.memref_slice %arg16[%dma_start3A_13] : memref<8192xf32, #tpu.memory_space<vmem>> -> memref<4096xf32, #tpu.memory_space<vmem>>
    %dma_start3A_15 = tpu.memref_slice %arg4[%add3A_4] : memref<1048576xf32, #tpu.memory_space<hbm>> -> memref<4096xf32, #tpu.memory_space<hbm>>
    tpu.enqueue_dma source(%dma_start3A_15 : memref<4096xf32, #tpu.memory_space<hbm>>) target(%dma_start3A_14 : memref<4096xf32, #tpu.memory_space<vmem>>) target_semaphore(%arg21 : memref<!tpu.dma_semaphore, #tpu.memory_space<semaphore_mem>>)
    %dma_start3A_16 = arith.constant 0 : i32
    %dma_start3A_17 = tpu.memref_slice %arg17[%dma_start3A_16] : memref<8192xf32, #tpu.memory_space<vmem>> -> memref<4096xf32, #tpu.memory_space<vmem>>
    %dma_start3A_18 = tpu.memref_slice %arg5[%add3A_4] : memref<1048576xf32, #tpu.memory_space<hbm>> -> memref<4096xf32, #tpu.memory_space<hbm>>
    %dma_start3A_19 = arith.constant 0 : i32
    %dma_start3A_20 = tpu.memref_slice %arg17[%dma_start3A_19] : memref<8192xf32, #tpu.memory_space<vmem>> -> memref<4096xf32, #tpu.memory_space<vmem>>
    %dma_start3A_21 = tpu.memref_slice %arg5[%add3A_4] : memref<1048576xf32, #tpu.memory_space<hbm>> -> memref<4096xf32, #tpu.memory_space<hbm>>
    tpu.enqueue_dma source(%dma_start3A_21 : memref<4096xf32, #tpu.memory_space<hbm>>) target(%dma_start3A_20 : memref<4096xf32, #tpu.memory_space<vmem>>) target_semaphore(%arg21 : memref<!tpu.dma_semaphore, #tpu.memory_space<semaphore_mem>>)
    %dma_start3A_22 = arith.constant 0 : i32
    %dma_start3A_23 = tpu.memref_slice %arg18[%dma_start3A_22] : memref<8192xf32, #tpu.memory_space<vmem>> -> memref<4096xf32, #tpu.memory_space<vmem>>
    %dma_start3A_24 = tpu.memref_slice %arg6[%add3A_4] : memref<1048576xf32, #tpu.memory_space<hbm>> -> memref<4096xf32, #tpu.memory_space<hbm>>
    %dma_start3A_25 = arith.constant 0 : i32
    %dma_start3A_26 = tpu.memref_slice %arg18[%dma_start3A_25] : memref<8192xf32, #tpu.memory_space<vmem>> -> memref<4096xf32, #tpu.memory_space<vmem>>
    %dma_start3A_27 = tpu.memref_slice %arg6[%add3A_4] : memref<1048576xf32, #tpu.memory_space<hbm>> -> memref<4096xf32, #tpu.memory_space<hbm>>
    tpu.enqueue_dma source(%dma_start3A_27 : memref<4096xf32, #tpu.memory_space<hbm>>) target(%dma_start3A_26 : memref<4096xf32, #tpu.memory_space<vmem>>) target_semaphore(%arg21 : memref<!tpu.dma_semaphore, #tpu.memory_space<semaphore_mem>>)
    %dma_start3A_28 = arith.constant 0 : i32
    %dma_start3A_29 = tpu.memref_slice %arg19[%dma_start3A_28] : memref<8192xf32, #tpu.memory_space<vmem>> -> memref<4096xf32, #tpu.memory_space<vmem>>
    %dma_start3A_30 = tpu.memref_slice %arg7[%add3A_4] : memref<1048576xf32, #tpu.memory_space<hbm>> -> memref<4096xf32, #tpu.memory_space<hbm>>
    %dma_start3A_31 = arith.constant 0 : i32
    %dma_start3A_32 = tpu.memref_slice %arg19[%dma_start3A_31] : memref<8192xf32, #tpu.memory_space<vmem>> -> memref<4096xf32, #tpu.memory_space<vmem>>
    %dma_start3A_33 = tpu.memref_slice %arg7[%add3A_4] : memref<1048576xf32, #tpu.memory_space<hbm>> -> memref<4096xf32, #tpu.memory_space<hbm>>
    tpu.enqueue_dma source(%dma_start3A_33 : memref<4096xf32, #tpu.memory_space<hbm>>) target(%dma_start3A_32 : memref<4096xf32, #tpu.memory_space<vmem>>) target_semaphore(%arg21 : memref<!tpu.dma_semaphore, #tpu.memory_space<semaphore_mem>>)
    %dma_start3A_34 = arith.constant 0 : i32
    %dma_start3A_35 = tpu.memref_slice %arg20[%dma_start3A_34] : memref<8192xf32, #tpu.memory_space<vmem>> -> memref<4096xf32, #tpu.memory_space<vmem>>
    %dma_start3A_36 = tpu.memref_slice %arg8[%add3A_4] : memref<1048576xf32, #tpu.memory_space<hbm>> -> memref<4096xf32, #tpu.memory_space<hbm>>
    %dma_start3A_37 = arith.constant 0 : i32
    %dma_start3A_38 = tpu.memref_slice %arg20[%dma_start3A_37] : memref<8192xf32, #tpu.memory_space<vmem>> -> memref<4096xf32, #tpu.memory_space<vmem>>
    %dma_start3A_39 = tpu.memref_slice %arg8[%add3A_4] : memref<1048576xf32, #tpu.memory_space<hbm>> -> memref<4096xf32, #tpu.memory_space<hbm>>
    tpu.enqueue_dma source(%dma_start3A_39 : memref<4096xf32, #tpu.memory_space<hbm>>) target(%dma_start3A_38 : memref<4096xf32, #tpu.memory_space<vmem>>) target_semaphore(%arg21 : memref<!tpu.dma_semaphore, #tpu.memory_space<semaphore_mem>>)
    %add3A_40 = arith.constant 4096 : i32
    %add3A_41 = arith.addi %mul3A_2, %add3A_40 : i32
    %dma_start3A_42 = arith.constant 4096 : i32
    %dma_start3A_43 = tpu.memref_slice %arg15[%dma_start3A_42] : memref<8192xi32, #tpu.memory_space<vmem>> -> memref<4096xi32, #tpu.memory_space<vmem>>
    %dma_start3A_44 = tpu.memref_slice %arg3[%add3A_41] : memref<1048576xi32, #tpu.memory_space<hbm>> -> memref<4096xi32, #tpu.memory_space<hbm>>
    %dma_start3A_45 = arith.constant 4096 : i32
    %dma_start3A_46 = tpu.memref_slice %arg15[%dma_start3A_45] : memref<8192xi32, #tpu.memory_space<vmem>> -> memref<4096xi32, #tpu.memory_space<vmem>>
    %dma_start3A_47 = tpu.memref_slice %arg3[%add3A_41] : memref<1048576xi32, #tpu.memory_space<hbm>> -> memref<4096xi32, #tpu.memory_space<hbm>>
    tpu.enqueue_dma source(%dma_start3A_47 : memref<4096xi32, #tpu.memory_space<hbm>>) target(%dma_start3A_46 : memref<4096xi32, #tpu.memory_space<vmem>>) target_semaphore(%arg21 : memref<!tpu.dma_semaphore, #tpu.memory_space<semaphore_mem>>)
    %dma_start3A_48 = arith.constant 4096 : i32
    %dma_start3A_49 = tpu.memref_slice %arg16[%dma_start3A_48] : memref<8192xf32, #tpu.memory_space<vmem>> -> memref<4096xf32, #tpu.memory_space<vmem>>
    %dma_start3A_50 = tpu.memref_slice %arg4[%add3A_41] : memref<1048576xf32, #tpu.memory_space<hbm>> -> memref<4096xf32, #tpu.memory_space<hbm>>
    %dma_start3A_51 = arith.constant 4096 : i32
    %dma_start3A_52 = tpu.memref_slice %arg16[%dma_start3A_51] : memref<8192xf32, #tpu.memory_space<vmem>> -> memref<4096xf32, #tpu.memory_space<vmem>>
    %dma_start3A_53 = tpu.memref_slice %arg4[%add3A_41] : memref<1048576xf32, #tpu.memory_space<hbm>> -> memref<4096xf32, #tpu.memory_space<hbm>>
    tpu.enqueue_dma source(%dma_start3A_53 : memref<4096xf32, #tpu.memory_space<hbm>>) target(%dma_start3A_52 : memref<4096xf32, #tpu.memory_space<vmem>>) target_semaphore(%arg21 : memref<!tpu.dma_semaphore, #tpu.memory_space<semaphore_mem>>)
    %dma_start3A_54 = arith.constant 4096 : i32
    %dma_start3A_55 = tpu.memref_slice %arg17[%dma_start3A_54] : memref<8192xf32, #tpu.memory_space<vmem>> -> memref<4096xf32, #tpu.memory_space<vmem>>
    %dma_start3A_56 = tpu.memref_slice %arg5[%add3A_41] : memref<1048576xf32, #tpu.memory_space<hbm>> -> memref<4096xf32, #tpu.memory_space<hbm>>
    %dma_start3A_57 = arith.constant 4096 : i32
    %dma_start3A_58 = tpu.memref_slice %arg17[%dma_start3A_57] : memref<8192xf32, #tpu.memory_space<vmem>> -> memref<4096xf32, #tpu.memory_space<vmem>>
    %dma_start3A_59 = tpu.memref_slice %arg5[%add3A_41] : memref<1048576xf32, #tpu.memory_space<hbm>> -> memref<4096xf32, #tpu.memory_space<hbm>>
    tpu.enqueue_dma source(%dma_start3A_59 : memref<4096xf32, #tpu.memory_space<hbm>>) target(%dma_start3A_58 : memref<4096xf32, #tpu.memory_space<vmem>>) target_semaphore(%arg21 : memref<!tpu.dma_semaphore, #tpu.memory_space<semaphore_mem>>)
    %dma_start3A_60 = arith.constant 4096 : i32
    %dma_start3A_61 = tpu.memref_slice %arg18[%dma_start3A_60] : memref<8192xf32, #tpu.memory_space<vmem>> -> memref<4096xf32, #tpu.memory_space<vmem>>
    %dma_start3A_62 = tpu.memref_slice %arg6[%add3A_41] : memref<1048576xf32, #tpu.memory_space<hbm>> -> memref<4096xf32, #tpu.memory_space<hbm>>
    %dma_start3A_63 = arith.constant 4096 : i32
    %dma_start3A_64 = tpu.memref_slice %arg18[%dma_start3A_63] : memref<8192xf32, #tpu.memory_space<vmem>> -> memref<4096xf32, #tpu.memory_space<vmem>>
    %dma_start3A_65 = tpu.memref_slice %arg6[%add3A_41] : memref<1048576xf32, #tpu.memory_space<hbm>> -> memref<4096xf32, #tpu.memory_space<hbm>>
    tpu.enqueue_dma source(%dma_start3A_65 : memref<4096xf32, #tpu.memory_space<hbm>>) target(%dma_start3A_64 : memref<4096xf32, #tpu.memory_space<vmem>>) target_semaphore(%arg21 : memref<!tpu.dma_semaphore, #tpu.memory_space<semaphore_mem>>)
    %dma_start3A_66 = arith.constant 4096 : i32
    %dma_start3A_67 = tpu.memref_slice %arg19[%dma_start3A_66] : memref<8192xf32, #tpu.memory_space<vmem>> -> memref<4096xf32, #tpu.memory_space<vmem>>
    %dma_start3A_68 = tpu.memref_slice %arg7[%add3A_41] : memref<1048576xf32, #tpu.memory_space<hbm>> -> memref<4096xf32, #tpu.memory_space<hbm>>
    %dma_start3A_69 = arith.constant 4096 : i32
    %dma_start3A_70 = tpu.memref_slice %arg19[%dma_start3A_69] : memref<8192xf32, #tpu.memory_space<vmem>> -> memref<4096xf32, #tpu.memory_space<vmem>>
    %dma_start3A_71 = tpu.memref_slice %arg7[%add3A_41] : memref<1048576xf32, #tpu.memory_space<hbm>> -> memref<4096xf32, #tpu.memory_space<hbm>>
    tpu.enqueue_dma source(%dma_start3A_71 : memref<4096xf32, #tpu.memory_space<hbm>>) target(%dma_start3A_70 : memref<4096xf32, #tpu.memory_space<vmem>>) target_semaphore(%arg21 : memref<!tpu.dma_semaphore, #tpu.memory_space<semaphore_mem>>)
    %dma_start3A_72 = arith.constant 4096 : i32
    %dma_start3A_73 = tpu.memref_slice %arg20[%dma_start3A_72] : memref<8192xf32, #tpu.memory_space<vmem>> -> memref<4096xf32, #tpu.memory_space<vmem>>
    %dma_start3A_74 = tpu.memref_slice %arg8[%add3A_41] : memref<1048576xf32, #tpu.memory_space<hbm>> -> memref<4096xf32, #tpu.memory_space<hbm>>
    %dma_start3A_75 = arith.constant 4096 : i32
    %dma_start3A_76 = tpu.memref_slice %arg20[%dma_start3A_75] : memref<8192xf32, #tpu.memory_space<vmem>> -> memref<4096xf32, #tpu.memory_space<vmem>>
    %dma_start3A_77 = tpu.memref_slice %arg8[%add3A_41] : memref<1048576xf32, #tpu.memory_space<hbm>> -> memref<4096xf32, #tpu.memory_space<hbm>>
    tpu.enqueue_dma source(%dma_start3A_77 : memref<4096xf32, #tpu.memory_space<hbm>>) target(%dma_start3A_76 : memref<4096xf32, #tpu.memory_space<vmem>>) target_semaphore(%arg21 : memref<!tpu.dma_semaphore, #tpu.memory_space<semaphore_mem>>)
    %dma_wait3A = arith.constant 0 : i32
    %dma_wait3A_78 = tpu.memref_slice %arg15[%dma_wait3A] : memref<8192xi32, #tpu.memory_space<vmem>> -> memref<4096xi32, #tpu.memory_space<vmem>>
    %dma_wait3A_79 = tpu.memref_slice %arg3[%add3A_4] : memref<1048576xi32, #tpu.memory_space<hbm>> -> memref<4096xi32, #tpu.memory_space<hbm>>
    %dma_wait3A_80 = arith.constant 0 : i32
    %dma_wait3A_81 = tpu.memref_slice %arg15[%dma_wait3A_80] : memref<8192xi32, #tpu.memory_space<vmem>> -> memref<4096xi32, #tpu.memory_space<vmem>>
    %dma_wait3A_82 = tpu.memref_slice %arg3[%add3A_4] : memref<1048576xi32, #tpu.memory_space<hbm>> -> memref<4096xi32, #tpu.memory_space<hbm>>
    tpu.wait_dma2 semaphore(%arg21 : memref<!tpu.dma_semaphore, #tpu.memory_space<semaphore_mem>>) src(%dma_wait3A_82 : memref<4096xi32, #tpu.memory_space<hbm>>) dst(%dma_wait3A_81 : memref<4096xi32, #tpu.memory_space<vmem>>)
    %dma_wait3A_83 = arith.constant 0 : i32
    %dma_wait3A_84 = tpu.memref_slice %arg16[%dma_wait3A_83] : memref<8192xf32, #tpu.memory_space<vmem>> -> memref<4096xf32, #tpu.memory_space<vmem>>
    %dma_wait3A_85 = tpu.memref_slice %arg4[%add3A_4] : memref<1048576xf32, #tpu.memory_space<hbm>> -> memref<4096xf32, #tpu.memory_space<hbm>>
    %dma_wait3A_86 = arith.constant 0 : i32
    %dma_wait3A_87 = tpu.memref_slice %arg16[%dma_wait3A_86] : memref<8192xf32, #tpu.memory_space<vmem>> -> memref<4096xf32, #tpu.memory_space<vmem>>
    %dma_wait3A_88 = tpu.memref_slice %arg4[%add3A_4] : memref<1048576xf32, #tpu.memory_space<hbm>> -> memref<4096xf32, #tpu.memory_space<hbm>>
    tpu.wait_dma2 semaphore(%arg21 : memref<!tpu.dma_semaphore, #tpu.memory_space<semaphore_mem>>) src(%dma_wait3A_88 : memref<4096xf32, #tpu.memory_space<hbm>>) dst(%dma_wait3A_87 : memref<4096xf32, #tpu.memory_space<vmem>>)
    %dma_wait3A_89 = arith.constant 0 : i32
    %dma_wait3A_90 = tpu.memref_slice %arg17[%dma_wait3A_89] : memref<8192xf32, #tpu.memory_space<vmem>> -> memref<4096xf32, #tpu.memory_space<vmem>>
    %dma_wait3A_91 = tpu.memref_slice %arg5[%add3A_4] : memref<1048576xf32, #tpu.memory_space<hbm>> -> memref<4096xf32, #tpu.memory_space<hbm>>
    %dma_wait3A_92 = arith.constant 0 : i32
    %dma_wait3A_93 = tpu.memref_slice %arg17[%dma_wait3A_92] : memref<8192xf32, #tpu.memory_space<vmem>> -> memref<4096xf32, #tpu.memory_space<vmem>>
    %dma_wait3A_94 = tpu.memref_slice %arg5[%add3A_4] : memref<1048576xf32, #tpu.memory_space<hbm>> -> memref<4096xf32, #tpu.memory_space<hbm>>
    tpu.wait_dma2 semaphore(%arg21 : memref<!tpu.dma_semaphore, #tpu.memory_space<semaphore_mem>>) src(%dma_wait3A_94 : memref<4096xf32, #tpu.memory_space<hbm>>) dst(%dma_wait3A_93 : memref<4096xf32, #tpu.memory_space<vmem>>)
    %dma_wait3A_95 = arith.constant 0 : i32
    %dma_wait3A_96 = tpu.memref_slice %arg18[%dma_wait3A_95] : memref<8192xf32, #tpu.memory_space<vmem>> -> memref<4096xf32, #tpu.memory_space<vmem>>
    %dma_wait3A_97 = tpu.memref_slice %arg6[%add3A_4] : memref<1048576xf32, #tpu.memory_space<hbm>> -> memref<4096xf32, #tpu.memory_space<hbm>>
    %dma_wait3A_98 = arith.constant 0 : i32
    %dma_wait3A_99 = tpu.memref_slice %arg18[%dma_wait3A_98] : memref<8192xf32, #tpu.memory_space<vmem>> -> memref<4096xf32, #tpu.memory_space<vmem>>
    %dma_wait3A_100 = tpu.memref_slice %arg6[%add3A_4] : memref<1048576xf32, #tpu.memory_space<hbm>> -> memref<4096xf32, #tpu.memory_space<hbm>>
    tpu.wait_dma2 semaphore(%arg21 : memref<!tpu.dma_semaphore, #tpu.memory_space<semaphore_mem>>) src(%dma_wait3A_100 : memref<4096xf32, #tpu.memory_space<hbm>>) dst(%dma_wait3A_99 : memref<4096xf32, #tpu.memory_space<vmem>>)
    %dma_wait3A_101 = arith.constant 0 : i32
    %dma_wait3A_102 = tpu.memref_slice %arg19[%dma_wait3A_101] : memref<8192xf32, #tpu.memory_space<vmem>> -> memref<4096xf32, #tpu.memory_space<vmem>>
    %dma_wait3A_103 = tpu.memref_slice %arg7[%add3A_4] : memref<1048576xf32, #tpu.memory_space<hbm>> -> memref<4096xf32, #tpu.memory_space<hbm>>
    %dma_wait3A_104 = arith.constant 0 : i32
    %dma_wait3A_105 = tpu.memref_slice %arg19[%dma_wait3A_104] : memref<8192xf32, #tpu.memory_space<vmem>> -> memref<4096xf32, #tpu.memory_space<vmem>>
    %dma_wait3A_106 = tpu.memref_slice %arg7[%add3A_4] : memref<1048576xf32, #tpu.memory_space<hbm>> -> memref<4096xf32, #tpu.memory_space<hbm>>
    tpu.wait_dma2 semaphore(%arg21 : memref<!tpu.dma_semaphore, #tpu.memory_space<semaphore_mem>>) src(%dma_wait3A_106 : memref<4096xf32, #tpu.memory_space<hbm>>) dst(%dma_wait3A_105 : memref<4096xf32, #tpu.memory_space<vmem>>)
    %dma_wait3A_107 = arith.constant 0 : i32
    %dma_wait3A_108 = tpu.memref_slice %arg20[%dma_wait3A_107] : memref<8192xf32, #tpu.memory_space<vmem>> -> memref<4096xf32, #tpu.memory_space<vmem>>
    %dma_wait3A_109 = tpu.memref_slice %arg8[%add3A_4] : memref<1048576xf32, #tpu.memory_space<hbm>> -> memref<4096xf32, #tpu.memory_space<hbm>>
    %dma_wait3A_110 = arith.constant 0 : i32
    %dma_wait3A_111 = tpu.memref_slice %arg20[%dma_wait3A_110] : memref<8192xf32, #tpu.memory_space<vmem>> -> memref<4096xf32, #tpu.memory_space<vmem>>
    %dma_wait3A_112 = tpu.memref_slice %arg8[%add3A_4] : memref<1048576xf32, #tpu.memory_space<hbm>> -> memref<4096xf32, #tpu.memory_space<hbm>>
    tpu.wait_dma2 semaphore(%arg21 : memref<!tpu.dma_semaphore, #tpu.memory_space<semaphore_mem>>) src(%dma_wait3A_112 : memref<4096xf32, #tpu.memory_space<hbm>>) dst(%dma_wait3A_111 : memref<4096xf32, #tpu.memory_space<vmem>>)
    %parallel_loop3A = arith.constant 0 : i32
    %parallel_loop3A_113 = arith.constant 4096 : i32
    %parallel_loop3A_114 = arith.constant 16 : i32
    scf.for %parallel_loop3A_1112 = %parallel_loop3A to %parallel_loop3A_113 step %parallel_loop3A_114  : i32 {
      %parallel_loop3A_1113 = arith.constant 0 : i32
      %parallel_loop3A_1114 = arith.addi %parallel_loop3A_1113, %parallel_loop3A_1112 : i32
      %parallel_loop3A_1115 = arith.index_cast %parallel_loop3A_1114 : i32 to index
      %parallel_loop3A_1116 = tpu.vector_load %arg15[%parallel_loop3A_1115] {strides = array<i32>} : memref<8192xi32, #tpu.memory_space<vmem>>, vector<16xi32>,
      %parallel_loop3A_1117 = tpu.vector_load_idx %arg14[%parallel_loop3A_1116] : memref<8192xf32, #tpu.memory_space<vmem>>[vector<16xi32>], vector<16xf32>,
      %parallel_loop3A_1118 = arith.constant 1024 : i32
      %parallel_loop3A_1119 = vector.broadcast %parallel_loop3A_1118 : i32 to vector<16xi32>
      %parallel_loop3A_1120 = arith.addi %parallel_loop3A_1116, %parallel_loop3A_1119 : vector<16xi32>
      %parallel_loop3A_1121 = tpu.vector_load_idx %arg14[%parallel_loop3A_1120] : memref<8192xf32, #tpu.memory_space<vmem>>[vector<16xi32>], vector<16xf32>,
      %parallel_loop3A_1122 = arith.constant 2048 : i32
      %parallel_loop3A_1123 = vector.broadcast %parallel_loop3A_1122 : i32 to vector<16xi32>
      %parallel_loop3A_1124 = arith.addi %parallel_loop3A_1116, %parallel_loop3A_1123 : vector<16xi32>
      %parallel_loop3A_1125 = tpu.vector_load_idx %arg14[%parallel_loop3A_1124] : memref<8192xf32, #tpu.memory_space<vmem>>[vector<16xi32>], vector<16xf32>,
      %parallel_loop3A_1126 = arith.constant 3072 : i32
      %parallel_loop3A_1127 = vector.broadcast %parallel_loop3A_1126 : i32 to vector<16xi32>
      %parallel_loop3A_1128 = arith.addi %parallel_loop3A_1116, %parallel_loop3A_1127 : vector<16xi32>
      %parallel_loop3A_1129 = tpu.vector_load_idx %arg14[%parallel_loop3A_1128] : memref<8192xf32, #tpu.memory_space<vmem>>[vector<16xi32>], vector<16xf32>,
      %parallel_loop3A_1130 = arith.constant 4096 : i32
      %parallel_loop3A_1131 = vector.broadcast %parallel_loop3A_1130 : i32 to vector<16xi32>
      %parallel_loop3A_1132 = arith.addi %parallel_loop3A_1116, %parallel_loop3A_1131 : vector<16xi32>
      %parallel_loop3A_1133 = tpu.vector_load_idx %arg14[%parallel_loop3A_1132] : memref<8192xf32, #tpu.memory_space<vmem>>[vector<16xi32>], vector<16xf32>,
      %parallel_loop3A_1134 = arith.constant 5120 : i32
      %parallel_loop3A_1135 = vector.broadcast %parallel_loop3A_1134 : i32 to vector<16xi32>
      %parallel_loop3A_1136 = arith.addi %parallel_loop3A_1116, %parallel_loop3A_1135 : vector<16xi32>
      %parallel_loop3A_1137 = tpu.vector_load_idx %arg14[%parallel_loop3A_1136] : memref<8192xf32, #tpu.memory_space<vmem>>[vector<16xi32>], vector<16xf32>,
      %parallel_loop3A_1138 = arith.constant 6144 : i32
      %parallel_loop3A_1139 = vector.broadcast %parallel_loop3A_1138 : i32 to vector<16xi32>
      %parallel_loop3A_1140 = arith.addi %parallel_loop3A_1116, %parallel_loop3A_1139 : vector<16xi32>
      %parallel_loop3A_1141 = tpu.vector_load_idx %arg14[%parallel_loop3A_1140] : memref<8192xf32, #tpu.memory_space<vmem>>[vector<16xi32>], vector<16xf32>,
      %parallel_loop3A_1142 = arith.index_cast %parallel_loop3A_1114 : i32 to index
      %parallel_loop3A_1143 = tpu.vector_load %arg18[%parallel_loop3A_1142] {strides = array<i32>} : memref<8192xf32, #tpu.memory_space<vmem>>, vector<16xf32>,
      %parallel_loop3A_1144 = arith.index_cast %parallel_loop3A_1114 : i32 to index
      %parallel_loop3A_1145 = tpu.vector_load %arg19[%parallel_loop3A_1144] {strides = array<i32>} : memref<8192xf32, #tpu.memory_space<vmem>>, vector<16xf32>,
      %parallel_loop3A_1146 = arith.index_cast %parallel_loop3A_1114 : i32 to index
      %parallel_loop3A_1147 = tpu.vector_load %arg20[%parallel_loop3A_1146] {strides = array<i32>} : memref<8192xf32, #tpu.memory_space<vmem>>, vector<16xf32>,
      %parallel_loop3A_1148 = arith.constant -4.37113883E-8 : f32
      %parallel_loop3A_1149 = vector.broadcast %parallel_loop3A_1148 : f32 to vector<16xf32>
      %parallel_loop3A_1150 = arith.mulf %parallel_loop3A_1149, %parallel_loop3A_1121 : vector<16xf32>
      %parallel_loop3A_1151 = arith.constant -4.37113883E-8 : f32
      %parallel_loop3A_1152 = vector.broadcast %parallel_loop3A_1151 : f32 to vector<16xf32>
      %parallel_loop3A_1153 = arith.mulf %parallel_loop3A_1152, %parallel_loop3A_1117 : vector<16xf32>
      %parallel_loop3A_1154 = arith.mulf %parallel_loop3A_1117, %parallel_loop3A_1143 : vector<16xf32>
      %parallel_loop3A_1155 = arith.mulf %parallel_loop3A_1150, %parallel_loop3A_1145 : vector<16xf32>
      %parallel_loop3A_1156 = arith.addf %parallel_loop3A_1154, %parallel_loop3A_1155 : vector<16xf32>
      %parallel_loop3A_1157 = arith.mulf %parallel_loop3A_1129, %parallel_loop3A_1147 : vector<16xf32>
      %parallel_loop3A_1158 = arith.addf %parallel_loop3A_1156, %parallel_loop3A_1157 : vector<16xf32>
      %parallel_loop3A_1159 = arith.mulf %parallel_loop3A_1125, %parallel_loop3A_1145 : vector<16xf32>
      %parallel_loop3A_1160 = arith.constant -4.37113883E-8 : f32
      %parallel_loop3A_1161 = vector.broadcast %parallel_loop3A_1160 : f32 to vector<16xf32>
      %parallel_loop3A_1162 = arith.mulf %parallel_loop3A_1161, %parallel_loop3A_1147 : vector<16xf32>
      %parallel_loop3A_1163 = arith.subf %parallel_loop3A_1159, %parallel_loop3A_1162 : vector<16xf32>
      %parallel_loop3A_1164 = arith.mulf %parallel_loop3A_1153, %parallel_loop3A_1145 : vector<16xf32>
      %parallel_loop3A_1165 = arith.mulf %parallel_loop3A_1133, %parallel_loop3A_1147 : vector<16xf32>
      %parallel_loop3A_1166 = arith.addf %parallel_loop3A_1164, %parallel_loop3A_1165 : vector<16xf32>
      %parallel_loop3A_1167 = arith.mulf %parallel_loop3A_1121, %parallel_loop3A_1143 : vector<16xf32>
      %parallel_loop3A_1168 = arith.subf %parallel_loop3A_1166, %parallel_loop3A_1167 : vector<16xf32>
      %parallel_loop3A_1169 = arith.index_cast %parallel_loop3A_1114 : i32 to index
      %parallel_loop3A_1170 = tpu.vector_load %arg18[%parallel_loop3A_1169] {strides = array<i32>} : memref<8192xf32, #tpu.memory_space<vmem>>, vector<16xf32>,
      tpu.vector_store %arg18[%parallel_loop3A_1169], %parallel_loop3A_1158 {strides = array<i32>} : memref<8192xf32, #tpu.memory_space<vmem>>, vector<16xf32>,
      %parallel_loop3A_1171 = arith.index_cast %parallel_loop3A_1114 : i32 to index
      %parallel_loop3A_1172 = tpu.vector_load %arg19[%parallel_loop3A_1171] {strides = array<i32>} : memref<8192xf32, #tpu.memory_space<vmem>>, vector<16xf32>,
      tpu.vector_store %arg19[%parallel_loop3A_1171], %parallel_loop3A_1163 {strides = array<i32>} : memref<8192xf32, #tpu.memory_space<vmem>>, vector<16xf32>,
      %parallel_loop3A_1173 = arith.index_cast %parallel_loop3A_1114 : i32 to index
      %parallel_loop3A_1174 = tpu.vector_load %arg20[%parallel_loop3A_1173] {strides = array<i32>} : memref<8192xf32, #tpu.memory_space<vmem>>, vector<16xf32>,
      tpu.vector_store %arg20[%parallel_loop3A_1173], %parallel_loop3A_1168 {strides = array<i32>} : memref<8192xf32, #tpu.memory_space<vmem>>, vector<16xf32>,
      %parallel_loop3A_1175 = arith.index_cast %parallel_loop3A_1114 : i32 to index
      %parallel_loop3A_1176 = tpu.vector_load %arg16[%parallel_loop3A_1175] {strides = array<i32>} : memref<8192xf32, #tpu.memory_space<vmem>>, vector<16xf32>,
      %parallel_loop3A_1177 = arith.addf %parallel_loop3A_1176, %parallel_loop3A_1137 : vector<16xf32>
      %parallel_loop3A_1178 = arith.index_cast %parallel_loop3A_1114 : i32 to index
      %parallel_loop3A_1179 = tpu.vector_load %arg16[%parallel_loop3A_1178] {strides = array<i32>} : memref<8192xf32, #tpu.memory_space<vmem>>, vector<16xf32>,
      tpu.vector_store %arg16[%parallel_loop3A_1178], %parallel_loop3A_1177 {strides = array<i32>} : memref<8192xf32, #tpu.memory_space<vmem>>, vector<16xf32>,
      %parallel_loop3A_1180 = arith.index_cast %parallel_loop3A_1114 : i32 to index
      %parallel_loop3A_1181 = tpu.vector_load %arg17[%parallel_loop3A_1180] {strides = array<i32>} : memref<8192xf32, #tpu.memory_space<vmem>>, vector<16xf32>,
      %parallel_loop3A_1182 = arith.addf %parallel_loop3A_1181, %parallel_loop3A_1141 : vector<16xf32>
      %parallel_loop3A_1183 = arith.index_cast %parallel_loop3A_1114 : i32 to index
      %parallel_loop3A_1184 = tpu.vector_load %arg17[%parallel_loop3A_1183] {strides = array<i32>} : memref<8192xf32, #tpu.memory_space<vmem>>, vector<16xf32>,
      tpu.vector_store %arg17[%parallel_loop3A_1183], %parallel_loop3A_1182 {strides = array<i32>} : memref<8192xf32, #tpu.memory_space<vmem>>, vector<16xf32>,
    } {sc.loop_unroll_factor = 8 : i64, sc.parallel_access}
    %add3A_115 = arith.constant 0 : i32
    %add3A_116 = arith.addi %mul3A_2, %add3A_115 : i32
    %dma_start3A_117 = arith.constant 0 : i32
    %dma_start3A_118 = tpu.memref_slice %arg16[%dma_start3A_117] : memref<8192xf32, #tpu.memory_space<vmem>> -> memref<4096xf32, #tpu.memory_space<vmem>>
    %dma_start3A_119 = tpu.memref_slice %arg9[%add3A_116] : memref<1048576xf32, #tpu.memory_space<hbm>> -> memref<4096xf32, #tpu.memory_space<hbm>>
    %dma_start3A_120 = tpu.memref_slice %arg9[%add3A_116] : memref<1048576xf32, #tpu.memory_space<hbm>> -> memref<4096xf32, #tpu.memory_space<hbm>>
    %dma_start3A_121 = arith.constant 0 : i32
    %dma_start3A_122 = tpu.memref_slice %arg16[%dma_start3A_121] : memref<8192xf32, #tpu.memory_space<vmem>> -> memref<4096xf32, #tpu.memory_space<vmem>>
    tpu.enqueue_dma source(%dma_start3A_122 : memref<4096xf32, #tpu.memory_space<vmem>>) target(%dma_start3A_120 : memref<4096xf32, #tpu.memory_space<hbm>>) target_semaphore(%arg22 : memref<!tpu.dma_semaphore, #tpu.memory_space<semaphore_mem>>)
    %dma_start3A_123 = arith.constant 0 : i32
    %dma_start3A_124 = tpu.memref_slice %arg17[%dma_start3A_123] : memref<8192xf32, #tpu.memory_space<vmem>> -> memref<4096xf32, #tpu.memory_space<vmem>>
    %dma_start3A_125 = tpu.memref_slice %arg10[%add3A_116] : memref<1048576xf32, #tpu.memory_space<hbm>> -> memref<4096xf32, #tpu.memory_space<hbm>>
    %dma_start3A_126 = tpu.memref_slice %arg10[%add3A_116] : memref<1048576xf32, #tpu.memory_space<hbm>> -> memref<4096xf32, #tpu.memory_space<hbm>>
    %dma_start3A_127 = arith.constant 0 : i32
    %dma_start3A_128 = tpu.memref_slice %arg17[%dma_start3A_127] : memref<8192xf32, #tpu.memory_space<vmem>> -> memref<4096xf32, #tpu.memory_space<vmem>>
    tpu.enqueue_dma source(%dma_start3A_128 : memref<4096xf32, #tpu.memory_space<vmem>>) target(%dma_start3A_126 : memref<4096xf32, #tpu.memory_space<hbm>>) target_semaphore(%arg22 : memref<!tpu.dma_semaphore, #tpu.memory_space<semaphore_mem>>)
    %dma_start3A_129 = arith.constant 0 : i32
    %dma_start3A_130 = tpu.memref_slice %arg18[%dma_start3A_129] : memref<8192xf32, #tpu.memory_space<vmem>> -> memref<4096xf32, #tpu.memory_space<vmem>>
    %dma_start3A_131 = tpu.memref_slice %arg11[%add3A_116] : memref<1048576xf32, #tpu.memory_space<hbm>> -> memref<4096xf32, #tpu.memory_space<hbm>>
    %dma_start3A_132 = tpu.memref_slice %arg11[%add3A_116] : memref<1048576xf32, #tpu.memory_space<hbm>> -> memref<4096xf32, #tpu.memory_space<hbm>>
    %dma_start3A_133 = arith.constant 0 : i32
    %dma_start3A_134 = tpu.memref_slice %arg18[%dma_start3A_133] : memref<8192xf32, #tpu.memory_space<vmem>> -> memref<4096xf32, #tpu.memory_space<vmem>>
    tpu.enqueue_dma source(%dma_start3A_134 : memref<4096xf32, #tpu.memory_space<vmem>>) target(%dma_start3A_132 : memref<4096xf32, #tpu.memory_space<hbm>>) target_semaphore(%arg22 : memref<!tpu.dma_semaphore, #tpu.memory_space<semaphore_mem>>)
    %dma_start3A_135 = arith.constant 0 : i32
    %dma_start3A_136 = tpu.memref_slice %arg19[%dma_start3A_135] : memref<8192xf32, #tpu.memory_space<vmem>> -> memref<4096xf32, #tpu.memory_space<vmem>>
    %dma_start3A_137 = tpu.memref_slice %arg12[%add3A_116] : memref<1048576xf32, #tpu.memory_space<hbm>> -> memref<4096xf32, #tpu.memory_space<hbm>>
    %dma_start3A_138 = tpu.memref_slice %arg12[%add3A_116] : memref<1048576xf32, #tpu.memory_space<hbm>> -> memref<4096xf32, #tpu.memory_space<hbm>>
    %dma_start3A_139 = arith.constant 0 : i32
    %dma_start3A_140 = tpu.memref_slice %arg19[%dma_start3A_139] : memref<8192xf32, #tpu.memory_space<vmem>> -> memref<4096xf32, #tpu.memory_space<vmem>>
    tpu.enqueue_dma source(%dma_start3A_140 : memref<4096xf32, #tpu.memory_space<vmem>>) target(%dma_start3A_138 : memref<4096xf32, #tpu.memory_space<hbm>>) target_semaphore(%arg22 : memref<!tpu.dma_semaphore, #tpu.memory_space<semaphore_mem>>)
    %dma_start3A_141 = arith.constant 0 : i32
    %dma_start3A_142 = tpu.memref_slice %arg20[%dma_start3A_141] : memref<8192xf32, #tpu.memory_space<vmem>> -> memref<4096xf32, #tpu.memory_space<vmem>>
    %dma_start3A_143 = tpu.memref_slice %arg13[%add3A_116] : memref<1048576xf32, #tpu.memory_space<hbm>> -> memref<4096xf32, #tpu.memory_space<hbm>>
    %dma_start3A_144 = tpu.memref_slice %arg13[%add3A_116] : memref<1048576xf32, #tpu.memory_space<hbm>> -> memref<4096xf32, #tpu.memory_space<hbm>>
    %dma_start3A_145 = arith.constant 0 : i32
    %dma_start3A_146 = tpu.memref_slice %arg20[%dma_start3A_145] : memref<8192xf32, #tpu.memory_space<vmem>> -> memref<4096xf32, #tpu.memory_space<vmem>>
    tpu.enqueue_dma source(%dma_start3A_146 : memref<4096xf32, #tpu.memory_space<vmem>>) target(%dma_start3A_144 : memref<4096xf32, #tpu.memory_space<hbm>>) target_semaphore(%arg22 : memref<!tpu.dma_semaphore, #tpu.memory_space<semaphore_mem>>)
    %dma_wait3A_147 = arith.constant 0 : i32
    %dma_wait3A_148 = tpu.memref_slice %arg16[%dma_wait3A_147] : memref<8192xf32, #tpu.memory_space<vmem>> -> memref<4096xf32, #tpu.memory_space<vmem>>
    %dma_wait3A_149 = tpu.memref_slice %arg9[%add3A_116] : memref<1048576xf32, #tpu.memory_space<hbm>> -> memref<4096xf32, #tpu.memory_space<hbm>>
    %dma_wait3A_150 = tpu.memref_slice %arg9[%add3A_116] : memref<1048576xf32, #tpu.memory_space<hbm>> -> memref<4096xf32, #tpu.memory_space<hbm>>
    %dma_wait3A_151 = arith.constant 0 : i32
    %dma_wait3A_152 = tpu.memref_slice %arg16[%dma_wait3A_151] : memref<8192xf32, #tpu.memory_space<vmem>> -> memref<4096xf32, #tpu.memory_space<vmem>>
    tpu.wait_dma2 semaphore(%arg22 : memref<!tpu.dma_semaphore, #tpu.memory_space<semaphore_mem>>) src(%dma_wait3A_152 : memref<4096xf32, #tpu.memory_space<vmem>>) dst(%dma_wait3A_150 : memref<4096xf32, #tpu.memory_space<hbm>>)
    %dma_wait3A_153 = arith.constant 0 : i32
    %dma_wait3A_154 = tpu.memref_slice %arg17[%dma_wait3A_153] : memref<8192xf32, #tpu.memory_space<vmem>> -> memref<4096xf32, #tpu.memory_space<vmem>>
    %dma_wait3A_155 = tpu.memref_slice %arg10[%add3A_116] : memref<1048576xf32, #tpu.memory_space<hbm>> -> memref<4096xf32, #tpu.memory_space<hbm>>
    %dma_wait3A_156 = tpu.memref_slice %arg10[%add3A_116] : memref<1048576xf32, #tpu.memory_space<hbm>> -> memref<4096xf32, #tpu.memory_space<hbm>>
    %dma_wait3A_157 = arith.constant 0 : i32
    %dma_wait3A_158 = tpu.memref_slice %arg17[%dma_wait3A_157] : memref<8192xf32, #tpu.memory_space<vmem>> -> memref<4096xf32, #tpu.memory_space<vmem>>
    tpu.wait_dma2 semaphore(%arg22 : memref<!tpu.dma_semaphore, #tpu.memory_space<semaphore_mem>>) src(%dma_wait3A_158 : memref<4096xf32, #tpu.memory_space<vmem>>) dst(%dma_wait3A_156 : memref<4096xf32, #tpu.memory_space<hbm>>)
    %dma_wait3A_159 = arith.constant 0 : i32
    %dma_wait3A_160 = tpu.memref_slice %arg18[%dma_wait3A_159] : memref<8192xf32, #tpu.memory_space<vmem>> -> memref<4096xf32, #tpu.memory_space<vmem>>
    %dma_wait3A_161 = tpu.memref_slice %arg11[%add3A_116] : memref<1048576xf32, #tpu.memory_space<hbm>> -> memref<4096xf32, #tpu.memory_space<hbm>>
    %dma_wait3A_162 = tpu.memref_slice %arg11[%add3A_116] : memref<1048576xf32, #tpu.memory_space<hbm>> -> memref<4096xf32, #tpu.memory_space<hbm>>
    %dma_wait3A_163 = arith.constant 0 : i32
    %dma_wait3A_164 = tpu.memref_slice %arg18[%dma_wait3A_163] : memref<8192xf32, #tpu.memory_space<vmem>> -> memref<4096xf32, #tpu.memory_space<vmem>>
    tpu.wait_dma2 semaphore(%arg22 : memref<!tpu.dma_semaphore, #tpu.memory_space<semaphore_mem>>) src(%dma_wait3A_164 : memref<4096xf32, #tpu.memory_space<vmem>>) dst(%dma_wait3A_162 : memref<4096xf32, #tpu.memory_space<hbm>>)
    %dma_wait3A_165 = arith.constant 0 : i32
    %dma_wait3A_166 = tpu.memref_slice %arg19[%dma_wait3A_165] : memref<8192xf32, #tpu.memory_space<vmem>> -> memref<4096xf32, #tpu.memory_space<vmem>>
    %dma_wait3A_167 = tpu.memref_slice %arg12[%add3A_116] : memref<1048576xf32, #tpu.memory_space<hbm>> -> memref<4096xf32, #tpu.memory_space<hbm>>
    %dma_wait3A_168 = tpu.memref_slice %arg12[%add3A_116] : memref<1048576xf32, #tpu.memory_space<hbm>> -> memref<4096xf32, #tpu.memory_space<hbm>>
    %dma_wait3A_169 = arith.constant 0 : i32
    %dma_wait3A_170 = tpu.memref_slice %arg19[%dma_wait3A_169] : memref<8192xf32, #tpu.memory_space<vmem>> -> memref<4096xf32, #tpu.memory_space<vmem>>
    tpu.wait_dma2 semaphore(%arg22 : memref<!tpu.dma_semaphore, #tpu.memory_space<semaphore_mem>>) src(%dma_wait3A_170 : memref<4096xf32, #tpu.memory_space<vmem>>) dst(%dma_wait3A_168 : memref<4096xf32, #tpu.memory_space<hbm>>)
    %dma_wait3A_171 = arith.constant 0 : i32
    %dma_wait3A_172 = tpu.memref_slice %arg20[%dma_wait3A_171] : memref<8192xf32, #tpu.memory_space<vmem>> -> memref<4096xf32, #tpu.memory_space<vmem>>
    %dma_wait3A_173 = tpu.memref_slice %arg13[%add3A_116] : memref<1048576xf32, #tpu.memory_space<hbm>> -> memref<4096xf32, #tpu.memory_space<hbm>>
    %dma_wait3A_174 = tpu.memref_slice %arg13[%add3A_116] : memref<1048576xf32, #tpu.memory_space<hbm>> -> memref<4096xf32, #tpu.memory_space<hbm>>
    %dma_wait3A_175 = arith.constant 0 : i32
    %dma_wait3A_176 = tpu.memref_slice %arg20[%dma_wait3A_175] : memref<8192xf32, #tpu.memory_space<vmem>> -> memref<4096xf32, #tpu.memory_space<vmem>>
    tpu.wait_dma2 semaphore(%arg22 : memref<!tpu.dma_semaphore, #tpu.memory_space<semaphore_mem>>) src(%dma_wait3A_176 : memref<4096xf32, #tpu.memory_space<vmem>>) dst(%dma_wait3A_174 : memref<4096xf32, #tpu.memory_space<hbm>>)
    %add3A_177 = arith.constant 8192 : i32
    %add3A_178 = arith.addi %mul3A_2, %add3A_177 : i32
    %dma_start3A_179 = arith.constant 0 : i32
    %dma_start3A_180 = tpu.memref_slice %arg15[%dma_start3A_179] : memref<8192xi32, #tpu.memory_space<vmem>> -> memref<4096xi32, #tpu.memory_space<vmem>>
    %dma_start3A_181 = tpu.memref_slice %arg3[%add3A_178] : memref<1048576xi32, #tpu.memory_space<hbm>> -> memref<4096xi32, #tpu.memory_space<hbm>>
    %dma_start3A_182 = arith.constant 0 : i32
    %dma_start3A_183 = tpu.memref_slice %arg15[%dma_start3A_182] : memref<8192xi32, #tpu.memory_space<vmem>> -> memref<4096xi32, #tpu.memory_space<vmem>>
    %dma_start3A_184 = tpu.memref_slice %arg3[%add3A_178] : memref<1048576xi32, #tpu.memory_space<hbm>> -> memref<4096xi32, #tpu.memory_space<hbm>>
    tpu.enqueue_dma source(%dma_start3A_184 : memref<4096xi32, #tpu.memory_space<hbm>>) target(%dma_start3A_183 : memref<4096xi32, #tpu.memory_space<vmem>>) target_semaphore(%arg21 : memref<!tpu.dma_semaphore, #tpu.memory_space<semaphore_mem>>)
    %dma_start3A_185 = arith.constant 0 : i32
    %dma_start3A_186 = tpu.memref_slice %arg16[%dma_start3A_185] : memref<8192xf32, #tpu.memory_space<vmem>> -> memref<4096xf32, #tpu.memory_space<vmem>>
    %dma_start3A_187 = tpu.memref_slice %arg4[%add3A_178] : memref<1048576xf32, #tpu.memory_space<hbm>> -> memref<4096xf32, #tpu.memory_space<hbm>>
    %dma_start3A_188 = arith.constant 0 : i32
    %dma_start3A_189 = tpu.memref_slice %arg16[%dma_start3A_188] : memref<8192xf32, #tpu.memory_space<vmem>> -> memref<4096xf32, #tpu.memory_space<vmem>>
    %dma_start3A_190 = tpu.memref_slice %arg4[%add3A_178] : memref<1048576xf32, #tpu.memory_space<hbm>> -> memref<4096xf32, #tpu.memory_space<hbm>>
    tpu.enqueue_dma source(%dma_start3A_190 : memref<4096xf32, #tpu.memory_space<hbm>>) target(%dma_start3A_189 : memref<4096xf32, #tpu.memory_space<vmem>>) target_semaphore(%arg21 : memref<!tpu.dma_semaphore, #tpu.memory_space<semaphore_mem>>)
    %dma_start3A_191 = arith.constant 0 : i32
    %dma_start3A_192 = tpu.memref_slice %arg17[%dma_start3A_191] : memref<8192xf32, #tpu.memory_space<vmem>> -> memref<4096xf32, #tpu.memory_space<vmem>>
    %dma_start3A_193 = tpu.memref_slice %arg5[%add3A_178] : memref<1048576xf32, #tpu.memory_space<hbm>> -> memref<4096xf32, #tpu.memory_space<hbm>>
    %dma_start3A_194 = arith.constant 0 : i32
    %dma_start3A_195 = tpu.memref_slice %arg17[%dma_start3A_194] : memref<8192xf32, #tpu.memory_space<vmem>> -> memref<4096xf32, #tpu.memory_space<vmem>>
    %dma_start3A_196 = tpu.memref_slice %arg5[%add3A_178] : memref<1048576xf32, #tpu.memory_space<hbm>> -> memref<4096xf32, #tpu.memory_space<hbm>>
    tpu.enqueue_dma source(%dma_start3A_196 : memref<4096xf32, #tpu.memory_space<hbm>>) target(%dma_start3A_195 : memref<4096xf32, #tpu.memory_space<vmem>>) target_semaphore(%arg21 : memref<!tpu.dma_semaphore, #tpu.memory_space<semaphore_mem>>)
    %dma_start3A_197 = arith.constant 0 : i32
    %dma_start3A_198 = tpu.memref_slice %arg18[%dma_start3A_197] : memref<8192xf32, #tpu.memory_space<vmem>> -> memref<4096xf32, #tpu.memory_space<vmem>>
    %dma_start3A_199 = tpu.memref_slice %arg6[%add3A_178] : memref<1048576xf32, #tpu.memory_space<hbm>> -> memref<4096xf32, #tpu.memory_space<hbm>>
    %dma_start3A_200 = arith.constant 0 : i32
    %dma_start3A_201 = tpu.memref_slice %arg18[%dma_start3A_200] : memref<8192xf32, #tpu.memory_space<vmem>> -> memref<4096xf32, #tpu.memory_space<vmem>>
    %dma_start3A_202 = tpu.memref_slice %arg6[%add3A_178] : memref<1048576xf32, #tpu.memory_space<hbm>> -> memref<4096xf32, #tpu.memory_space<hbm>>
    tpu.enqueue_dma source(%dma_start3A_202 : memref<4096xf32, #tpu.memory_space<hbm>>) target(%dma_start3A_201 : memref<4096xf32, #tpu.memory_space<vmem>>) target_semaphore(%arg21 : memref<!tpu.dma_semaphore, #tpu.memory_space<semaphore_mem>>)
    %dma_start3A_203 = arith.constant 0 : i32
    %dma_start3A_204 = tpu.memref_slice %arg19[%dma_start3A_203] : memref<8192xf32, #tpu.memory_space<vmem>> -> memref<4096xf32, #tpu.memory_space<vmem>>
    %dma_start3A_205 = tpu.memref_slice %arg7[%add3A_178] : memref<1048576xf32, #tpu.memory_space<hbm>> -> memref<4096xf32, #tpu.memory_space<hbm>>
    %dma_start3A_206 = arith.constant 0 : i32
    %dma_start3A_207 = tpu.memref_slice %arg19[%dma_start3A_206] : memref<8192xf32, #tpu.memory_space<vmem>> -> memref<4096xf32, #tpu.memory_space<vmem>>
    %dma_start3A_208 = tpu.memref_slice %arg7[%add3A_178] : memref<1048576xf32, #tpu.memory_space<hbm>> -> memref<4096xf32, #tpu.memory_space<hbm>>
    tpu.enqueue_dma source(%dma_start3A_208 : memref<4096xf32, #tpu.memory_space<hbm>>) target(%dma_start3A_207 : memref<4096xf32, #tpu.memory_space<vmem>>) target_semaphore(%arg21 : memref<!tpu.dma_semaphore, #tpu.memory_space<semaphore_mem>>)
    %dma_start3A_209 = arith.constant 0 : i32
    %dma_start3A_210 = tpu.memref_slice %arg20[%dma_start3A_209] : memref<8192xf32, #tpu.memory_space<vmem>> -> memref<4096xf32, #tpu.memory_space<vmem>>
    %dma_start3A_211 = tpu.memref_slice %arg8[%add3A_178] : memref<1048576xf32, #tpu.memory_space<hbm>> -> memref<4096xf32, #tpu.memory_space<hbm>>
    %dma_start3A_212 = arith.constant 0 : i32
    %dma_start3A_213 = tpu.memref_slice %arg20[%dma_start3A_212] : memref<8192xf32, #tpu.memory_space<vmem>> -> memref<4096xf32, #tpu.memory_space<vmem>>
    %dma_start3A_214 = tpu.memref_slice %arg8[%add3A_178] : memref<1048576xf32, #tpu.memory_space<hbm>> -> memref<4096xf32, #tpu.memory_space<hbm>>
    tpu.enqueue_dma source(%dma_start3A_214 : memref<4096xf32, #tpu.memory_space<hbm>>) target(%dma_start3A_213 : memref<4096xf32, #tpu.memory_space<vmem>>) target_semaphore(%arg21 : memref<!tpu.dma_semaphore, #tpu.memory_space<semaphore_mem>>)
    %dma_wait3A_215 = arith.constant 4096 : i32
    %dma_wait3A_216 = tpu.memref_slice %arg15[%dma_wait3A_215] : memref<8192xi32, #tpu.memory_space<vmem>> -> memref<4096xi32, #tpu.memory_space<vmem>>
    %dma_wait3A_217 = tpu.memref_slice %arg3[%add3A_41] : memref<1048576xi32, #tpu.memory_space<hbm>> -> memref<4096xi32, #tpu.memory_space<hbm>>
    %dma_wait3A_218 = arith.constant 4096 : i32
    %dma_wait3A_219 = tpu.memref_slice %arg15[%dma_wait3A_218] : memref<8192xi32, #tpu.memory_space<vmem>> -> memref<4096xi32, #tpu.memory_space<vmem>>
    %dma_wait3A_220 = tpu.memref_slice %arg3[%add3A_41] : memref<1048576xi32, #tpu.memory_space<hbm>> -> memref<4096xi32, #tpu.memory_space<hbm>>
    tpu.wait_dma2 semaphore(%arg21 : memref<!tpu.dma_semaphore, #tpu.memory_space<semaphore_mem>>) src(%dma_wait3A_220 : memref<4096xi32, #tpu.memory_space<hbm>>) dst(%dma_wait3A_219 : memref<4096xi32, #tpu.memory_space<vmem>>)
    %dma_wait3A_221 = arith.constant 4096 : i32
    %dma_wait3A_222 = tpu.memref_slice %arg16[%dma_wait3A_221] : memref<8192xf32, #tpu.memory_space<vmem>> -> memref<4096xf32, #tpu.memory_space<vmem>>
    %dma_wait3A_223 = tpu.memref_slice %arg4[%add3A_41] : memref<1048576xf32, #tpu.memory_space<hbm>> -> memref<4096xf32, #tpu.memory_space<hbm>>
    %dma_wait3A_224 = arith.constant 4096 : i32
    %dma_wait3A_225 = tpu.memref_slice %arg16[%dma_wait3A_224] : memref<8192xf32, #tpu.memory_space<vmem>> -> memref<4096xf32, #tpu.memory_space<vmem>>
    %dma_wait3A_226 = tpu.memref_slice %arg4[%add3A_41] : memref<1048576xf32, #tpu.memory_space<hbm>> -> memref<4096xf32, #tpu.memory_space<hbm>>
    tpu.wait_dma2 semaphore(%arg21 : memref<!tpu.dma_semaphore, #tpu.memory_space<semaphore_mem>>) src(%dma_wait3A_226 : memref<4096xf32, #tpu.memory_space<hbm>>) dst(%dma_wait3A_225 : memref<4096xf32, #tpu.memory_space<vmem>>)
    %dma_wait3A_227 = arith.constant 4096 : i32
    %dma_wait3A_228 = tpu.memref_slice %arg17[%dma_wait3A_227] : memref<8192xf32, #tpu.memory_space<vmem>> -> memref<4096xf32, #tpu.memory_space<vmem>>
    %dma_wait3A_229 = tpu.memref_slice %arg5[%add3A_41] : memref<1048576xf32, #tpu.memory_space<hbm>> -> memref<4096xf32, #tpu.memory_space<hbm>>
    %dma_wait3A_230 = arith.constant 4096 : i32
    %dma_wait3A_231 = tpu.memref_slice %arg17[%dma_wait3A_230] : memref<8192xf32, #tpu.memory_space<vmem>> -> memref<4096xf32, #tpu.memory_space<vmem>>
    %dma_wait3A_232 = tpu.memref_slice %arg5[%add3A_41] : memref<1048576xf32, #tpu.memory_space<hbm>> -> memref<4096xf32, #tpu.memory_space<hbm>>
    tpu.wait_dma2 semaphore(%arg21 : memref<!tpu.dma_semaphore, #tpu.memory_space<semaphore_mem>>) src(%dma_wait3A_232 : memref<4096xf32, #tpu.memory_space<hbm>>) dst(%dma_wait3A_231 : memref<4096xf32, #tpu.memory_space<vmem>>)
    %dma_wait3A_233 = arith.constant 4096 : i32
    %dma_wait3A_234 = tpu.memref_slice %arg18[%dma_wait3A_233] : memref<8192xf32, #tpu.memory_space<vmem>> -> memref<4096xf32, #tpu.memory_space<vmem>>
    %dma_wait3A_235 = tpu.memref_slice %arg6[%add3A_41] : memref<1048576xf32, #tpu.memory_space<hbm>> -> memref<4096xf32, #tpu.memory_space<hbm>>
    %dma_wait3A_236 = arith.constant 4096 : i32
    %dma_wait3A_237 = tpu.memref_slice %arg18[%dma_wait3A_236] : memref<8192xf32, #tpu.memory_space<vmem>> -> memref<4096xf32, #tpu.memory_space<vmem>>
    %dma_wait3A_238 = tpu.memref_slice %arg6[%add3A_41] : memref<1048576xf32, #tpu.memory_space<hbm>> -> memref<4096xf32, #tpu.memory_space<hbm>>
    tpu.wait_dma2 semaphore(%arg21 : memref<!tpu.dma_semaphore, #tpu.memory_space<semaphore_mem>>) src(%dma_wait3A_238 : memref<4096xf32, #tpu.memory_space<hbm>>) dst(%dma_wait3A_237 : memref<4096xf32, #tpu.memory_space<vmem>>)
    %dma_wait3A_239 = arith.constant 4096 : i32
    %dma_wait3A_240 = tpu.memref_slice %arg19[%dma_wait3A_239] : memref<8192xf32, #tpu.memory_space<vmem>> -> memref<4096xf32, #tpu.memory_space<vmem>>
    %dma_wait3A_241 = tpu.memref_slice %arg7[%add3A_41] : memref<1048576xf32, #tpu.memory_space<hbm>> -> memref<4096xf32, #tpu.memory_space<hbm>>
    %dma_wait3A_242 = arith.constant 4096 : i32
    %dma_wait3A_243 = tpu.memref_slice %arg19[%dma_wait3A_242] : memref<8192xf32, #tpu.memory_space<vmem>> -> memref<4096xf32, #tpu.memory_space<vmem>>
    %dma_wait3A_244 = tpu.memref_slice %arg7[%add3A_41] : memref<1048576xf32, #tpu.memory_space<hbm>> -> memref<4096xf32, #tpu.memory_space<hbm>>
    tpu.wait_dma2 semaphore(%arg21 : memref<!tpu.dma_semaphore, #tpu.memory_space<semaphore_mem>>) src(%dma_wait3A_244 : memref<4096xf32, #tpu.memory_space<hbm>>) dst(%dma_wait3A_243 : memref<4096xf32, #tpu.memory_space<vmem>>)
    %dma_wait3A_245 = arith.constant 4096 : i32
    %dma_wait3A_246 = tpu.memref_slice %arg20[%dma_wait3A_245] : memref<8192xf32, #tpu.memory_space<vmem>> -> memref<4096xf32, #tpu.memory_space<vmem>>
    %dma_wait3A_247 = tpu.memref_slice %arg8[%add3A_41] : memref<1048576xf32, #tpu.memory_space<hbm>> -> memref<4096xf32, #tpu.memory_space<hbm>>
    %dma_wait3A_248 = arith.constant 4096 : i32
    %dma_wait3A_249 = tpu.memref_slice %arg20[%dma_wait3A_248] : memref<8192xf32, #tpu.memory_space<vmem>> -> memref<4096xf32, #tpu.memory_space<vmem>>
    %dma_wait3A_250 = tpu.memref_slice %arg8[%add3A_41] : memref<1048576xf32, #tpu.memory_space<hbm>> -> memref<4096xf32, #tpu.memory_space<hbm>>
    tpu.wait_dma2 semaphore(%arg21 : memref<!tpu.dma_semaphore, #tpu.memory_space<semaphore_mem>>) src(%dma_wait3A_250 : memref<4096xf32, #tpu.memory_space<hbm>>) dst(%dma_wait3A_249 : memref<4096xf32, #tpu.memory_space<vmem>>)
    %parallel_loop3A_251 = arith.constant 0 : i32
    %parallel_loop3A_252 = arith.constant 4096 : i32
    %parallel_loop3A_253 = arith.constant 16 : i32
    scf.for %parallel_loop3A_1112 = %parallel_loop3A_251 to %parallel_loop3A_252 step %parallel_loop3A_253  : i32 {
      %parallel_loop3A_1113 = arith.constant 4096 : i32
      %parallel_loop3A_1114 = arith.addi %parallel_loop3A_1113, %parallel_loop3A_1112 : i32
      %parallel_loop3A_1115 = arith.index_cast %parallel_loop3A_1114 : i32 to index
      %parallel_loop3A_1116 = tpu.vector_load %arg15[%parallel_loop3A_1115] {strides = array<i32>} : memref<8192xi32, #tpu.memory_space<vmem>>, vector<16xi32>,
      %parallel_loop3A_1117 = tpu.vector_load_idx %arg14[%parallel_loop3A_1116] : memref<8192xf32, #tpu.memory_space<vmem>>[vector<16xi32>], vector<16xf32>,
      %parallel_loop3A_1118 = arith.constant 1024 : i32
      %parallel_loop3A_1119 = vector.broadcast %parallel_loop3A_1118 : i32 to vector<16xi32>
      %parallel_loop3A_1120 = arith.addi %parallel_loop3A_1116, %parallel_loop3A_1119 : vector<16xi32>
      %parallel_loop3A_1121 = tpu.vector_load_idx %arg14[%parallel_loop3A_1120] : memref<8192xf32, #tpu.memory_space<vmem>>[vector<16xi32>], vector<16xf32>,
      %parallel_loop3A_1122 = arith.constant 2048 : i32
      %parallel_loop3A_1123 = vector.broadcast %parallel_loop3A_1122 : i32 to vector<16xi32>
      %parallel_loop3A_1124 = arith.addi %parallel_loop3A_1116, %parallel_loop3A_1123 : vector<16xi32>
      %parallel_loop3A_1125 = tpu.vector_load_idx %arg14[%parallel_loop3A_1124] : memref<8192xf32, #tpu.memory_space<vmem>>[vector<16xi32>], vector<16xf32>,
      %parallel_loop3A_1126 = arith.constant 3072 : i32
      %parallel_loop3A_1127 = vector.broadcast %parallel_loop3A_1126 : i32 to vector<16xi32>
      %parallel_loop3A_1128 = arith.addi %parallel_loop3A_1116, %parallel_loop3A_1127 : vector<16xi32>
      %parallel_loop3A_1129 = tpu.vector_load_idx %arg14[%parallel_loop3A_1128] : memref<8192xf32, #tpu.memory_space<vmem>>[vector<16xi32>], vector<16xf32>,
      %parallel_loop3A_1130 = arith.constant 4096 : i32
      %parallel_loop3A_1131 = vector.broadcast %parallel_loop3A_1130 : i32 to vector<16xi32>
      %parallel_loop3A_1132 = arith.addi %parallel_loop3A_1116, %parallel_loop3A_1131 : vector<16xi32>
      %parallel_loop3A_1133 = tpu.vector_load_idx %arg14[%parallel_loop3A_1132] : memref<8192xf32, #tpu.memory_space<vmem>>[vector<16xi32>], vector<16xf32>,
      %parallel_loop3A_1134 = arith.constant 5120 : i32
      %parallel_loop3A_1135 = vector.broadcast %parallel_loop3A_1134 : i32 to vector<16xi32>
      %parallel_loop3A_1136 = arith.addi %parallel_loop3A_1116, %parallel_loop3A_1135 : vector<16xi32>
      %parallel_loop3A_1137 = tpu.vector_load_idx %arg14[%parallel_loop3A_1136] : memref<8192xf32, #tpu.memory_space<vmem>>[vector<16xi32>], vector<16xf32>,
      %parallel_loop3A_1138 = arith.constant 6144 : i32
      %parallel_loop3A_1139 = vector.broadcast %parallel_loop3A_1138 : i32 to vector<16xi32>
      %parallel_loop3A_1140 = arith.addi %parallel_loop3A_1116, %parallel_loop3A_1139 : vector<16xi32>
      %parallel_loop3A_1141 = tpu.vector_load_idx %arg14[%parallel_loop3A_1140] : memref<8192xf32, #tpu.memory_space<vmem>>[vector<16xi32>], vector<16xf32>,
      %parallel_loop3A_1142 = arith.index_cast %parallel_loop3A_1114 : i32 to index
      %parallel_loop3A_1143 = tpu.vector_load %arg18[%parallel_loop3A_1142] {strides = array<i32>} : memref<8192xf32, #tpu.memory_space<vmem>>, vector<16xf32>,
      %parallel_loop3A_1144 = arith.index_cast %parallel_loop3A_1114 : i32 to index
      %parallel_loop3A_1145 = tpu.vector_load %arg19[%parallel_loop3A_1144] {strides = array<i32>} : memref<8192xf32, #tpu.memory_space<vmem>>, vector<16xf32>,
      %parallel_loop3A_1146 = arith.index_cast %parallel_loop3A_1114 : i32 to index
      %parallel_loop3A_1147 = tpu.vector_load %arg20[%parallel_loop3A_1146] {strides = array<i32>} : memref<8192xf32, #tpu.memory_space<vmem>>, vector<16xf32>,
      %parallel_loop3A_1148 = arith.constant -4.37113883E-8 : f32
      %parallel_loop3A_1149 = vector.broadcast %parallel_loop3A_1148 : f32 to vector<16xf32>
      %parallel_loop3A_1150 = arith.mulf %parallel_loop3A_1149, %parallel_loop3A_1121 : vector<16xf32>
      %parallel_loop3A_1151 = arith.constant -4.37113883E-8 : f32
      %parallel_loop3A_1152 = vector.broadcast %parallel_loop3A_1151 : f32 to vector<16xf32>
      %parallel_loop3A_1153 = arith.mulf %parallel_loop3A_1152, %parallel_loop3A_1117 : vector<16xf32>
      %parallel_loop3A_1154 = arith.mulf %parallel_loop3A_1117, %parallel_loop3A_1143 : vector<16xf32>
      %parallel_loop3A_1155 = arith.mulf %parallel_loop3A_1150, %parallel_loop3A_1145 : vector<16xf32>
      %parallel_loop3A_1156 = arith.addf %parallel_loop3A_1154, %parallel_loop3A_1155 : vector<16xf32>
      %parallel_loop3A_1157 = arith.mulf %parallel_loop3A_1129, %parallel_loop3A_1147 : vector<16xf32>
      %parallel_loop3A_1158 = arith.addf %parallel_loop3A_1156, %parallel_loop3A_1157 : vector<16xf32>
      %parallel_loop3A_1159 = arith.mulf %parallel_loop3A_1125, %parallel_loop3A_1145 : vector<16xf32>
      %parallel_loop3A_1160 = arith.constant -4.37113883E-8 : f32
      %parallel_loop3A_1161 = vector.broadcast %parallel_loop3A_1160 : f32 to vector<16xf32>
      %parallel_loop3A_1162 = arith.mulf %parallel_loop3A_1161, %parallel_loop3A_1147 : vector<16xf32>
      %parallel_loop3A_1163 = arith.subf %parallel_loop3A_1159, %parallel_loop3A_1162 : vector<16xf32>
      %parallel_loop3A_1164 = arith.mulf %parallel_loop3A_1153, %parallel_loop3A_1145 : vector<16xf32>
      %parallel_loop3A_1165 = arith.mulf %parallel_loop3A_1133, %parallel_loop3A_1147 : vector<16xf32>
      %parallel_loop3A_1166 = arith.addf %parallel_loop3A_1164, %parallel_loop3A_1165 : vector<16xf32>
      %parallel_loop3A_1167 = arith.mulf %parallel_loop3A_1121, %parallel_loop3A_1143 : vector<16xf32>
      %parallel_loop3A_1168 = arith.subf %parallel_loop3A_1166, %parallel_loop3A_1167 : vector<16xf32>
      %parallel_loop3A_1169 = arith.index_cast %parallel_loop3A_1114 : i32 to index
      %parallel_loop3A_1170 = tpu.vector_load %arg18[%parallel_loop3A_1169] {strides = array<i32>} : memref<8192xf32, #tpu.memory_space<vmem>>, vector<16xf32>,
      tpu.vector_store %arg18[%parallel_loop3A_1169], %parallel_loop3A_1158 {strides = array<i32>} : memref<8192xf32, #tpu.memory_space<vmem>>, vector<16xf32>,
      %parallel_loop3A_1171 = arith.index_cast %parallel_loop3A_1114 : i32 to index
      %parallel_loop3A_1172 = tpu.vector_load %arg19[%parallel_loop3A_1171] {strides = array<i32>} : memref<8192xf32, #tpu.memory_space<vmem>>, vector<16xf32>,
      tpu.vector_store %arg19[%parallel_loop3A_1171], %parallel_loop3A_1163 {strides = array<i32>} : memref<8192xf32, #tpu.memory_space<vmem>>, vector<16xf32>,
      %parallel_loop3A_1173 = arith.index_cast %parallel_loop3A_1114 : i32 to index
      %parallel_loop3A_1174 = tpu.vector_load %arg20[%parallel_loop3A_1173] {strides = array<i32>} : memref<8192xf32, #tpu.memory_space<vmem>>, vector<16xf32>,
      tpu.vector_store %arg20[%parallel_loop3A_1173], %parallel_loop3A_1168 {strides = array<i32>} : memref<8192xf32, #tpu.memory_space<vmem>>, vector<16xf32>,
      %parallel_loop3A_1175 = arith.index_cast %parallel_loop3A_1114 : i32 to index
      %parallel_loop3A_1176 = tpu.vector_load %arg16[%parallel_loop3A_1175] {strides = array<i32>} : memref<8192xf32, #tpu.memory_space<vmem>>, vector<16xf32>,
      %parallel_loop3A_1177 = arith.addf %parallel_loop3A_1176, %parallel_loop3A_1137 : vector<16xf32>
      %parallel_loop3A_1178 = arith.index_cast %parallel_loop3A_1114 : i32 to index
      %parallel_loop3A_1179 = tpu.vector_load %arg16[%parallel_loop3A_1178] {strides = array<i32>} : memref<8192xf32, #tpu.memory_space<vmem>>, vector<16xf32>,
      tpu.vector_store %arg16[%parallel_loop3A_1178], %parallel_loop3A_1177 {strides = array<i32>} : memref<8192xf32, #tpu.memory_space<vmem>>, vector<16xf32>,
      %parallel_loop3A_1180 = arith.index_cast %parallel_loop3A_1114 : i32 to index
      %parallel_loop3A_1181 = tpu.vector_load %arg17[%parallel_loop3A_1180] {strides = array<i32>} : memref<8192xf32, #tpu.memory_space<vmem>>, vector<16xf32>,
      %parallel_loop3A_1182 = arith.addf %parallel_loop3A_1181, %parallel_loop3A_1141 : vector<16xf32>
      %parallel_loop3A_1183 = arith.index_cast %parallel_loop3A_1114 : i32 to index
      %parallel_loop3A_1184 = tpu.vector_load %arg17[%parallel_loop3A_1183] {strides = array<i32>} : memref<8192xf32, #tpu.memory_space<vmem>>, vector<16xf32>,
      tpu.vector_store %arg17[%parallel_loop3A_1183], %parallel_loop3A_1182 {strides = array<i32>} : memref<8192xf32, #tpu.memory_space<vmem>>, vector<16xf32>,
    } {sc.loop_unroll_factor = 8 : i64, sc.parallel_access}
    %add3A_254 = arith.constant 4096 : i32
    %add3A_255 = arith.addi %mul3A_2, %add3A_254 : i32
    %dma_start3A_256 = arith.constant 4096 : i32
    %dma_start3A_257 = tpu.memref_slice %arg16[%dma_start3A_256] : memref<8192xf32, #tpu.memory_space<vmem>> -> memref<4096xf32, #tpu.memory_space<vmem>>
    %dma_start3A_258 = tpu.memref_slice %arg9[%add3A_255] : memref<1048576xf32, #tpu.memory_space<hbm>> -> memref<4096xf32, #tpu.memory_space<hbm>>
    %dma_start3A_259 = tpu.memref_slice %arg9[%add3A_255] : memref<1048576xf32, #tpu.memory_space<hbm>> -> memref<4096xf32, #tpu.memory_space<hbm>>
    %dma_start3A_260 = arith.constant 4096 : i32
    %dma_start3A_261 = tpu.memref_slice %arg16[%dma_start3A_260] : memref<8192xf32, #tpu.memory_space<vmem>> -> memref<4096xf32, #tpu.memory_space<vmem>>
    tpu.enqueue_dma source(%dma_start3A_261 : memref<4096xf32, #tpu.memory_space<vmem>>) target(%dma_start3A_259 : memref<4096xf32, #tpu.memory_space<hbm>>) target_semaphore(%arg22 : memref<!tpu.dma_semaphore, #tpu.memory_space<semaphore_mem>>)
    %dma_start3A_262 = arith.constant 4096 : i32
    %dma_start3A_263 = tpu.memref_slice %arg17[%dma_start3A_262] : memref<8192xf32, #tpu.memory_space<vmem>> -> memref<4096xf32, #tpu.memory_space<vmem>>
    %dma_start3A_264 = tpu.memref_slice %arg10[%add3A_255] : memref<1048576xf32, #tpu.memory_space<hbm>> -> memref<4096xf32, #tpu.memory_space<hbm>>
    %dma_start3A_265 = tpu.memref_slice %arg10[%add3A_255] : memref<1048576xf32, #tpu.memory_space<hbm>> -> memref<4096xf32, #tpu.memory_space<hbm>>
    %dma_start3A_266 = arith.constant 4096 : i32
    %dma_start3A_267 = tpu.memref_slice %arg17[%dma_start3A_266] : memref<8192xf32, #tpu.memory_space<vmem>> -> memref<4096xf32, #tpu.memory_space<vmem>>
    tpu.enqueue_dma source(%dma_start3A_267 : memref<4096xf32, #tpu.memory_space<vmem>>) target(%dma_start3A_265 : memref<4096xf32, #tpu.memory_space<hbm>>) target_semaphore(%arg22 : memref<!tpu.dma_semaphore, #tpu.memory_space<semaphore_mem>>)
    %dma_start3A_268 = arith.constant 4096 : i32
    %dma_start3A_269 = tpu.memref_slice %arg18[%dma_start3A_268] : memref<8192xf32, #tpu.memory_space<vmem>> -> memref<4096xf32, #tpu.memory_space<vmem>>
    %dma_start3A_270 = tpu.memref_slice %arg11[%add3A_255] : memref<1048576xf32, #tpu.memory_space<hbm>> -> memref<4096xf32, #tpu.memory_space<hbm>>
    %dma_start3A_271 = tpu.memref_slice %arg11[%add3A_255] : memref<1048576xf32, #tpu.memory_space<hbm>> -> memref<4096xf32, #tpu.memory_space<hbm>>
    %dma_start3A_272 = arith.constant 4096 : i32
    %dma_start3A_273 = tpu.memref_slice %arg18[%dma_start3A_272] : memref<8192xf32, #tpu.memory_space<vmem>> -> memref<4096xf32, #tpu.memory_space<vmem>>
    tpu.enqueue_dma source(%dma_start3A_273 : memref<4096xf32, #tpu.memory_space<vmem>>) target(%dma_start3A_271 : memref<4096xf32, #tpu.memory_space<hbm>>) target_semaphore(%arg22 : memref<!tpu.dma_semaphore, #tpu.memory_space<semaphore_mem>>)
    %dma_start3A_274 = arith.constant 4096 : i32
    %dma_start3A_275 = tpu.memref_slice %arg19[%dma_start3A_274] : memref<8192xf32, #tpu.memory_space<vmem>> -> memref<4096xf32, #tpu.memory_space<vmem>>
    %dma_start3A_276 = tpu.memref_slice %arg12[%add3A_255] : memref<1048576xf32, #tpu.memory_space<hbm>> -> memref<4096xf32, #tpu.memory_space<hbm>>
    %dma_start3A_277 = tpu.memref_slice %arg12[%add3A_255] : memref<1048576xf32, #tpu.memory_space<hbm>> -> memref<4096xf32, #tpu.memory_space<hbm>>
    %dma_start3A_278 = arith.constant 4096 : i32
    %dma_start3A_279 = tpu.memref_slice %arg19[%dma_start3A_278] : memref<8192xf32, #tpu.memory_space<vmem>> -> memref<4096xf32, #tpu.memory_space<vmem>>
    tpu.enqueue_dma source(%dma_start3A_279 : memref<4096xf32, #tpu.memory_space<vmem>>) target(%dma_start3A_277 : memref<4096xf32, #tpu.memory_space<hbm>>) target_semaphore(%arg22 : memref<!tpu.dma_semaphore, #tpu.memory_space<semaphore_mem>>)
    %dma_start3A_280 = arith.constant 4096 : i32
    %dma_start3A_281 = tpu.memref_slice %arg20[%dma_start3A_280] : memref<8192xf32, #tpu.memory_space<vmem>> -> memref<4096xf32, #tpu.memory_space<vmem>>
    %dma_start3A_282 = tpu.memref_slice %arg13[%add3A_255] : memref<1048576xf32, #tpu.memory_space<hbm>> -> memref<4096xf32, #tpu.memory_space<hbm>>
    %dma_start3A_283 = tpu.memref_slice %arg13[%add3A_255] : memref<1048576xf32, #tpu.memory_space<hbm>> -> memref<4096xf32, #tpu.memory_space<hbm>>
    %dma_start3A_284 = arith.constant 4096 : i32
    %dma_start3A_285 = tpu.memref_slice %arg20[%dma_start3A_284] : memref<8192xf32, #tpu.memory_space<vmem>> -> memref<4096xf32, #tpu.memory_space<vmem>>
    tpu.enqueue_dma source(%dma_start3A_285 : memref<4096xf32, #tpu.memory_space<vmem>>) target(%dma_start3A_283 : memref<4096xf32, #tpu.memory_space<hbm>>) target_semaphore(%arg22 : memref<!tpu.dma_semaphore, #tpu.memory_space<semaphore_mem>>)
    %dma_wait3A_286 = arith.constant 4096 : i32
    %dma_wait3A_287 = tpu.memref_slice %arg16[%dma_wait3A_286] : memref<8192xf32, #tpu.memory_space<vmem>> -> memref<4096xf32, #tpu.memory_space<vmem>>
    %dma_wait3A_288 = tpu.memref_slice %arg9[%add3A_255] : memref<1048576xf32, #tpu.memory_space<hbm>> -> memref<4096xf32, #tpu.memory_space<hbm>>
    %dma_wait3A_289 = tpu.memref_slice %arg9[%add3A_255] : memref<1048576xf32, #tpu.memory_space<hbm>> -> memref<4096xf32, #tpu.memory_space<hbm>>
    %dma_wait3A_290 = arith.constant 4096 : i32
    %dma_wait3A_291 = tpu.memref_slice %arg16[%dma_wait3A_290] : memref<8192xf32, #tpu.memory_space<vmem>> -> memref<4096xf32, #tpu.memory_space<vmem>>
    tpu.wait_dma2 semaphore(%arg22 : memref<!tpu.dma_semaphore, #tpu.memory_space<semaphore_mem>>) src(%dma_wait3A_291 : memref<4096xf32, #tpu.memory_space<vmem>>) dst(%dma_wait3A_289 : memref<4096xf32, #tpu.memory_space<hbm>>)
    %dma_wait3A_292 = arith.constant 4096 : i32
    %dma_wait3A_293 = tpu.memref_slice %arg17[%dma_wait3A_292] : memref<8192xf32, #tpu.memory_space<vmem>> -> memref<4096xf32, #tpu.memory_space<vmem>>
    %dma_wait3A_294 = tpu.memref_slice %arg10[%add3A_255] : memref<1048576xf32, #tpu.memory_space<hbm>> -> memref<4096xf32, #tpu.memory_space<hbm>>
    %dma_wait3A_295 = tpu.memref_slice %arg10[%add3A_255] : memref<1048576xf32, #tpu.memory_space<hbm>> -> memref<4096xf32, #tpu.memory_space<hbm>>
    %dma_wait3A_296 = arith.constant 4096 : i32
    %dma_wait3A_297 = tpu.memref_slice %arg17[%dma_wait3A_296] : memref<8192xf32, #tpu.memory_space<vmem>> -> memref<4096xf32, #tpu.memory_space<vmem>>
    tpu.wait_dma2 semaphore(%arg22 : memref<!tpu.dma_semaphore, #tpu.memory_space<semaphore_mem>>) src(%dma_wait3A_297 : memref<4096xf32, #tpu.memory_space<vmem>>) dst(%dma_wait3A_295 : memref<4096xf32, #tpu.memory_space<hbm>>)
    %dma_wait3A_298 = arith.constant 4096 : i32
    %dma_wait3A_299 = tpu.memref_slice %arg18[%dma_wait3A_298] : memref<8192xf32, #tpu.memory_space<vmem>> -> memref<4096xf32, #tpu.memory_space<vmem>>
    %dma_wait3A_300 = tpu.memref_slice %arg11[%add3A_255] : memref<1048576xf32, #tpu.memory_space<hbm>> -> memref<4096xf32, #tpu.memory_space<hbm>>
    %dma_wait3A_301 = tpu.memref_slice %arg11[%add3A_255] : memref<1048576xf32, #tpu.memory_space<hbm>> -> memref<4096xf32, #tpu.memory_space<hbm>>
    %dma_wait3A_302 = arith.constant 4096 : i32
    %dma_wait3A_303 = tpu.memref_slice %arg18[%dma_wait3A_302] : memref<8192xf32, #tpu.memory_space<vmem>> -> memref<4096xf32, #tpu.memory_space<vmem>>
    tpu.wait_dma2 semaphore(%arg22 : memref<!tpu.dma_semaphore, #tpu.memory_space<semaphore_mem>>) src(%dma_wait3A_303 : memref<4096xf32, #tpu.memory_space<vmem>>) dst(%dma_wait3A_301 : memref<4096xf32, #tpu.memory_space<hbm>>)
    %dma_wait3A_304 = arith.constant 4096 : i32
    %dma_wait3A_305 = tpu.memref_slice %arg19[%dma_wait3A_304] : memref<8192xf32, #tpu.memory_space<vmem>> -> memref<4096xf32, #tpu.memory_space<vmem>>
    %dma_wait3A_306 = tpu.memref_slice %arg12[%add3A_255] : memref<1048576xf32, #tpu.memory_space<hbm>> -> memref<4096xf32, #tpu.memory_space<hbm>>
    %dma_wait3A_307 = tpu.memref_slice %arg12[%add3A_255] : memref<1048576xf32, #tpu.memory_space<hbm>> -> memref<4096xf32, #tpu.memory_space<hbm>>
    %dma_wait3A_308 = arith.constant 4096 : i32
    %dma_wait3A_309 = tpu.memref_slice %arg19[%dma_wait3A_308] : memref<8192xf32, #tpu.memory_space<vmem>> -> memref<4096xf32, #tpu.memory_space<vmem>>
    tpu.wait_dma2 semaphore(%arg22 : memref<!tpu.dma_semaphore, #tpu.memory_space<semaphore_mem>>) src(%dma_wait3A_309 : memref<4096xf32, #tpu.memory_space<vmem>>) dst(%dma_wait3A_307 : memref<4096xf32, #tpu.memory_space<hbm>>)
    %dma_wait3A_310 = arith.constant 4096 : i32
    %dma_wait3A_311 = tpu.memref_slice %arg20[%dma_wait3A_310] : memref<8192xf32, #tpu.memory_space<vmem>> -> memref<4096xf32, #tpu.memory_space<vmem>>
    %dma_wait3A_312 = tpu.memref_slice %arg13[%add3A_255] : memref<1048576xf32, #tpu.memory_space<hbm>> -> memref<4096xf32, #tpu.memory_space<hbm>>
    %dma_wait3A_313 = tpu.memref_slice %arg13[%add3A_255] : memref<1048576xf32, #tpu.memory_space<hbm>> -> memref<4096xf32, #tpu.memory_space<hbm>>
    %dma_wait3A_314 = arith.constant 4096 : i32
    %dma_wait3A_315 = tpu.memref_slice %arg20[%dma_wait3A_314] : memref<8192xf32, #tpu.memory_space<vmem>> -> memref<4096xf32, #tpu.memory_space<vmem>>
    tpu.wait_dma2 semaphore(%arg22 : memref<!tpu.dma_semaphore, #tpu.memory_space<semaphore_mem>>) src(%dma_wait3A_315 : memref<4096xf32, #tpu.memory_space<vmem>>) dst(%dma_wait3A_313 : memref<4096xf32, #tpu.memory_space<hbm>>)
    %add3A_316 = arith.constant 12288 : i32
    %add3A_317 = arith.addi %mul3A_2, %add3A_316 : i32
    %dma_start3A_318 = arith.constant 4096 : i32
    %dma_start3A_319 = tpu.memref_slice %arg15[%dma_start3A_318] : memref<8192xi32, #tpu.memory_space<vmem>> -> memref<4096xi32, #tpu.memory_space<vmem>>
    %dma_start3A_320 = tpu.memref_slice %arg3[%add3A_317] : memref<1048576xi32, #tpu.memory_space<hbm>> -> memref<4096xi32, #tpu.memory_space<hbm>>
    %dma_start3A_321 = arith.constant 4096 : i32
    %dma_start3A_322 = tpu.memref_slice %arg15[%dma_start3A_321] : memref<8192xi32, #tpu.memory_space<vmem>> -> memref<4096xi32, #tpu.memory_space<vmem>>
    %dma_start3A_323 = tpu.memref_slice %arg3[%add3A_317] : memref<1048576xi32, #tpu.memory_space<hbm>> -> memref<4096xi32, #tpu.memory_space<hbm>>
    tpu.enqueue_dma source(%dma_start3A_323 : memref<4096xi32, #tpu.memory_space<hbm>>) target(%dma_start3A_322 : memref<4096xi32, #tpu.memory_space<vmem>>) target_semaphore(%arg21 : memref<!tpu.dma_semaphore, #tpu.memory_space<semaphore_mem>>)
    %dma_start3A_324 = arith.constant 4096 : i32
    %dma_start3A_325 = tpu.memref_slice %arg16[%dma_start3A_324] : memref<8192xf32, #tpu.memory_space<vmem>> -> memref<4096xf32, #tpu.memory_space<vmem>>
    %dma_start3A_326 = tpu.memref_slice %arg4[%add3A_317] : memref<1048576xf32, #tpu.memory_space<hbm>> -> memref<4096xf32, #tpu.memory_space<hbm>>
    %dma_start3A_327 = arith.constant 4096 : i32
    %dma_start3A_328 = tpu.memref_slice %arg16[%dma_start3A_327] : memref<8192xf32, #tpu.memory_space<vmem>> -> memref<4096xf32, #tpu.memory_space<vmem>>
    %dma_start3A_329 = tpu.memref_slice %arg4[%add3A_317] : memref<1048576xf32, #tpu.memory_space<hbm>> -> memref<4096xf32, #tpu.memory_space<hbm>>
    tpu.enqueue_dma source(%dma_start3A_329 : memref<4096xf32, #tpu.memory_space<hbm>>) target(%dma_start3A_328 : memref<4096xf32, #tpu.memory_space<vmem>>) target_semaphore(%arg21 : memref<!tpu.dma_semaphore, #tpu.memory_space<semaphore_mem>>)
    %dma_start3A_330 = arith.constant 4096 : i32
    %dma_start3A_331 = tpu.memref_slice %arg17[%dma_start3A_330] : memref<8192xf32, #tpu.memory_space<vmem>> -> memref<4096xf32, #tpu.memory_space<vmem>>
    %dma_start3A_332 = tpu.memref_slice %arg5[%add3A_317] : memref<1048576xf32, #tpu.memory_space<hbm>> -> memref<4096xf32, #tpu.memory_space<hbm>>
    %dma_start3A_333 = arith.constant 4096 : i32
    %dma_start3A_334 = tpu.memref_slice %arg17[%dma_start3A_333] : memref<8192xf32, #tpu.memory_space<vmem>> -> memref<4096xf32, #tpu.memory_space<vmem>>
    %dma_start3A_335 = tpu.memref_slice %arg5[%add3A_317] : memref<1048576xf32, #tpu.memory_space<hbm>> -> memref<4096xf32, #tpu.memory_space<hbm>>
    tpu.enqueue_dma source(%dma_start3A_335 : memref<4096xf32, #tpu.memory_space<hbm>>) target(%dma_start3A_334 : memref<4096xf32, #tpu.memory_space<vmem>>) target_semaphore(%arg21 : memref<!tpu.dma_semaphore, #tpu.memory_space<semaphore_mem>>)
    %dma_start3A_336 = arith.constant 4096 : i32
    %dma_start3A_337 = tpu.memref_slice %arg18[%dma_start3A_336] : memref<8192xf32, #tpu.memory_space<vmem>> -> memref<4096xf32, #tpu.memory_space<vmem>>
    %dma_start3A_338 = tpu.memref_slice %arg6[%add3A_317] : memref<1048576xf32, #tpu.memory_space<hbm>> -> memref<4096xf32, #tpu.memory_space<hbm>>
    %dma_start3A_339 = arith.constant 4096 : i32
    %dma_start3A_340 = tpu.memref_slice %arg18[%dma_start3A_339] : memref<8192xf32, #tpu.memory_space<vmem>> -> memref<4096xf32, #tpu.memory_space<vmem>>
    %dma_start3A_341 = tpu.memref_slice %arg6[%add3A_317] : memref<1048576xf32, #tpu.memory_space<hbm>> -> memref<4096xf32, #tpu.memory_space<hbm>>
    tpu.enqueue_dma source(%dma_start3A_341 : memref<4096xf32, #tpu.memory_space<hbm>>) target(%dma_start3A_340 : memref<4096xf32, #tpu.memory_space<vmem>>) target_semaphore(%arg21 : memref<!tpu.dma_semaphore, #tpu.memory_space<semaphore_mem>>)
    %dma_start3A_342 = arith.constant 4096 : i32
    %dma_start3A_343 = tpu.memref_slice %arg19[%dma_start3A_342] : memref<8192xf32, #tpu.memory_space<vmem>> -> memref<4096xf32, #tpu.memory_space<vmem>>
    %dma_start3A_344 = tpu.memref_slice %arg7[%add3A_317] : memref<1048576xf32, #tpu.memory_space<hbm>> -> memref<4096xf32, #tpu.memory_space<hbm>>
    %dma_start3A_345 = arith.constant 4096 : i32
    %dma_start3A_346 = tpu.memref_slice %arg19[%dma_start3A_345] : memref<8192xf32, #tpu.memory_space<vmem>> -> memref<4096xf32, #tpu.memory_space<vmem>>
    %dma_start3A_347 = tpu.memref_slice %arg7[%add3A_317] : memref<1048576xf32, #tpu.memory_space<hbm>> -> memref<4096xf32, #tpu.memory_space<hbm>>
    tpu.enqueue_dma source(%dma_start3A_347 : memref<4096xf32, #tpu.memory_space<hbm>>) target(%dma_start3A_346 : memref<4096xf32, #tpu.memory_space<vmem>>) target_semaphore(%arg21 : memref<!tpu.dma_semaphore, #tpu.memory_space<semaphore_mem>>)
    %dma_start3A_348 = arith.constant 4096 : i32
    %dma_start3A_349 = tpu.memref_slice %arg20[%dma_start3A_348] : memref<8192xf32, #tpu.memory_space<vmem>> -> memref<4096xf32, #tpu.memory_space<vmem>>
    %dma_start3A_350 = tpu.memref_slice %arg8[%add3A_317] : memref<1048576xf32, #tpu.memory_space<hbm>> -> memref<4096xf32, #tpu.memory_space<hbm>>
    %dma_start3A_351 = arith.constant 4096 : i32
    %dma_start3A_352 = tpu.memref_slice %arg20[%dma_start3A_351] : memref<8192xf32, #tpu.memory_space<vmem>> -> memref<4096xf32, #tpu.memory_space<vmem>>
    %dma_start3A_353 = tpu.memref_slice %arg8[%add3A_317] : memref<1048576xf32, #tpu.memory_space<hbm>> -> memref<4096xf32, #tpu.memory_space<hbm>>
    tpu.enqueue_dma source(%dma_start3A_353 : memref<4096xf32, #tpu.memory_space<hbm>>) target(%dma_start3A_352 : memref<4096xf32, #tpu.memory_space<vmem>>) target_semaphore(%arg21 : memref<!tpu.dma_semaphore, #tpu.memory_space<semaphore_mem>>)
    %dma_wait3A_354 = arith.constant 0 : i32
    %dma_wait3A_355 = tpu.memref_slice %arg15[%dma_wait3A_354] : memref<8192xi32, #tpu.memory_space<vmem>> -> memref<4096xi32, #tpu.memory_space<vmem>>
    %dma_wait3A_356 = tpu.memref_slice %arg3[%add3A_178] : memref<1048576xi32, #tpu.memory_space<hbm>> -> memref<4096xi32, #tpu.memory_space<hbm>>
    %dma_wait3A_357 = arith.constant 0 : i32
    %dma_wait3A_358 = tpu.memref_slice %arg15[%dma_wait3A_357] : memref<8192xi32, #tpu.memory_space<vmem>> -> memref<4096xi32, #tpu.memory_space<vmem>>
    %dma_wait3A_359 = tpu.memref_slice %arg3[%add3A_178] : memref<1048576xi32, #tpu.memory_space<hbm>> -> memref<4096xi32, #tpu.memory_space<hbm>>
    tpu.wait_dma2 semaphore(%arg21 : memref<!tpu.dma_semaphore, #tpu.memory_space<semaphore_mem>>) src(%dma_wait3A_359 : memref<4096xi32, #tpu.memory_space<hbm>>) dst(%dma_wait3A_358 : memref<4096xi32, #tpu.memory_space<vmem>>)
    %dma_wait3A_360 = arith.constant 0 : i32
    %dma_wait3A_361 = tpu.memref_slice %arg16[%dma_wait3A_360] : memref<8192xf32, #tpu.memory_space<vmem>> -> memref<4096xf32, #tpu.memory_space<vmem>>
    %dma_wait3A_362 = tpu.memref_slice %arg4[%add3A_178] : memref<1048576xf32, #tpu.memory_space<hbm>> -> memref<4096xf32, #tpu.memory_space<hbm>>
    %dma_wait3A_363 = arith.constant 0 : i32
    %dma_wait3A_364 = tpu.memref_slice %arg16[%dma_wait3A_363] : memref<8192xf32, #tpu.memory_space<vmem>> -> memref<4096xf32, #tpu.memory_space<vmem>>
    %dma_wait3A_365 = tpu.memref_slice %arg4[%add3A_178] : memref<1048576xf32, #tpu.memory_space<hbm>> -> memref<4096xf32, #tpu.memory_space<hbm>>
    tpu.wait_dma2 semaphore(%arg21 : memref<!tpu.dma_semaphore, #tpu.memory_space<semaphore_mem>>) src(%dma_wait3A_365 : memref<4096xf32, #tpu.memory_space<hbm>>) dst(%dma_wait3A_364 : memref<4096xf32, #tpu.memory_space<vmem>>)
    %dma_wait3A_366 = arith.constant 0 : i32
    %dma_wait3A_367 = tpu.memref_slice %arg17[%dma_wait3A_366] : memref<8192xf32, #tpu.memory_space<vmem>> -> memref<4096xf32, #tpu.memory_space<vmem>>
    %dma_wait3A_368 = tpu.memref_slice %arg5[%add3A_178] : memref<1048576xf32, #tpu.memory_space<hbm>> -> memref<4096xf32, #tpu.memory_space<hbm>>
    %dma_wait3A_369 = arith.constant 0 : i32
    %dma_wait3A_370 = tpu.memref_slice %arg17[%dma_wait3A_369] : memref<8192xf32, #tpu.memory_space<vmem>> -> memref<4096xf32, #tpu.memory_space<vmem>>
    %dma_wait3A_371 = tpu.memref_slice %arg5[%add3A_178] : memref<1048576xf32, #tpu.memory_space<hbm>> -> memref<4096xf32, #tpu.memory_space<hbm>>
    tpu.wait_dma2 semaphore(%arg21 : memref<!tpu.dma_semaphore, #tpu.memory_space<semaphore_mem>>) src(%dma_wait3A_371 : memref<4096xf32, #tpu.memory_space<hbm>>) dst(%dma_wait3A_370 : memref<4096xf32, #tpu.memory_space<vmem>>)
    %dma_wait3A_372 = arith.constant 0 : i32
    %dma_wait3A_373 = tpu.memref_slice %arg18[%dma_wait3A_372] : memref<8192xf32, #tpu.memory_space<vmem>> -> memref<4096xf32, #tpu.memory_space<vmem>>
    %dma_wait3A_374 = tpu.memref_slice %arg6[%add3A_178] : memref<1048576xf32, #tpu.memory_space<hbm>> -> memref<4096xf32, #tpu.memory_space<hbm>>
    %dma_wait3A_375 = arith.constant 0 : i32
    %dma_wait3A_376 = tpu.memref_slice %arg18[%dma_wait3A_375] : memref<8192xf32, #tpu.memory_space<vmem>> -> memref<4096xf32, #tpu.memory_space<vmem>>
    %dma_wait3A_377 = tpu.memref_slice %arg6[%add3A_178] : memref<1048576xf32, #tpu.memory_space<hbm>> -> memref<4096xf32, #tpu.memory_space<hbm>>
    tpu.wait_dma2 semaphore(%arg21 : memref<!tpu.dma_semaphore, #tpu.memory_space<semaphore_mem>>) src(%dma_wait3A_377 : memref<4096xf32, #tpu.memory_space<hbm>>) dst(%dma_wait3A_376 : memref<4096xf32, #tpu.memory_space<vmem>>)
    %dma_wait3A_378 = arith.constant 0 : i32
    %dma_wait3A_379 = tpu.memref_slice %arg19[%dma_wait3A_378] : memref<8192xf32, #tpu.memory_space<vmem>> -> memref<4096xf32, #tpu.memory_space<vmem>>
    %dma_wait3A_380 = tpu.memref_slice %arg7[%add3A_178] : memref<1048576xf32, #tpu.memory_space<hbm>> -> memref<4096xf32, #tpu.memory_space<hbm>>
    %dma_wait3A_381 = arith.constant 0 : i32
    %dma_wait3A_382 = tpu.memref_slice %arg19[%dma_wait3A_381] : memref<8192xf32, #tpu.memory_space<vmem>> -> memref<4096xf32, #tpu.memory_space<vmem>>
    %dma_wait3A_383 = tpu.memref_slice %arg7[%add3A_178] : memref<1048576xf32, #tpu.memory_space<hbm>> -> memref<4096xf32, #tpu.memory_space<hbm>>
    tpu.wait_dma2 semaphore(%arg21 : memref<!tpu.dma_semaphore, #tpu.memory_space<semaphore_mem>>) src(%dma_wait3A_383 : memref<4096xf32, #tpu.memory_space<hbm>>) dst(%dma_wait3A_382 : memref<4096xf32, #tpu.memory_space<vmem>>)
    %dma_wait3A_384 = arith.constant 0 : i32
    %dma_wait3A_385 = tpu.memref_slice %arg20[%dma_wait3A_384] : memref<8192xf32, #tpu.memory_space<vmem>> -> memref<4096xf32, #tpu.memory_space<vmem>>
    %dma_wait3A_386 = tpu.memref_slice %arg8[%add3A_178] : memref<1048576xf32, #tpu.memory_space<hbm>> -> memref<4096xf32, #tpu.memory_space<hbm>>
    %dma_wait3A_387 = arith.constant 0 : i32
    %dma_wait3A_388 = tpu.memref_slice %arg20[%dma_wait3A_387] : memref<8192xf32, #tpu.memory_space<vmem>> -> memref<4096xf32, #tpu.memory_space<vmem>>
    %dma_wait3A_389 = tpu.memref_slice %arg8[%add3A_178] : memref<1048576xf32, #tpu.memory_space<hbm>> -> memref<4096xf32, #tpu.memory_space<hbm>>
    tpu.wait_dma2 semaphore(%arg21 : memref<!tpu.dma_semaphore, #tpu.memory_space<semaphore_mem>>) src(%dma_wait3A_389 : memref<4096xf32, #tpu.memory_space<hbm>>) dst(%dma_wait3A_388 : memref<4096xf32, #tpu.memory_space<vmem>>)
    %parallel_loop3A_390 = arith.constant 0 : i32
    %parallel_loop3A_391 = arith.constant 4096 : i32
    %parallel_loop3A_392 = arith.constant 16 : i32
    scf.for %parallel_loop3A_1112 = %parallel_loop3A_390 to %parallel_loop3A_391 step %parallel_loop3A_392  : i32 {
      %parallel_loop3A_1113 = arith.constant 0 : i32
      %parallel_loop3A_1114 = arith.addi %parallel_loop3A_1113, %parallel_loop3A_1112 : i32
      %parallel_loop3A_1115 = arith.index_cast %parallel_loop3A_1114 : i32 to index
      %parallel_loop3A_1116 = tpu.vector_load %arg15[%parallel_loop3A_1115] {strides = array<i32>} : memref<8192xi32, #tpu.memory_space<vmem>>, vector<16xi32>,
      %parallel_loop3A_1117 = tpu.vector_load_idx %arg14[%parallel_loop3A_1116] : memref<8192xf32, #tpu.memory_space<vmem>>[vector<16xi32>], vector<16xf32>,
      %parallel_loop3A_1118 = arith.constant 1024 : i32
      %parallel_loop3A_1119 = vector.broadcast %parallel_loop3A_1118 : i32 to vector<16xi32>
      %parallel_loop3A_1120 = arith.addi %parallel_loop3A_1116, %parallel_loop3A_1119 : vector<16xi32>
      %parallel_loop3A_1121 = tpu.vector_load_idx %arg14[%parallel_loop3A_1120] : memref<8192xf32, #tpu.memory_space<vmem>>[vector<16xi32>], vector<16xf32>,
      %parallel_loop3A_1122 = arith.constant 2048 : i32
      %parallel_loop3A_1123 = vector.broadcast %parallel_loop3A_1122 : i32 to vector<16xi32>
      %parallel_loop3A_1124 = arith.addi %parallel_loop3A_1116, %parallel_loop3A_1123 : vector<16xi32>
      %parallel_loop3A_1125 = tpu.vector_load_idx %arg14[%parallel_loop3A_1124] : memref<8192xf32, #tpu.memory_space<vmem>>[vector<16xi32>], vector<16xf32>,
      %parallel_loop3A_1126 = arith.constant 3072 : i32
      %parallel_loop3A_1127 = vector.broadcast %parallel_loop3A_1126 : i32 to vector<16xi32>
      %parallel_loop3A_1128 = arith.addi %parallel_loop3A_1116, %parallel_loop3A_1127 : vector<16xi32>
      %parallel_loop3A_1129 = tpu.vector_load_idx %arg14[%parallel_loop3A_1128] : memref<8192xf32, #tpu.memory_space<vmem>>[vector<16xi32>], vector<16xf32>,
      %parallel_loop3A_1130 = arith.constant 4096 : i32
      %parallel_loop3A_1131 = vector.broadcast %parallel_loop3A_1130 : i32 to vector<16xi32>
      %parallel_loop3A_1132 = arith.addi %parallel_loop3A_1116, %parallel_loop3A_1131 : vector<16xi32>
      %parallel_loop3A_1133 = tpu.vector_load_idx %arg14[%parallel_loop3A_1132] : memref<8192xf32, #tpu.memory_space<vmem>>[vector<16xi32>], vector<16xf32>,
      %parallel_loop3A_1134 = arith.constant 5120 : i32
      %parallel_loop3A_1135 = vector.broadcast %parallel_loop3A_1134 : i32 to vector<16xi32>
      %parallel_loop3A_1136 = arith.addi %parallel_loop3A_1116, %parallel_loop3A_1135 : vector<16xi32>
      %parallel_loop3A_1137 = tpu.vector_load_idx %arg14[%parallel_loop3A_1136] : memref<8192xf32, #tpu.memory_space<vmem>>[vector<16xi32>], vector<16xf32>,
      %parallel_loop3A_1138 = arith.constant 6144 : i32
      %parallel_loop3A_1139 = vector.broadcast %parallel_loop3A_1138 : i32 to vector<16xi32>
      %parallel_loop3A_1140 = arith.addi %parallel_loop3A_1116, %parallel_loop3A_1139 : vector<16xi32>
      %parallel_loop3A_1141 = tpu.vector_load_idx %arg14[%parallel_loop3A_1140] : memref<8192xf32, #tpu.memory_space<vmem>>[vector<16xi32>], vector<16xf32>,
      %parallel_loop3A_1142 = arith.index_cast %parallel_loop3A_1114 : i32 to index
      %parallel_loop3A_1143 = tpu.vector_load %arg18[%parallel_loop3A_1142] {strides = array<i32>} : memref<8192xf32, #tpu.memory_space<vmem>>, vector<16xf32>,
      %parallel_loop3A_1144 = arith.index_cast %parallel_loop3A_1114 : i32 to index
      %parallel_loop3A_1145 = tpu.vector_load %arg19[%parallel_loop3A_1144] {strides = array<i32>} : memref<8192xf32, #tpu.memory_space<vmem>>, vector<16xf32>,
      %parallel_loop3A_1146 = arith.index_cast %parallel_loop3A_1114 : i32 to index
      %parallel_loop3A_1147 = tpu.vector_load %arg20[%parallel_loop3A_1146] {strides = array<i32>} : memref<8192xf32, #tpu.memory_space<vmem>>, vector<16xf32>,
      %parallel_loop3A_1148 = arith.constant -4.37113883E-8 : f32
      %parallel_loop3A_1149 = vector.broadcast %parallel_loop3A_1148 : f32 to vector<16xf32>
      %parallel_loop3A_1150 = arith.mulf %parallel_loop3A_1149, %parallel_loop3A_1121 : vector<16xf32>
      %parallel_loop3A_1151 = arith.constant -4.37113883E-8 : f32
      %parallel_loop3A_1152 = vector.broadcast %parallel_loop3A_1151 : f32 to vector<16xf32>
      %parallel_loop3A_1153 = arith.mulf %parallel_loop3A_1152, %parallel_loop3A_1117 : vector<16xf32>
      %parallel_loop3A_1154 = arith.mulf %parallel_loop3A_1117, %parallel_loop3A_1143 : vector<16xf32>
      %parallel_loop3A_1155 = arith.mulf %parallel_loop3A_1150, %parallel_loop3A_1145 : vector<16xf32>
      %parallel_loop3A_1156 = arith.addf %parallel_loop3A_1154, %parallel_loop3A_1155 : vector<16xf32>
      %parallel_loop3A_1157 = arith.mulf %parallel_loop3A_1129, %parallel_loop3A_1147 : vector<16xf32>
      %parallel_loop3A_1158 = arith.addf %parallel_loop3A_1156, %parallel_loop3A_1157 : vector<16xf32>
      %parallel_loop3A_1159 = arith.mulf %parallel_loop3A_1125, %parallel_loop3A_1145 : vector<16xf32>
      %parallel_loop3A_1160 = arith.constant -4.37113883E-8 : f32
      %parallel_loop3A_1161 = vector.broadcast %parallel_loop3A_1160 : f32 to vector<16xf32>
      %parallel_loop3A_1162 = arith.mulf %parallel_loop3A_1161, %parallel_loop3A_1147 : vector<16xf32>
      %parallel_loop3A_1163 = arith.subf %parallel_loop3A_1159, %parallel_loop3A_1162 : vector<16xf32>
      %parallel_loop3A_1164 = arith.mulf %parallel_loop3A_1153, %parallel_loop3A_1145 : vector<16xf32>
      %parallel_loop3A_1165 = arith.mulf %parallel_loop3A_1133, %parallel_loop3A_1147 : vector<16xf32>
      %parallel_loop3A_1166 = arith.addf %parallel_loop3A_1164, %parallel_loop3A_1165 : vector<16xf32>
      %parallel_loop3A_1167 = arith.mulf %parallel_loop3A_1121, %parallel_loop3A_1143 : vector<16xf32>
      %parallel_loop3A_1168 = arith.subf %parallel_loop3A_1166, %parallel_loop3A_1167 : vector<16xf32>
      %parallel_loop3A_1169 = arith.index_cast %parallel_loop3A_1114 : i32 to index
      %parallel_loop3A_1170 = tpu.vector_load %arg18[%parallel_loop3A_1169] {strides = array<i32>} : memref<8192xf32, #tpu.memory_space<vmem>>, vector<16xf32>,
      tpu.vector_store %arg18[%parallel_loop3A_1169], %parallel_loop3A_1158 {strides = array<i32>} : memref<8192xf32, #tpu.memory_space<vmem>>, vector<16xf32>,
      %parallel_loop3A_1171 = arith.index_cast %parallel_loop3A_1114 : i32 to index
      %parallel_loop3A_1172 = tpu.vector_load %arg19[%parallel_loop3A_1171] {strides = array<i32>} : memref<8192xf32, #tpu.memory_space<vmem>>, vector<16xf32>,
      tpu.vector_store %arg19[%parallel_loop3A_1171], %parallel_loop3A_1163 {strides = array<i32>} : memref<8192xf32, #tpu.memory_space<vmem>>, vector<16xf32>,
      %parallel_loop3A_1173 = arith.index_cast %parallel_loop3A_1114 : i32 to index
      %parallel_loop3A_1174 = tpu.vector_load %arg20[%parallel_loop3A_1173] {strides = array<i32>} : memref<8192xf32, #tpu.memory_space<vmem>>, vector<16xf32>,
      tpu.vector_store %arg20[%parallel_loop3A_1173], %parallel_loop3A_1168 {strides = array<i32>} : memref<8192xf32, #tpu.memory_space<vmem>>, vector<16xf32>,
      %parallel_loop3A_1175 = arith.index_cast %parallel_loop3A_1114 : i32 to index
      %parallel_loop3A_1176 = tpu.vector_load %arg16[%parallel_loop3A_1175] {strides = array<i32>} : memref<8192xf32, #tpu.memory_space<vmem>>, vector<16xf32>,
      %parallel_loop3A_1177 = arith.addf %parallel_loop3A_1176, %parallel_loop3A_1137 : vector<16xf32>
      %parallel_loop3A_1178 = arith.index_cast %parallel_loop3A_1114 : i32 to index
      %parallel_loop3A_1179 = tpu.vector_load %arg16[%parallel_loop3A_1178] {strides = array<i32>} : memref<8192xf32, #tpu.memory_space<vmem>>, vector<16xf32>,
      tpu.vector_store %arg16[%parallel_loop3A_1178], %parallel_loop3A_1177 {strides = array<i32>} : memref<8192xf32, #tpu.memory_space<vmem>>, vector<16xf32>,
      %parallel_loop3A_1180 = arith.index_cast %parallel_loop3A_1114 : i32 to index
      %parallel_loop3A_1181 = tpu.vector_load %arg17[%parallel_loop3A_1180] {strides = array<i32>} : memref<8192xf32, #tpu.memory_space<vmem>>, vector<16xf32>,
      %parallel_loop3A_1182 = arith.addf %parallel_loop3A_1181, %parallel_loop3A_1141 : vector<16xf32>
      %parallel_loop3A_1183 = arith.index_cast %parallel_loop3A_1114 : i32 to index
      %parallel_loop3A_1184 = tpu.vector_load %arg17[%parallel_loop3A_1183] {strides = array<i32>} : memref<8192xf32, #tpu.memory_space<vmem>>, vector<16xf32>,
      tpu.vector_store %arg17[%parallel_loop3A_1183], %parallel_loop3A_1182 {strides = array<i32>} : memref<8192xf32, #tpu.memory_space<vmem>>, vector<16xf32>,
    } {sc.loop_unroll_factor = 8 : i64, sc.parallel_access}
    %add3A_393 = arith.constant 8192 : i32
    %add3A_394 = arith.addi %mul3A_2, %add3A_393 : i32
    %dma_start3A_395 = arith.constant 0 : i32
    %dma_start3A_396 = tpu.memref_slice %arg16[%dma_start3A_395] : memref<8192xf32, #tpu.memory_space<vmem>> -> memref<4096xf32, #tpu.memory_space<vmem>>
    %dma_start3A_397 = tpu.memref_slice %arg9[%add3A_394] : memref<1048576xf32, #tpu.memory_space<hbm>> -> memref<4096xf32, #tpu.memory_space<hbm>>
    %dma_start3A_398 = tpu.memref_slice %arg9[%add3A_394] : memref<1048576xf32, #tpu.memory_space<hbm>> -> memref<4096xf32, #tpu.memory_space<hbm>>
    %dma_start3A_399 = arith.constant 0 : i32
    %dma_start3A_400 = tpu.memref_slice %arg16[%dma_start3A_399] : memref<8192xf32, #tpu.memory_space<vmem>> -> memref<4096xf32, #tpu.memory_space<vmem>>
    tpu.enqueue_dma source(%dma_start3A_400 : memref<4096xf32, #tpu.memory_space<vmem>>) target(%dma_start3A_398 : memref<4096xf32, #tpu.memory_space<hbm>>) target_semaphore(%arg22 : memref<!tpu.dma_semaphore, #tpu.memory_space<semaphore_mem>>)
    %dma_start3A_401 = arith.constant 0 : i32
    %dma_start3A_402 = tpu.memref_slice %arg17[%dma_start3A_401] : memref<8192xf32, #tpu.memory_space<vmem>> -> memref<4096xf32, #tpu.memory_space<vmem>>
    %dma_start3A_403 = tpu.memref_slice %arg10[%add3A_394] : memref<1048576xf32, #tpu.memory_space<hbm>> -> memref<4096xf32, #tpu.memory_space<hbm>>
    %dma_start3A_404 = tpu.memref_slice %arg10[%add3A_394] : memref<1048576xf32, #tpu.memory_space<hbm>> -> memref<4096xf32, #tpu.memory_space<hbm>>
    %dma_start3A_405 = arith.constant 0 : i32
    %dma_start3A_406 = tpu.memref_slice %arg17[%dma_start3A_405] : memref<8192xf32, #tpu.memory_space<vmem>> -> memref<4096xf32, #tpu.memory_space<vmem>>
    tpu.enqueue_dma source(%dma_start3A_406 : memref<4096xf32, #tpu.memory_space<vmem>>) target(%dma_start3A_404 : memref<4096xf32, #tpu.memory_space<hbm>>) target_semaphore(%arg22 : memref<!tpu.dma_semaphore, #tpu.memory_space<semaphore_mem>>)
    %dma_start3A_407 = arith.constant 0 : i32
    %dma_start3A_408 = tpu.memref_slice %arg18[%dma_start3A_407] : memref<8192xf32, #tpu.memory_space<vmem>> -> memref<4096xf32, #tpu.memory_space<vmem>>
    %dma_start3A_409 = tpu.memref_slice %arg11[%add3A_394] : memref<1048576xf32, #tpu.memory_space<hbm>> -> memref<4096xf32, #tpu.memory_space<hbm>>
    %dma_start3A_410 = tpu.memref_slice %arg11[%add3A_394] : memref<1048576xf32, #tpu.memory_space<hbm>> -> memref<4096xf32, #tpu.memory_space<hbm>>
    %dma_start3A_411 = arith.constant 0 : i32
    %dma_start3A_412 = tpu.memref_slice %arg18[%dma_start3A_411] : memref<8192xf32, #tpu.memory_space<vmem>> -> memref<4096xf32, #tpu.memory_space<vmem>>
    tpu.enqueue_dma source(%dma_start3A_412 : memref<4096xf32, #tpu.memory_space<vmem>>) target(%dma_start3A_410 : memref<4096xf32, #tpu.memory_space<hbm>>) target_semaphore(%arg22 : memref<!tpu.dma_semaphore, #tpu.memory_space<semaphore_mem>>)
    %dma_start3A_413 = arith.constant 0 : i32
    %dma_start3A_414 = tpu.memref_slice %arg19[%dma_start3A_413] : memref<8192xf32, #tpu.memory_space<vmem>> -> memref<4096xf32, #tpu.memory_space<vmem>>
    %dma_start3A_415 = tpu.memref_slice %arg12[%add3A_394] : memref<1048576xf32, #tpu.memory_space<hbm>> -> memref<4096xf32, #tpu.memory_space<hbm>>
    %dma_start3A_416 = tpu.memref_slice %arg12[%add3A_394] : memref<1048576xf32, #tpu.memory_space<hbm>> -> memref<4096xf32, #tpu.memory_space<hbm>>
    %dma_start3A_417 = arith.constant 0 : i32
    %dma_start3A_418 = tpu.memref_slice %arg19[%dma_start3A_417] : memref<8192xf32, #tpu.memory_space<vmem>> -> memref<4096xf32, #tpu.memory_space<vmem>>
    tpu.enqueue_dma source(%dma_start3A_418 : memref<4096xf32, #tpu.memory_space<vmem>>) target(%dma_start3A_416 : memref<4096xf32, #tpu.memory_space<hbm>>) target_semaphore(%arg22 : memref<!tpu.dma_semaphore, #tpu.memory_space<semaphore_mem>>)
    %dma_start3A_419 = arith.constant 0 : i32
    %dma_start3A_420 = tpu.memref_slice %arg20[%dma_start3A_419] : memref<8192xf32, #tpu.memory_space<vmem>> -> memref<4096xf32, #tpu.memory_space<vmem>>
    %dma_start3A_421 = tpu.memref_slice %arg13[%add3A_394] : memref<1048576xf32, #tpu.memory_space<hbm>> -> memref<4096xf32, #tpu.memory_space<hbm>>
    %dma_start3A_422 = tpu.memref_slice %arg13[%add3A_394] : memref<1048576xf32, #tpu.memory_space<hbm>> -> memref<4096xf32, #tpu.memory_space<hbm>>
    %dma_start3A_423 = arith.constant 0 : i32
    %dma_start3A_424 = tpu.memref_slice %arg20[%dma_start3A_423] : memref<8192xf32, #tpu.memory_space<vmem>> -> memref<4096xf32, #tpu.memory_space<vmem>>
    tpu.enqueue_dma source(%dma_start3A_424 : memref<4096xf32, #tpu.memory_space<vmem>>) target(%dma_start3A_422 : memref<4096xf32, #tpu.memory_space<hbm>>) target_semaphore(%arg22 : memref<!tpu.dma_semaphore, #tpu.memory_space<semaphore_mem>>)
    %dma_wait3A_425 = arith.constant 0 : i32
    %dma_wait3A_426 = tpu.memref_slice %arg16[%dma_wait3A_425] : memref<8192xf32, #tpu.memory_space<vmem>> -> memref<4096xf32, #tpu.memory_space<vmem>>
    %dma_wait3A_427 = tpu.memref_slice %arg9[%add3A_394] : memref<1048576xf32, #tpu.memory_space<hbm>> -> memref<4096xf32, #tpu.memory_space<hbm>>
    %dma_wait3A_428 = tpu.memref_slice %arg9[%add3A_394] : memref<1048576xf32, #tpu.memory_space<hbm>> -> memref<4096xf32, #tpu.memory_space<hbm>>
    %dma_wait3A_429 = arith.constant 0 : i32
    %dma_wait3A_430 = tpu.memref_slice %arg16[%dma_wait3A_429] : memref<8192xf32, #tpu.memory_space<vmem>> -> memref<4096xf32, #tpu.memory_space<vmem>>
    tpu.wait_dma2 semaphore(%arg22 : memref<!tpu.dma_semaphore, #tpu.memory_space<semaphore_mem>>) src(%dma_wait3A_430 : memref<4096xf32, #tpu.memory_space<vmem>>) dst(%dma_wait3A_428 : memref<4096xf32, #tpu.memory_space<hbm>>)
    %dma_wait3A_431 = arith.constant 0 : i32
    %dma_wait3A_432 = tpu.memref_slice %arg17[%dma_wait3A_431] : memref<8192xf32, #tpu.memory_space<vmem>> -> memref<4096xf32, #tpu.memory_space<vmem>>
    %dma_wait3A_433 = tpu.memref_slice %arg10[%add3A_394] : memref<1048576xf32, #tpu.memory_space<hbm>> -> memref<4096xf32, #tpu.memory_space<hbm>>
    %dma_wait3A_434 = tpu.memref_slice %arg10[%add3A_394] : memref<1048576xf32, #tpu.memory_space<hbm>> -> memref<4096xf32, #tpu.memory_space<hbm>>
    %dma_wait3A_435 = arith.constant 0 : i32
    %dma_wait3A_436 = tpu.memref_slice %arg17[%dma_wait3A_435] : memref<8192xf32, #tpu.memory_space<vmem>> -> memref<4096xf32, #tpu.memory_space<vmem>>
    tpu.wait_dma2 semaphore(%arg22 : memref<!tpu.dma_semaphore, #tpu.memory_space<semaphore_mem>>) src(%dma_wait3A_436 : memref<4096xf32, #tpu.memory_space<vmem>>) dst(%dma_wait3A_434 : memref<4096xf32, #tpu.memory_space<hbm>>)
    %dma_wait3A_437 = arith.constant 0 : i32
    %dma_wait3A_438 = tpu.memref_slice %arg18[%dma_wait3A_437] : memref<8192xf32, #tpu.memory_space<vmem>> -> memref<4096xf32, #tpu.memory_space<vmem>>
    %dma_wait3A_439 = tpu.memref_slice %arg11[%add3A_394] : memref<1048576xf32, #tpu.memory_space<hbm>> -> memref<4096xf32, #tpu.memory_space<hbm>>
    %dma_wait3A_440 = tpu.memref_slice %arg11[%add3A_394] : memref<1048576xf32, #tpu.memory_space<hbm>> -> memref<4096xf32, #tpu.memory_space<hbm>>
    %dma_wait3A_441 = arith.constant 0 : i32
    %dma_wait3A_442 = tpu.memref_slice %arg18[%dma_wait3A_441] : memref<8192xf32, #tpu.memory_space<vmem>> -> memref<4096xf32, #tpu.memory_space<vmem>>
    tpu.wait_dma2 semaphore(%arg22 : memref<!tpu.dma_semaphore, #tpu.memory_space<semaphore_mem>>) src(%dma_wait3A_442 : memref<4096xf32, #tpu.memory_space<vmem>>) dst(%dma_wait3A_440 : memref<4096xf32, #tpu.memory_space<hbm>>)
    %dma_wait3A_443 = arith.constant 0 : i32
    %dma_wait3A_444 = tpu.memref_slice %arg19[%dma_wait3A_443] : memref<8192xf32, #tpu.memory_space<vmem>> -> memref<4096xf32, #tpu.memory_space<vmem>>
    %dma_wait3A_445 = tpu.memref_slice %arg12[%add3A_394] : memref<1048576xf32, #tpu.memory_space<hbm>> -> memref<4096xf32, #tpu.memory_space<hbm>>
    %dma_wait3A_446 = tpu.memref_slice %arg12[%add3A_394] : memref<1048576xf32, #tpu.memory_space<hbm>> -> memref<4096xf32, #tpu.memory_space<hbm>>
    %dma_wait3A_447 = arith.constant 0 : i32
    %dma_wait3A_448 = tpu.memref_slice %arg19[%dma_wait3A_447] : memref<8192xf32, #tpu.memory_space<vmem>> -> memref<4096xf32, #tpu.memory_space<vmem>>
    tpu.wait_dma2 semaphore(%arg22 : memref<!tpu.dma_semaphore, #tpu.memory_space<semaphore_mem>>) src(%dma_wait3A_448 : memref<4096xf32, #tpu.memory_space<vmem>>) dst(%dma_wait3A_446 : memref<4096xf32, #tpu.memory_space<hbm>>)
    %dma_wait3A_449 = arith.constant 0 : i32
    %dma_wait3A_450 = tpu.memref_slice %arg20[%dma_wait3A_449] : memref<8192xf32, #tpu.memory_space<vmem>> -> memref<4096xf32, #tpu.memory_space<vmem>>
    %dma_wait3A_451 = tpu.memref_slice %arg13[%add3A_394] : memref<1048576xf32, #tpu.memory_space<hbm>> -> memref<4096xf32, #tpu.memory_space<hbm>>
    %dma_wait3A_452 = tpu.memref_slice %arg13[%add3A_394] : memref<1048576xf32, #tpu.memory_space<hbm>> -> memref<4096xf32, #tpu.memory_space<hbm>>
    %dma_wait3A_453 = arith.constant 0 : i32
    %dma_wait3A_454 = tpu.memref_slice %arg20[%dma_wait3A_453] : memref<8192xf32, #tpu.memory_space<vmem>> -> memref<4096xf32, #tpu.memory_space<vmem>>
    tpu.wait_dma2 semaphore(%arg22 : memref<!tpu.dma_semaphore, #tpu.memory_space<semaphore_mem>>) src(%dma_wait3A_454 : memref<4096xf32, #tpu.memory_space<vmem>>) dst(%dma_wait3A_452 : memref<4096xf32, #tpu.memory_space<hbm>>)
    %add3A_455 = arith.constant 16384 : i32
    %add3A_456 = arith.addi %mul3A_2, %add3A_455 : i32
    %dma_start3A_457 = arith.constant 0 : i32
    %dma_start3A_458 = tpu.memref_slice %arg15[%dma_start3A_457] : memref<8192xi32, #tpu.memory_space<vmem>> -> memref<4096xi32, #tpu.memory_space<vmem>>
    %dma_start3A_459 = tpu.memref_slice %arg3[%add3A_456] : memref<1048576xi32, #tpu.memory_space<hbm>> -> memref<4096xi32, #tpu.memory_space<hbm>>
    %dma_start3A_460 = arith.constant 0 : i32
    %dma_start3A_461 = tpu.memref_slice %arg15[%dma_start3A_460] : memref<8192xi32, #tpu.memory_space<vmem>> -> memref<4096xi32, #tpu.memory_space<vmem>>
    %dma_start3A_462 = tpu.memref_slice %arg3[%add3A_456] : memref<1048576xi32, #tpu.memory_space<hbm>> -> memref<4096xi32, #tpu.memory_space<hbm>>
    tpu.enqueue_dma source(%dma_start3A_462 : memref<4096xi32, #tpu.memory_space<hbm>>) target(%dma_start3A_461 : memref<4096xi32, #tpu.memory_space<vmem>>) target_semaphore(%arg21 : memref<!tpu.dma_semaphore, #tpu.memory_space<semaphore_mem>>)
    %dma_start3A_463 = arith.constant 0 : i32
    %dma_start3A_464 = tpu.memref_slice %arg16[%dma_start3A_463] : memref<8192xf32, #tpu.memory_space<vmem>> -> memref<4096xf32, #tpu.memory_space<vmem>>
    %dma_start3A_465 = tpu.memref_slice %arg4[%add3A_456] : memref<1048576xf32, #tpu.memory_space<hbm>> -> memref<4096xf32, #tpu.memory_space<hbm>>
    %dma_start3A_466 = arith.constant 0 : i32
    %dma_start3A_467 = tpu.memref_slice %arg16[%dma_start3A_466] : memref<8192xf32, #tpu.memory_space<vmem>> -> memref<4096xf32, #tpu.memory_space<vmem>>
    %dma_start3A_468 = tpu.memref_slice %arg4[%add3A_456] : memref<1048576xf32, #tpu.memory_space<hbm>> -> memref<4096xf32, #tpu.memory_space<hbm>>
    tpu.enqueue_dma source(%dma_start3A_468 : memref<4096xf32, #tpu.memory_space<hbm>>) target(%dma_start3A_467 : memref<4096xf32, #tpu.memory_space<vmem>>) target_semaphore(%arg21 : memref<!tpu.dma_semaphore, #tpu.memory_space<semaphore_mem>>)
    %dma_start3A_469 = arith.constant 0 : i32
    %dma_start3A_470 = tpu.memref_slice %arg17[%dma_start3A_469] : memref<8192xf32, #tpu.memory_space<vmem>> -> memref<4096xf32, #tpu.memory_space<vmem>>
    %dma_start3A_471 = tpu.memref_slice %arg5[%add3A_456] : memref<1048576xf32, #tpu.memory_space<hbm>> -> memref<4096xf32, #tpu.memory_space<hbm>>
    %dma_start3A_472 = arith.constant 0 : i32
    %dma_start3A_473 = tpu.memref_slice %arg17[%dma_start3A_472] : memref<8192xf32, #tpu.memory_space<vmem>> -> memref<4096xf32, #tpu.memory_space<vmem>>
    %dma_start3A_474 = tpu.memref_slice %arg5[%add3A_456] : memref<1048576xf32, #tpu.memory_space<hbm>> -> memref<4096xf32, #tpu.memory_space<hbm>>
    tpu.enqueue_dma source(%dma_start3A_474 : memref<4096xf32, #tpu.memory_space<hbm>>) target(%dma_start3A_473 : memref<4096xf32, #tpu.memory_space<vmem>>) target_semaphore(%arg21 : memref<!tpu.dma_semaphore, #tpu.memory_space<semaphore_mem>>)
    %dma_start3A_475 = arith.constant 0 : i32
    %dma_start3A_476 = tpu.memref_slice %arg18[%dma_start3A_475] : memref<8192xf32, #tpu.memory_space<vmem>> -> memref<4096xf32, #tpu.memory_space<vmem>>
    %dma_start3A_477 = tpu.memref_slice %arg6[%add3A_456] : memref<1048576xf32, #tpu.memory_space<hbm>> -> memref<4096xf32, #tpu.memory_space<hbm>>
    %dma_start3A_478 = arith.constant 0 : i32
    %dma_start3A_479 = tpu.memref_slice %arg18[%dma_start3A_478] : memref<8192xf32, #tpu.memory_space<vmem>> -> memref<4096xf32, #tpu.memory_space<vmem>>
    %dma_start3A_480 = tpu.memref_slice %arg6[%add3A_456] : memref<1048576xf32, #tpu.memory_space<hbm>> -> memref<4096xf32, #tpu.memory_space<hbm>>
    tpu.enqueue_dma source(%dma_start3A_480 : memref<4096xf32, #tpu.memory_space<hbm>>) target(%dma_start3A_479 : memref<4096xf32, #tpu.memory_space<vmem>>) target_semaphore(%arg21 : memref<!tpu.dma_semaphore, #tpu.memory_space<semaphore_mem>>)
    %dma_start3A_481 = arith.constant 0 : i32
    %dma_start3A_482 = tpu.memref_slice %arg19[%dma_start3A_481] : memref<8192xf32, #tpu.memory_space<vmem>> -> memref<4096xf32, #tpu.memory_space<vmem>>
    %dma_start3A_483 = tpu.memref_slice %arg7[%add3A_456] : memref<1048576xf32, #tpu.memory_space<hbm>> -> memref<4096xf32, #tpu.memory_space<hbm>>
    %dma_start3A_484 = arith.constant 0 : i32
    %dma_start3A_485 = tpu.memref_slice %arg19[%dma_start3A_484] : memref<8192xf32, #tpu.memory_space<vmem>> -> memref<4096xf32, #tpu.memory_space<vmem>>
    %dma_start3A_486 = tpu.memref_slice %arg7[%add3A_456] : memref<1048576xf32, #tpu.memory_space<hbm>> -> memref<4096xf32, #tpu.memory_space<hbm>>
    tpu.enqueue_dma source(%dma_start3A_486 : memref<4096xf32, #tpu.memory_space<hbm>>) target(%dma_start3A_485 : memref<4096xf32, #tpu.memory_space<vmem>>) target_semaphore(%arg21 : memref<!tpu.dma_semaphore, #tpu.memory_space<semaphore_mem>>)
    %dma_start3A_487 = arith.constant 0 : i32
    %dma_start3A_488 = tpu.memref_slice %arg20[%dma_start3A_487] : memref<8192xf32, #tpu.memory_space<vmem>> -> memref<4096xf32, #tpu.memory_space<vmem>>
    %dma_start3A_489 = tpu.memref_slice %arg8[%add3A_456] : memref<1048576xf32, #tpu.memory_space<hbm>> -> memref<4096xf32, #tpu.memory_space<hbm>>
    %dma_start3A_490 = arith.constant 0 : i32
    %dma_start3A_491 = tpu.memref_slice %arg20[%dma_start3A_490] : memref<8192xf32, #tpu.memory_space<vmem>> -> memref<4096xf32, #tpu.memory_space<vmem>>
    %dma_start3A_492 = tpu.memref_slice %arg8[%add3A_456] : memref<1048576xf32, #tpu.memory_space<hbm>> -> memref<4096xf32, #tpu.memory_space<hbm>>
    tpu.enqueue_dma source(%dma_start3A_492 : memref<4096xf32, #tpu.memory_space<hbm>>) target(%dma_start3A_491 : memref<4096xf32, #tpu.memory_space<vmem>>) target_semaphore(%arg21 : memref<!tpu.dma_semaphore, #tpu.memory_space<semaphore_mem>>)
    %dma_wait3A_493 = arith.constant 4096 : i32
    %dma_wait3A_494 = tpu.memref_slice %arg15[%dma_wait3A_493] : memref<8192xi32, #tpu.memory_space<vmem>> -> memref<4096xi32, #tpu.memory_space<vmem>>
    %dma_wait3A_495 = tpu.memref_slice %arg3[%add3A_317] : memref<1048576xi32, #tpu.memory_space<hbm>> -> memref<4096xi32, #tpu.memory_space<hbm>>
    %dma_wait3A_496 = arith.constant 4096 : i32
    %dma_wait3A_497 = tpu.memref_slice %arg15[%dma_wait3A_496] : memref<8192xi32, #tpu.memory_space<vmem>> -> memref<4096xi32, #tpu.memory_space<vmem>>
    %dma_wait3A_498 = tpu.memref_slice %arg3[%add3A_317] : memref<1048576xi32, #tpu.memory_space<hbm>> -> memref<4096xi32, #tpu.memory_space<hbm>>
    tpu.wait_dma2 semaphore(%arg21 : memref<!tpu.dma_semaphore, #tpu.memory_space<semaphore_mem>>) src(%dma_wait3A_498 : memref<4096xi32, #tpu.memory_space<hbm>>) dst(%dma_wait3A_497 : memref<4096xi32, #tpu.memory_space<vmem>>)
    %dma_wait3A_499 = arith.constant 4096 : i32
    %dma_wait3A_500 = tpu.memref_slice %arg16[%dma_wait3A_499] : memref<8192xf32, #tpu.memory_space<vmem>> -> memref<4096xf32, #tpu.memory_space<vmem>>
    %dma_wait3A_501 = tpu.memref_slice %arg4[%add3A_317] : memref<1048576xf32, #tpu.memory_space<hbm>> -> memref<4096xf32, #tpu.memory_space<hbm>>
    %dma_wait3A_502 = arith.constant 4096 : i32
    %dma_wait3A_503 = tpu.memref_slice %arg16[%dma_wait3A_502] : memref<8192xf32, #tpu.memory_space<vmem>> -> memref<4096xf32, #tpu.memory_space<vmem>>
    %dma_wait3A_504 = tpu.memref_slice %arg4[%add3A_317] : memref<1048576xf32, #tpu.memory_space<hbm>> -> memref<4096xf32, #tpu.memory_space<hbm>>
    tpu.wait_dma2 semaphore(%arg21 : memref<!tpu.dma_semaphore, #tpu.memory_space<semaphore_mem>>) src(%dma_wait3A_504 : memref<4096xf32, #tpu.memory_space<hbm>>) dst(%dma_wait3A_503 : memref<4096xf32, #tpu.memory_space<vmem>>)
    %dma_wait3A_505 = arith.constant 4096 : i32
    %dma_wait3A_506 = tpu.memref_slice %arg17[%dma_wait3A_505] : memref<8192xf32, #tpu.memory_space<vmem>> -> memref<4096xf32, #tpu.memory_space<vmem>>
    %dma_wait3A_507 = tpu.memref_slice %arg5[%add3A_317] : memref<1048576xf32, #tpu.memory_space<hbm>> -> memref<4096xf32, #tpu.memory_space<hbm>>
    %dma_wait3A_508 = arith.constant 4096 : i32
    %dma_wait3A_509 = tpu.memref_slice %arg17[%dma_wait3A_508] : memref<8192xf32, #tpu.memory_space<vmem>> -> memref<4096xf32, #tpu.memory_space<vmem>>
    %dma_wait3A_510 = tpu.memref_slice %arg5[%add3A_317] : memref<1048576xf32, #tpu.memory_space<hbm>> -> memref<4096xf32, #tpu.memory_space<hbm>>
    tpu.wait_dma2 semaphore(%arg21 : memref<!tpu.dma_semaphore, #tpu.memory_space<semaphore_mem>>) src(%dma_wait3A_510 : memref<4096xf32, #tpu.memory_space<hbm>>) dst(%dma_wait3A_509 : memref<4096xf32, #tpu.memory_space<vmem>>)
    %dma_wait3A_511 = arith.constant 4096 : i32
    %dma_wait3A_512 = tpu.memref_slice %arg18[%dma_wait3A_511] : memref<8192xf32, #tpu.memory_space<vmem>> -> memref<4096xf32, #tpu.memory_space<vmem>>
    %dma_wait3A_513 = tpu.memref_slice %arg6[%add3A_317] : memref<1048576xf32, #tpu.memory_space<hbm>> -> memref<4096xf32, #tpu.memory_space<hbm>>
    %dma_wait3A_514 = arith.constant 4096 : i32
    %dma_wait3A_515 = tpu.memref_slice %arg18[%dma_wait3A_514] : memref<8192xf32, #tpu.memory_space<vmem>> -> memref<4096xf32, #tpu.memory_space<vmem>>
    %dma_wait3A_516 = tpu.memref_slice %arg6[%add3A_317] : memref<1048576xf32, #tpu.memory_space<hbm>> -> memref<4096xf32, #tpu.memory_space<hbm>>
    tpu.wait_dma2 semaphore(%arg21 : memref<!tpu.dma_semaphore, #tpu.memory_space<semaphore_mem>>) src(%dma_wait3A_516 : memref<4096xf32, #tpu.memory_space<hbm>>) dst(%dma_wait3A_515 : memref<4096xf32, #tpu.memory_space<vmem>>)
    %dma_wait3A_517 = arith.constant 4096 : i32
    %dma_wait3A_518 = tpu.memref_slice %arg19[%dma_wait3A_517] : memref<8192xf32, #tpu.memory_space<vmem>> -> memref<4096xf32, #tpu.memory_space<vmem>>
    %dma_wait3A_519 = tpu.memref_slice %arg7[%add3A_317] : memref<1048576xf32, #tpu.memory_space<hbm>> -> memref<4096xf32, #tpu.memory_space<hbm>>
    %dma_wait3A_520 = arith.constant 4096 : i32
    %dma_wait3A_521 = tpu.memref_slice %arg19[%dma_wait3A_520] : memref<8192xf32, #tpu.memory_space<vmem>> -> memref<4096xf32, #tpu.memory_space<vmem>>
    %dma_wait3A_522 = tpu.memref_slice %arg7[%add3A_317] : memref<1048576xf32, #tpu.memory_space<hbm>> -> memref<4096xf32, #tpu.memory_space<hbm>>
    tpu.wait_dma2 semaphore(%arg21 : memref<!tpu.dma_semaphore, #tpu.memory_space<semaphore_mem>>) src(%dma_wait3A_522 : memref<4096xf32, #tpu.memory_space<hbm>>) dst(%dma_wait3A_521 : memref<4096xf32, #tpu.memory_space<vmem>>)
    %dma_wait3A_523 = arith.constant 4096 : i32
    %dma_wait3A_524 = tpu.memref_slice %arg20[%dma_wait3A_523] : memref<8192xf32, #tpu.memory_space<vmem>> -> memref<4096xf32, #tpu.memory_space<vmem>>
    %dma_wait3A_525 = tpu.memref_slice %arg8[%add3A_317] : memref<1048576xf32, #tpu.memory_space<hbm>> -> memref<4096xf32, #tpu.memory_space<hbm>>
    %dma_wait3A_526 = arith.constant 4096 : i32
    %dma_wait3A_527 = tpu.memref_slice %arg20[%dma_wait3A_526] : memref<8192xf32, #tpu.memory_space<vmem>> -> memref<4096xf32, #tpu.memory_space<vmem>>
    %dma_wait3A_528 = tpu.memref_slice %arg8[%add3A_317] : memref<1048576xf32, #tpu.memory_space<hbm>> -> memref<4096xf32, #tpu.memory_space<hbm>>
    tpu.wait_dma2 semaphore(%arg21 : memref<!tpu.dma_semaphore, #tpu.memory_space<semaphore_mem>>) src(%dma_wait3A_528 : memref<4096xf32, #tpu.memory_space<hbm>>) dst(%dma_wait3A_527 : memref<4096xf32, #tpu.memory_space<vmem>>)
    %parallel_loop3A_529 = arith.constant 0 : i32
    %parallel_loop3A_530 = arith.constant 4096 : i32
    %parallel_loop3A_531 = arith.constant 16 : i32
    scf.for %parallel_loop3A_1112 = %parallel_loop3A_529 to %parallel_loop3A_530 step %parallel_loop3A_531  : i32 {
      %parallel_loop3A_1113 = arith.constant 4096 : i32
      %parallel_loop3A_1114 = arith.addi %parallel_loop3A_1113, %parallel_loop3A_1112 : i32
      %parallel_loop3A_1115 = arith.index_cast %parallel_loop3A_1114 : i32 to index
      %parallel_loop3A_1116 = tpu.vector_load %arg15[%parallel_loop3A_1115] {strides = array<i32>} : memref<8192xi32, #tpu.memory_space<vmem>>, vector<16xi32>,
      %parallel_loop3A_1117 = tpu.vector_load_idx %arg14[%parallel_loop3A_1116] : memref<8192xf32, #tpu.memory_space<vmem>>[vector<16xi32>], vector<16xf32>,
      %parallel_loop3A_1118 = arith.constant 1024 : i32
      %parallel_loop3A_1119 = vector.broadcast %parallel_loop3A_1118 : i32 to vector<16xi32>
      %parallel_loop3A_1120 = arith.addi %parallel_loop3A_1116, %parallel_loop3A_1119 : vector<16xi32>
      %parallel_loop3A_1121 = tpu.vector_load_idx %arg14[%parallel_loop3A_1120] : memref<8192xf32, #tpu.memory_space<vmem>>[vector<16xi32>], vector<16xf32>,
      %parallel_loop3A_1122 = arith.constant 2048 : i32
      %parallel_loop3A_1123 = vector.broadcast %parallel_loop3A_1122 : i32 to vector<16xi32>
      %parallel_loop3A_1124 = arith.addi %parallel_loop3A_1116, %parallel_loop3A_1123 : vector<16xi32>
      %parallel_loop3A_1125 = tpu.vector_load_idx %arg14[%parallel_loop3A_1124] : memref<8192xf32, #tpu.memory_space<vmem>>[vector<16xi32>], vector<16xf32>,
      %parallel_loop3A_1126 = arith.constant 3072 : i32
      %parallel_loop3A_1127 = vector.broadcast %parallel_loop3A_1126 : i32 to vector<16xi32>
      %parallel_loop3A_1128 = arith.addi %parallel_loop3A_1116, %parallel_loop3A_1127 : vector<16xi32>
      %parallel_loop3A_1129 = tpu.vector_load_idx %arg14[%parallel_loop3A_1128] : memref<8192xf32, #tpu.memory_space<vmem>>[vector<16xi32>], vector<16xf32>,
      %parallel_loop3A_1130 = arith.constant 4096 : i32
      %parallel_loop3A_1131 = vector.broadcast %parallel_loop3A_1130 : i32 to vector<16xi32>
      %parallel_loop3A_1132 = arith.addi %parallel_loop3A_1116, %parallel_loop3A_1131 : vector<16xi32>
      %parallel_loop3A_1133 = tpu.vector_load_idx %arg14[%parallel_loop3A_1132] : memref<8192xf32, #tpu.memory_space<vmem>>[vector<16xi32>], vector<16xf32>,
      %parallel_loop3A_1134 = arith.constant 5120 : i32
      %parallel_loop3A_1135 = vector.broadcast %parallel_loop3A_1134 : i32 to vector<16xi32>
      %parallel_loop3A_1136 = arith.addi %parallel_loop3A_1116, %parallel_loop3A_1135 : vector<16xi32>
      %parallel_loop3A_1137 = tpu.vector_load_idx %arg14[%parallel_loop3A_1136] : memref<8192xf32, #tpu.memory_space<vmem>>[vector<16xi32>], vector<16xf32>,
      %parallel_loop3A_1138 = arith.constant 6144 : i32
      %parallel_loop3A_1139 = vector.broadcast %parallel_loop3A_1138 : i32 to vector<16xi32>
      %parallel_loop3A_1140 = arith.addi %parallel_loop3A_1116, %parallel_loop3A_1139 : vector<16xi32>
      %parallel_loop3A_1141 = tpu.vector_load_idx %arg14[%parallel_loop3A_1140] : memref<8192xf32, #tpu.memory_space<vmem>>[vector<16xi32>], vector<16xf32>,
      %parallel_loop3A_1142 = arith.index_cast %parallel_loop3A_1114 : i32 to index
      %parallel_loop3A_1143 = tpu.vector_load %arg18[%parallel_loop3A_1142] {strides = array<i32>} : memref<8192xf32, #tpu.memory_space<vmem>>, vector<16xf32>,
      %parallel_loop3A_1144 = arith.index_cast %parallel_loop3A_1114 : i32 to index
      %parallel_loop3A_1145 = tpu.vector_load %arg19[%parallel_loop3A_1144] {strides = array<i32>} : memref<8192xf32, #tpu.memory_space<vmem>>, vector<16xf32>,
      %parallel_loop3A_1146 = arith.index_cast %parallel_loop3A_1114 : i32 to index
      %parallel_loop3A_1147 = tpu.vector_load %arg20[%parallel_loop3A_1146] {strides = array<i32>} : memref<8192xf32, #tpu.memory_space<vmem>>, vector<16xf32>,
      %parallel_loop3A_1148 = arith.constant -4.37113883E-8 : f32
      %parallel_loop3A_1149 = vector.broadcast %parallel_loop3A_1148 : f32 to vector<16xf32>
      %parallel_loop3A_1150 = arith.mulf %parallel_loop3A_1149, %parallel_loop3A_1121 : vector<16xf32>
      %parallel_loop3A_1151 = arith.constant -4.37113883E-8 : f32
      %parallel_loop3A_1152 = vector.broadcast %parallel_loop3A_1151 : f32 to vector<16xf32>
      %parallel_loop3A_1153 = arith.mulf %parallel_loop3A_1152, %parallel_loop3A_1117 : vector<16xf32>
      %parallel_loop3A_1154 = arith.mulf %parallel_loop3A_1117, %parallel_loop3A_1143 : vector<16xf32>
      %parallel_loop3A_1155 = arith.mulf %parallel_loop3A_1150, %parallel_loop3A_1145 : vector<16xf32>
      %parallel_loop3A_1156 = arith.addf %parallel_loop3A_1154, %parallel_loop3A_1155 : vector<16xf32>
      %parallel_loop3A_1157 = arith.mulf %parallel_loop3A_1129, %parallel_loop3A_1147 : vector<16xf32>
      %parallel_loop3A_1158 = arith.addf %parallel_loop3A_1156, %parallel_loop3A_1157 : vector<16xf32>
      %parallel_loop3A_1159 = arith.mulf %parallel_loop3A_1125, %parallel_loop3A_1145 : vector<16xf32>
      %parallel_loop3A_1160 = arith.constant -4.37113883E-8 : f32
      %parallel_loop3A_1161 = vector.broadcast %parallel_loop3A_1160 : f32 to vector<16xf32>
      %parallel_loop3A_1162 = arith.mulf %parallel_loop3A_1161, %parallel_loop3A_1147 : vector<16xf32>
      %parallel_loop3A_1163 = arith.subf %parallel_loop3A_1159, %parallel_loop3A_1162 : vector<16xf32>
      %parallel_loop3A_1164 = arith.mulf %parallel_loop3A_1153, %parallel_loop3A_1145 : vector<16xf32>
      %parallel_loop3A_1165 = arith.mulf %parallel_loop3A_1133, %parallel_loop3A_1147 : vector<16xf32>
      %parallel_loop3A_1166 = arith.addf %parallel_loop3A_1164, %parallel_loop3A_1165 : vector<16xf32>
      %parallel_loop3A_1167 = arith.mulf %parallel_loop3A_1121, %parallel_loop3A_1143 : vector<16xf32>
      %parallel_loop3A_1168 = arith.subf %parallel_loop3A_1166, %parallel_loop3A_1167 : vector<16xf32>
      %parallel_loop3A_1169 = arith.index_cast %parallel_loop3A_1114 : i32 to index
      %parallel_loop3A_1170 = tpu.vector_load %arg18[%parallel_loop3A_1169] {strides = array<i32>} : memref<8192xf32, #tpu.memory_space<vmem>>, vector<16xf32>,
      tpu.vector_store %arg18[%parallel_loop3A_1169], %parallel_loop3A_1158 {strides = array<i32>} : memref<8192xf32, #tpu.memory_space<vmem>>, vector<16xf32>,
      %parallel_loop3A_1171 = arith.index_cast %parallel_loop3A_1114 : i32 to index
      %parallel_loop3A_1172 = tpu.vector_load %arg19[%parallel_loop3A_1171] {strides = array<i32>} : memref<8192xf32, #tpu.memory_space<vmem>>, vector<16xf32>,
      tpu.vector_store %arg19[%parallel_loop3A_1171], %parallel_loop3A_1163 {strides = array<i32>} : memref<8192xf32, #tpu.memory_space<vmem>>, vector<16xf32>,
      %parallel_loop3A_1173 = arith.index_cast %parallel_loop3A_1114 : i32 to index
      %parallel_loop3A_1174 = tpu.vector_load %arg20[%parallel_loop3A_1173] {strides = array<i32>} : memref<8192xf32, #tpu.memory_space<vmem>>, vector<16xf32>,
      tpu.vector_store %arg20[%parallel_loop3A_1173], %parallel_loop3A_1168 {strides = array<i32>} : memref<8192xf32, #tpu.memory_space<vmem>>, vector<16xf32>,
      %parallel_loop3A_1175 = arith.index_cast %parallel_loop3A_1114 : i32 to index
      %parallel_loop3A_1176 = tpu.vector_load %arg16[%parallel_loop3A_1175] {strides = array<i32>} : memref<8192xf32, #tpu.memory_space<vmem>>, vector<16xf32>,
      %parallel_loop3A_1177 = arith.addf %parallel_loop3A_1176, %parallel_loop3A_1137 : vector<16xf32>
      %parallel_loop3A_1178 = arith.index_cast %parallel_loop3A_1114 : i32 to index
      %parallel_loop3A_1179 = tpu.vector_load %arg16[%parallel_loop3A_1178] {strides = array<i32>} : memref<8192xf32, #tpu.memory_space<vmem>>, vector<16xf32>,
      tpu.vector_store %arg16[%parallel_loop3A_1178], %parallel_loop3A_1177 {strides = array<i32>} : memref<8192xf32, #tpu.memory_space<vmem>>, vector<16xf32>,
      %parallel_loop3A_1180 = arith.index_cast %parallel_loop3A_1114 : i32 to index
      %parallel_loop3A_1181 = tpu.vector_load %arg17[%parallel_loop3A_1180] {strides = array<i32>} : memref<8192xf32, #tpu.memory_space<vmem>>, vector<16xf32>,
      %parallel_loop3A_1182 = arith.addf %parallel_loop3A_1181, %parallel_loop3A_1141 : vector<16xf32>
      %parallel_loop3A_1183 = arith.index_cast %parallel_loop3A_1114 : i32 to index
      %parallel_loop3A_1184 = tpu.vector_load %arg17[%parallel_loop3A_1183] {strides = array<i32>} : memref<8192xf32, #tpu.memory_space<vmem>>, vector<16xf32>,
      tpu.vector_store %arg17[%parallel_loop3A_1183], %parallel_loop3A_1182 {strides = array<i32>} : memref<8192xf32, #tpu.memory_space<vmem>>, vector<16xf32>,
    } {sc.loop_unroll_factor = 8 : i64, sc.parallel_access}
    %add3A_532 = arith.constant 12288 : i32
    %add3A_533 = arith.addi %mul3A_2, %add3A_532 : i32
    %dma_start3A_534 = arith.constant 4096 : i32
    %dma_start3A_535 = tpu.memref_slice %arg16[%dma_start3A_534] : memref<8192xf32, #tpu.memory_space<vmem>> -> memref<4096xf32, #tpu.memory_space<vmem>>
    %dma_start3A_536 = tpu.memref_slice %arg9[%add3A_533] : memref<1048576xf32, #tpu.memory_space<hbm>> -> memref<4096xf32, #tpu.memory_space<hbm>>
    %dma_start3A_537 = tpu.memref_slice %arg9[%add3A_533] : memref<1048576xf32, #tpu.memory_space<hbm>> -> memref<4096xf32, #tpu.memory_space<hbm>>
    %dma_start3A_538 = arith.constant 4096 : i32
    %dma_start3A_539 = tpu.memref_slice %arg16[%dma_start3A_538] : memref<8192xf32, #tpu.memory_space<vmem>> -> memref<4096xf32, #tpu.memory_space<vmem>>
    tpu.enqueue_dma source(%dma_start3A_539 : memref<4096xf32, #tpu.memory_space<vmem>>) target(%dma_start3A_537 : memref<4096xf32, #tpu.memory_space<hbm>>) target_semaphore(%arg22 : memref<!tpu.dma_semaphore, #tpu.memory_space<semaphore_mem>>)
    %dma_start3A_540 = arith.constant 4096 : i32
    %dma_start3A_541 = tpu.memref_slice %arg17[%dma_start3A_540] : memref<8192xf32, #tpu.memory_space<vmem>> -> memref<4096xf32, #tpu.memory_space<vmem>>
    %dma_start3A_542 = tpu.memref_slice %arg10[%add3A_533] : memref<1048576xf32, #tpu.memory_space<hbm>> -> memref<4096xf32, #tpu.memory_space<hbm>>
    %dma_start3A_543 = tpu.memref_slice %arg10[%add3A_533] : memref<1048576xf32, #tpu.memory_space<hbm>> -> memref<4096xf32, #tpu.memory_space<hbm>>
    %dma_start3A_544 = arith.constant 4096 : i32
    %dma_start3A_545 = tpu.memref_slice %arg17[%dma_start3A_544] : memref<8192xf32, #tpu.memory_space<vmem>> -> memref<4096xf32, #tpu.memory_space<vmem>>
    tpu.enqueue_dma source(%dma_start3A_545 : memref<4096xf32, #tpu.memory_space<vmem>>) target(%dma_start3A_543 : memref<4096xf32, #tpu.memory_space<hbm>>) target_semaphore(%arg22 : memref<!tpu.dma_semaphore, #tpu.memory_space<semaphore_mem>>)
    %dma_start3A_546 = arith.constant 4096 : i32
    %dma_start3A_547 = tpu.memref_slice %arg18[%dma_start3A_546] : memref<8192xf32, #tpu.memory_space<vmem>> -> memref<4096xf32, #tpu.memory_space<vmem>>
    %dma_start3A_548 = tpu.memref_slice %arg11[%add3A_533] : memref<1048576xf32, #tpu.memory_space<hbm>> -> memref<4096xf32, #tpu.memory_space<hbm>>
    %dma_start3A_549 = tpu.memref_slice %arg11[%add3A_533] : memref<1048576xf32, #tpu.memory_space<hbm>> -> memref<4096xf32, #tpu.memory_space<hbm>>
    %dma_start3A_550 = arith.constant 4096 : i32
    %dma_start3A_551 = tpu.memref_slice %arg18[%dma_start3A_550] : memref<8192xf32, #tpu.memory_space<vmem>> -> memref<4096xf32, #tpu.memory_space<vmem>>
    tpu.enqueue_dma source(%dma_start3A_551 : memref<4096xf32, #tpu.memory_space<vmem>>) target(%dma_start3A_549 : memref<4096xf32, #tpu.memory_space<hbm>>) target_semaphore(%arg22 : memref<!tpu.dma_semaphore, #tpu.memory_space<semaphore_mem>>)
    %dma_start3A_552 = arith.constant 4096 : i32
    %dma_start3A_553 = tpu.memref_slice %arg19[%dma_start3A_552] : memref<8192xf32, #tpu.memory_space<vmem>> -> memref<4096xf32, #tpu.memory_space<vmem>>
    %dma_start3A_554 = tpu.memref_slice %arg12[%add3A_533] : memref<1048576xf32, #tpu.memory_space<hbm>> -> memref<4096xf32, #tpu.memory_space<hbm>>
    %dma_start3A_555 = tpu.memref_slice %arg12[%add3A_533] : memref<1048576xf32, #tpu.memory_space<hbm>> -> memref<4096xf32, #tpu.memory_space<hbm>>
    %dma_start3A_556 = arith.constant 4096 : i32
    %dma_start3A_557 = tpu.memref_slice %arg19[%dma_start3A_556] : memref<8192xf32, #tpu.memory_space<vmem>> -> memref<4096xf32, #tpu.memory_space<vmem>>
    tpu.enqueue_dma source(%dma_start3A_557 : memref<4096xf32, #tpu.memory_space<vmem>>) target(%dma_start3A_555 : memref<4096xf32, #tpu.memory_space<hbm>>) target_semaphore(%arg22 : memref<!tpu.dma_semaphore, #tpu.memory_space<semaphore_mem>>)
    %dma_start3A_558 = arith.constant 4096 : i32
    %dma_start3A_559 = tpu.memref_slice %arg20[%dma_start3A_558] : memref<8192xf32, #tpu.memory_space<vmem>> -> memref<4096xf32, #tpu.memory_space<vmem>>
    %dma_start3A_560 = tpu.memref_slice %arg13[%add3A_533] : memref<1048576xf32, #tpu.memory_space<hbm>> -> memref<4096xf32, #tpu.memory_space<hbm>>
    %dma_start3A_561 = tpu.memref_slice %arg13[%add3A_533] : memref<1048576xf32, #tpu.memory_space<hbm>> -> memref<4096xf32, #tpu.memory_space<hbm>>
    %dma_start3A_562 = arith.constant 4096 : i32
    %dma_start3A_563 = tpu.memref_slice %arg20[%dma_start3A_562] : memref<8192xf32, #tpu.memory_space<vmem>> -> memref<4096xf32, #tpu.memory_space<vmem>>
    tpu.enqueue_dma source(%dma_start3A_563 : memref<4096xf32, #tpu.memory_space<vmem>>) target(%dma_start3A_561 : memref<4096xf32, #tpu.memory_space<hbm>>) target_semaphore(%arg22 : memref<!tpu.dma_semaphore, #tpu.memory_space<semaphore_mem>>)
    %dma_wait3A_564 = arith.constant 4096 : i32
    %dma_wait3A_565 = tpu.memref_slice %arg16[%dma_wait3A_564] : memref<8192xf32, #tpu.memory_space<vmem>> -> memref<4096xf32, #tpu.memory_space<vmem>>
    %dma_wait3A_566 = tpu.memref_slice %arg9[%add3A_533] : memref<1048576xf32, #tpu.memory_space<hbm>> -> memref<4096xf32, #tpu.memory_space<hbm>>
    %dma_wait3A_567 = tpu.memref_slice %arg9[%add3A_533] : memref<1048576xf32, #tpu.memory_space<hbm>> -> memref<4096xf32, #tpu.memory_space<hbm>>
    %dma_wait3A_568 = arith.constant 4096 : i32
    %dma_wait3A_569 = tpu.memref_slice %arg16[%dma_wait3A_568] : memref<8192xf32, #tpu.memory_space<vmem>> -> memref<4096xf32, #tpu.memory_space<vmem>>
    tpu.wait_dma2 semaphore(%arg22 : memref<!tpu.dma_semaphore, #tpu.memory_space<semaphore_mem>>) src(%dma_wait3A_569 : memref<4096xf32, #tpu.memory_space<vmem>>) dst(%dma_wait3A_567 : memref<4096xf32, #tpu.memory_space<hbm>>)
    %dma_wait3A_570 = arith.constant 4096 : i32
    %dma_wait3A_571 = tpu.memref_slice %arg17[%dma_wait3A_570] : memref<8192xf32, #tpu.memory_space<vmem>> -> memref<4096xf32, #tpu.memory_space<vmem>>
    %dma_wait3A_572 = tpu.memref_slice %arg10[%add3A_533] : memref<1048576xf32, #tpu.memory_space<hbm>> -> memref<4096xf32, #tpu.memory_space<hbm>>
    %dma_wait3A_573 = tpu.memref_slice %arg10[%add3A_533] : memref<1048576xf32, #tpu.memory_space<hbm>> -> memref<4096xf32, #tpu.memory_space<hbm>>
    %dma_wait3A_574 = arith.constant 4096 : i32
    %dma_wait3A_575 = tpu.memref_slice %arg17[%dma_wait3A_574] : memref<8192xf32, #tpu.memory_space<vmem>> -> memref<4096xf32, #tpu.memory_space<vmem>>
    tpu.wait_dma2 semaphore(%arg22 : memref<!tpu.dma_semaphore, #tpu.memory_space<semaphore_mem>>) src(%dma_wait3A_575 : memref<4096xf32, #tpu.memory_space<vmem>>) dst(%dma_wait3A_573 : memref<4096xf32, #tpu.memory_space<hbm>>)
    %dma_wait3A_576 = arith.constant 4096 : i32
    %dma_wait3A_577 = tpu.memref_slice %arg18[%dma_wait3A_576] : memref<8192xf32, #tpu.memory_space<vmem>> -> memref<4096xf32, #tpu.memory_space<vmem>>
    %dma_wait3A_578 = tpu.memref_slice %arg11[%add3A_533] : memref<1048576xf32, #tpu.memory_space<hbm>> -> memref<4096xf32, #tpu.memory_space<hbm>>
    %dma_wait3A_579 = tpu.memref_slice %arg11[%add3A_533] : memref<1048576xf32, #tpu.memory_space<hbm>> -> memref<4096xf32, #tpu.memory_space<hbm>>
    %dma_wait3A_580 = arith.constant 4096 : i32
    %dma_wait3A_581 = tpu.memref_slice %arg18[%dma_wait3A_580] : memref<8192xf32, #tpu.memory_space<vmem>> -> memref<4096xf32, #tpu.memory_space<vmem>>
    tpu.wait_dma2 semaphore(%arg22 : memref<!tpu.dma_semaphore, #tpu.memory_space<semaphore_mem>>) src(%dma_wait3A_581 : memref<4096xf32, #tpu.memory_space<vmem>>) dst(%dma_wait3A_579 : memref<4096xf32, #tpu.memory_space<hbm>>)
    %dma_wait3A_582 = arith.constant 4096 : i32
    %dma_wait3A_583 = tpu.memref_slice %arg19[%dma_wait3A_582] : memref<8192xf32, #tpu.memory_space<vmem>> -> memref<4096xf32, #tpu.memory_space<vmem>>
    %dma_wait3A_584 = tpu.memref_slice %arg12[%add3A_533] : memref<1048576xf32, #tpu.memory_space<hbm>> -> memref<4096xf32, #tpu.memory_space<hbm>>
    %dma_wait3A_585 = tpu.memref_slice %arg12[%add3A_533] : memref<1048576xf32, #tpu.memory_space<hbm>> -> memref<4096xf32, #tpu.memory_space<hbm>>
    %dma_wait3A_586 = arith.constant 4096 : i32
    %dma_wait3A_587 = tpu.memref_slice %arg19[%dma_wait3A_586] : memref<8192xf32, #tpu.memory_space<vmem>> -> memref<4096xf32, #tpu.memory_space<vmem>>
    tpu.wait_dma2 semaphore(%arg22 : memref<!tpu.dma_semaphore, #tpu.memory_space<semaphore_mem>>) src(%dma_wait3A_587 : memref<4096xf32, #tpu.memory_space<vmem>>) dst(%dma_wait3A_585 : memref<4096xf32, #tpu.memory_space<hbm>>)
    %dma_wait3A_588 = arith.constant 4096 : i32
    %dma_wait3A_589 = tpu.memref_slice %arg20[%dma_wait3A_588] : memref<8192xf32, #tpu.memory_space<vmem>> -> memref<4096xf32, #tpu.memory_space<vmem>>
    %dma_wait3A_590 = tpu.memref_slice %arg13[%add3A_533] : memref<1048576xf32, #tpu.memory_space<hbm>> -> memref<4096xf32, #tpu.memory_space<hbm>>
    %dma_wait3A_591 = tpu.memref_slice %arg13[%add3A_533] : memref<1048576xf32, #tpu.memory_space<hbm>> -> memref<4096xf32, #tpu.memory_space<hbm>>
    %dma_wait3A_592 = arith.constant 4096 : i32
    %dma_wait3A_593 = tpu.memref_slice %arg20[%dma_wait3A_592] : memref<8192xf32, #tpu.memory_space<vmem>> -> memref<4096xf32, #tpu.memory_space<vmem>>
    tpu.wait_dma2 semaphore(%arg22 : memref<!tpu.dma_semaphore, #tpu.memory_space<semaphore_mem>>) src(%dma_wait3A_593 : memref<4096xf32, #tpu.memory_space<vmem>>) dst(%dma_wait3A_591 : memref<4096xf32, #tpu.memory_space<hbm>>)
    %add3A_594 = arith.constant 20480 : i32
    %add3A_595 = arith.addi %mul3A_2, %add3A_594 : i32
    %dma_start3A_596 = arith.constant 4096 : i32
    %dma_start3A_597 = tpu.memref_slice %arg15[%dma_start3A_596] : memref<8192xi32, #tpu.memory_space<vmem>> -> memref<4096xi32, #tpu.memory_space<vmem>>
    %dma_start3A_598 = tpu.memref_slice %arg3[%add3A_595] : memref<1048576xi32, #tpu.memory_space<hbm>> -> memref<4096xi32, #tpu.memory_space<hbm>>
    %dma_start3A_599 = arith.constant 4096 : i32
    %dma_start3A_600 = tpu.memref_slice %arg15[%dma_start3A_599] : memref<8192xi32, #tpu.memory_space<vmem>> -> memref<4096xi32, #tpu.memory_space<vmem>>
    %dma_start3A_601 = tpu.memref_slice %arg3[%add3A_595] : memref<1048576xi32, #tpu.memory_space<hbm>> -> memref<4096xi32, #tpu.memory_space<hbm>>
    tpu.enqueue_dma source(%dma_start3A_601 : memref<4096xi32, #tpu.memory_space<hbm>>) target(%dma_start3A_600 : memref<4096xi32, #tpu.memory_space<vmem>>) target_semaphore(%arg21 : memref<!tpu.dma_semaphore, #tpu.memory_space<semaphore_mem>>)
    %dma_start3A_602 = arith.constant 4096 : i32
    %dma_start3A_603 = tpu.memref_slice %arg16[%dma_start3A_602] : memref<8192xf32, #tpu.memory_space<vmem>> -> memref<4096xf32, #tpu.memory_space<vmem>>
    %dma_start3A_604 = tpu.memref_slice %arg4[%add3A_595] : memref<1048576xf32, #tpu.memory_space<hbm>> -> memref<4096xf32, #tpu.memory_space<hbm>>
    %dma_start3A_605 = arith.constant 4096 : i32
    %dma_start3A_606 = tpu.memref_slice %arg16[%dma_start3A_605] : memref<8192xf32, #tpu.memory_space<vmem>> -> memref<4096xf32, #tpu.memory_space<vmem>>
    %dma_start3A_607 = tpu.memref_slice %arg4[%add3A_595] : memref<1048576xf32, #tpu.memory_space<hbm>> -> memref<4096xf32, #tpu.memory_space<hbm>>
    tpu.enqueue_dma source(%dma_start3A_607 : memref<4096xf32, #tpu.memory_space<hbm>>) target(%dma_start3A_606 : memref<4096xf32, #tpu.memory_space<vmem>>) target_semaphore(%arg21 : memref<!tpu.dma_semaphore, #tpu.memory_space<semaphore_mem>>)
    %dma_start3A_608 = arith.constant 4096 : i32
    %dma_start3A_609 = tpu.memref_slice %arg17[%dma_start3A_608] : memref<8192xf32, #tpu.memory_space<vmem>> -> memref<4096xf32, #tpu.memory_space<vmem>>
    %dma_start3A_610 = tpu.memref_slice %arg5[%add3A_595] : memref<1048576xf32, #tpu.memory_space<hbm>> -> memref<4096xf32, #tpu.memory_space<hbm>>
    %dma_start3A_611 = arith.constant 4096 : i32
    %dma_start3A_612 = tpu.memref_slice %arg17[%dma_start3A_611] : memref<8192xf32, #tpu.memory_space<vmem>> -> memref<4096xf32, #tpu.memory_space<vmem>>
    %dma_start3A_613 = tpu.memref_slice %arg5[%add3A_595] : memref<1048576xf32, #tpu.memory_space<hbm>> -> memref<4096xf32, #tpu.memory_space<hbm>>
    tpu.enqueue_dma source(%dma_start3A_613 : memref<4096xf32, #tpu.memory_space<hbm>>) target(%dma_start3A_612 : memref<4096xf32, #tpu.memory_space<vmem>>) target_semaphore(%arg21 : memref<!tpu.dma_semaphore, #tpu.memory_space<semaphore_mem>>)
    %dma_start3A_614 = arith.constant 4096 : i32
    %dma_start3A_615 = tpu.memref_slice %arg18[%dma_start3A_614] : memref<8192xf32, #tpu.memory_space<vmem>> -> memref<4096xf32, #tpu.memory_space<vmem>>
    %dma_start3A_616 = tpu.memref_slice %arg6[%add3A_595] : memref<1048576xf32, #tpu.memory_space<hbm>> -> memref<4096xf32, #tpu.memory_space<hbm>>
    %dma_start3A_617 = arith.constant 4096 : i32
    %dma_start3A_618 = tpu.memref_slice %arg18[%dma_start3A_617] : memref<8192xf32, #tpu.memory_space<vmem>> -> memref<4096xf32, #tpu.memory_space<vmem>>
    %dma_start3A_619 = tpu.memref_slice %arg6[%add3A_595] : memref<1048576xf32, #tpu.memory_space<hbm>> -> memref<4096xf32, #tpu.memory_space<hbm>>
    tpu.enqueue_dma source(%dma_start3A_619 : memref<4096xf32, #tpu.memory_space<hbm>>) target(%dma_start3A_618 : memref<4096xf32, #tpu.memory_space<vmem>>) target_semaphore(%arg21 : memref<!tpu.dma_semaphore, #tpu.memory_space<semaphore_mem>>)
    %dma_start3A_620 = arith.constant 4096 : i32
    %dma_start3A_621 = tpu.memref_slice %arg19[%dma_start3A_620] : memref<8192xf32, #tpu.memory_space<vmem>> -> memref<4096xf32, #tpu.memory_space<vmem>>
    %dma_start3A_622 = tpu.memref_slice %arg7[%add3A_595] : memref<1048576xf32, #tpu.memory_space<hbm>> -> memref<4096xf32, #tpu.memory_space<hbm>>
    %dma_start3A_623 = arith.constant 4096 : i32
    %dma_start3A_624 = tpu.memref_slice %arg19[%dma_start3A_623] : memref<8192xf32, #tpu.memory_space<vmem>> -> memref<4096xf32, #tpu.memory_space<vmem>>
    %dma_start3A_625 = tpu.memref_slice %arg7[%add3A_595] : memref<1048576xf32, #tpu.memory_space<hbm>> -> memref<4096xf32, #tpu.memory_space<hbm>>
    tpu.enqueue_dma source(%dma_start3A_625 : memref<4096xf32, #tpu.memory_space<hbm>>) target(%dma_start3A_624 : memref<4096xf32, #tpu.memory_space<vmem>>) target_semaphore(%arg21 : memref<!tpu.dma_semaphore, #tpu.memory_space<semaphore_mem>>)
    %dma_start3A_626 = arith.constant 4096 : i32
    %dma_start3A_627 = tpu.memref_slice %arg20[%dma_start3A_626] : memref<8192xf32, #tpu.memory_space<vmem>> -> memref<4096xf32, #tpu.memory_space<vmem>>
    %dma_start3A_628 = tpu.memref_slice %arg8[%add3A_595] : memref<1048576xf32, #tpu.memory_space<hbm>> -> memref<4096xf32, #tpu.memory_space<hbm>>
    %dma_start3A_629 = arith.constant 4096 : i32
    %dma_start3A_630 = tpu.memref_slice %arg20[%dma_start3A_629] : memref<8192xf32, #tpu.memory_space<vmem>> -> memref<4096xf32, #tpu.memory_space<vmem>>
    %dma_start3A_631 = tpu.memref_slice %arg8[%add3A_595] : memref<1048576xf32, #tpu.memory_space<hbm>> -> memref<4096xf32, #tpu.memory_space<hbm>>
    tpu.enqueue_dma source(%dma_start3A_631 : memref<4096xf32, #tpu.memory_space<hbm>>) target(%dma_start3A_630 : memref<4096xf32, #tpu.memory_space<vmem>>) target_semaphore(%arg21 : memref<!tpu.dma_semaphore, #tpu.memory_space<semaphore_mem>>)
    %dma_wait3A_632 = arith.constant 0 : i32
    %dma_wait3A_633 = tpu.memref_slice %arg15[%dma_wait3A_632] : memref<8192xi32, #tpu.memory_space<vmem>> -> memref<4096xi32, #tpu.memory_space<vmem>>
    %dma_wait3A_634 = tpu.memref_slice %arg3[%add3A_456] : memref<1048576xi32, #tpu.memory_space<hbm>> -> memref<4096xi32, #tpu.memory_space<hbm>>
    %dma_wait3A_635 = arith.constant 0 : i32
    %dma_wait3A_636 = tpu.memref_slice %arg15[%dma_wait3A_635] : memref<8192xi32, #tpu.memory_space<vmem>> -> memref<4096xi32, #tpu.memory_space<vmem>>
    %dma_wait3A_637 = tpu.memref_slice %arg3[%add3A_456] : memref<1048576xi32, #tpu.memory_space<hbm>> -> memref<4096xi32, #tpu.memory_space<hbm>>
    tpu.wait_dma2 semaphore(%arg21 : memref<!tpu.dma_semaphore, #tpu.memory_space<semaphore_mem>>) src(%dma_wait3A_637 : memref<4096xi32, #tpu.memory_space<hbm>>) dst(%dma_wait3A_636 : memref<4096xi32, #tpu.memory_space<vmem>>)
    %dma_wait3A_638 = arith.constant 0 : i32
    %dma_wait3A_639 = tpu.memref_slice %arg16[%dma_wait3A_638] : memref<8192xf32, #tpu.memory_space<vmem>> -> memref<4096xf32, #tpu.memory_space<vmem>>
    %dma_wait3A_640 = tpu.memref_slice %arg4[%add3A_456] : memref<1048576xf32, #tpu.memory_space<hbm>> -> memref<4096xf32, #tpu.memory_space<hbm>>
    %dma_wait3A_641 = arith.constant 0 : i32
    %dma_wait3A_642 = tpu.memref_slice %arg16[%dma_wait3A_641] : memref<8192xf32, #tpu.memory_space<vmem>> -> memref<4096xf32, #tpu.memory_space<vmem>>
    %dma_wait3A_643 = tpu.memref_slice %arg4[%add3A_456] : memref<1048576xf32, #tpu.memory_space<hbm>> -> memref<4096xf32, #tpu.memory_space<hbm>>
    tpu.wait_dma2 semaphore(%arg21 : memref<!tpu.dma_semaphore, #tpu.memory_space<semaphore_mem>>) src(%dma_wait3A_643 : memref<4096xf32, #tpu.memory_space<hbm>>) dst(%dma_wait3A_642 : memref<4096xf32, #tpu.memory_space<vmem>>)
    %dma_wait3A_644 = arith.constant 0 : i32
    %dma_wait3A_645 = tpu.memref_slice %arg17[%dma_wait3A_644] : memref<8192xf32, #tpu.memory_space<vmem>> -> memref<4096xf32, #tpu.memory_space<vmem>>
    %dma_wait3A_646 = tpu.memref_slice %arg5[%add3A_456] : memref<1048576xf32, #tpu.memory_space<hbm>> -> memref<4096xf32, #tpu.memory_space<hbm>>
    %dma_wait3A_647 = arith.constant 0 : i32
    %dma_wait3A_648 = tpu.memref_slice %arg17[%dma_wait3A_647] : memref<8192xf32, #tpu.memory_space<vmem>> -> memref<4096xf32, #tpu.memory_space<vmem>>
    %dma_wait3A_649 = tpu.memref_slice %arg5[%add3A_456] : memref<1048576xf32, #tpu.memory_space<hbm>> -> memref<4096xf32, #tpu.memory_space<hbm>>
    tpu.wait_dma2 semaphore(%arg21 : memref<!tpu.dma_semaphore, #tpu.memory_space<semaphore_mem>>) src(%dma_wait3A_649 : memref<4096xf32, #tpu.memory_space<hbm>>) dst(%dma_wait3A_648 : memref<4096xf32, #tpu.memory_space<vmem>>)
    %dma_wait3A_650 = arith.constant 0 : i32
    %dma_wait3A_651 = tpu.memref_slice %arg18[%dma_wait3A_650] : memref<8192xf32, #tpu.memory_space<vmem>> -> memref<4096xf32, #tpu.memory_space<vmem>>
    %dma_wait3A_652 = tpu.memref_slice %arg6[%add3A_456] : memref<1048576xf32, #tpu.memory_space<hbm>> -> memref<4096xf32, #tpu.memory_space<hbm>>
    %dma_wait3A_653 = arith.constant 0 : i32
    %dma_wait3A_654 = tpu.memref_slice %arg18[%dma_wait3A_653] : memref<8192xf32, #tpu.memory_space<vmem>> -> memref<4096xf32, #tpu.memory_space<vmem>>
    %dma_wait3A_655 = tpu.memref_slice %arg6[%add3A_456] : memref<1048576xf32, #tpu.memory_space<hbm>> -> memref<4096xf32, #tpu.memory_space<hbm>>
    tpu.wait_dma2 semaphore(%arg21 : memref<!tpu.dma_semaphore, #tpu.memory_space<semaphore_mem>>) src(%dma_wait3A_655 : memref<4096xf32, #tpu.memory_space<hbm>>) dst(%dma_wait3A_654 : memref<4096xf32, #tpu.memory_space<vmem>>)
    %dma_wait3A_656 = arith.constant 0 : i32
    %dma_wait3A_657 = tpu.memref_slice %arg19[%dma_wait3A_656] : memref<8192xf32, #tpu.memory_space<vmem>> -> memref<4096xf32, #tpu.memory_space<vmem>>
    %dma_wait3A_658 = tpu.memref_slice %arg7[%add3A_456] : memref<1048576xf32, #tpu.memory_space<hbm>> -> memref<4096xf32, #tpu.memory_space<hbm>>
    %dma_wait3A_659 = arith.constant 0 : i32
    %dma_wait3A_660 = tpu.memref_slice %arg19[%dma_wait3A_659] : memref<8192xf32, #tpu.memory_space<vmem>> -> memref<4096xf32, #tpu.memory_space<vmem>>
    %dma_wait3A_661 = tpu.memref_slice %arg7[%add3A_456] : memref<1048576xf32, #tpu.memory_space<hbm>> -> memref<4096xf32, #tpu.memory_space<hbm>>
    tpu.wait_dma2 semaphore(%arg21 : memref<!tpu.dma_semaphore, #tpu.memory_space<semaphore_mem>>) src(%dma_wait3A_661 : memref<4096xf32, #tpu.memory_space<hbm>>) dst(%dma_wait3A_660 : memref<4096xf32, #tpu.memory_space<vmem>>)
    %dma_wait3A_662 = arith.constant 0 : i32
    %dma_wait3A_663 = tpu.memref_slice %arg20[%dma_wait3A_662] : memref<8192xf32, #tpu.memory_space<vmem>> -> memref<4096xf32, #tpu.memory_space<vmem>>
    %dma_wait3A_664 = tpu.memref_slice %arg8[%add3A_456] : memref<1048576xf32, #tpu.memory_space<hbm>> -> memref<4096xf32, #tpu.memory_space<hbm>>
    %dma_wait3A_665 = arith.constant 0 : i32
    %dma_wait3A_666 = tpu.memref_slice %arg20[%dma_wait3A_665] : memref<8192xf32, #tpu.memory_space<vmem>> -> memref<4096xf32, #tpu.memory_space<vmem>>
    %dma_wait3A_667 = tpu.memref_slice %arg8[%add3A_456] : memref<1048576xf32, #tpu.memory_space<hbm>> -> memref<4096xf32, #tpu.memory_space<hbm>>
    tpu.wait_dma2 semaphore(%arg21 : memref<!tpu.dma_semaphore, #tpu.memory_space<semaphore_mem>>) src(%dma_wait3A_667 : memref<4096xf32, #tpu.memory_space<hbm>>) dst(%dma_wait3A_666 : memref<4096xf32, #tpu.memory_space<vmem>>)
    %parallel_loop3A_668 = arith.constant 0 : i32
    %parallel_loop3A_669 = arith.constant 4096 : i32
    %parallel_loop3A_670 = arith.constant 16 : i32
    scf.for %parallel_loop3A_1112 = %parallel_loop3A_668 to %parallel_loop3A_669 step %parallel_loop3A_670  : i32 {
      %parallel_loop3A_1113 = arith.constant 0 : i32
      %parallel_loop3A_1114 = arith.addi %parallel_loop3A_1113, %parallel_loop3A_1112 : i32
      %parallel_loop3A_1115 = arith.index_cast %parallel_loop3A_1114 : i32 to index
      %parallel_loop3A_1116 = tpu.vector_load %arg15[%parallel_loop3A_1115] {strides = array<i32>} : memref<8192xi32, #tpu.memory_space<vmem>>, vector<16xi32>,
      %parallel_loop3A_1117 = tpu.vector_load_idx %arg14[%parallel_loop3A_1116] : memref<8192xf32, #tpu.memory_space<vmem>>[vector<16xi32>], vector<16xf32>,
      %parallel_loop3A_1118 = arith.constant 1024 : i32
      %parallel_loop3A_1119 = vector.broadcast %parallel_loop3A_1118 : i32 to vector<16xi32>
      %parallel_loop3A_1120 = arith.addi %parallel_loop3A_1116, %parallel_loop3A_1119 : vector<16xi32>
      %parallel_loop3A_1121 = tpu.vector_load_idx %arg14[%parallel_loop3A_1120] : memref<8192xf32, #tpu.memory_space<vmem>>[vector<16xi32>], vector<16xf32>,
      %parallel_loop3A_1122 = arith.constant 2048 : i32
      %parallel_loop3A_1123 = vector.broadcast %parallel_loop3A_1122 : i32 to vector<16xi32>
      %parallel_loop3A_1124 = arith.addi %parallel_loop3A_1116, %parallel_loop3A_1123 : vector<16xi32>
      %parallel_loop3A_1125 = tpu.vector_load_idx %arg14[%parallel_loop3A_1124] : memref<8192xf32, #tpu.memory_space<vmem>>[vector<16xi32>], vector<16xf32>,
      %parallel_loop3A_1126 = arith.constant 3072 : i32
      %parallel_loop3A_1127 = vector.broadcast %parallel_loop3A_1126 : i32 to vector<16xi32>
      %parallel_loop3A_1128 = arith.addi %parallel_loop3A_1116, %parallel_loop3A_1127 : vector<16xi32>
      %parallel_loop3A_1129 = tpu.vector_load_idx %arg14[%parallel_loop3A_1128] : memref<8192xf32, #tpu.memory_space<vmem>>[vector<16xi32>], vector<16xf32>,
      %parallel_loop3A_1130 = arith.constant 4096 : i32
      %parallel_loop3A_1131 = vector.broadcast %parallel_loop3A_1130 : i32 to vector<16xi32>
      %parallel_loop3A_1132 = arith.addi %parallel_loop3A_1116, %parallel_loop3A_1131 : vector<16xi32>
      %parallel_loop3A_1133 = tpu.vector_load_idx %arg14[%parallel_loop3A_1132] : memref<8192xf32, #tpu.memory_space<vmem>>[vector<16xi32>], vector<16xf32>,
      %parallel_loop3A_1134 = arith.constant 5120 : i32
      %parallel_loop3A_1135 = vector.broadcast %parallel_loop3A_1134 : i32 to vector<16xi32>
      %parallel_loop3A_1136 = arith.addi %parallel_loop3A_1116, %parallel_loop3A_1135 : vector<16xi32>
      %parallel_loop3A_1137 = tpu.vector_load_idx %arg14[%parallel_loop3A_1136] : memref<8192xf32, #tpu.memory_space<vmem>>[vector<16xi32>], vector<16xf32>,
      %parallel_loop3A_1138 = arith.constant 6144 : i32
      %parallel_loop3A_1139 = vector.broadcast %parallel_loop3A_1138 : i32 to vector<16xi32>
      %parallel_loop3A_1140 = arith.addi %parallel_loop3A_1116, %parallel_loop3A_1139 : vector<16xi32>
      %parallel_loop3A_1141 = tpu.vector_load_idx %arg14[%parallel_loop3A_1140] : memref<8192xf32, #tpu.memory_space<vmem>>[vector<16xi32>], vector<16xf32>,
      %parallel_loop3A_1142 = arith.index_cast %parallel_loop3A_1114 : i32 to index
      %parallel_loop3A_1143 = tpu.vector_load %arg18[%parallel_loop3A_1142] {strides = array<i32>} : memref<8192xf32, #tpu.memory_space<vmem>>, vector<16xf32>,
      %parallel_loop3A_1144 = arith.index_cast %parallel_loop3A_1114 : i32 to index
      %parallel_loop3A_1145 = tpu.vector_load %arg19[%parallel_loop3A_1144] {strides = array<i32>} : memref<8192xf32, #tpu.memory_space<vmem>>, vector<16xf32>,
      %parallel_loop3A_1146 = arith.index_cast %parallel_loop3A_1114 : i32 to index
      %parallel_loop3A_1147 = tpu.vector_load %arg20[%parallel_loop3A_1146] {strides = array<i32>} : memref<8192xf32, #tpu.memory_space<vmem>>, vector<16xf32>,
      %parallel_loop3A_1148 = arith.constant -4.37113883E-8 : f32
      %parallel_loop3A_1149 = vector.broadcast %parallel_loop3A_1148 : f32 to vector<16xf32>
      %parallel_loop3A_1150 = arith.mulf %parallel_loop3A_1149, %parallel_loop3A_1121 : vector<16xf32>
      %parallel_loop3A_1151 = arith.constant -4.37113883E-8 : f32
      %parallel_loop3A_1152 = vector.broadcast %parallel_loop3A_1151 : f32 to vector<16xf32>
      %parallel_loop3A_1153 = arith.mulf %parallel_loop3A_1152, %parallel_loop3A_1117 : vector<16xf32>
      %parallel_loop3A_1154 = arith.mulf %parallel_loop3A_1117, %parallel_loop3A_1143 : vector<16xf32>
      %parallel_loop3A_1155 = arith.mulf %parallel_loop3A_1150, %parallel_loop3A_1145 : vector<16xf32>
      %parallel_loop3A_1156 = arith.addf %parallel_loop3A_1154, %parallel_loop3A_1155 : vector<16xf32>
      %parallel_loop3A_1157 = arith.mulf %parallel_loop3A_1129, %parallel_loop3A_1147 : vector<16xf32>
      %parallel_loop3A_1158 = arith.addf %parallel_loop3A_1156, %parallel_loop3A_1157 : vector<16xf32>
      %parallel_loop3A_1159 = arith.mulf %parallel_loop3A_1125, %parallel_loop3A_1145 : vector<16xf32>
      %parallel_loop3A_1160 = arith.constant -4.37113883E-8 : f32
      %parallel_loop3A_1161 = vector.broadcast %parallel_loop3A_1160 : f32 to vector<16xf32>
      %parallel_loop3A_1162 = arith.mulf %parallel_loop3A_1161, %parallel_loop3A_1147 : vector<16xf32>
      %parallel_loop3A_1163 = arith.subf %parallel_loop3A_1159, %parallel_loop3A_1162 : vector<16xf32>
      %parallel_loop3A_1164 = arith.mulf %parallel_loop3A_1153, %parallel_loop3A_1145 : vector<16xf32>
      %parallel_loop3A_1165 = arith.mulf %parallel_loop3A_1133, %parallel_loop3A_1147 : vector<16xf32>
      %parallel_loop3A_1166 = arith.addf %parallel_loop3A_1164, %parallel_loop3A_1165 : vector<16xf32>
      %parallel_loop3A_1167 = arith.mulf %parallel_loop3A_1121, %parallel_loop3A_1143 : vector<16xf32>
      %parallel_loop3A_1168 = arith.subf %parallel_loop3A_1166, %parallel_loop3A_1167 : vector<16xf32>
      %parallel_loop3A_1169 = arith.index_cast %parallel_loop3A_1114 : i32 to index
      %parallel_loop3A_1170 = tpu.vector_load %arg18[%parallel_loop3A_1169] {strides = array<i32>} : memref<8192xf32, #tpu.memory_space<vmem>>, vector<16xf32>,
      tpu.vector_store %arg18[%parallel_loop3A_1169], %parallel_loop3A_1158 {strides = array<i32>} : memref<8192xf32, #tpu.memory_space<vmem>>, vector<16xf32>,
      %parallel_loop3A_1171 = arith.index_cast %parallel_loop3A_1114 : i32 to index
      %parallel_loop3A_1172 = tpu.vector_load %arg19[%parallel_loop3A_1171] {strides = array<i32>} : memref<8192xf32, #tpu.memory_space<vmem>>, vector<16xf32>,
      tpu.vector_store %arg19[%parallel_loop3A_1171], %parallel_loop3A_1163 {strides = array<i32>} : memref<8192xf32, #tpu.memory_space<vmem>>, vector<16xf32>,
      %parallel_loop3A_1173 = arith.index_cast %parallel_loop3A_1114 : i32 to index
      %parallel_loop3A_1174 = tpu.vector_load %arg20[%parallel_loop3A_1173] {strides = array<i32>} : memref<8192xf32, #tpu.memory_space<vmem>>, vector<16xf32>,
      tpu.vector_store %arg20[%parallel_loop3A_1173], %parallel_loop3A_1168 {strides = array<i32>} : memref<8192xf32, #tpu.memory_space<vmem>>, vector<16xf32>,
      %parallel_loop3A_1175 = arith.index_cast %parallel_loop3A_1114 : i32 to index
      %parallel_loop3A_1176 = tpu.vector_load %arg16[%parallel_loop3A_1175] {strides = array<i32>} : memref<8192xf32, #tpu.memory_space<vmem>>, vector<16xf32>,
      %parallel_loop3A_1177 = arith.addf %parallel_loop3A_1176, %parallel_loop3A_1137 : vector<16xf32>
      %parallel_loop3A_1178 = arith.index_cast %parallel_loop3A_1114 : i32 to index
      %parallel_loop3A_1179 = tpu.vector_load %arg16[%parallel_loop3A_1178] {strides = array<i32>} : memref<8192xf32, #tpu.memory_space<vmem>>, vector<16xf32>,
      tpu.vector_store %arg16[%parallel_loop3A_1178], %parallel_loop3A_1177 {strides = array<i32>} : memref<8192xf32, #tpu.memory_space<vmem>>, vector<16xf32>,
      %parallel_loop3A_1180 = arith.index_cast %parallel_loop3A_1114 : i32 to index
      %parallel_loop3A_1181 = tpu.vector_load %arg17[%parallel_loop3A_1180] {strides = array<i32>} : memref<8192xf32, #tpu.memory_space<vmem>>, vector<16xf32>,
      %parallel_loop3A_1182 = arith.addf %parallel_loop3A_1181, %parallel_loop3A_1141 : vector<16xf32>
      %parallel_loop3A_1183 = arith.index_cast %parallel_loop3A_1114 : i32 to index
      %parallel_loop3A_1184 = tpu.vector_load %arg17[%parallel_loop3A_1183] {strides = array<i32>} : memref<8192xf32, #tpu.memory_space<vmem>>, vector<16xf32>,
      tpu.vector_store %arg17[%parallel_loop3A_1183], %parallel_loop3A_1182 {strides = array<i32>} : memref<8192xf32, #tpu.memory_space<vmem>>, vector<16xf32>,
    } {sc.loop_unroll_factor = 8 : i64, sc.parallel_access}
    %add3A_671 = arith.constant 16384 : i32
    %add3A_672 = arith.addi %mul3A_2, %add3A_671 : i32
    %dma_start3A_673 = arith.constant 0 : i32
    %dma_start3A_674 = tpu.memref_slice %arg16[%dma_start3A_673] : memref<8192xf32, #tpu.memory_space<vmem>> -> memref<4096xf32, #tpu.memory_space<vmem>>
    %dma_start3A_675 = tpu.memref_slice %arg9[%add3A_672] : memref<1048576xf32, #tpu.memory_space<hbm>> -> memref<4096xf32, #tpu.memory_space<hbm>>
    %dma_start3A_676 = tpu.memref_slice %arg9[%add3A_672] : memref<1048576xf32, #tpu.memory_space<hbm>> -> memref<4096xf32, #tpu.memory_space<hbm>>
    %dma_start3A_677 = arith.constant 0 : i32
    %dma_start3A_678 = tpu.memref_slice %arg16[%dma_start3A_677] : memref<8192xf32, #tpu.memory_space<vmem>> -> memref<4096xf32, #tpu.memory_space<vmem>>
    tpu.enqueue_dma source(%dma_start3A_678 : memref<4096xf32, #tpu.memory_space<vmem>>) target(%dma_start3A_676 : memref<4096xf32, #tpu.memory_space<hbm>>) target_semaphore(%arg22 : memref<!tpu.dma_semaphore, #tpu.memory_space<semaphore_mem>>)
    %dma_start3A_679 = arith.constant 0 : i32
    %dma_start3A_680 = tpu.memref_slice %arg17[%dma_start3A_679] : memref<8192xf32, #tpu.memory_space<vmem>> -> memref<4096xf32, #tpu.memory_space<vmem>>
    %dma_start3A_681 = tpu.memref_slice %arg10[%add3A_672] : memref<1048576xf32, #tpu.memory_space<hbm>> -> memref<4096xf32, #tpu.memory_space<hbm>>
    %dma_start3A_682 = tpu.memref_slice %arg10[%add3A_672] : memref<1048576xf32, #tpu.memory_space<hbm>> -> memref<4096xf32, #tpu.memory_space<hbm>>
    %dma_start3A_683 = arith.constant 0 : i32
    %dma_start3A_684 = tpu.memref_slice %arg17[%dma_start3A_683] : memref<8192xf32, #tpu.memory_space<vmem>> -> memref<4096xf32, #tpu.memory_space<vmem>>
    tpu.enqueue_dma source(%dma_start3A_684 : memref<4096xf32, #tpu.memory_space<vmem>>) target(%dma_start3A_682 : memref<4096xf32, #tpu.memory_space<hbm>>) target_semaphore(%arg22 : memref<!tpu.dma_semaphore, #tpu.memory_space<semaphore_mem>>)
    %dma_start3A_685 = arith.constant 0 : i32
    %dma_start3A_686 = tpu.memref_slice %arg18[%dma_start3A_685] : memref<8192xf32, #tpu.memory_space<vmem>> -> memref<4096xf32, #tpu.memory_space<vmem>>
    %dma_start3A_687 = tpu.memref_slice %arg11[%add3A_672] : memref<1048576xf32, #tpu.memory_space<hbm>> -> memref<4096xf32, #tpu.memory_space<hbm>>
    %dma_start3A_688 = tpu.memref_slice %arg11[%add3A_672] : memref<1048576xf32, #tpu.memory_space<hbm>> -> memref<4096xf32, #tpu.memory_space<hbm>>
    %dma_start3A_689 = arith.constant 0 : i32
    %dma_start3A_690 = tpu.memref_slice %arg18[%dma_start3A_689] : memref<8192xf32, #tpu.memory_space<vmem>> -> memref<4096xf32, #tpu.memory_space<vmem>>
    tpu.enqueue_dma source(%dma_start3A_690 : memref<4096xf32, #tpu.memory_space<vmem>>) target(%dma_start3A_688 : memref<4096xf32, #tpu.memory_space<hbm>>) target_semaphore(%arg22 : memref<!tpu.dma_semaphore, #tpu.memory_space<semaphore_mem>>)
    %dma_start3A_691 = arith.constant 0 : i32
    %dma_start3A_692 = tpu.memref_slice %arg19[%dma_start3A_691] : memref<8192xf32, #tpu.memory_space<vmem>> -> memref<4096xf32, #tpu.memory_space<vmem>>
    %dma_start3A_693 = tpu.memref_slice %arg12[%add3A_672] : memref<1048576xf32, #tpu.memory_space<hbm>> -> memref<4096xf32, #tpu.memory_space<hbm>>
    %dma_start3A_694 = tpu.memref_slice %arg12[%add3A_672] : memref<1048576xf32, #tpu.memory_space<hbm>> -> memref<4096xf32, #tpu.memory_space<hbm>>
    %dma_start3A_695 = arith.constant 0 : i32
    %dma_start3A_696 = tpu.memref_slice %arg19[%dma_start3A_695] : memref<8192xf32, #tpu.memory_space<vmem>> -> memref<4096xf32, #tpu.memory_space<vmem>>
    tpu.enqueue_dma source(%dma_start3A_696 : memref<4096xf32, #tpu.memory_space<vmem>>) target(%dma_start3A_694 : memref<4096xf32, #tpu.memory_space<hbm>>) target_semaphore(%arg22 : memref<!tpu.dma_semaphore, #tpu.memory_space<semaphore_mem>>)
    %dma_start3A_697 = arith.constant 0 : i32
    %dma_start3A_698 = tpu.memref_slice %arg20[%dma_start3A_697] : memref<8192xf32, #tpu.memory_space<vmem>> -> memref<4096xf32, #tpu.memory_space<vmem>>
    %dma_start3A_699 = tpu.memref_slice %arg13[%add3A_672] : memref<1048576xf32, #tpu.memory_space<hbm>> -> memref<4096xf32, #tpu.memory_space<hbm>>
    %dma_start3A_700 = tpu.memref_slice %arg13[%add3A_672] : memref<1048576xf32, #tpu.memory_space<hbm>> -> memref<4096xf32, #tpu.memory_space<hbm>>
    %dma_start3A_701 = arith.constant 0 : i32
    %dma_start3A_702 = tpu.memref_slice %arg20[%dma_start3A_701] : memref<8192xf32, #tpu.memory_space<vmem>> -> memref<4096xf32, #tpu.memory_space<vmem>>
    tpu.enqueue_dma source(%dma_start3A_702 : memref<4096xf32, #tpu.memory_space<vmem>>) target(%dma_start3A_700 : memref<4096xf32, #tpu.memory_space<hbm>>) target_semaphore(%arg22 : memref<!tpu.dma_semaphore, #tpu.memory_space<semaphore_mem>>)
    %dma_wait3A_703 = arith.constant 0 : i32
    %dma_wait3A_704 = tpu.memref_slice %arg16[%dma_wait3A_703] : memref<8192xf32, #tpu.memory_space<vmem>> -> memref<4096xf32, #tpu.memory_space<vmem>>
    %dma_wait3A_705 = tpu.memref_slice %arg9[%add3A_672] : memref<1048576xf32, #tpu.memory_space<hbm>> -> memref<4096xf32, #tpu.memory_space<hbm>>
    %dma_wait3A_706 = tpu.memref_slice %arg9[%add3A_672] : memref<1048576xf32, #tpu.memory_space<hbm>> -> memref<4096xf32, #tpu.memory_space<hbm>>
    %dma_wait3A_707 = arith.constant 0 : i32
    %dma_wait3A_708 = tpu.memref_slice %arg16[%dma_wait3A_707] : memref<8192xf32, #tpu.memory_space<vmem>> -> memref<4096xf32, #tpu.memory_space<vmem>>
    tpu.wait_dma2 semaphore(%arg22 : memref<!tpu.dma_semaphore, #tpu.memory_space<semaphore_mem>>) src(%dma_wait3A_708 : memref<4096xf32, #tpu.memory_space<vmem>>) dst(%dma_wait3A_706 : memref<4096xf32, #tpu.memory_space<hbm>>)
    %dma_wait3A_709 = arith.constant 0 : i32
    %dma_wait3A_710 = tpu.memref_slice %arg17[%dma_wait3A_709] : memref<8192xf32, #tpu.memory_space<vmem>> -> memref<4096xf32, #tpu.memory_space<vmem>>
    %dma_wait3A_711 = tpu.memref_slice %arg10[%add3A_672] : memref<1048576xf32, #tpu.memory_space<hbm>> -> memref<4096xf32, #tpu.memory_space<hbm>>
    %dma_wait3A_712 = tpu.memref_slice %arg10[%add3A_672] : memref<1048576xf32, #tpu.memory_space<hbm>> -> memref<4096xf32, #tpu.memory_space<hbm>>
    %dma_wait3A_713 = arith.constant 0 : i32
    %dma_wait3A_714 = tpu.memref_slice %arg17[%dma_wait3A_713] : memref<8192xf32, #tpu.memory_space<vmem>> -> memref<4096xf32, #tpu.memory_space<vmem>>
    tpu.wait_dma2 semaphore(%arg22 : memref<!tpu.dma_semaphore, #tpu.memory_space<semaphore_mem>>) src(%dma_wait3A_714 : memref<4096xf32, #tpu.memory_space<vmem>>) dst(%dma_wait3A_712 : memref<4096xf32, #tpu.memory_space<hbm>>)
    %dma_wait3A_715 = arith.constant 0 : i32
    %dma_wait3A_716 = tpu.memref_slice %arg18[%dma_wait3A_715] : memref<8192xf32, #tpu.memory_space<vmem>> -> memref<4096xf32, #tpu.memory_space<vmem>>
    %dma_wait3A_717 = tpu.memref_slice %arg11[%add3A_672] : memref<1048576xf32, #tpu.memory_space<hbm>> -> memref<4096xf32, #tpu.memory_space<hbm>>
    %dma_wait3A_718 = tpu.memref_slice %arg11[%add3A_672] : memref<1048576xf32, #tpu.memory_space<hbm>> -> memref<4096xf32, #tpu.memory_space<hbm>>
    %dma_wait3A_719 = arith.constant 0 : i32
    %dma_wait3A_720 = tpu.memref_slice %arg18[%dma_wait3A_719] : memref<8192xf32, #tpu.memory_space<vmem>> -> memref<4096xf32, #tpu.memory_space<vmem>>
    tpu.wait_dma2 semaphore(%arg22 : memref<!tpu.dma_semaphore, #tpu.memory_space<semaphore_mem>>) src(%dma_wait3A_720 : memref<4096xf32, #tpu.memory_space<vmem>>) dst(%dma_wait3A_718 : memref<4096xf32, #tpu.memory_space<hbm>>)
    %dma_wait3A_721 = arith.constant 0 : i32
    %dma_wait3A_722 = tpu.memref_slice %arg19[%dma_wait3A_721] : memref<8192xf32, #tpu.memory_space<vmem>> -> memref<4096xf32, #tpu.memory_space<vmem>>
    %dma_wait3A_723 = tpu.memref_slice %arg12[%add3A_672] : memref<1048576xf32, #tpu.memory_space<hbm>> -> memref<4096xf32, #tpu.memory_space<hbm>>
    %dma_wait3A_724 = tpu.memref_slice %arg12[%add3A_672] : memref<1048576xf32, #tpu.memory_space<hbm>> -> memref<4096xf32, #tpu.memory_space<hbm>>
    %dma_wait3A_725 = arith.constant 0 : i32
    %dma_wait3A_726 = tpu.memref_slice %arg19[%dma_wait3A_725] : memref<8192xf32, #tpu.memory_space<vmem>> -> memref<4096xf32, #tpu.memory_space<vmem>>
    tpu.wait_dma2 semaphore(%arg22 : memref<!tpu.dma_semaphore, #tpu.memory_space<semaphore_mem>>) src(%dma_wait3A_726 : memref<4096xf32, #tpu.memory_space<vmem>>) dst(%dma_wait3A_724 : memref<4096xf32, #tpu.memory_space<hbm>>)
    %dma_wait3A_727 = arith.constant 0 : i32
    %dma_wait3A_728 = tpu.memref_slice %arg20[%dma_wait3A_727] : memref<8192xf32, #tpu.memory_space<vmem>> -> memref<4096xf32, #tpu.memory_space<vmem>>
    %dma_wait3A_729 = tpu.memref_slice %arg13[%add3A_672] : memref<1048576xf32, #tpu.memory_space<hbm>> -> memref<4096xf32, #tpu.memory_space<hbm>>
    %dma_wait3A_730 = tpu.memref_slice %arg13[%add3A_672] : memref<1048576xf32, #tpu.memory_space<hbm>> -> memref<4096xf32, #tpu.memory_space<hbm>>
    %dma_wait3A_731 = arith.constant 0 : i32
    %dma_wait3A_732 = tpu.memref_slice %arg20[%dma_wait3A_731] : memref<8192xf32, #tpu.memory_space<vmem>> -> memref<4096xf32, #tpu.memory_space<vmem>>
    tpu.wait_dma2 semaphore(%arg22 : memref<!tpu.dma_semaphore, #tpu.memory_space<semaphore_mem>>) src(%dma_wait3A_732 : memref<4096xf32, #tpu.memory_space<vmem>>) dst(%dma_wait3A_730 : memref<4096xf32, #tpu.memory_space<hbm>>)
    %add3A_733 = arith.constant 24576 : i32
    %add3A_734 = arith.addi %mul3A_2, %add3A_733 : i32
    %dma_start3A_735 = arith.constant 0 : i32
    %dma_start3A_736 = tpu.memref_slice %arg15[%dma_start3A_735] : memref<8192xi32, #tpu.memory_space<vmem>> -> memref<4096xi32, #tpu.memory_space<vmem>>
    %dma_start3A_737 = tpu.memref_slice %arg3[%add3A_734] : memref<1048576xi32, #tpu.memory_space<hbm>> -> memref<4096xi32, #tpu.memory_space<hbm>>
    %dma_start3A_738 = arith.constant 0 : i32
    %dma_start3A_739 = tpu.memref_slice %arg15[%dma_start3A_738] : memref<8192xi32, #tpu.memory_space<vmem>> -> memref<4096xi32, #tpu.memory_space<vmem>>
    %dma_start3A_740 = tpu.memref_slice %arg3[%add3A_734] : memref<1048576xi32, #tpu.memory_space<hbm>> -> memref<4096xi32, #tpu.memory_space<hbm>>
    tpu.enqueue_dma source(%dma_start3A_740 : memref<4096xi32, #tpu.memory_space<hbm>>) target(%dma_start3A_739 : memref<4096xi32, #tpu.memory_space<vmem>>) target_semaphore(%arg21 : memref<!tpu.dma_semaphore, #tpu.memory_space<semaphore_mem>>)
    %dma_start3A_741 = arith.constant 0 : i32
    %dma_start3A_742 = tpu.memref_slice %arg16[%dma_start3A_741] : memref<8192xf32, #tpu.memory_space<vmem>> -> memref<4096xf32, #tpu.memory_space<vmem>>
    %dma_start3A_743 = tpu.memref_slice %arg4[%add3A_734] : memref<1048576xf32, #tpu.memory_space<hbm>> -> memref<4096xf32, #tpu.memory_space<hbm>>
    %dma_start3A_744 = arith.constant 0 : i32
    %dma_start3A_745 = tpu.memref_slice %arg16[%dma_start3A_744] : memref<8192xf32, #tpu.memory_space<vmem>> -> memref<4096xf32, #tpu.memory_space<vmem>>
    %dma_start3A_746 = tpu.memref_slice %arg4[%add3A_734] : memref<1048576xf32, #tpu.memory_space<hbm>> -> memref<4096xf32, #tpu.memory_space<hbm>>
    tpu.enqueue_dma source(%dma_start3A_746 : memref<4096xf32, #tpu.memory_space<hbm>>) target(%dma_start3A_745 : memref<4096xf32, #tpu.memory_space<vmem>>) target_semaphore(%arg21 : memref<!tpu.dma_semaphore, #tpu.memory_space<semaphore_mem>>)
    %dma_start3A_747 = arith.constant 0 : i32
    %dma_start3A_748 = tpu.memref_slice %arg17[%dma_start3A_747] : memref<8192xf32, #tpu.memory_space<vmem>> -> memref<4096xf32, #tpu.memory_space<vmem>>
    %dma_start3A_749 = tpu.memref_slice %arg5[%add3A_734] : memref<1048576xf32, #tpu.memory_space<hbm>> -> memref<4096xf32, #tpu.memory_space<hbm>>
    %dma_start3A_750 = arith.constant 0 : i32
    %dma_start3A_751 = tpu.memref_slice %arg17[%dma_start3A_750] : memref<8192xf32, #tpu.memory_space<vmem>> -> memref<4096xf32, #tpu.memory_space<vmem>>
    %dma_start3A_752 = tpu.memref_slice %arg5[%add3A_734] : memref<1048576xf32, #tpu.memory_space<hbm>> -> memref<4096xf32, #tpu.memory_space<hbm>>
    tpu.enqueue_dma source(%dma_start3A_752 : memref<4096xf32, #tpu.memory_space<hbm>>) target(%dma_start3A_751 : memref<4096xf32, #tpu.memory_space<vmem>>) target_semaphore(%arg21 : memref<!tpu.dma_semaphore, #tpu.memory_space<semaphore_mem>>)
    %dma_start3A_753 = arith.constant 0 : i32
    %dma_start3A_754 = tpu.memref_slice %arg18[%dma_start3A_753] : memref<8192xf32, #tpu.memory_space<vmem>> -> memref<4096xf32, #tpu.memory_space<vmem>>
    %dma_start3A_755 = tpu.memref_slice %arg6[%add3A_734] : memref<1048576xf32, #tpu.memory_space<hbm>> -> memref<4096xf32, #tpu.memory_space<hbm>>
    %dma_start3A_756 = arith.constant 0 : i32
    %dma_start3A_757 = tpu.memref_slice %arg18[%dma_start3A_756] : memref<8192xf32, #tpu.memory_space<vmem>> -> memref<4096xf32, #tpu.memory_space<vmem>>
    %dma_start3A_758 = tpu.memref_slice %arg6[%add3A_734] : memref<1048576xf32, #tpu.memory_space<hbm>> -> memref<4096xf32, #tpu.memory_space<hbm>>
    tpu.enqueue_dma source(%dma_start3A_758 : memref<4096xf32, #tpu.memory_space<hbm>>) target(%dma_start3A_757 : memref<4096xf32, #tpu.memory_space<vmem>>) target_semaphore(%arg21 : memref<!tpu.dma_semaphore, #tpu.memory_space<semaphore_mem>>)
    %dma_start3A_759 = arith.constant 0 : i32
    %dma_start3A_760 = tpu.memref_slice %arg19[%dma_start3A_759] : memref<8192xf32, #tpu.memory_space<vmem>> -> memref<4096xf32, #tpu.memory_space<vmem>>
    %dma_start3A_761 = tpu.memref_slice %arg7[%add3A_734] : memref<1048576xf32, #tpu.memory_space<hbm>> -> memref<4096xf32, #tpu.memory_space<hbm>>
    %dma_start3A_762 = arith.constant 0 : i32
    %dma_start3A_763 = tpu.memref_slice %arg19[%dma_start3A_762] : memref<8192xf32, #tpu.memory_space<vmem>> -> memref<4096xf32, #tpu.memory_space<vmem>>
    %dma_start3A_764 = tpu.memref_slice %arg7[%add3A_734] : memref<1048576xf32, #tpu.memory_space<hbm>> -> memref<4096xf32, #tpu.memory_space<hbm>>
    tpu.enqueue_dma source(%dma_start3A_764 : memref<4096xf32, #tpu.memory_space<hbm>>) target(%dma_start3A_763 : memref<4096xf32, #tpu.memory_space<vmem>>) target_semaphore(%arg21 : memref<!tpu.dma_semaphore, #tpu.memory_space<semaphore_mem>>)
    %dma_start3A_765 = arith.constant 0 : i32
    %dma_start3A_766 = tpu.memref_slice %arg20[%dma_start3A_765] : memref<8192xf32, #tpu.memory_space<vmem>> -> memref<4096xf32, #tpu.memory_space<vmem>>
    %dma_start3A_767 = tpu.memref_slice %arg8[%add3A_734] : memref<1048576xf32, #tpu.memory_space<hbm>> -> memref<4096xf32, #tpu.memory_space<hbm>>
    %dma_start3A_768 = arith.constant 0 : i32
    %dma_start3A_769 = tpu.memref_slice %arg20[%dma_start3A_768] : memref<8192xf32, #tpu.memory_space<vmem>> -> memref<4096xf32, #tpu.memory_space<vmem>>
    %dma_start3A_770 = tpu.memref_slice %arg8[%add3A_734] : memref<1048576xf32, #tpu.memory_space<hbm>> -> memref<4096xf32, #tpu.memory_space<hbm>>
    tpu.enqueue_dma source(%dma_start3A_770 : memref<4096xf32, #tpu.memory_space<hbm>>) target(%dma_start3A_769 : memref<4096xf32, #tpu.memory_space<vmem>>) target_semaphore(%arg21 : memref<!tpu.dma_semaphore, #tpu.memory_space<semaphore_mem>>)
    %dma_wait3A_771 = arith.constant 4096 : i32
    %dma_wait3A_772 = tpu.memref_slice %arg15[%dma_wait3A_771] : memref<8192xi32, #tpu.memory_space<vmem>> -> memref<4096xi32, #tpu.memory_space<vmem>>
    %dma_wait3A_773 = tpu.memref_slice %arg3[%add3A_595] : memref<1048576xi32, #tpu.memory_space<hbm>> -> memref<4096xi32, #tpu.memory_space<hbm>>
    %dma_wait3A_774 = arith.constant 4096 : i32
    %dma_wait3A_775 = tpu.memref_slice %arg15[%dma_wait3A_774] : memref<8192xi32, #tpu.memory_space<vmem>> -> memref<4096xi32, #tpu.memory_space<vmem>>
    %dma_wait3A_776 = tpu.memref_slice %arg3[%add3A_595] : memref<1048576xi32, #tpu.memory_space<hbm>> -> memref<4096xi32, #tpu.memory_space<hbm>>
    tpu.wait_dma2 semaphore(%arg21 : memref<!tpu.dma_semaphore, #tpu.memory_space<semaphore_mem>>) src(%dma_wait3A_776 : memref<4096xi32, #tpu.memory_space<hbm>>) dst(%dma_wait3A_775 : memref<4096xi32, #tpu.memory_space<vmem>>)
    %dma_wait3A_777 = arith.constant 4096 : i32
    %dma_wait3A_778 = tpu.memref_slice %arg16[%dma_wait3A_777] : memref<8192xf32, #tpu.memory_space<vmem>> -> memref<4096xf32, #tpu.memory_space<vmem>>
    %dma_wait3A_779 = tpu.memref_slice %arg4[%add3A_595] : memref<1048576xf32, #tpu.memory_space<hbm>> -> memref<4096xf32, #tpu.memory_space<hbm>>
    %dma_wait3A_780 = arith.constant 4096 : i32
    %dma_wait3A_781 = tpu.memref_slice %arg16[%dma_wait3A_780] : memref<8192xf32, #tpu.memory_space<vmem>> -> memref<4096xf32, #tpu.memory_space<vmem>>
    %dma_wait3A_782 = tpu.memref_slice %arg4[%add3A_595] : memref<1048576xf32, #tpu.memory_space<hbm>> -> memref<4096xf32, #tpu.memory_space<hbm>>
    tpu.wait_dma2 semaphore(%arg21 : memref<!tpu.dma_semaphore, #tpu.memory_space<semaphore_mem>>) src(%dma_wait3A_782 : memref<4096xf32, #tpu.memory_space<hbm>>) dst(%dma_wait3A_781 : memref<4096xf32, #tpu.memory_space<vmem>>)
    %dma_wait3A_783 = arith.constant 4096 : i32
    %dma_wait3A_784 = tpu.memref_slice %arg17[%dma_wait3A_783] : memref<8192xf32, #tpu.memory_space<vmem>> -> memref<4096xf32, #tpu.memory_space<vmem>>
    %dma_wait3A_785 = tpu.memref_slice %arg5[%add3A_595] : memref<1048576xf32, #tpu.memory_space<hbm>> -> memref<4096xf32, #tpu.memory_space<hbm>>
    %dma_wait3A_786 = arith.constant 4096 : i32
    %dma_wait3A_787 = tpu.memref_slice %arg17[%dma_wait3A_786] : memref<8192xf32, #tpu.memory_space<vmem>> -> memref<4096xf32, #tpu.memory_space<vmem>>
    %dma_wait3A_788 = tpu.memref_slice %arg5[%add3A_595] : memref<1048576xf32, #tpu.memory_space<hbm>> -> memref<4096xf32, #tpu.memory_space<hbm>>
    tpu.wait_dma2 semaphore(%arg21 : memref<!tpu.dma_semaphore, #tpu.memory_space<semaphore_mem>>) src(%dma_wait3A_788 : memref<4096xf32, #tpu.memory_space<hbm>>) dst(%dma_wait3A_787 : memref<4096xf32, #tpu.memory_space<vmem>>)
    %dma_wait3A_789 = arith.constant 4096 : i32
    %dma_wait3A_790 = tpu.memref_slice %arg18[%dma_wait3A_789] : memref<8192xf32, #tpu.memory_space<vmem>> -> memref<4096xf32, #tpu.memory_space<vmem>>
    %dma_wait3A_791 = tpu.memref_slice %arg6[%add3A_595] : memref<1048576xf32, #tpu.memory_space<hbm>> -> memref<4096xf32, #tpu.memory_space<hbm>>
    %dma_wait3A_792 = arith.constant 4096 : i32
    %dma_wait3A_793 = tpu.memref_slice %arg18[%dma_wait3A_792] : memref<8192xf32, #tpu.memory_space<vmem>> -> memref<4096xf32, #tpu.memory_space<vmem>>
    %dma_wait3A_794 = tpu.memref_slice %arg6[%add3A_595] : memref<1048576xf32, #tpu.memory_space<hbm>> -> memref<4096xf32, #tpu.memory_space<hbm>>
    tpu.wait_dma2 semaphore(%arg21 : memref<!tpu.dma_semaphore, #tpu.memory_space<semaphore_mem>>) src(%dma_wait3A_794 : memref<4096xf32, #tpu.memory_space<hbm>>) dst(%dma_wait3A_793 : memref<4096xf32, #tpu.memory_space<vmem>>)
    %dma_wait3A_795 = arith.constant 4096 : i32
    %dma_wait3A_796 = tpu.memref_slice %arg19[%dma_wait3A_795] : memref<8192xf32, #tpu.memory_space<vmem>> -> memref<4096xf32, #tpu.memory_space<vmem>>
    %dma_wait3A_797 = tpu.memref_slice %arg7[%add3A_595] : memref<1048576xf32, #tpu.memory_space<hbm>> -> memref<4096xf32, #tpu.memory_space<hbm>>
    %dma_wait3A_798 = arith.constant 4096 : i32
    %dma_wait3A_799 = tpu.memref_slice %arg19[%dma_wait3A_798] : memref<8192xf32, #tpu.memory_space<vmem>> -> memref<4096xf32, #tpu.memory_space<vmem>>
    %dma_wait3A_800 = tpu.memref_slice %arg7[%add3A_595] : memref<1048576xf32, #tpu.memory_space<hbm>> -> memref<4096xf32, #tpu.memory_space<hbm>>
    tpu.wait_dma2 semaphore(%arg21 : memref<!tpu.dma_semaphore, #tpu.memory_space<semaphore_mem>>) src(%dma_wait3A_800 : memref<4096xf32, #tpu.memory_space<hbm>>) dst(%dma_wait3A_799 : memref<4096xf32, #tpu.memory_space<vmem>>)
    %dma_wait3A_801 = arith.constant 4096 : i32
    %dma_wait3A_802 = tpu.memref_slice %arg20[%dma_wait3A_801] : memref<8192xf32, #tpu.memory_space<vmem>> -> memref<4096xf32, #tpu.memory_space<vmem>>
    %dma_wait3A_803 = tpu.memref_slice %arg8[%add3A_595] : memref<1048576xf32, #tpu.memory_space<hbm>> -> memref<4096xf32, #tpu.memory_space<hbm>>
    %dma_wait3A_804 = arith.constant 4096 : i32
    %dma_wait3A_805 = tpu.memref_slice %arg20[%dma_wait3A_804] : memref<8192xf32, #tpu.memory_space<vmem>> -> memref<4096xf32, #tpu.memory_space<vmem>>
    %dma_wait3A_806 = tpu.memref_slice %arg8[%add3A_595] : memref<1048576xf32, #tpu.memory_space<hbm>> -> memref<4096xf32, #tpu.memory_space<hbm>>
    tpu.wait_dma2 semaphore(%arg21 : memref<!tpu.dma_semaphore, #tpu.memory_space<semaphore_mem>>) src(%dma_wait3A_806 : memref<4096xf32, #tpu.memory_space<hbm>>) dst(%dma_wait3A_805 : memref<4096xf32, #tpu.memory_space<vmem>>)
    %parallel_loop3A_807 = arith.constant 0 : i32
    %parallel_loop3A_808 = arith.constant 4096 : i32
    %parallel_loop3A_809 = arith.constant 16 : i32
    scf.for %parallel_loop3A_1112 = %parallel_loop3A_807 to %parallel_loop3A_808 step %parallel_loop3A_809  : i32 {
      %parallel_loop3A_1113 = arith.constant 4096 : i32
      %parallel_loop3A_1114 = arith.addi %parallel_loop3A_1113, %parallel_loop3A_1112 : i32
      %parallel_loop3A_1115 = arith.index_cast %parallel_loop3A_1114 : i32 to index
      %parallel_loop3A_1116 = tpu.vector_load %arg15[%parallel_loop3A_1115] {strides = array<i32>} : memref<8192xi32, #tpu.memory_space<vmem>>, vector<16xi32>,
      %parallel_loop3A_1117 = tpu.vector_load_idx %arg14[%parallel_loop3A_1116] : memref<8192xf32, #tpu.memory_space<vmem>>[vector<16xi32>], vector<16xf32>,
      %parallel_loop3A_1118 = arith.constant 1024 : i32
      %parallel_loop3A_1119 = vector.broadcast %parallel_loop3A_1118 : i32 to vector<16xi32>
      %parallel_loop3A_1120 = arith.addi %parallel_loop3A_1116, %parallel_loop3A_1119 : vector<16xi32>
      %parallel_loop3A_1121 = tpu.vector_load_idx %arg14[%parallel_loop3A_1120] : memref<8192xf32, #tpu.memory_space<vmem>>[vector<16xi32>], vector<16xf32>,
      %parallel_loop3A_1122 = arith.constant 2048 : i32
      %parallel_loop3A_1123 = vector.broadcast %parallel_loop3A_1122 : i32 to vector<16xi32>
      %parallel_loop3A_1124 = arith.addi %parallel_loop3A_1116, %parallel_loop3A_1123 : vector<16xi32>
      %parallel_loop3A_1125 = tpu.vector_load_idx %arg14[%parallel_loop3A_1124] : memref<8192xf32, #tpu.memory_space<vmem>>[vector<16xi32>], vector<16xf32>,
      %parallel_loop3A_1126 = arith.constant 3072 : i32
      %parallel_loop3A_1127 = vector.broadcast %parallel_loop3A_1126 : i32 to vector<16xi32>
      %parallel_loop3A_1128 = arith.addi %parallel_loop3A_1116, %parallel_loop3A_1127 : vector<16xi32>
      %parallel_loop3A_1129 = tpu.vector_load_idx %arg14[%parallel_loop3A_1128] : memref<8192xf32, #tpu.memory_space<vmem>>[vector<16xi32>], vector<16xf32>,
      %parallel_loop3A_1130 = arith.constant 4096 : i32
      %parallel_loop3A_1131 = vector.broadcast %parallel_loop3A_1130 : i32 to vector<16xi32>
      %parallel_loop3A_1132 = arith.addi %parallel_loop3A_1116, %parallel_loop3A_1131 : vector<16xi32>
      %parallel_loop3A_1133 = tpu.vector_load_idx %arg14[%parallel_loop3A_1132] : memref<8192xf32, #tpu.memory_space<vmem>>[vector<16xi32>], vector<16xf32>,
      %parallel_loop3A_1134 = arith.constant 5120 : i32
      %parallel_loop3A_1135 = vector.broadcast %parallel_loop3A_1134 : i32 to vector<16xi32>
      %parallel_loop3A_1136 = arith.addi %parallel_loop3A_1116, %parallel_loop3A_1135 : vector<16xi32>
      %parallel_loop3A_1137 = tpu.vector_load_idx %arg14[%parallel_loop3A_1136] : memref<8192xf32, #tpu.memory_space<vmem>>[vector<16xi32>], vector<16xf32>,
      %parallel_loop3A_1138 = arith.constant 6144 : i32
      %parallel_loop3A_1139 = vector.broadcast %parallel_loop3A_1138 : i32 to vector<16xi32>
      %parallel_loop3A_1140 = arith.addi %parallel_loop3A_1116, %parallel_loop3A_1139 : vector<16xi32>
      %parallel_loop3A_1141 = tpu.vector_load_idx %arg14[%parallel_loop3A_1140] : memref<8192xf32, #tpu.memory_space<vmem>>[vector<16xi32>], vector<16xf32>,
      %parallel_loop3A_1142 = arith.index_cast %parallel_loop3A_1114 : i32 to index
      %parallel_loop3A_1143 = tpu.vector_load %arg18[%parallel_loop3A_1142] {strides = array<i32>} : memref<8192xf32, #tpu.memory_space<vmem>>, vector<16xf32>,
      %parallel_loop3A_1144 = arith.index_cast %parallel_loop3A_1114 : i32 to index
      %parallel_loop3A_1145 = tpu.vector_load %arg19[%parallel_loop3A_1144] {strides = array<i32>} : memref<8192xf32, #tpu.memory_space<vmem>>, vector<16xf32>,
      %parallel_loop3A_1146 = arith.index_cast %parallel_loop3A_1114 : i32 to index
      %parallel_loop3A_1147 = tpu.vector_load %arg20[%parallel_loop3A_1146] {strides = array<i32>} : memref<8192xf32, #tpu.memory_space<vmem>>, vector<16xf32>,
      %parallel_loop3A_1148 = arith.constant -4.37113883E-8 : f32
      %parallel_loop3A_1149 = vector.broadcast %parallel_loop3A_1148 : f32 to vector<16xf32>
      %parallel_loop3A_1150 = arith.mulf %parallel_loop3A_1149, %parallel_loop3A_1121 : vector<16xf32>
      %parallel_loop3A_1151 = arith.constant -4.37113883E-8 : f32
      %parallel_loop3A_1152 = vector.broadcast %parallel_loop3A_1151 : f32 to vector<16xf32>
      %parallel_loop3A_1153 = arith.mulf %parallel_loop3A_1152, %parallel_loop3A_1117 : vector<16xf32>
      %parallel_loop3A_1154 = arith.mulf %parallel_loop3A_1117, %parallel_loop3A_1143 : vector<16xf32>
      %parallel_loop3A_1155 = arith.mulf %parallel_loop3A_1150, %parallel_loop3A_1145 : vector<16xf32>
      %parallel_loop3A_1156 = arith.addf %parallel_loop3A_1154, %parallel_loop3A_1155 : vector<16xf32>
      %parallel_loop3A_1157 = arith.mulf %parallel_loop3A_1129, %parallel_loop3A_1147 : vector<16xf32>
      %parallel_loop3A_1158 = arith.addf %parallel_loop3A_1156, %parallel_loop3A_1157 : vector<16xf32>
      %parallel_loop3A_1159 = arith.mulf %parallel_loop3A_1125, %parallel_loop3A_1145 : vector<16xf32>
      %parallel_loop3A_1160 = arith.constant -4.37113883E-8 : f32
      %parallel_loop3A_1161 = vector.broadcast %parallel_loop3A_1160 : f32 to vector<16xf32>
      %parallel_loop3A_1162 = arith.mulf %parallel_loop3A_1161, %parallel_loop3A_1147 : vector<16xf32>
      %parallel_loop3A_1163 = arith.subf %parallel_loop3A_1159, %parallel_loop3A_1162 : vector<16xf32>
      %parallel_loop3A_1164 = arith.mulf %parallel_loop3A_1153, %parallel_loop3A_1145 : vector<16xf32>
      %parallel_loop3A_1165 = arith.mulf %parallel_loop3A_1133, %parallel_loop3A_1147 : vector<16xf32>
      %parallel_loop3A_1166 = arith.addf %parallel_loop3A_1164, %parallel_loop3A_1165 : vector<16xf32>
      %parallel_loop3A_1167 = arith.mulf %parallel_loop3A_1121, %parallel_loop3A_1143 : vector<16xf32>
      %parallel_loop3A_1168 = arith.subf %parallel_loop3A_1166, %parallel_loop3A_1167 : vector<16xf32>
      %parallel_loop3A_1169 = arith.index_cast %parallel_loop3A_1114 : i32 to index
      %parallel_loop3A_1170 = tpu.vector_load %arg18[%parallel_loop3A_1169] {strides = array<i32>} : memref<8192xf32, #tpu.memory_space<vmem>>, vector<16xf32>,
      tpu.vector_store %arg18[%parallel_loop3A_1169], %parallel_loop3A_1158 {strides = array<i32>} : memref<8192xf32, #tpu.memory_space<vmem>>, vector<16xf32>,
      %parallel_loop3A_1171 = arith.index_cast %parallel_loop3A_1114 : i32 to index
      %parallel_loop3A_1172 = tpu.vector_load %arg19[%parallel_loop3A_1171] {strides = array<i32>} : memref<8192xf32, #tpu.memory_space<vmem>>, vector<16xf32>,
      tpu.vector_store %arg19[%parallel_loop3A_1171], %parallel_loop3A_1163 {strides = array<i32>} : memref<8192xf32, #tpu.memory_space<vmem>>, vector<16xf32>,
      %parallel_loop3A_1173 = arith.index_cast %parallel_loop3A_1114 : i32 to index
      %parallel_loop3A_1174 = tpu.vector_load %arg20[%parallel_loop3A_1173] {strides = array<i32>} : memref<8192xf32, #tpu.memory_space<vmem>>, vector<16xf32>,
      tpu.vector_store %arg20[%parallel_loop3A_1173], %parallel_loop3A_1168 {strides = array<i32>} : memref<8192xf32, #tpu.memory_space<vmem>>, vector<16xf32>,
      %parallel_loop3A_1175 = arith.index_cast %parallel_loop3A_1114 : i32 to index
      %parallel_loop3A_1176 = tpu.vector_load %arg16[%parallel_loop3A_1175] {strides = array<i32>} : memref<8192xf32, #tpu.memory_space<vmem>>, vector<16xf32>,
      %parallel_loop3A_1177 = arith.addf %parallel_loop3A_1176, %parallel_loop3A_1137 : vector<16xf32>
      %parallel_loop3A_1178 = arith.index_cast %parallel_loop3A_1114 : i32 to index
      %parallel_loop3A_1179 = tpu.vector_load %arg16[%parallel_loop3A_1178] {strides = array<i32>} : memref<8192xf32, #tpu.memory_space<vmem>>, vector<16xf32>,
      tpu.vector_store %arg16[%parallel_loop3A_1178], %parallel_loop3A_1177 {strides = array<i32>} : memref<8192xf32, #tpu.memory_space<vmem>>, vector<16xf32>,
      %parallel_loop3A_1180 = arith.index_cast %parallel_loop3A_1114 : i32 to index
      %parallel_loop3A_1181 = tpu.vector_load %arg17[%parallel_loop3A_1180] {strides = array<i32>} : memref<8192xf32, #tpu.memory_space<vmem>>, vector<16xf32>,
      %parallel_loop3A_1182 = arith.addf %parallel_loop3A_1181, %parallel_loop3A_1141 : vector<16xf32>
      %parallel_loop3A_1183 = arith.index_cast %parallel_loop3A_1114 : i32 to index
      %parallel_loop3A_1184 = tpu.vector_load %arg17[%parallel_loop3A_1183] {strides = array<i32>} : memref<8192xf32, #tpu.memory_space<vmem>>, vector<16xf32>,
      tpu.vector_store %arg17[%parallel_loop3A_1183], %parallel_loop3A_1182 {strides = array<i32>} : memref<8192xf32, #tpu.memory_space<vmem>>, vector<16xf32>,
    } {sc.loop_unroll_factor = 8 : i64, sc.parallel_access}
    %add3A_810 = arith.constant 20480 : i32
    %add3A_811 = arith.addi %mul3A_2, %add3A_810 : i32
    %dma_start3A_812 = arith.constant 4096 : i32
    %dma_start3A_813 = tpu.memref_slice %arg16[%dma_start3A_812] : memref<8192xf32, #tpu.memory_space<vmem>> -> memref<4096xf32, #tpu.memory_space<vmem>>
    %dma_start3A_814 = tpu.memref_slice %arg9[%add3A_811] : memref<1048576xf32, #tpu.memory_space<hbm>> -> memref<4096xf32, #tpu.memory_space<hbm>>
    %dma_start3A_815 = tpu.memref_slice %arg9[%add3A_811] : memref<1048576xf32, #tpu.memory_space<hbm>> -> memref<4096xf32, #tpu.memory_space<hbm>>
    %dma_start3A_816 = arith.constant 4096 : i32
    %dma_start3A_817 = tpu.memref_slice %arg16[%dma_start3A_816] : memref<8192xf32, #tpu.memory_space<vmem>> -> memref<4096xf32, #tpu.memory_space<vmem>>
    tpu.enqueue_dma source(%dma_start3A_817 : memref<4096xf32, #tpu.memory_space<vmem>>) target(%dma_start3A_815 : memref<4096xf32, #tpu.memory_space<hbm>>) target_semaphore(%arg22 : memref<!tpu.dma_semaphore, #tpu.memory_space<semaphore_mem>>)
    %dma_start3A_818 = arith.constant 4096 : i32
    %dma_start3A_819 = tpu.memref_slice %arg17[%dma_start3A_818] : memref<8192xf32, #tpu.memory_space<vmem>> -> memref<4096xf32, #tpu.memory_space<vmem>>
    %dma_start3A_820 = tpu.memref_slice %arg10[%add3A_811] : memref<1048576xf32, #tpu.memory_space<hbm>> -> memref<4096xf32, #tpu.memory_space<hbm>>
    %dma_start3A_821 = tpu.memref_slice %arg10[%add3A_811] : memref<1048576xf32, #tpu.memory_space<hbm>> -> memref<4096xf32, #tpu.memory_space<hbm>>
    %dma_start3A_822 = arith.constant 4096 : i32
    %dma_start3A_823 = tpu.memref_slice %arg17[%dma_start3A_822] : memref<8192xf32, #tpu.memory_space<vmem>> -> memref<4096xf32, #tpu.memory_space<vmem>>
    tpu.enqueue_dma source(%dma_start3A_823 : memref<4096xf32, #tpu.memory_space<vmem>>) target(%dma_start3A_821 : memref<4096xf32, #tpu.memory_space<hbm>>) target_semaphore(%arg22 : memref<!tpu.dma_semaphore, #tpu.memory_space<semaphore_mem>>)
    %dma_start3A_824 = arith.constant 4096 : i32
    %dma_start3A_825 = tpu.memref_slice %arg18[%dma_start3A_824] : memref<8192xf32, #tpu.memory_space<vmem>> -> memref<4096xf32, #tpu.memory_space<vmem>>
    %dma_start3A_826 = tpu.memref_slice %arg11[%add3A_811] : memref<1048576xf32, #tpu.memory_space<hbm>> -> memref<4096xf32, #tpu.memory_space<hbm>>
    %dma_start3A_827 = tpu.memref_slice %arg11[%add3A_811] : memref<1048576xf32, #tpu.memory_space<hbm>> -> memref<4096xf32, #tpu.memory_space<hbm>>
    %dma_start3A_828 = arith.constant 4096 : i32
    %dma_start3A_829 = tpu.memref_slice %arg18[%dma_start3A_828] : memref<8192xf32, #tpu.memory_space<vmem>> -> memref<4096xf32, #tpu.memory_space<vmem>>
    tpu.enqueue_dma source(%dma_start3A_829 : memref<4096xf32, #tpu.memory_space<vmem>>) target(%dma_start3A_827 : memref<4096xf32, #tpu.memory_space<hbm>>) target_semaphore(%arg22 : memref<!tpu.dma_semaphore, #tpu.memory_space<semaphore_mem>>)
    %dma_start3A_830 = arith.constant 4096 : i32
    %dma_start3A_831 = tpu.memref_slice %arg19[%dma_start3A_830] : memref<8192xf32, #tpu.memory_space<vmem>> -> memref<4096xf32, #tpu.memory_space<vmem>>
    %dma_start3A_832 = tpu.memref_slice %arg12[%add3A_811] : memref<1048576xf32, #tpu.memory_space<hbm>> -> memref<4096xf32, #tpu.memory_space<hbm>>
    %dma_start3A_833 = tpu.memref_slice %arg12[%add3A_811] : memref<1048576xf32, #tpu.memory_space<hbm>> -> memref<4096xf32, #tpu.memory_space<hbm>>
    %dma_start3A_834 = arith.constant 4096 : i32
    %dma_start3A_835 = tpu.memref_slice %arg19[%dma_start3A_834] : memref<8192xf32, #tpu.memory_space<vmem>> -> memref<4096xf32, #tpu.memory_space<vmem>>
    tpu.enqueue_dma source(%dma_start3A_835 : memref<4096xf32, #tpu.memory_space<vmem>>) target(%dma_start3A_833 : memref<4096xf32, #tpu.memory_space<hbm>>) target_semaphore(%arg22 : memref<!tpu.dma_semaphore, #tpu.memory_space<semaphore_mem>>)
    %dma_start3A_836 = arith.constant 4096 : i32
    %dma_start3A_837 = tpu.memref_slice %arg20[%dma_start3A_836] : memref<8192xf32, #tpu.memory_space<vmem>> -> memref<4096xf32, #tpu.memory_space<vmem>>
    %dma_start3A_838 = tpu.memref_slice %arg13[%add3A_811] : memref<1048576xf32, #tpu.memory_space<hbm>> -> memref<4096xf32, #tpu.memory_space<hbm>>
    %dma_start3A_839 = tpu.memref_slice %arg13[%add3A_811] : memref<1048576xf32, #tpu.memory_space<hbm>> -> memref<4096xf32, #tpu.memory_space<hbm>>
    %dma_start3A_840 = arith.constant 4096 : i32
    %dma_start3A_841 = tpu.memref_slice %arg20[%dma_start3A_840] : memref<8192xf32, #tpu.memory_space<vmem>> -> memref<4096xf32, #tpu.memory_space<vmem>>
    tpu.enqueue_dma source(%dma_start3A_841 : memref<4096xf32, #tpu.memory_space<vmem>>) target(%dma_start3A_839 : memref<4096xf32, #tpu.memory_space<hbm>>) target_semaphore(%arg22 : memref<!tpu.dma_semaphore, #tpu.memory_space<semaphore_mem>>)
    %dma_wait3A_842 = arith.constant 4096 : i32
    %dma_wait3A_843 = tpu.memref_slice %arg16[%dma_wait3A_842] : memref<8192xf32, #tpu.memory_space<vmem>> -> memref<4096xf32, #tpu.memory_space<vmem>>
    %dma_wait3A_844 = tpu.memref_slice %arg9[%add3A_811] : memref<1048576xf32, #tpu.memory_space<hbm>> -> memref<4096xf32, #tpu.memory_space<hbm>>
    %dma_wait3A_845 = tpu.memref_slice %arg9[%add3A_811] : memref<1048576xf32, #tpu.memory_space<hbm>> -> memref<4096xf32, #tpu.memory_space<hbm>>
    %dma_wait3A_846 = arith.constant 4096 : i32
    %dma_wait3A_847 = tpu.memref_slice %arg16[%dma_wait3A_846] : memref<8192xf32, #tpu.memory_space<vmem>> -> memref<4096xf32, #tpu.memory_space<vmem>>
    tpu.wait_dma2 semaphore(%arg22 : memref<!tpu.dma_semaphore, #tpu.memory_space<semaphore_mem>>) src(%dma_wait3A_847 : memref<4096xf32, #tpu.memory_space<vmem>>) dst(%dma_wait3A_845 : memref<4096xf32, #tpu.memory_space<hbm>>)
    %dma_wait3A_848 = arith.constant 4096 : i32
    %dma_wait3A_849 = tpu.memref_slice %arg17[%dma_wait3A_848] : memref<8192xf32, #tpu.memory_space<vmem>> -> memref<4096xf32, #tpu.memory_space<vmem>>
    %dma_wait3A_850 = tpu.memref_slice %arg10[%add3A_811] : memref<1048576xf32, #tpu.memory_space<hbm>> -> memref<4096xf32, #tpu.memory_space<hbm>>
    %dma_wait3A_851 = tpu.memref_slice %arg10[%add3A_811] : memref<1048576xf32, #tpu.memory_space<hbm>> -> memref<4096xf32, #tpu.memory_space<hbm>>
    %dma_wait3A_852 = arith.constant 4096 : i32
    %dma_wait3A_853 = tpu.memref_slice %arg17[%dma_wait3A_852] : memref<8192xf32, #tpu.memory_space<vmem>> -> memref<4096xf32, #tpu.memory_space<vmem>>
    tpu.wait_dma2 semaphore(%arg22 : memref<!tpu.dma_semaphore, #tpu.memory_space<semaphore_mem>>) src(%dma_wait3A_853 : memref<4096xf32, #tpu.memory_space<vmem>>) dst(%dma_wait3A_851 : memref<4096xf32, #tpu.memory_space<hbm>>)
    %dma_wait3A_854 = arith.constant 4096 : i32
    %dma_wait3A_855 = tpu.memref_slice %arg18[%dma_wait3A_854] : memref<8192xf32, #tpu.memory_space<vmem>> -> memref<4096xf32, #tpu.memory_space<vmem>>
    %dma_wait3A_856 = tpu.memref_slice %arg11[%add3A_811] : memref<1048576xf32, #tpu.memory_space<hbm>> -> memref<4096xf32, #tpu.memory_space<hbm>>
    %dma_wait3A_857 = tpu.memref_slice %arg11[%add3A_811] : memref<1048576xf32, #tpu.memory_space<hbm>> -> memref<4096xf32, #tpu.memory_space<hbm>>
    %dma_wait3A_858 = arith.constant 4096 : i32
    %dma_wait3A_859 = tpu.memref_slice %arg18[%dma_wait3A_858] : memref<8192xf32, #tpu.memory_space<vmem>> -> memref<4096xf32, #tpu.memory_space<vmem>>
    tpu.wait_dma2 semaphore(%arg22 : memref<!tpu.dma_semaphore, #tpu.memory_space<semaphore_mem>>) src(%dma_wait3A_859 : memref<4096xf32, #tpu.memory_space<vmem>>) dst(%dma_wait3A_857 : memref<4096xf32, #tpu.memory_space<hbm>>)
    %dma_wait3A_860 = arith.constant 4096 : i32
    %dma_wait3A_861 = tpu.memref_slice %arg19[%dma_wait3A_860] : memref<8192xf32, #tpu.memory_space<vmem>> -> memref<4096xf32, #tpu.memory_space<vmem>>
    %dma_wait3A_862 = tpu.memref_slice %arg12[%add3A_811] : memref<1048576xf32, #tpu.memory_space<hbm>> -> memref<4096xf32, #tpu.memory_space<hbm>>
    %dma_wait3A_863 = tpu.memref_slice %arg12[%add3A_811] : memref<1048576xf32, #tpu.memory_space<hbm>> -> memref<4096xf32, #tpu.memory_space<hbm>>
    %dma_wait3A_864 = arith.constant 4096 : i32
    %dma_wait3A_865 = tpu.memref_slice %arg19[%dma_wait3A_864] : memref<8192xf32, #tpu.memory_space<vmem>> -> memref<4096xf32, #tpu.memory_space<vmem>>
    tpu.wait_dma2 semaphore(%arg22 : memref<!tpu.dma_semaphore, #tpu.memory_space<semaphore_mem>>) src(%dma_wait3A_865 : memref<4096xf32, #tpu.memory_space<vmem>>) dst(%dma_wait3A_863 : memref<4096xf32, #tpu.memory_space<hbm>>)
    %dma_wait3A_866 = arith.constant 4096 : i32
    %dma_wait3A_867 = tpu.memref_slice %arg20[%dma_wait3A_866] : memref<8192xf32, #tpu.memory_space<vmem>> -> memref<4096xf32, #tpu.memory_space<vmem>>
    %dma_wait3A_868 = tpu.memref_slice %arg13[%add3A_811] : memref<1048576xf32, #tpu.memory_space<hbm>> -> memref<4096xf32, #tpu.memory_space<hbm>>
    %dma_wait3A_869 = tpu.memref_slice %arg13[%add3A_811] : memref<1048576xf32, #tpu.memory_space<hbm>> -> memref<4096xf32, #tpu.memory_space<hbm>>
    %dma_wait3A_870 = arith.constant 4096 : i32
    %dma_wait3A_871 = tpu.memref_slice %arg20[%dma_wait3A_870] : memref<8192xf32, #tpu.memory_space<vmem>> -> memref<4096xf32, #tpu.memory_space<vmem>>
    tpu.wait_dma2 semaphore(%arg22 : memref<!tpu.dma_semaphore, #tpu.memory_space<semaphore_mem>>) src(%dma_wait3A_871 : memref<4096xf32, #tpu.memory_space<vmem>>) dst(%dma_wait3A_869 : memref<4096xf32, #tpu.memory_space<hbm>>)
    %add3A_872 = arith.constant 28672 : i32
    %add3A_873 = arith.addi %mul3A_2, %add3A_872 : i32
    %dma_start3A_874 = arith.constant 4096 : i32
    %dma_start3A_875 = tpu.memref_slice %arg15[%dma_start3A_874] : memref<8192xi32, #tpu.memory_space<vmem>> -> memref<4096xi32, #tpu.memory_space<vmem>>
    %dma_start3A_876 = tpu.memref_slice %arg3[%add3A_873] : memref<1048576xi32, #tpu.memory_space<hbm>> -> memref<4096xi32, #tpu.memory_space<hbm>>
    %dma_start3A_877 = arith.constant 4096 : i32
    %dma_start3A_878 = tpu.memref_slice %arg15[%dma_start3A_877] : memref<8192xi32, #tpu.memory_space<vmem>> -> memref<4096xi32, #tpu.memory_space<vmem>>
    %dma_start3A_879 = tpu.memref_slice %arg3[%add3A_873] : memref<1048576xi32, #tpu.memory_space<hbm>> -> memref<4096xi32, #tpu.memory_space<hbm>>
    tpu.enqueue_dma source(%dma_start3A_879 : memref<4096xi32, #tpu.memory_space<hbm>>) target(%dma_start3A_878 : memref<4096xi32, #tpu.memory_space<vmem>>) target_semaphore(%arg21 : memref<!tpu.dma_semaphore, #tpu.memory_space<semaphore_mem>>)
    %dma_start3A_880 = arith.constant 4096 : i32
    %dma_start3A_881 = tpu.memref_slice %arg16[%dma_start3A_880] : memref<8192xf32, #tpu.memory_space<vmem>> -> memref<4096xf32, #tpu.memory_space<vmem>>
    %dma_start3A_882 = tpu.memref_slice %arg4[%add3A_873] : memref<1048576xf32, #tpu.memory_space<hbm>> -> memref<4096xf32, #tpu.memory_space<hbm>>
    %dma_start3A_883 = arith.constant 4096 : i32
    %dma_start3A_884 = tpu.memref_slice %arg16[%dma_start3A_883] : memref<8192xf32, #tpu.memory_space<vmem>> -> memref<4096xf32, #tpu.memory_space<vmem>>
    %dma_start3A_885 = tpu.memref_slice %arg4[%add3A_873] : memref<1048576xf32, #tpu.memory_space<hbm>> -> memref<4096xf32, #tpu.memory_space<hbm>>
    tpu.enqueue_dma source(%dma_start3A_885 : memref<4096xf32, #tpu.memory_space<hbm>>) target(%dma_start3A_884 : memref<4096xf32, #tpu.memory_space<vmem>>) target_semaphore(%arg21 : memref<!tpu.dma_semaphore, #tpu.memory_space<semaphore_mem>>)
    %dma_start3A_886 = arith.constant 4096 : i32
    %dma_start3A_887 = tpu.memref_slice %arg17[%dma_start3A_886] : memref<8192xf32, #tpu.memory_space<vmem>> -> memref<4096xf32, #tpu.memory_space<vmem>>
    %dma_start3A_888 = tpu.memref_slice %arg5[%add3A_873] : memref<1048576xf32, #tpu.memory_space<hbm>> -> memref<4096xf32, #tpu.memory_space<hbm>>
    %dma_start3A_889 = arith.constant 4096 : i32
    %dma_start3A_890 = tpu.memref_slice %arg17[%dma_start3A_889] : memref<8192xf32, #tpu.memory_space<vmem>> -> memref<4096xf32, #tpu.memory_space<vmem>>
    %dma_start3A_891 = tpu.memref_slice %arg5[%add3A_873] : memref<1048576xf32, #tpu.memory_space<hbm>> -> memref<4096xf32, #tpu.memory_space<hbm>>
    tpu.enqueue_dma source(%dma_start3A_891 : memref<4096xf32, #tpu.memory_space<hbm>>) target(%dma_start3A_890 : memref<4096xf32, #tpu.memory_space<vmem>>) target_semaphore(%arg21 : memref<!tpu.dma_semaphore, #tpu.memory_space<semaphore_mem>>)
    %dma_start3A_892 = arith.constant 4096 : i32
    %dma_start3A_893 = tpu.memref_slice %arg18[%dma_start3A_892] : memref<8192xf32, #tpu.memory_space<vmem>> -> memref<4096xf32, #tpu.memory_space<vmem>>
    %dma_start3A_894 = tpu.memref_slice %arg6[%add3A_873] : memref<1048576xf32, #tpu.memory_space<hbm>> -> memref<4096xf32, #tpu.memory_space<hbm>>
    %dma_start3A_895 = arith.constant 4096 : i32
    %dma_start3A_896 = tpu.memref_slice %arg18[%dma_start3A_895] : memref<8192xf32, #tpu.memory_space<vmem>> -> memref<4096xf32, #tpu.memory_space<vmem>>
    %dma_start3A_897 = tpu.memref_slice %arg6[%add3A_873] : memref<1048576xf32, #tpu.memory_space<hbm>> -> memref<4096xf32, #tpu.memory_space<hbm>>
    tpu.enqueue_dma source(%dma_start3A_897 : memref<4096xf32, #tpu.memory_space<hbm>>) target(%dma_start3A_896 : memref<4096xf32, #tpu.memory_space<vmem>>) target_semaphore(%arg21 : memref<!tpu.dma_semaphore, #tpu.memory_space<semaphore_mem>>)
    %dma_start3A_898 = arith.constant 4096 : i32
    %dma_start3A_899 = tpu.memref_slice %arg19[%dma_start3A_898] : memref<8192xf32, #tpu.memory_space<vmem>> -> memref<4096xf32, #tpu.memory_space<vmem>>
    %dma_start3A_900 = tpu.memref_slice %arg7[%add3A_873] : memref<1048576xf32, #tpu.memory_space<hbm>> -> memref<4096xf32, #tpu.memory_space<hbm>>
    %dma_start3A_901 = arith.constant 4096 : i32
    %dma_start3A_902 = tpu.memref_slice %arg19[%dma_start3A_901] : memref<8192xf32, #tpu.memory_space<vmem>> -> memref<4096xf32, #tpu.memory_space<vmem>>
    %dma_start3A_903 = tpu.memref_slice %arg7[%add3A_873] : memref<1048576xf32, #tpu.memory_space<hbm>> -> memref<4096xf32, #tpu.memory_space<hbm>>
    tpu.enqueue_dma source(%dma_start3A_903 : memref<4096xf32, #tpu.memory_space<hbm>>) target(%dma_start3A_902 : memref<4096xf32, #tpu.memory_space<vmem>>) target_semaphore(%arg21 : memref<!tpu.dma_semaphore, #tpu.memory_space<semaphore_mem>>)
    %dma_start3A_904 = arith.constant 4096 : i32
    %dma_start3A_905 = tpu.memref_slice %arg20[%dma_start3A_904] : memref<8192xf32, #tpu.memory_space<vmem>> -> memref<4096xf32, #tpu.memory_space<vmem>>
    %dma_start3A_906 = tpu.memref_slice %arg8[%add3A_873] : memref<1048576xf32, #tpu.memory_space<hbm>> -> memref<4096xf32, #tpu.memory_space<hbm>>
    %dma_start3A_907 = arith.constant 4096 : i32
    %dma_start3A_908 = tpu.memref_slice %arg20[%dma_start3A_907] : memref<8192xf32, #tpu.memory_space<vmem>> -> memref<4096xf32, #tpu.memory_space<vmem>>
    %dma_start3A_909 = tpu.memref_slice %arg8[%add3A_873] : memref<1048576xf32, #tpu.memory_space<hbm>> -> memref<4096xf32, #tpu.memory_space<hbm>>
    tpu.enqueue_dma source(%dma_start3A_909 : memref<4096xf32, #tpu.memory_space<hbm>>) target(%dma_start3A_908 : memref<4096xf32, #tpu.memory_space<vmem>>) target_semaphore(%arg21 : memref<!tpu.dma_semaphore, #tpu.memory_space<semaphore_mem>>)
    %dma_wait3A_910 = arith.constant 0 : i32
    %dma_wait3A_911 = tpu.memref_slice %arg15[%dma_wait3A_910] : memref<8192xi32, #tpu.memory_space<vmem>> -> memref<4096xi32, #tpu.memory_space<vmem>>
    %dma_wait3A_912 = tpu.memref_slice %arg3[%add3A_734] : memref<1048576xi32, #tpu.memory_space<hbm>> -> memref<4096xi32, #tpu.memory_space<hbm>>
    %dma_wait3A_913 = arith.constant 0 : i32
    %dma_wait3A_914 = tpu.memref_slice %arg15[%dma_wait3A_913] : memref<8192xi32, #tpu.memory_space<vmem>> -> memref<4096xi32, #tpu.memory_space<vmem>>
    %dma_wait3A_915 = tpu.memref_slice %arg3[%add3A_734] : memref<1048576xi32, #tpu.memory_space<hbm>> -> memref<4096xi32, #tpu.memory_space<hbm>>
    tpu.wait_dma2 semaphore(%arg21 : memref<!tpu.dma_semaphore, #tpu.memory_space<semaphore_mem>>) src(%dma_wait3A_915 : memref<4096xi32, #tpu.memory_space<hbm>>) dst(%dma_wait3A_914 : memref<4096xi32, #tpu.memory_space<vmem>>)
    %dma_wait3A_916 = arith.constant 0 : i32
    %dma_wait3A_917 = tpu.memref_slice %arg16[%dma_wait3A_916] : memref<8192xf32, #tpu.memory_space<vmem>> -> memref<4096xf32, #tpu.memory_space<vmem>>
    %dma_wait3A_918 = tpu.memref_slice %arg4[%add3A_734] : memref<1048576xf32, #tpu.memory_space<hbm>> -> memref<4096xf32, #tpu.memory_space<hbm>>
    %dma_wait3A_919 = arith.constant 0 : i32
    %dma_wait3A_920 = tpu.memref_slice %arg16[%dma_wait3A_919] : memref<8192xf32, #tpu.memory_space<vmem>> -> memref<4096xf32, #tpu.memory_space<vmem>>
    %dma_wait3A_921 = tpu.memref_slice %arg4[%add3A_734] : memref<1048576xf32, #tpu.memory_space<hbm>> -> memref<4096xf32, #tpu.memory_space<hbm>>
    tpu.wait_dma2 semaphore(%arg21 : memref<!tpu.dma_semaphore, #tpu.memory_space<semaphore_mem>>) src(%dma_wait3A_921 : memref<4096xf32, #tpu.memory_space<hbm>>) dst(%dma_wait3A_920 : memref<4096xf32, #tpu.memory_space<vmem>>)
    %dma_wait3A_922 = arith.constant 0 : i32
    %dma_wait3A_923 = tpu.memref_slice %arg17[%dma_wait3A_922] : memref<8192xf32, #tpu.memory_space<vmem>> -> memref<4096xf32, #tpu.memory_space<vmem>>
    %dma_wait3A_924 = tpu.memref_slice %arg5[%add3A_734] : memref<1048576xf32, #tpu.memory_space<hbm>> -> memref<4096xf32, #tpu.memory_space<hbm>>
    %dma_wait3A_925 = arith.constant 0 : i32
    %dma_wait3A_926 = tpu.memref_slice %arg17[%dma_wait3A_925] : memref<8192xf32, #tpu.memory_space<vmem>> -> memref<4096xf32, #tpu.memory_space<vmem>>
    %dma_wait3A_927 = tpu.memref_slice %arg5[%add3A_734] : memref<1048576xf32, #tpu.memory_space<hbm>> -> memref<4096xf32, #tpu.memory_space<hbm>>
    tpu.wait_dma2 semaphore(%arg21 : memref<!tpu.dma_semaphore, #tpu.memory_space<semaphore_mem>>) src(%dma_wait3A_927 : memref<4096xf32, #tpu.memory_space<hbm>>) dst(%dma_wait3A_926 : memref<4096xf32, #tpu.memory_space<vmem>>)
    %dma_wait3A_928 = arith.constant 0 : i32
    %dma_wait3A_929 = tpu.memref_slice %arg18[%dma_wait3A_928] : memref<8192xf32, #tpu.memory_space<vmem>> -> memref<4096xf32, #tpu.memory_space<vmem>>
    %dma_wait3A_930 = tpu.memref_slice %arg6[%add3A_734] : memref<1048576xf32, #tpu.memory_space<hbm>> -> memref<4096xf32, #tpu.memory_space<hbm>>
    %dma_wait3A_931 = arith.constant 0 : i32
    %dma_wait3A_932 = tpu.memref_slice %arg18[%dma_wait3A_931] : memref<8192xf32, #tpu.memory_space<vmem>> -> memref<4096xf32, #tpu.memory_space<vmem>>
    %dma_wait3A_933 = tpu.memref_slice %arg6[%add3A_734] : memref<1048576xf32, #tpu.memory_space<hbm>> -> memref<4096xf32, #tpu.memory_space<hbm>>
    tpu.wait_dma2 semaphore(%arg21 : memref<!tpu.dma_semaphore, #tpu.memory_space<semaphore_mem>>) src(%dma_wait3A_933 : memref<4096xf32, #tpu.memory_space<hbm>>) dst(%dma_wait3A_932 : memref<4096xf32, #tpu.memory_space<vmem>>)
    %dma_wait3A_934 = arith.constant 0 : i32
    %dma_wait3A_935 = tpu.memref_slice %arg19[%dma_wait3A_934] : memref<8192xf32, #tpu.memory_space<vmem>> -> memref<4096xf32, #tpu.memory_space<vmem>>
    %dma_wait3A_936 = tpu.memref_slice %arg7[%add3A_734] : memref<1048576xf32, #tpu.memory_space<hbm>> -> memref<4096xf32, #tpu.memory_space<hbm>>
    %dma_wait3A_937 = arith.constant 0 : i32
    %dma_wait3A_938 = tpu.memref_slice %arg19[%dma_wait3A_937] : memref<8192xf32, #tpu.memory_space<vmem>> -> memref<4096xf32, #tpu.memory_space<vmem>>
    %dma_wait3A_939 = tpu.memref_slice %arg7[%add3A_734] : memref<1048576xf32, #tpu.memory_space<hbm>> -> memref<4096xf32, #tpu.memory_space<hbm>>
    tpu.wait_dma2 semaphore(%arg21 : memref<!tpu.dma_semaphore, #tpu.memory_space<semaphore_mem>>) src(%dma_wait3A_939 : memref<4096xf32, #tpu.memory_space<hbm>>) dst(%dma_wait3A_938 : memref<4096xf32, #tpu.memory_space<vmem>>)
    %dma_wait3A_940 = arith.constant 0 : i32
    %dma_wait3A_941 = tpu.memref_slice %arg20[%dma_wait3A_940] : memref<8192xf32, #tpu.memory_space<vmem>> -> memref<4096xf32, #tpu.memory_space<vmem>>
    %dma_wait3A_942 = tpu.memref_slice %arg8[%add3A_734] : memref<1048576xf32, #tpu.memory_space<hbm>> -> memref<4096xf32, #tpu.memory_space<hbm>>
    %dma_wait3A_943 = arith.constant 0 : i32
    %dma_wait3A_944 = tpu.memref_slice %arg20[%dma_wait3A_943] : memref<8192xf32, #tpu.memory_space<vmem>> -> memref<4096xf32, #tpu.memory_space<vmem>>
    %dma_wait3A_945 = tpu.memref_slice %arg8[%add3A_734] : memref<1048576xf32, #tpu.memory_space<hbm>> -> memref<4096xf32, #tpu.memory_space<hbm>>
    tpu.wait_dma2 semaphore(%arg21 : memref<!tpu.dma_semaphore, #tpu.memory_space<semaphore_mem>>) src(%dma_wait3A_945 : memref<4096xf32, #tpu.memory_space<hbm>>) dst(%dma_wait3A_944 : memref<4096xf32, #tpu.memory_space<vmem>>)
    %parallel_loop3A_946 = arith.constant 0 : i32
    %parallel_loop3A_947 = arith.constant 4096 : i32
    %parallel_loop3A_948 = arith.constant 16 : i32
    scf.for %parallel_loop3A_1112 = %parallel_loop3A_946 to %parallel_loop3A_947 step %parallel_loop3A_948  : i32 {
      %parallel_loop3A_1113 = arith.constant 0 : i32
      %parallel_loop3A_1114 = arith.addi %parallel_loop3A_1113, %parallel_loop3A_1112 : i32
      %parallel_loop3A_1115 = arith.index_cast %parallel_loop3A_1114 : i32 to index
      %parallel_loop3A_1116 = tpu.vector_load %arg15[%parallel_loop3A_1115] {strides = array<i32>} : memref<8192xi32, #tpu.memory_space<vmem>>, vector<16xi32>,
      %parallel_loop3A_1117 = tpu.vector_load_idx %arg14[%parallel_loop3A_1116] : memref<8192xf32, #tpu.memory_space<vmem>>[vector<16xi32>], vector<16xf32>,
      %parallel_loop3A_1118 = arith.constant 1024 : i32
      %parallel_loop3A_1119 = vector.broadcast %parallel_loop3A_1118 : i32 to vector<16xi32>
      %parallel_loop3A_1120 = arith.addi %parallel_loop3A_1116, %parallel_loop3A_1119 : vector<16xi32>
      %parallel_loop3A_1121 = tpu.vector_load_idx %arg14[%parallel_loop3A_1120] : memref<8192xf32, #tpu.memory_space<vmem>>[vector<16xi32>], vector<16xf32>,
      %parallel_loop3A_1122 = arith.constant 2048 : i32
      %parallel_loop3A_1123 = vector.broadcast %parallel_loop3A_1122 : i32 to vector<16xi32>
      %parallel_loop3A_1124 = arith.addi %parallel_loop3A_1116, %parallel_loop3A_1123 : vector<16xi32>
      %parallel_loop3A_1125 = tpu.vector_load_idx %arg14[%parallel_loop3A_1124] : memref<8192xf32, #tpu.memory_space<vmem>>[vector<16xi32>], vector<16xf32>,
      %parallel_loop3A_1126 = arith.constant 3072 : i32
      %parallel_loop3A_1127 = vector.broadcast %parallel_loop3A_1126 : i32 to vector<16xi32>
      %parallel_loop3A_1128 = arith.addi %parallel_loop3A_1116, %parallel_loop3A_1127 : vector<16xi32>
      %parallel_loop3A_1129 = tpu.vector_load_idx %arg14[%parallel_loop3A_1128] : memref<8192xf32, #tpu.memory_space<vmem>>[vector<16xi32>], vector<16xf32>,
      %parallel_loop3A_1130 = arith.constant 4096 : i32
      %parallel_loop3A_1131 = vector.broadcast %parallel_loop3A_1130 : i32 to vector<16xi32>
      %parallel_loop3A_1132 = arith.addi %parallel_loop3A_1116, %parallel_loop3A_1131 : vector<16xi32>
      %parallel_loop3A_1133 = tpu.vector_load_idx %arg14[%parallel_loop3A_1132] : memref<8192xf32, #tpu.memory_space<vmem>>[vector<16xi32>], vector<16xf32>,
      %parallel_loop3A_1134 = arith.constant 5120 : i32
      %parallel_loop3A_1135 = vector.broadcast %parallel_loop3A_1134 : i32 to vector<16xi32>
      %parallel_loop3A_1136 = arith.addi %parallel_loop3A_1116, %parallel_loop3A_1135 : vector<16xi32>
      %parallel_loop3A_1137 = tpu.vector_load_idx %arg14[%parallel_loop3A_1136] : memref<8192xf32, #tpu.memory_space<vmem>>[vector<16xi32>], vector<16xf32>,
      %parallel_loop3A_1138 = arith.constant 6144 : i32
      %parallel_loop3A_1139 = vector.broadcast %parallel_loop3A_1138 : i32 to vector<16xi32>
      %parallel_loop3A_1140 = arith.addi %parallel_loop3A_1116, %parallel_loop3A_1139 : vector<16xi32>
      %parallel_loop3A_1141 = tpu.vector_load_idx %arg14[%parallel_loop3A_1140] : memref<8192xf32, #tpu.memory_space<vmem>>[vector<16xi32>], vector<16xf32>,
      %parallel_loop3A_1142 = arith.index_cast %parallel_loop3A_1114 : i32 to index
      %parallel_loop3A_1143 = tpu.vector_load %arg18[%parallel_loop3A_1142] {strides = array<i32>} : memref<8192xf32, #tpu.memory_space<vmem>>, vector<16xf32>,
      %parallel_loop3A_1144 = arith.index_cast %parallel_loop3A_1114 : i32 to index
      %parallel_loop3A_1145 = tpu.vector_load %arg19[%parallel_loop3A_1144] {strides = array<i32>} : memref<8192xf32, #tpu.memory_space<vmem>>, vector<16xf32>,
      %parallel_loop3A_1146 = arith.index_cast %parallel_loop3A_1114 : i32 to index
      %parallel_loop3A_1147 = tpu.vector_load %arg20[%parallel_loop3A_1146] {strides = array<i32>} : memref<8192xf32, #tpu.memory_space<vmem>>, vector<16xf32>,
      %parallel_loop3A_1148 = arith.constant -4.37113883E-8 : f32
      %parallel_loop3A_1149 = vector.broadcast %parallel_loop3A_1148 : f32 to vector<16xf32>
      %parallel_loop3A_1150 = arith.mulf %parallel_loop3A_1149, %parallel_loop3A_1121 : vector<16xf32>
      %parallel_loop3A_1151 = arith.constant -4.37113883E-8 : f32
      %parallel_loop3A_1152 = vector.broadcast %parallel_loop3A_1151 : f32 to vector<16xf32>
      %parallel_loop3A_1153 = arith.mulf %parallel_loop3A_1152, %parallel_loop3A_1117 : vector<16xf32>
      %parallel_loop3A_1154 = arith.mulf %parallel_loop3A_1117, %parallel_loop3A_1143 : vector<16xf32>
      %parallel_loop3A_1155 = arith.mulf %parallel_loop3A_1150, %parallel_loop3A_1145 : vector<16xf32>
      %parallel_loop3A_1156 = arith.addf %parallel_loop3A_1154, %parallel_loop3A_1155 : vector<16xf32>
      %parallel_loop3A_1157 = arith.mulf %parallel_loop3A_1129, %parallel_loop3A_1147 : vector<16xf32>
      %parallel_loop3A_1158 = arith.addf %parallel_loop3A_1156, %parallel_loop3A_1157 : vector<16xf32>
      %parallel_loop3A_1159 = arith.mulf %parallel_loop3A_1125, %parallel_loop3A_1145 : vector<16xf32>
      %parallel_loop3A_1160 = arith.constant -4.37113883E-8 : f32
      %parallel_loop3A_1161 = vector.broadcast %parallel_loop3A_1160 : f32 to vector<16xf32>
      %parallel_loop3A_1162 = arith.mulf %parallel_loop3A_1161, %parallel_loop3A_1147 : vector<16xf32>
      %parallel_loop3A_1163 = arith.subf %parallel_loop3A_1159, %parallel_loop3A_1162 : vector<16xf32>
      %parallel_loop3A_1164 = arith.mulf %parallel_loop3A_1153, %parallel_loop3A_1145 : vector<16xf32>
      %parallel_loop3A_1165 = arith.mulf %parallel_loop3A_1133, %parallel_loop3A_1147 : vector<16xf32>
      %parallel_loop3A_1166 = arith.addf %parallel_loop3A_1164, %parallel_loop3A_1165 : vector<16xf32>
      %parallel_loop3A_1167 = arith.mulf %parallel_loop3A_1121, %parallel_loop3A_1143 : vector<16xf32>
      %parallel_loop3A_1168 = arith.subf %parallel_loop3A_1166, %parallel_loop3A_1167 : vector<16xf32>
      %parallel_loop3A_1169 = arith.index_cast %parallel_loop3A_1114 : i32 to index
      %parallel_loop3A_1170 = tpu.vector_load %arg18[%parallel_loop3A_1169] {strides = array<i32>} : memref<8192xf32, #tpu.memory_space<vmem>>, vector<16xf32>,
      tpu.vector_store %arg18[%parallel_loop3A_1169], %parallel_loop3A_1158 {strides = array<i32>} : memref<8192xf32, #tpu.memory_space<vmem>>, vector<16xf32>,
      %parallel_loop3A_1171 = arith.index_cast %parallel_loop3A_1114 : i32 to index
      %parallel_loop3A_1172 = tpu.vector_load %arg19[%parallel_loop3A_1171] {strides = array<i32>} : memref<8192xf32, #tpu.memory_space<vmem>>, vector<16xf32>,
      tpu.vector_store %arg19[%parallel_loop3A_1171], %parallel_loop3A_1163 {strides = array<i32>} : memref<8192xf32, #tpu.memory_space<vmem>>, vector<16xf32>,
      %parallel_loop3A_1173 = arith.index_cast %parallel_loop3A_1114 : i32 to index
      %parallel_loop3A_1174 = tpu.vector_load %arg20[%parallel_loop3A_1173] {strides = array<i32>} : memref<8192xf32, #tpu.memory_space<vmem>>, vector<16xf32>,
      tpu.vector_store %arg20[%parallel_loop3A_1173], %parallel_loop3A_1168 {strides = array<i32>} : memref<8192xf32, #tpu.memory_space<vmem>>, vector<16xf32>,
      %parallel_loop3A_1175 = arith.index_cast %parallel_loop3A_1114 : i32 to index
      %parallel_loop3A_1176 = tpu.vector_load %arg16[%parallel_loop3A_1175] {strides = array<i32>} : memref<8192xf32, #tpu.memory_space<vmem>>, vector<16xf32>,
      %parallel_loop3A_1177 = arith.addf %parallel_loop3A_1176, %parallel_loop3A_1137 : vector<16xf32>
      %parallel_loop3A_1178 = arith.index_cast %parallel_loop3A_1114 : i32 to index
      %parallel_loop3A_1179 = tpu.vector_load %arg16[%parallel_loop3A_1178] {strides = array<i32>} : memref<8192xf32, #tpu.memory_space<vmem>>, vector<16xf32>,
      tpu.vector_store %arg16[%parallel_loop3A_1178], %parallel_loop3A_1177 {strides = array<i32>} : memref<8192xf32, #tpu.memory_space<vmem>>, vector<16xf32>,
      %parallel_loop3A_1180 = arith.index_cast %parallel_loop3A_1114 : i32 to index
      %parallel_loop3A_1181 = tpu.vector_load %arg17[%parallel_loop3A_1180] {strides = array<i32>} : memref<8192xf32, #tpu.memory_space<vmem>>, vector<16xf32>,
      %parallel_loop3A_1182 = arith.addf %parallel_loop3A_1181, %parallel_loop3A_1141 : vector<16xf32>
      %parallel_loop3A_1183 = arith.index_cast %parallel_loop3A_1114 : i32 to index
      %parallel_loop3A_1184 = tpu.vector_load %arg17[%parallel_loop3A_1183] {strides = array<i32>} : memref<8192xf32, #tpu.memory_space<vmem>>, vector<16xf32>,
      tpu.vector_store %arg17[%parallel_loop3A_1183], %parallel_loop3A_1182 {strides = array<i32>} : memref<8192xf32, #tpu.memory_space<vmem>>, vector<16xf32>,
    } {sc.loop_unroll_factor = 8 : i64, sc.parallel_access}
    %add3A_949 = arith.constant 24576 : i32
    %add3A_950 = arith.addi %mul3A_2, %add3A_949 : i32
    %dma_start3A_951 = arith.constant 0 : i32
    %dma_start3A_952 = tpu.memref_slice %arg16[%dma_start3A_951] : memref<8192xf32, #tpu.memory_space<vmem>> -> memref<4096xf32, #tpu.memory_space<vmem>>
    %dma_start3A_953 = tpu.memref_slice %arg9[%add3A_950] : memref<1048576xf32, #tpu.memory_space<hbm>> -> memref<4096xf32, #tpu.memory_space<hbm>>
    %dma_start3A_954 = tpu.memref_slice %arg9[%add3A_950] : memref<1048576xf32, #tpu.memory_space<hbm>> -> memref<4096xf32, #tpu.memory_space<hbm>>
    %dma_start3A_955 = arith.constant 0 : i32
    %dma_start3A_956 = tpu.memref_slice %arg16[%dma_start3A_955] : memref<8192xf32, #tpu.memory_space<vmem>> -> memref<4096xf32, #tpu.memory_space<vmem>>
    tpu.enqueue_dma source(%dma_start3A_956 : memref<4096xf32, #tpu.memory_space<vmem>>) target(%dma_start3A_954 : memref<4096xf32, #tpu.memory_space<hbm>>) target_semaphore(%arg22 : memref<!tpu.dma_semaphore, #tpu.memory_space<semaphore_mem>>)
    %dma_start3A_957 = arith.constant 0 : i32
    %dma_start3A_958 = tpu.memref_slice %arg17[%dma_start3A_957] : memref<8192xf32, #tpu.memory_space<vmem>> -> memref<4096xf32, #tpu.memory_space<vmem>>
    %dma_start3A_959 = tpu.memref_slice %arg10[%add3A_950] : memref<1048576xf32, #tpu.memory_space<hbm>> -> memref<4096xf32, #tpu.memory_space<hbm>>
    %dma_start3A_960 = tpu.memref_slice %arg10[%add3A_950] : memref<1048576xf32, #tpu.memory_space<hbm>> -> memref<4096xf32, #tpu.memory_space<hbm>>
    %dma_start3A_961 = arith.constant 0 : i32
    %dma_start3A_962 = tpu.memref_slice %arg17[%dma_start3A_961] : memref<8192xf32, #tpu.memory_space<vmem>> -> memref<4096xf32, #tpu.memory_space<vmem>>
    tpu.enqueue_dma source(%dma_start3A_962 : memref<4096xf32, #tpu.memory_space<vmem>>) target(%dma_start3A_960 : memref<4096xf32, #tpu.memory_space<hbm>>) target_semaphore(%arg22 : memref<!tpu.dma_semaphore, #tpu.memory_space<semaphore_mem>>)
    %dma_start3A_963 = arith.constant 0 : i32
    %dma_start3A_964 = tpu.memref_slice %arg18[%dma_start3A_963] : memref<8192xf32, #tpu.memory_space<vmem>> -> memref<4096xf32, #tpu.memory_space<vmem>>
    %dma_start3A_965 = tpu.memref_slice %arg11[%add3A_950] : memref<1048576xf32, #tpu.memory_space<hbm>> -> memref<4096xf32, #tpu.memory_space<hbm>>
    %dma_start3A_966 = tpu.memref_slice %arg11[%add3A_950] : memref<1048576xf32, #tpu.memory_space<hbm>> -> memref<4096xf32, #tpu.memory_space<hbm>>
    %dma_start3A_967 = arith.constant 0 : i32
    %dma_start3A_968 = tpu.memref_slice %arg18[%dma_start3A_967] : memref<8192xf32, #tpu.memory_space<vmem>> -> memref<4096xf32, #tpu.memory_space<vmem>>
    tpu.enqueue_dma source(%dma_start3A_968 : memref<4096xf32, #tpu.memory_space<vmem>>) target(%dma_start3A_966 : memref<4096xf32, #tpu.memory_space<hbm>>) target_semaphore(%arg22 : memref<!tpu.dma_semaphore, #tpu.memory_space<semaphore_mem>>)
    %dma_start3A_969 = arith.constant 0 : i32
    %dma_start3A_970 = tpu.memref_slice %arg19[%dma_start3A_969] : memref<8192xf32, #tpu.memory_space<vmem>> -> memref<4096xf32, #tpu.memory_space<vmem>>
    %dma_start3A_971 = tpu.memref_slice %arg12[%add3A_950] : memref<1048576xf32, #tpu.memory_space<hbm>> -> memref<4096xf32, #tpu.memory_space<hbm>>
    %dma_start3A_972 = tpu.memref_slice %arg12[%add3A_950] : memref<1048576xf32, #tpu.memory_space<hbm>> -> memref<4096xf32, #tpu.memory_space<hbm>>
    %dma_start3A_973 = arith.constant 0 : i32
    %dma_start3A_974 = tpu.memref_slice %arg19[%dma_start3A_973] : memref<8192xf32, #tpu.memory_space<vmem>> -> memref<4096xf32, #tpu.memory_space<vmem>>
    tpu.enqueue_dma source(%dma_start3A_974 : memref<4096xf32, #tpu.memory_space<vmem>>) target(%dma_start3A_972 : memref<4096xf32, #tpu.memory_space<hbm>>) target_semaphore(%arg22 : memref<!tpu.dma_semaphore, #tpu.memory_space<semaphore_mem>>)
    %dma_start3A_975 = arith.constant 0 : i32
    %dma_start3A_976 = tpu.memref_slice %arg20[%dma_start3A_975] : memref<8192xf32, #tpu.memory_space<vmem>> -> memref<4096xf32, #tpu.memory_space<vmem>>
    %dma_start3A_977 = tpu.memref_slice %arg13[%add3A_950] : memref<1048576xf32, #tpu.memory_space<hbm>> -> memref<4096xf32, #tpu.memory_space<hbm>>
    %dma_start3A_978 = tpu.memref_slice %arg13[%add3A_950] : memref<1048576xf32, #tpu.memory_space<hbm>> -> memref<4096xf32, #tpu.memory_space<hbm>>
    %dma_start3A_979 = arith.constant 0 : i32
    %dma_start3A_980 = tpu.memref_slice %arg20[%dma_start3A_979] : memref<8192xf32, #tpu.memory_space<vmem>> -> memref<4096xf32, #tpu.memory_space<vmem>>
    tpu.enqueue_dma source(%dma_start3A_980 : memref<4096xf32, #tpu.memory_space<vmem>>) target(%dma_start3A_978 : memref<4096xf32, #tpu.memory_space<hbm>>) target_semaphore(%arg22 : memref<!tpu.dma_semaphore, #tpu.memory_space<semaphore_mem>>)
    %dma_wait3A_981 = arith.constant 4096 : i32
    %dma_wait3A_982 = tpu.memref_slice %arg15[%dma_wait3A_981] : memref<8192xi32, #tpu.memory_space<vmem>> -> memref<4096xi32, #tpu.memory_space<vmem>>
    %dma_wait3A_983 = tpu.memref_slice %arg3[%add3A_873] : memref<1048576xi32, #tpu.memory_space<hbm>> -> memref<4096xi32, #tpu.memory_space<hbm>>
    %dma_wait3A_984 = arith.constant 4096 : i32
    %dma_wait3A_985 = tpu.memref_slice %arg15[%dma_wait3A_984] : memref<8192xi32, #tpu.memory_space<vmem>> -> memref<4096xi32, #tpu.memory_space<vmem>>
    %dma_wait3A_986 = tpu.memref_slice %arg3[%add3A_873] : memref<1048576xi32, #tpu.memory_space<hbm>> -> memref<4096xi32, #tpu.memory_space<hbm>>
    tpu.wait_dma2 semaphore(%arg21 : memref<!tpu.dma_semaphore, #tpu.memory_space<semaphore_mem>>) src(%dma_wait3A_986 : memref<4096xi32, #tpu.memory_space<hbm>>) dst(%dma_wait3A_985 : memref<4096xi32, #tpu.memory_space<vmem>>)
    %dma_wait3A_987 = arith.constant 4096 : i32
    %dma_wait3A_988 = tpu.memref_slice %arg16[%dma_wait3A_987] : memref<8192xf32, #tpu.memory_space<vmem>> -> memref<4096xf32, #tpu.memory_space<vmem>>
    %dma_wait3A_989 = tpu.memref_slice %arg4[%add3A_873] : memref<1048576xf32, #tpu.memory_space<hbm>> -> memref<4096xf32, #tpu.memory_space<hbm>>
    %dma_wait3A_990 = arith.constant 4096 : i32
    %dma_wait3A_991 = tpu.memref_slice %arg16[%dma_wait3A_990] : memref<8192xf32, #tpu.memory_space<vmem>> -> memref<4096xf32, #tpu.memory_space<vmem>>
    %dma_wait3A_992 = tpu.memref_slice %arg4[%add3A_873] : memref<1048576xf32, #tpu.memory_space<hbm>> -> memref<4096xf32, #tpu.memory_space<hbm>>
    tpu.wait_dma2 semaphore(%arg21 : memref<!tpu.dma_semaphore, #tpu.memory_space<semaphore_mem>>) src(%dma_wait3A_992 : memref<4096xf32, #tpu.memory_space<hbm>>) dst(%dma_wait3A_991 : memref<4096xf32, #tpu.memory_space<vmem>>)
    %dma_wait3A_993 = arith.constant 4096 : i32
    %dma_wait3A_994 = tpu.memref_slice %arg17[%dma_wait3A_993] : memref<8192xf32, #tpu.memory_space<vmem>> -> memref<4096xf32, #tpu.memory_space<vmem>>
    %dma_wait3A_995 = tpu.memref_slice %arg5[%add3A_873] : memref<1048576xf32, #tpu.memory_space<hbm>> -> memref<4096xf32, #tpu.memory_space<hbm>>
    %dma_wait3A_996 = arith.constant 4096 : i32
    %dma_wait3A_997 = tpu.memref_slice %arg17[%dma_wait3A_996] : memref<8192xf32, #tpu.memory_space<vmem>> -> memref<4096xf32, #tpu.memory_space<vmem>>
    %dma_wait3A_998 = tpu.memref_slice %arg5[%add3A_873] : memref<1048576xf32, #tpu.memory_space<hbm>> -> memref<4096xf32, #tpu.memory_space<hbm>>
    tpu.wait_dma2 semaphore(%arg21 : memref<!tpu.dma_semaphore, #tpu.memory_space<semaphore_mem>>) src(%dma_wait3A_998 : memref<4096xf32, #tpu.memory_space<hbm>>) dst(%dma_wait3A_997 : memref<4096xf32, #tpu.memory_space<vmem>>)
    %dma_wait3A_999 = arith.constant 4096 : i32
    %dma_wait3A_1000 = tpu.memref_slice %arg18[%dma_wait3A_999] : memref<8192xf32, #tpu.memory_space<vmem>> -> memref<4096xf32, #tpu.memory_space<vmem>>
    %dma_wait3A_1001 = tpu.memref_slice %arg6[%add3A_873] : memref<1048576xf32, #tpu.memory_space<hbm>> -> memref<4096xf32, #tpu.memory_space<hbm>>
    %dma_wait3A_1002 = arith.constant 4096 : i32
    %dma_wait3A_1003 = tpu.memref_slice %arg18[%dma_wait3A_1002] : memref<8192xf32, #tpu.memory_space<vmem>> -> memref<4096xf32, #tpu.memory_space<vmem>>
    %dma_wait3A_1004 = tpu.memref_slice %arg6[%add3A_873] : memref<1048576xf32, #tpu.memory_space<hbm>> -> memref<4096xf32, #tpu.memory_space<hbm>>
    tpu.wait_dma2 semaphore(%arg21 : memref<!tpu.dma_semaphore, #tpu.memory_space<semaphore_mem>>) src(%dma_wait3A_1004 : memref<4096xf32, #tpu.memory_space<hbm>>) dst(%dma_wait3A_1003 : memref<4096xf32, #tpu.memory_space<vmem>>)
    %dma_wait3A_1005 = arith.constant 4096 : i32
    %dma_wait3A_1006 = tpu.memref_slice %arg19[%dma_wait3A_1005] : memref<8192xf32, #tpu.memory_space<vmem>> -> memref<4096xf32, #tpu.memory_space<vmem>>
    %dma_wait3A_1007 = tpu.memref_slice %arg7[%add3A_873] : memref<1048576xf32, #tpu.memory_space<hbm>> -> memref<4096xf32, #tpu.memory_space<hbm>>
    %dma_wait3A_1008 = arith.constant 4096 : i32
    %dma_wait3A_1009 = tpu.memref_slice %arg19[%dma_wait3A_1008] : memref<8192xf32, #tpu.memory_space<vmem>> -> memref<4096xf32, #tpu.memory_space<vmem>>
    %dma_wait3A_1010 = tpu.memref_slice %arg7[%add3A_873] : memref<1048576xf32, #tpu.memory_space<hbm>> -> memref<4096xf32, #tpu.memory_space<hbm>>
    tpu.wait_dma2 semaphore(%arg21 : memref<!tpu.dma_semaphore, #tpu.memory_space<semaphore_mem>>) src(%dma_wait3A_1010 : memref<4096xf32, #tpu.memory_space<hbm>>) dst(%dma_wait3A_1009 : memref<4096xf32, #tpu.memory_space<vmem>>)
    %dma_wait3A_1011 = arith.constant 4096 : i32
    %dma_wait3A_1012 = tpu.memref_slice %arg20[%dma_wait3A_1011] : memref<8192xf32, #tpu.memory_space<vmem>> -> memref<4096xf32, #tpu.memory_space<vmem>>
    %dma_wait3A_1013 = tpu.memref_slice %arg8[%add3A_873] : memref<1048576xf32, #tpu.memory_space<hbm>> -> memref<4096xf32, #tpu.memory_space<hbm>>
    %dma_wait3A_1014 = arith.constant 4096 : i32
    %dma_wait3A_1015 = tpu.memref_slice %arg20[%dma_wait3A_1014] : memref<8192xf32, #tpu.memory_space<vmem>> -> memref<4096xf32, #tpu.memory_space<vmem>>
    %dma_wait3A_1016 = tpu.memref_slice %arg8[%add3A_873] : memref<1048576xf32, #tpu.memory_space<hbm>> -> memref<4096xf32, #tpu.memory_space<hbm>>
    tpu.wait_dma2 semaphore(%arg21 : memref<!tpu.dma_semaphore, #tpu.memory_space<semaphore_mem>>) src(%dma_wait3A_1016 : memref<4096xf32, #tpu.memory_space<hbm>>) dst(%dma_wait3A_1015 : memref<4096xf32, #tpu.memory_space<vmem>>)
    %parallel_loop3A_1017 = arith.constant 0 : i32
    %parallel_loop3A_1018 = arith.constant 4096 : i32
    %parallel_loop3A_1019 = arith.constant 16 : i32
    scf.for %parallel_loop3A_1112 = %parallel_loop3A_1017 to %parallel_loop3A_1018 step %parallel_loop3A_1019  : i32 {
      %parallel_loop3A_1113 = arith.constant 4096 : i32
      %parallel_loop3A_1114 = arith.addi %parallel_loop3A_1113, %parallel_loop3A_1112 : i32
      %parallel_loop3A_1115 = arith.index_cast %parallel_loop3A_1114 : i32 to index
      %parallel_loop3A_1116 = tpu.vector_load %arg15[%parallel_loop3A_1115] {strides = array<i32>} : memref<8192xi32, #tpu.memory_space<vmem>>, vector<16xi32>,
      %parallel_loop3A_1117 = tpu.vector_load_idx %arg14[%parallel_loop3A_1116] : memref<8192xf32, #tpu.memory_space<vmem>>[vector<16xi32>], vector<16xf32>,
      %parallel_loop3A_1118 = arith.constant 1024 : i32
      %parallel_loop3A_1119 = vector.broadcast %parallel_loop3A_1118 : i32 to vector<16xi32>
      %parallel_loop3A_1120 = arith.addi %parallel_loop3A_1116, %parallel_loop3A_1119 : vector<16xi32>
      %parallel_loop3A_1121 = tpu.vector_load_idx %arg14[%parallel_loop3A_1120] : memref<8192xf32, #tpu.memory_space<vmem>>[vector<16xi32>], vector<16xf32>,
      %parallel_loop3A_1122 = arith.constant 2048 : i32
      %parallel_loop3A_1123 = vector.broadcast %parallel_loop3A_1122 : i32 to vector<16xi32>
      %parallel_loop3A_1124 = arith.addi %parallel_loop3A_1116, %parallel_loop3A_1123 : vector<16xi32>
      %parallel_loop3A_1125 = tpu.vector_load_idx %arg14[%parallel_loop3A_1124] : memref<8192xf32, #tpu.memory_space<vmem>>[vector<16xi32>], vector<16xf32>,
      %parallel_loop3A_1126 = arith.constant 3072 : i32
      %parallel_loop3A_1127 = vector.broadcast %parallel_loop3A_1126 : i32 to vector<16xi32>
      %parallel_loop3A_1128 = arith.addi %parallel_loop3A_1116, %parallel_loop3A_1127 : vector<16xi32>
      %parallel_loop3A_1129 = tpu.vector_load_idx %arg14[%parallel_loop3A_1128] : memref<8192xf32, #tpu.memory_space<vmem>>[vector<16xi32>], vector<16xf32>,
      %parallel_loop3A_1130 = arith.constant 4096 : i32
      %parallel_loop3A_1131 = vector.broadcast %parallel_loop3A_1130 : i32 to vector<16xi32>
      %parallel_loop3A_1132 = arith.addi %parallel_loop3A_1116, %parallel_loop3A_1131 : vector<16xi32>
      %parallel_loop3A_1133 = tpu.vector_load_idx %arg14[%parallel_loop3A_1132] : memref<8192xf32, #tpu.memory_space<vmem>>[vector<16xi32>], vector<16xf32>,
      %parallel_loop3A_1134 = arith.constant 5120 : i32
      %parallel_loop3A_1135 = vector.broadcast %parallel_loop3A_1134 : i32 to vector<16xi32>
      %parallel_loop3A_1136 = arith.addi %parallel_loop3A_1116, %parallel_loop3A_1135 : vector<16xi32>
      %parallel_loop3A_1137 = tpu.vector_load_idx %arg14[%parallel_loop3A_1136] : memref<8192xf32, #tpu.memory_space<vmem>>[vector<16xi32>], vector<16xf32>,
      %parallel_loop3A_1138 = arith.constant 6144 : i32
      %parallel_loop3A_1139 = vector.broadcast %parallel_loop3A_1138 : i32 to vector<16xi32>
      %parallel_loop3A_1140 = arith.addi %parallel_loop3A_1116, %parallel_loop3A_1139 : vector<16xi32>
      %parallel_loop3A_1141 = tpu.vector_load_idx %arg14[%parallel_loop3A_1140] : memref<8192xf32, #tpu.memory_space<vmem>>[vector<16xi32>], vector<16xf32>,
      %parallel_loop3A_1142 = arith.index_cast %parallel_loop3A_1114 : i32 to index
      %parallel_loop3A_1143 = tpu.vector_load %arg18[%parallel_loop3A_1142] {strides = array<i32>} : memref<8192xf32, #tpu.memory_space<vmem>>, vector<16xf32>,
      %parallel_loop3A_1144 = arith.index_cast %parallel_loop3A_1114 : i32 to index
      %parallel_loop3A_1145 = tpu.vector_load %arg19[%parallel_loop3A_1144] {strides = array<i32>} : memref<8192xf32, #tpu.memory_space<vmem>>, vector<16xf32>,
      %parallel_loop3A_1146 = arith.index_cast %parallel_loop3A_1114 : i32 to index
      %parallel_loop3A_1147 = tpu.vector_load %arg20[%parallel_loop3A_1146] {strides = array<i32>} : memref<8192xf32, #tpu.memory_space<vmem>>, vector<16xf32>,
      %parallel_loop3A_1148 = arith.constant -4.37113883E-8 : f32
      %parallel_loop3A_1149 = vector.broadcast %parallel_loop3A_1148 : f32 to vector<16xf32>
      %parallel_loop3A_1150 = arith.mulf %parallel_loop3A_1149, %parallel_loop3A_1121 : vector<16xf32>
      %parallel_loop3A_1151 = arith.constant -4.37113883E-8 : f32
      %parallel_loop3A_1152 = vector.broadcast %parallel_loop3A_1151 : f32 to vector<16xf32>
      %parallel_loop3A_1153 = arith.mulf %parallel_loop3A_1152, %parallel_loop3A_1117 : vector<16xf32>
      %parallel_loop3A_1154 = arith.mulf %parallel_loop3A_1117, %parallel_loop3A_1143 : vector<16xf32>
      %parallel_loop3A_1155 = arith.mulf %parallel_loop3A_1150, %parallel_loop3A_1145 : vector<16xf32>
      %parallel_loop3A_1156 = arith.addf %parallel_loop3A_1154, %parallel_loop3A_1155 : vector<16xf32>
      %parallel_loop3A_1157 = arith.mulf %parallel_loop3A_1129, %parallel_loop3A_1147 : vector<16xf32>
      %parallel_loop3A_1158 = arith.addf %parallel_loop3A_1156, %parallel_loop3A_1157 : vector<16xf32>
      %parallel_loop3A_1159 = arith.mulf %parallel_loop3A_1125, %parallel_loop3A_1145 : vector<16xf32>
      %parallel_loop3A_1160 = arith.constant -4.37113883E-8 : f32
      %parallel_loop3A_1161 = vector.broadcast %parallel_loop3A_1160 : f32 to vector<16xf32>
      %parallel_loop3A_1162 = arith.mulf %parallel_loop3A_1161, %parallel_loop3A_1147 : vector<16xf32>
      %parallel_loop3A_1163 = arith.subf %parallel_loop3A_1159, %parallel_loop3A_1162 : vector<16xf32>
      %parallel_loop3A_1164 = arith.mulf %parallel_loop3A_1153, %parallel_loop3A_1145 : vector<16xf32>
      %parallel_loop3A_1165 = arith.mulf %parallel_loop3A_1133, %parallel_loop3A_1147 : vector<16xf32>
      %parallel_loop3A_1166 = arith.addf %parallel_loop3A_1164, %parallel_loop3A_1165 : vector<16xf32>
      %parallel_loop3A_1167 = arith.mulf %parallel_loop3A_1121, %parallel_loop3A_1143 : vector<16xf32>
      %parallel_loop3A_1168 = arith.subf %parallel_loop3A_1166, %parallel_loop3A_1167 : vector<16xf32>
      %parallel_loop3A_1169 = arith.index_cast %parallel_loop3A_1114 : i32 to index
      %parallel_loop3A_1170 = tpu.vector_load %arg18[%parallel_loop3A_1169] {strides = array<i32>} : memref<8192xf32, #tpu.memory_space<vmem>>, vector<16xf32>,
      tpu.vector_store %arg18[%parallel_loop3A_1169], %parallel_loop3A_1158 {strides = array<i32>} : memref<8192xf32, #tpu.memory_space<vmem>>, vector<16xf32>,
      %parallel_loop3A_1171 = arith.index_cast %parallel_loop3A_1114 : i32 to index
      %parallel_loop3A_1172 = tpu.vector_load %arg19[%parallel_loop3A_1171] {strides = array<i32>} : memref<8192xf32, #tpu.memory_space<vmem>>, vector<16xf32>,
      tpu.vector_store %arg19[%parallel_loop3A_1171], %parallel_loop3A_1163 {strides = array<i32>} : memref<8192xf32, #tpu.memory_space<vmem>>, vector<16xf32>,
      %parallel_loop3A_1173 = arith.index_cast %parallel_loop3A_1114 : i32 to index
      %parallel_loop3A_1174 = tpu.vector_load %arg20[%parallel_loop3A_1173] {strides = array<i32>} : memref<8192xf32, #tpu.memory_space<vmem>>, vector<16xf32>,
      tpu.vector_store %arg20[%parallel_loop3A_1173], %parallel_loop3A_1168 {strides = array<i32>} : memref<8192xf32, #tpu.memory_space<vmem>>, vector<16xf32>,
      %parallel_loop3A_1175 = arith.index_cast %parallel_loop3A_1114 : i32 to index
      %parallel_loop3A_1176 = tpu.vector_load %arg16[%parallel_loop3A_1175] {strides = array<i32>} : memref<8192xf32, #tpu.memory_space<vmem>>, vector<16xf32>,
      %parallel_loop3A_1177 = arith.addf %parallel_loop3A_1176, %parallel_loop3A_1137 : vector<16xf32>
      %parallel_loop3A_1178 = arith.index_cast %parallel_loop3A_1114 : i32 to index
      %parallel_loop3A_1179 = tpu.vector_load %arg16[%parallel_loop3A_1178] {strides = array<i32>} : memref<8192xf32, #tpu.memory_space<vmem>>, vector<16xf32>,
      tpu.vector_store %arg16[%parallel_loop3A_1178], %parallel_loop3A_1177 {strides = array<i32>} : memref<8192xf32, #tpu.memory_space<vmem>>, vector<16xf32>,
      %parallel_loop3A_1180 = arith.index_cast %parallel_loop3A_1114 : i32 to index
      %parallel_loop3A_1181 = tpu.vector_load %arg17[%parallel_loop3A_1180] {strides = array<i32>} : memref<8192xf32, #tpu.memory_space<vmem>>, vector<16xf32>,
      %parallel_loop3A_1182 = arith.addf %parallel_loop3A_1181, %parallel_loop3A_1141 : vector<16xf32>
      %parallel_loop3A_1183 = arith.index_cast %parallel_loop3A_1114 : i32 to index
      %parallel_loop3A_1184 = tpu.vector_load %arg17[%parallel_loop3A_1183] {strides = array<i32>} : memref<8192xf32, #tpu.memory_space<vmem>>, vector<16xf32>,
      tpu.vector_store %arg17[%parallel_loop3A_1183], %parallel_loop3A_1182 {strides = array<i32>} : memref<8192xf32, #tpu.memory_space<vmem>>, vector<16xf32>,
    } {sc.loop_unroll_factor = 8 : i64, sc.parallel_access}
    %add3A_1020 = arith.constant 28672 : i32
    %add3A_1021 = arith.addi %mul3A_2, %add3A_1020 : i32
    %dma_start3A_1022 = arith.constant 4096 : i32
    %dma_start3A_1023 = tpu.memref_slice %arg16[%dma_start3A_1022] : memref<8192xf32, #tpu.memory_space<vmem>> -> memref<4096xf32, #tpu.memory_space<vmem>>
    %dma_start3A_1024 = tpu.memref_slice %arg9[%add3A_1021] : memref<1048576xf32, #tpu.memory_space<hbm>> -> memref<4096xf32, #tpu.memory_space<hbm>>
    %dma_start3A_1025 = tpu.memref_slice %arg9[%add3A_1021] : memref<1048576xf32, #tpu.memory_space<hbm>> -> memref<4096xf32, #tpu.memory_space<hbm>>
    %dma_start3A_1026 = arith.constant 4096 : i32
    %dma_start3A_1027 = tpu.memref_slice %arg16[%dma_start3A_1026] : memref<8192xf32, #tpu.memory_space<vmem>> -> memref<4096xf32, #tpu.memory_space<vmem>>
    tpu.enqueue_dma source(%dma_start3A_1027 : memref<4096xf32, #tpu.memory_space<vmem>>) target(%dma_start3A_1025 : memref<4096xf32, #tpu.memory_space<hbm>>) target_semaphore(%arg22 : memref<!tpu.dma_semaphore, #tpu.memory_space<semaphore_mem>>)
    %dma_start3A_1028 = arith.constant 4096 : i32
    %dma_start3A_1029 = tpu.memref_slice %arg17[%dma_start3A_1028] : memref<8192xf32, #tpu.memory_space<vmem>> -> memref<4096xf32, #tpu.memory_space<vmem>>
    %dma_start3A_1030 = tpu.memref_slice %arg10[%add3A_1021] : memref<1048576xf32, #tpu.memory_space<hbm>> -> memref<4096xf32, #tpu.memory_space<hbm>>
    %dma_start3A_1031 = tpu.memref_slice %arg10[%add3A_1021] : memref<1048576xf32, #tpu.memory_space<hbm>> -> memref<4096xf32, #tpu.memory_space<hbm>>
    %dma_start3A_1032 = arith.constant 4096 : i32
    %dma_start3A_1033 = tpu.memref_slice %arg17[%dma_start3A_1032] : memref<8192xf32, #tpu.memory_space<vmem>> -> memref<4096xf32, #tpu.memory_space<vmem>>
    tpu.enqueue_dma source(%dma_start3A_1033 : memref<4096xf32, #tpu.memory_space<vmem>>) target(%dma_start3A_1031 : memref<4096xf32, #tpu.memory_space<hbm>>) target_semaphore(%arg22 : memref<!tpu.dma_semaphore, #tpu.memory_space<semaphore_mem>>)
    %dma_start3A_1034 = arith.constant 4096 : i32
    %dma_start3A_1035 = tpu.memref_slice %arg18[%dma_start3A_1034] : memref<8192xf32, #tpu.memory_space<vmem>> -> memref<4096xf32, #tpu.memory_space<vmem>>
    %dma_start3A_1036 = tpu.memref_slice %arg11[%add3A_1021] : memref<1048576xf32, #tpu.memory_space<hbm>> -> memref<4096xf32, #tpu.memory_space<hbm>>
    %dma_start3A_1037 = tpu.memref_slice %arg11[%add3A_1021] : memref<1048576xf32, #tpu.memory_space<hbm>> -> memref<4096xf32, #tpu.memory_space<hbm>>
    %dma_start3A_1038 = arith.constant 4096 : i32
    %dma_start3A_1039 = tpu.memref_slice %arg18[%dma_start3A_1038] : memref<8192xf32, #tpu.memory_space<vmem>> -> memref<4096xf32, #tpu.memory_space<vmem>>
    tpu.enqueue_dma source(%dma_start3A_1039 : memref<4096xf32, #tpu.memory_space<vmem>>) target(%dma_start3A_1037 : memref<4096xf32, #tpu.memory_space<hbm>>) target_semaphore(%arg22 : memref<!tpu.dma_semaphore, #tpu.memory_space<semaphore_mem>>)
    %dma_start3A_1040 = arith.constant 4096 : i32
    %dma_start3A_1041 = tpu.memref_slice %arg19[%dma_start3A_1040] : memref<8192xf32, #tpu.memory_space<vmem>> -> memref<4096xf32, #tpu.memory_space<vmem>>
    %dma_start3A_1042 = tpu.memref_slice %arg12[%add3A_1021] : memref<1048576xf32, #tpu.memory_space<hbm>> -> memref<4096xf32, #tpu.memory_space<hbm>>
    %dma_start3A_1043 = tpu.memref_slice %arg12[%add3A_1021] : memref<1048576xf32, #tpu.memory_space<hbm>> -> memref<4096xf32, #tpu.memory_space<hbm>>
    %dma_start3A_1044 = arith.constant 4096 : i32
    %dma_start3A_1045 = tpu.memref_slice %arg19[%dma_start3A_1044] : memref<8192xf32, #tpu.memory_space<vmem>> -> memref<4096xf32, #tpu.memory_space<vmem>>
    tpu.enqueue_dma source(%dma_start3A_1045 : memref<4096xf32, #tpu.memory_space<vmem>>) target(%dma_start3A_1043 : memref<4096xf32, #tpu.memory_space<hbm>>) target_semaphore(%arg22 : memref<!tpu.dma_semaphore, #tpu.memory_space<semaphore_mem>>)
    %dma_start3A_1046 = arith.constant 4096 : i32
    %dma_start3A_1047 = tpu.memref_slice %arg20[%dma_start3A_1046] : memref<8192xf32, #tpu.memory_space<vmem>> -> memref<4096xf32, #tpu.memory_space<vmem>>
    %dma_start3A_1048 = tpu.memref_slice %arg13[%add3A_1021] : memref<1048576xf32, #tpu.memory_space<hbm>> -> memref<4096xf32, #tpu.memory_space<hbm>>
    %dma_start3A_1049 = tpu.memref_slice %arg13[%add3A_1021] : memref<1048576xf32, #tpu.memory_space<hbm>> -> memref<4096xf32, #tpu.memory_space<hbm>>
    %dma_start3A_1050 = arith.constant 4096 : i32
    %dma_start3A_1051 = tpu.memref_slice %arg20[%dma_start3A_1050] : memref<8192xf32, #tpu.memory_space<vmem>> -> memref<4096xf32, #tpu.memory_space<vmem>>
    tpu.enqueue_dma source(%dma_start3A_1051 : memref<4096xf32, #tpu.memory_space<vmem>>) target(%dma_start3A_1049 : memref<4096xf32, #tpu.memory_space<hbm>>) target_semaphore(%arg22 : memref<!tpu.dma_semaphore, #tpu.memory_space<semaphore_mem>>)
    %dma_wait3A_1052 = arith.constant 0 : i32
    %dma_wait3A_1053 = tpu.memref_slice %arg16[%dma_wait3A_1052] : memref<8192xf32, #tpu.memory_space<vmem>> -> memref<4096xf32, #tpu.memory_space<vmem>>
    %dma_wait3A_1054 = tpu.memref_slice %arg9[%add3A_950] : memref<1048576xf32, #tpu.memory_space<hbm>> -> memref<4096xf32, #tpu.memory_space<hbm>>
    %dma_wait3A_1055 = tpu.memref_slice %arg9[%add3A_950] : memref<1048576xf32, #tpu.memory_space<hbm>> -> memref<4096xf32, #tpu.memory_space<hbm>>
    %dma_wait3A_1056 = arith.constant 0 : i32
    %dma_wait3A_1057 = tpu.memref_slice %arg16[%dma_wait3A_1056] : memref<8192xf32, #tpu.memory_space<vmem>> -> memref<4096xf32, #tpu.memory_space<vmem>>
    tpu.wait_dma2 semaphore(%arg22 : memref<!tpu.dma_semaphore, #tpu.memory_space<semaphore_mem>>) src(%dma_wait3A_1057 : memref<4096xf32, #tpu.memory_space<vmem>>) dst(%dma_wait3A_1055 : memref<4096xf32, #tpu.memory_space<hbm>>)
    %dma_wait3A_1058 = arith.constant 0 : i32
    %dma_wait3A_1059 = tpu.memref_slice %arg17[%dma_wait3A_1058] : memref<8192xf32, #tpu.memory_space<vmem>> -> memref<4096xf32, #tpu.memory_space<vmem>>
    %dma_wait3A_1060 = tpu.memref_slice %arg10[%add3A_950] : memref<1048576xf32, #tpu.memory_space<hbm>> -> memref<4096xf32, #tpu.memory_space<hbm>>
    %dma_wait3A_1061 = tpu.memref_slice %arg10[%add3A_950] : memref<1048576xf32, #tpu.memory_space<hbm>> -> memref<4096xf32, #tpu.memory_space<hbm>>
    %dma_wait3A_1062 = arith.constant 0 : i32
    %dma_wait3A_1063 = tpu.memref_slice %arg17[%dma_wait3A_1062] : memref<8192xf32, #tpu.memory_space<vmem>> -> memref<4096xf32, #tpu.memory_space<vmem>>
    tpu.wait_dma2 semaphore(%arg22 : memref<!tpu.dma_semaphore, #tpu.memory_space<semaphore_mem>>) src(%dma_wait3A_1063 : memref<4096xf32, #tpu.memory_space<vmem>>) dst(%dma_wait3A_1061 : memref<4096xf32, #tpu.memory_space<hbm>>)
    %dma_wait3A_1064 = arith.constant 0 : i32
    %dma_wait3A_1065 = tpu.memref_slice %arg18[%dma_wait3A_1064] : memref<8192xf32, #tpu.memory_space<vmem>> -> memref<4096xf32, #tpu.memory_space<vmem>>
    %dma_wait3A_1066 = tpu.memref_slice %arg11[%add3A_950] : memref<1048576xf32, #tpu.memory_space<hbm>> -> memref<4096xf32, #tpu.memory_space<hbm>>
    %dma_wait3A_1067 = tpu.memref_slice %arg11[%add3A_950] : memref<1048576xf32, #tpu.memory_space<hbm>> -> memref<4096xf32, #tpu.memory_space<hbm>>
    %dma_wait3A_1068 = arith.constant 0 : i32
    %dma_wait3A_1069 = tpu.memref_slice %arg18[%dma_wait3A_1068] : memref<8192xf32, #tpu.memory_space<vmem>> -> memref<4096xf32, #tpu.memory_space<vmem>>
    tpu.wait_dma2 semaphore(%arg22 : memref<!tpu.dma_semaphore, #tpu.memory_space<semaphore_mem>>) src(%dma_wait3A_1069 : memref<4096xf32, #tpu.memory_space<vmem>>) dst(%dma_wait3A_1067 : memref<4096xf32, #tpu.memory_space<hbm>>)
    %dma_wait3A_1070 = arith.constant 0 : i32
    %dma_wait3A_1071 = tpu.memref_slice %arg19[%dma_wait3A_1070] : memref<8192xf32, #tpu.memory_space<vmem>> -> memref<4096xf32, #tpu.memory_space<vmem>>
    %dma_wait3A_1072 = tpu.memref_slice %arg12[%add3A_950] : memref<1048576xf32, #tpu.memory_space<hbm>> -> memref<4096xf32, #tpu.memory_space<hbm>>
    %dma_wait3A_1073 = tpu.memref_slice %arg12[%add3A_950] : memref<1048576xf32, #tpu.memory_space<hbm>> -> memref<4096xf32, #tpu.memory_space<hbm>>
    %dma_wait3A_1074 = arith.constant 0 : i32
    %dma_wait3A_1075 = tpu.memref_slice %arg19[%dma_wait3A_1074] : memref<8192xf32, #tpu.memory_space<vmem>> -> memref<4096xf32, #tpu.memory_space<vmem>>
    tpu.wait_dma2 semaphore(%arg22 : memref<!tpu.dma_semaphore, #tpu.memory_space<semaphore_mem>>) src(%dma_wait3A_1075 : memref<4096xf32, #tpu.memory_space<vmem>>) dst(%dma_wait3A_1073 : memref<4096xf32, #tpu.memory_space<hbm>>)
    %dma_wait3A_1076 = arith.constant 0 : i32
    %dma_wait3A_1077 = tpu.memref_slice %arg20[%dma_wait3A_1076] : memref<8192xf32, #tpu.memory_space<vmem>> -> memref<4096xf32, #tpu.memory_space<vmem>>
    %dma_wait3A_1078 = tpu.memref_slice %arg13[%add3A_950] : memref<1048576xf32, #tpu.memory_space<hbm>> -> memref<4096xf32, #tpu.memory_space<hbm>>
    %dma_wait3A_1079 = tpu.memref_slice %arg13[%add3A_950] : memref<1048576xf32, #tpu.memory_space<hbm>> -> memref<4096xf32, #tpu.memory_space<hbm>>
    %dma_wait3A_1080 = arith.constant 0 : i32
    %dma_wait3A_1081 = tpu.memref_slice %arg20[%dma_wait3A_1080] : memref<8192xf32, #tpu.memory_space<vmem>> -> memref<4096xf32, #tpu.memory_space<vmem>>
    tpu.wait_dma2 semaphore(%arg22 : memref<!tpu.dma_semaphore, #tpu.memory_space<semaphore_mem>>) src(%dma_wait3A_1081 : memref<4096xf32, #tpu.memory_space<vmem>>) dst(%dma_wait3A_1079 : memref<4096xf32, #tpu.memory_space<hbm>>)
    %dma_wait3A_1082 = arith.constant 4096 : i32
    %dma_wait3A_1083 = tpu.memref_slice %arg16[%dma_wait3A_1082] : memref<8192xf32, #tpu.memory_space<vmem>> -> memref<4096xf32, #tpu.memory_space<vmem>>
    %dma_wait3A_1084 = tpu.memref_slice %arg9[%add3A_1021] : memref<1048576xf32, #tpu.memory_space<hbm>> -> memref<4096xf32, #tpu.memory_space<hbm>>
    %dma_wait3A_1085 = tpu.memref_slice %arg9[%add3A_1021] : memref<1048576xf32, #tpu.memory_space<hbm>> -> memref<4096xf32, #tpu.memory_space<hbm>>
    %dma_wait3A_1086 = arith.constant 4096 : i32
    %dma_wait3A_1087 = tpu.memref_slice %arg16[%dma_wait3A_1086] : memref<8192xf32, #tpu.memory_space<vmem>> -> memref<4096xf32, #tpu.memory_space<vmem>>
    tpu.wait_dma2 semaphore(%arg22 : memref<!tpu.dma_semaphore, #tpu.memory_space<semaphore_mem>>) src(%dma_wait3A_1087 : memref<4096xf32, #tpu.memory_space<vmem>>) dst(%dma_wait3A_1085 : memref<4096xf32, #tpu.memory_space<hbm>>)
    %dma_wait3A_1088 = arith.constant 4096 : i32
    %dma_wait3A_1089 = tpu.memref_slice %arg17[%dma_wait3A_1088] : memref<8192xf32, #tpu.memory_space<vmem>> -> memref<4096xf32, #tpu.memory_space<vmem>>
    %dma_wait3A_1090 = tpu.memref_slice %arg10[%add3A_1021] : memref<1048576xf32, #tpu.memory_space<hbm>> -> memref<4096xf32, #tpu.memory_space<hbm>>
    %dma_wait3A_1091 = tpu.memref_slice %arg10[%add3A_1021] : memref<1048576xf32, #tpu.memory_space<hbm>> -> memref<4096xf32, #tpu.memory_space<hbm>>
    %dma_wait3A_1092 = arith.constant 4096 : i32
    %dma_wait3A_1093 = tpu.memref_slice %arg17[%dma_wait3A_1092] : memref<8192xf32, #tpu.memory_space<vmem>> -> memref<4096xf32, #tpu.memory_space<vmem>>
    tpu.wait_dma2 semaphore(%arg22 : memref<!tpu.dma_semaphore, #tpu.memory_space<semaphore_mem>>) src(%dma_wait3A_1093 : memref<4096xf32, #tpu.memory_space<vmem>>) dst(%dma_wait3A_1091 : memref<4096xf32, #tpu.memory_space<hbm>>)
    %dma_wait3A_1094 = arith.constant 4096 : i32
    %dma_wait3A_1095 = tpu.memref_slice %arg18[%dma_wait3A_1094] : memref<8192xf32, #tpu.memory_space<vmem>> -> memref<4096xf32, #tpu.memory_space<vmem>>
    %dma_wait3A_1096 = tpu.memref_slice %arg11[%add3A_1021] : memref<1048576xf32, #tpu.memory_space<hbm>> -> memref<4096xf32, #tpu.memory_space<hbm>>
    %dma_wait3A_1097 = tpu.memref_slice %arg11[%add3A_1021] : memref<1048576xf32, #tpu.memory_space<hbm>> -> memref<4096xf32, #tpu.memory_space<hbm>>
    %dma_wait3A_1098 = arith.constant 4096 : i32
    %dma_wait3A_1099 = tpu.memref_slice %arg18[%dma_wait3A_1098] : memref<8192xf32, #tpu.memory_space<vmem>> -> memref<4096xf32, #tpu.memory_space<vmem>>
    tpu.wait_dma2 semaphore(%arg22 : memref<!tpu.dma_semaphore, #tpu.memory_space<semaphore_mem>>) src(%dma_wait3A_1099 : memref<4096xf32, #tpu.memory_space<vmem>>) dst(%dma_wait3A_1097 : memref<4096xf32, #tpu.memory_space<hbm>>)
    %dma_wait3A_1100 = arith.constant 4096 : i32
    %dma_wait3A_1101 = tpu.memref_slice %arg19[%dma_wait3A_1100] : memref<8192xf32, #tpu.memory_space<vmem>> -> memref<4096xf32, #tpu.memory_space<vmem>>
    %dma_wait3A_1102 = tpu.memref_slice %arg12[%add3A_1021] : memref<1048576xf32, #tpu.memory_space<hbm>> -> memref<4096xf32, #tpu.memory_space<hbm>>
    %dma_wait3A_1103 = tpu.memref_slice %arg12[%add3A_1021] : memref<1048576xf32, #tpu.memory_space<hbm>> -> memref<4096xf32, #tpu.memory_space<hbm>>
    %dma_wait3A_1104 = arith.constant 4096 : i32
    %dma_wait3A_1105 = tpu.memref_slice %arg19[%dma_wait3A_1104] : memref<8192xf32, #tpu.memory_space<vmem>> -> memref<4096xf32, #tpu.memory_space<vmem>>
    tpu.wait_dma2 semaphore(%arg22 : memref<!tpu.dma_semaphore, #tpu.memory_space<semaphore_mem>>) src(%dma_wait3A_1105 : memref<4096xf32, #tpu.memory_space<vmem>>) dst(%dma_wait3A_1103 : memref<4096xf32, #tpu.memory_space<hbm>>)
    %dma_wait3A_1106 = arith.constant 4096 : i32
    %dma_wait3A_1107 = tpu.memref_slice %arg20[%dma_wait3A_1106] : memref<8192xf32, #tpu.memory_space<vmem>> -> memref<4096xf32, #tpu.memory_space<vmem>>
    %dma_wait3A_1108 = tpu.memref_slice %arg13[%add3A_1021] : memref<1048576xf32, #tpu.memory_space<hbm>> -> memref<4096xf32, #tpu.memory_space<hbm>>
    %dma_wait3A_1109 = tpu.memref_slice %arg13[%add3A_1021] : memref<1048576xf32, #tpu.memory_space<hbm>> -> memref<4096xf32, #tpu.memory_space<hbm>>
    %dma_wait3A_1110 = arith.constant 4096 : i32
    %dma_wait3A_1111 = tpu.memref_slice %arg20[%dma_wait3A_1110] : memref<8192xf32, #tpu.memory_space<vmem>> -> memref<4096xf32, #tpu.memory_space<vmem>>
    tpu.wait_dma2 semaphore(%arg22 : memref<!tpu.dma_semaphore, #tpu.memory_space<semaphore_mem>>) src(%dma_wait3A_1111 : memref<4096xf32, #tpu.memory_space<vmem>>) dst(%dma_wait3A_1109 : memref<4096xf32, #tpu.memory_space<hbm>>)
    return
  }
}

module attributes {stable_mosaic.version = 14 : i64} {
  func.func @_table_body(%arg0: memref<1x1024xf32, #tpu.memory_space<vmem>>, %arg1: memref<2x1024xf32, #tpu.memory_space<vmem>>, %arg2: memref<8x1024xf32, #tpu.memory_space<vmem>>) attributes {dimension_semantics = [], scalar_prefetch = 0 : i64, scratch_operands = 0 : i64, tpu.core_type = #tpu.core_type<tc>} {
    %get3A = arith.constant 0 : index
    %get3A_0 = arith.constant 0 : index
    %get3A_1 = vector.load %arg0[%get3A, %get3A_0] : memref<1x1024xf32, #tpu.memory_space<vmem>>, vector<1x1024xf32>
    %sub3A = arith.constant 1.57079637 : f32
    %sub3A_2 = vector.broadcast %sub3A : f32 to vector<1x1024xf32>
    %sub3A_3 = arith.subf %sub3A_2, %get3A_1 : vector<1x1024xf32>
    %sin3A = math.sin %sub3A_3 : vector<1x1024xf32>
    %cos3A = math.cos %sub3A_3 : vector<1x1024xf32>
    %mul3A = arith.constant -1.000000e+00 : f32
    %mul3A_4 = vector.broadcast %mul3A : f32 to vector<1x1024xf32>
    %mul3A_5 = arith.mulf %mul3A_4, %cos3A : vector<1x1024xf32>
    %mul3A_6 = arith.constant -1.000000e+00 : f32
    %mul3A_7 = vector.broadcast %mul3A_6 : f32 to vector<1x1024xf32>
    %mul3A_8 = arith.mulf %mul3A_7, %sin3A : vector<1x1024xf32>
    %mul3A_9 = arith.mulf %mul3A_5, %mul3A_5 : vector<1x1024xf32>
    %mul3A_10 = arith.mulf %mul3A_8, %mul3A_8 : vector<1x1024xf32>
    %add3A = arith.addf %mul3A_9, %mul3A_10 : vector<1x1024xf32>
    %sqrt3A = math.sqrt %add3A : vector<1x1024xf32>
    %div3A = arith.divf %mul3A_8, %sqrt3A : vector<1x1024xf32>
    %div3A_11 = arith.divf %mul3A_5, %sqrt3A : vector<1x1024xf32>
    %mul3A_12 = arith.mulf %mul3A_8, %div3A : vector<1x1024xf32>
    %mul3A_13 = arith.mulf %mul3A_5, %div3A_11 : vector<1x1024xf32>
    %add3A_14 = arith.addf %mul3A_12, %mul3A_13 : vector<1x1024xf32>
    %swap3A = arith.constant 0 : index
    %swap3A_15 = arith.constant 0 : index
    %swap3A_16 = vector.load %arg2[%swap3A, %swap3A_15] : memref<8x1024xf32, #tpu.memory_space<vmem>>, vector<1x1024xf32>
    tpu.vector_store %arg2[%swap3A, %swap3A_15], %div3A {strides = array<i32>} : memref<8x1024xf32, #tpu.memory_space<vmem>>, vector<1x1024xf32>,
    %swap3A_17 = arith.constant 1 : index
    %swap3A_18 = arith.constant 0 : index
    %swap3A_19 = vector.load %arg2[%swap3A_17, %swap3A_18] : memref<8x1024xf32, #tpu.memory_space<vmem>>, vector<1x1024xf32>
    tpu.vector_store %arg2[%swap3A_17, %swap3A_18], %div3A_11 {strides = array<i32>} : memref<8x1024xf32, #tpu.memory_space<vmem>>, vector<1x1024xf32>,
    %swap3A_20 = arith.constant 2 : index
    %swap3A_21 = arith.constant 0 : index
    %swap3A_22 = vector.load %arg2[%swap3A_20, %swap3A_21] : memref<8x1024xf32, #tpu.memory_space<vmem>>, vector<1x1024xf32>
    tpu.vector_store %arg2[%swap3A_20, %swap3A_21], %add3A_14 {strides = array<i32>} : memref<8x1024xf32, #tpu.memory_space<vmem>>, vector<1x1024xf32>,
    %swap3A_23 = arith.constant 3 : index
    %swap3A_24 = arith.constant 0 : index
    %swap3A_25 = vector.load %arg2[%swap3A_23, %swap3A_24] : memref<8x1024xf32, #tpu.memory_space<vmem>>, vector<1x1024xf32>
    tpu.vector_store %arg2[%swap3A_23, %swap3A_24], %mul3A_5 {strides = array<i32>} : memref<8x1024xf32, #tpu.memory_space<vmem>>, vector<1x1024xf32>,
    %swap3A_26 = arith.constant 4 : index
    %swap3A_27 = arith.constant 0 : index
    %swap3A_28 = vector.load %arg2[%swap3A_26, %swap3A_27] : memref<8x1024xf32, #tpu.memory_space<vmem>>, vector<1x1024xf32>
    tpu.vector_store %arg2[%swap3A_26, %swap3A_27], %mul3A_8 {strides = array<i32>} : memref<8x1024xf32, #tpu.memory_space<vmem>>, vector<1x1024xf32>,
    %get3A_29 = arith.constant 0 : index
    %get3A_30 = arith.constant 0 : index
    %get3A_31 = vector.load %arg1[%get3A_29, %get3A_30] : memref<2x1024xf32, #tpu.memory_space<vmem>>, vector<1x1024xf32>
    %swap3A_32 = arith.constant 5 : index
    %swap3A_33 = arith.constant 0 : index
    %swap3A_34 = vector.load %arg2[%swap3A_32, %swap3A_33] : memref<8x1024xf32, #tpu.memory_space<vmem>>, vector<1x1024xf32>
    tpu.vector_store %arg2[%swap3A_32, %swap3A_33], %get3A_31 {strides = array<i32>} : memref<8x1024xf32, #tpu.memory_space<vmem>>, vector<1x1024xf32>,
    %get3A_35 = arith.constant 1 : index
    %get3A_36 = arith.constant 0 : index
    %get3A_37 = vector.load %arg1[%get3A_35, %get3A_36] : memref<2x1024xf32, #tpu.memory_space<vmem>>, vector<1x1024xf32>
    %swap3A_38 = arith.constant 6 : index
    %swap3A_39 = arith.constant 0 : index
    %swap3A_40 = vector.load %arg2[%swap3A_38, %swap3A_39] : memref<8x1024xf32, #tpu.memory_space<vmem>>, vector<1x1024xf32>
    tpu.vector_store %arg2[%swap3A_38, %swap3A_39], %get3A_37 {strides = array<i32>} : memref<8x1024xf32, #tpu.memory_space<vmem>>, vector<1x1024xf32>,
    %broadcast_in_dim3A = arith.constant 0.000000e+00 : f32
    %broadcast_in_dim3A_41 = vector.broadcast %broadcast_in_dim3A : f32 to vector<1x1024xf32>
    %swap3A_42 = arith.constant 7 : index
    %swap3A_43 = arith.constant 0 : index
    %swap3A_44 = vector.load %arg2[%swap3A_42, %swap3A_43] : memref<8x1024xf32, #tpu.memory_space<vmem>>, vector<1x1024xf32>
    tpu.vector_store %arg2[%swap3A_42, %swap3A_43], %broadcast_in_dim3A_41 {strides = array<i32>} : memref<8x1024xf32, #tpu.memory_space<vmem>>, vector<1x1024xf32>,
    return
  }
}

</mosaic_0001>

<sc_bundles>
// kernel: kernel.4.cloned.1.call-start
scs
__scs_entry_jumppad:
0x0: {  	(pc) =	sbr.rel $0x88, $3  }
0x1: {  	(tag) =	ssettag $0x0;
	lr =	simm.s32 $0x1  }
0x2: {  	[smem:$0x3F9C] =	sst lr;
	_ =	strace $0xD0000000  }
0x3: {  	_ = 	snop  }
0x4: {  	_ = 	snop  }
0x5: {  	_ = 	snop  }
0x6: {  	_ = 	snop  }
0x7: {  	_ = 	snop  }
__scs_overlays_trampoline_lowered:
0x8: {  	[smem:$0x3FAB] =	sst s0  }
0x9: {  	[smem:$0x3FAC] =	sst s1  }
0xa: {  	[smem:$0x3FAD] =	sst s2  }
0xb: {  	[smem:$0x3FAE] =	sst s3  }
0xc: {  	[smem:$0x3FAF] =	sst s4  }
0xd: {  	[smem:$0x3FB0] =	sst s5  }
0xe: {  	[smem:$0x3FB1] =	sst s6  }
0xf: {  	[smem:$0x3FB2] =	sst s7  }
0x10: {  	[smem:$0x3FB3] =	sst s8  }
0x11: {  	[smem:$0x3FB4] =	sst s9;
	s0 =	simm.s32 @!p0 $0x0  }
0x12: {  	s1 =	sld [smem:$0x3F9A];
	s0 =	simm.s32 @p0 $0x1  }
0x13: {  	[smem:$0x3FB5] =	sst s0;
	s0 =	simm.s32 @!p1 $0x0  }
0x14: {  	s2 =	sld [smem:$0x3F99];
	s0 =	simm.s32 @p1 $0x1  }
0x15: {  	[smem:$0x3FB6] =	sst s0;
	s0 =	simm.s32 @!p2 $0x0  }
0x16: {  	s3 =	sld [smem:$0x3FDB];
	s0 =	simm.s32 @p2 $0x1  }
0x17: {  	s4 =	simm.s32 $0x1BF5;
	[smem:$0x3FB8] =	sst s0  }
0x18: {  	s0 =	sld [smem:$0x3F9B];
	_ =	swait.ge [sflag:s4], $0x0  }
0x19: {  	s7 =	sld [smem:$0x3F9C]  }
0x1a: {  	s8 =	sadd.s32 $0xFFFFE003, lr  }
0x1b: {  	s9 =	sadd.s32 $0xFFFFFEF7, lr;
	s5 =	simm.s32 $0xFFFFFFFF;
	p2 =	slt.u32 s8, $0xFFFFF086  }
0x1c: {  	p1 =	slt.u32 s9, $0xF7A;
	s5 =	simm.s32 @!p2 $0x0  }
0x1d: {  	s5 =	simm.s32 @p1 $0x1;
	p0 =	seq.s32 s7, s2  }
0x1e: {  	s7 =	smul.u32 @!p0 $0xF7A, s2;
	p2 =	seq.s32 @!p0 s5, $0x0  }
0x1f: {  	s9 =	smul.u32 $0xF7A, s1;
	s8 =	simm.s32 @!p0 $0x1BF5;
	p2 =	por !p2, p0  }
0x20: {  	[sflag:s8] =	ssyncset.s32 @!p0 $0xFFFFF086;
	s6 =	sadd.s32 @!p0 s3, s7;
	s7 =	simm.s32 @!p0 $0x108  }
0x21: {  	s3 =	sadd.s32 s3, s9;
	s6 =	sadd.s32 @!p0 $0x88, s6;
	s7 =	simm.s32 @p2 $0x1082  }
0x22: {  	[simem:s7], [sflag:s8] =	dma.local @!p0 [hbm:s6], $0xF7A  }
0x23: {  	s9 =	sor.u32 $0xD0000000, s2;
	s6 =	simm.s32 $0x108;
	_ =	swait.ge @!p0 [sflag:s8], $0x0  }
0x24: {  	s3 =	sadd.s32 $0x88, s3;
	s6 =	simm.s32 @!p1 $0x1082;
	[sflag:s4] =	ssyncset.s32 $0xFFFFF086  }
0x25: {  	[simem:s6], [sflag:s4] =	dma.local [hbm:s3], $0xF7A  }
0x26: {  	[smem:$0x3F9C] =	sst s1;
	(tag) =	ssettag s2;
	_ =	strace s9  }
0x27: {  	s1 =	sld [smem:$0x3FAC]  }
0x28: {  	s2 =	sld [smem:$0x3FAD]  }
0x29: {  	s4 =	sld [smem:$0x3FAF]  }
0x2a: {  	p0 =	seq.s32 s5, $0x0;
	s5 =	sld [smem:$0x3FB0]  }
0x2b: {  	s6 =	sld [smem:$0x3FB1]  }
0x2c: {  	s7 =	sld [smem:$0x3FB2]  }
0x2d: {  	s3 =	simm.s32 $0x108;
	s8 =	sld [smem:$0x3FB3]  }
0x2e: {  	s3 =	simm.s32 @!p0 $0x1082;
	s9 =	sld [smem:$0x3FB4]  }
0x2f: {  	lr =	sadd.s32 s0, s3;
	s0 =	sld [smem:$0x3FAB]  }
0x30: {  	s3 =	sld [smem:$0x3FAE]  }
0x31: {  	[smem:$0x3FB7] =	sst s10  }
0x32: {  	s10 =	sld [smem:$0x3FB5];
	_ =	sdelay $0x3  }
0x33: {  	p0 =	seq.s32 s10, $0x1;
	s10 =	sld [smem:$0x3FB7];
	_ =	sdelay $0x3  }
0x34: {  	[smem:$0x3FB7] =	sst s10  }
0x35: {  	s10 =	sld [smem:$0x3FB6];
	_ =	sdelay $0x3  }
0x36: {  	p1 =	seq.s32 s10, $0x1;
	s10 =	sld [smem:$0x3FB7];
	_ =	sdelay $0x3  }
0x37: {  	[smem:$0x3FB7] =	sst s10  }
0x38: {  	s10 =	sld [smem:$0x3FB8]  }
0x39: {  	_ = 	snop;
	(pc) =	sbr.ind lr, $3  }
0x3a: {  	_ = 	snop  }
0x3b: {  	_ = 	snop  }
0x3c: {  	p2 =	seq.s32 s10, $0x1;
	s10 =	sld [smem:$0x3FB7]  }
0x3d: {  	_ =	shalt  }
0x3e: {  	_ =	shalt  }
0x3f: {  	_ =	shalt  }
0x40: {  	_ =	shalt  }
0x41: {  	_ =	shalt  }
0x42: {  	_ =	shalt  }
0x43: {  	_ =	shalt  }
0x44: {  	_ =	shalt  }
0x45: {  	_ =	shalt  }
0x46: {  	_ =	shalt  }
0x47: {  	_ =	shalt  }
0x48: {  	_ =	shalt  }
0x49: {  	_ =	shalt  }
0x4a: {  	_ =	shalt  }
0x4b: {  	_ =	shalt  }
0x4c: {  	_ =	shalt  }
0x4d: {  	_ =	shalt  }
0x4e: {  	_ =	shalt  }
0x4f: {  	_ =	shalt  }
0x50: {  	_ =	shalt  }
0x51: {  	_ =	shalt  }
0x52: {  	_ =	shalt  }
0x53: {  	_ =	shalt  }
0x54: {  	_ =	shalt  }
0x55: {  	_ =	shalt  }
0x56: {  	_ =	shalt  }
0x57: {  	_ =	shalt  }
0x58: {  	_ =	shalt  }
0x59: {  	_ =	shalt  }
0x5a: {  	_ =	shalt  }
0x5b: {  	_ =	shalt  }
0x5c: {  	_ =	shalt  }
0x5d: {  	_ =	shalt  }
0x5e: {  	_ =	shalt  }
0x5f: {  	_ =	shalt  }
0x60: {  	_ =	shalt  }
0x61: {  	_ =	shalt  }
0x62: {  	_ =	shalt  }
0x63: {  	_ =	shalt  }
0x64: {  	_ =	shalt  }
0x65: {  	_ =	shalt  }
0x66: {  	_ =	shalt  }
0x67: {  	_ =	shalt  }
0x68: {  	_ =	shalt  }
0x69: {  	_ =	shalt  }
0x6a: {  	_ =	shalt  }
0x6b: {  	_ =	shalt  }
0x6c: {  	_ =	shalt  }
0x6d: {  	_ =	shalt  }
0x6e: {  	_ =	shalt  }
0x6f: {  	_ =	shalt  }
0x70: {  	_ =	shalt  }
0x71: {  	_ =	shalt  }
0x72: {  	_ =	shalt  }
0x73: {  	_ =	shalt  }
0x74: {  	_ =	shalt  }
0x75: {  	_ =	shalt  }
0x76: {  	_ =	shalt  }
0x77: {  	_ =	shalt  }
0x78: {  	_ =	shalt  }
0x79: {  	_ =	shalt  }
0x7a: {  	_ =	shalt  }
0x7b: {  	_ =	shalt  }
0x7c: {  	_ =	shalt  }
0x7d: {  	_ =	shalt  }
0x7e: {  	_ =	shalt  }
0x7f: {  	_ =	shalt  }
0x80: {  	_ =	shalt  }
0x81: {  	_ =	shalt  }
0x82: {  	_ =	shalt  }
0x83: {  	_ =	shalt  }
0x84: {  	_ =	shalt  }
0x85: {  	_ =	shalt  }
0x86: {  	_ =	shalt  }
0x87: {  	_ =	shalt  }
.Lfunc_end0:
.L_simem_size_0:
called_computation_lowered:
.L_overlay_start_0:
0x88: {  	s2 =	sld [smem:$0x3FD9]  }
0x89: {  	s3 =	sld [smem:$0x3FFE];
	_ =	sdelay $0x1  }
0x8a: {  	s1 =	srdreg.scid  }
0x8b: {  	s0 =	sand.u32 $0x1, s1  }
0x8c: {  	s14 =	sshll.u32 s0, $0xA;
	s2 =	sadd.s32 s3, s2  }
0x8d: {  	s2 =	sadd.s32 s2, s14  }
0x8e: {  	[smem:$0x3FC3] =	sst s2  }
0x8f: {  	_ = 	snop  }
0x90: {  	s2 =	sld [smem:$0x3FD0];
	_ =	sdelay $0x2  }
0x91: {  	s4 =	simm.s32 $0xA;
	s5 =	simm.s32 $0x10;
	s15 =	sld [smem:$0x3FC7]  }
0x92: {  	[smem:s5], [sflag:s4] =	dma.local [hbm:s2], $0x1  }
0x93: {  	_ =	swait.eq [sflag:s4], $0x1  }
0x94: {  	[sflag:s4] =	ssyncset.done $0x0  }
0x95: {  	s16 =	sld [smem:$0x10];
	[sflag:s4] =	ssyncadd.s32 $0xFFFFFFFF  }
0x96: {  	s17 =	sld [smem:$0x11];
	(tm) =	ssettm $0x1  }
0x97: {  	s18 =	sld [smem:$0x3FFB];
	_ =	sdelay $0x3  }
0x98: {  	_ =	strace s18  }
0x99: {  	s5 =	sld [smem:$0x3FFC];
	_ =	sdelay $0x3  }
0x9a: {  	_ =	strace s5  }
0x9b: {  	s5 =	sld [smem:$0x3FFD];
	_ =	sdelay $0x3  }
0x9c: {  	_ =	strace s5  }
0x9d: {  	_ =	strace $0x8FFFFFFF  }
0x9e: {  	s19 =	sld [smem:$0x3FDB];
	_ =	sdelay $0x1  }
0x9f: {  	s6 =	simm.s32 $_scs_section_size  }
0xa0: {  	s7 =	simm.s32 $_size__tile_overlayer_lowered;
	s8 =	simm.s32 $_tile_overlayer_lowered  }
0xa1: {  	s22 =	simm.s32 $0x1BFF;
	s21 =	sshll.u32 s8, $0x1;
	s5 =	sadd.s32 s6, s19  }
0xa2: {  	s9 =	simm.s32 $0x0;
	s20 =	sshll.u32 s7, $0x1;
	s7 =	sadd.s32 s21, s5  }
0xa3: {  	[timem:s9], [sflag:s22] =	dma.local [hbm:s7], s20  }
0xa4: {  	_ =	swait.ge [sflag:s22], s20  }
0xa5: {  	s6 =	ssub.s32 $0x0, s20;
	[sflag:s22] =	ssyncset.done $0x0  }
0xa6: {  	[sflag:s22] =	ssyncadd.s32 s6;
	_ =	sdelay $0x1  }
0xa7: {  	s23 =	simm.s32 $0x1B8B  }
0xa8: {  	_ =	swait.ge [sflag:s23], $0x1  }
0xa9: {  	[sflag:s23] =	ssyncset.done $0x0  }
0xaa: {  	s25 =	simm.s32 $0x1B8E;
	s24 =	sld [smem:$0x3FFE];
	[sflag:s23] =	ssyncadd.s32 $0xFFFFFFFF  }
0xab: {  	s26 =	simm.s32 $execute0_lowered;
	[smem:$0x3FD2] =	sst s25  }
0xac: {  	s7 =	sshll.u32 s26, $0x1;
	_ =	strace $0x80000046;
	[dreg:$0x1] =	wrdreg $0xFFFFFFFF  }
0xad: {  	s28 =	simm.s32 $_size_execute0_lowered;
	s5 =	sadd.s32 s5, s7;
	[dreg:$0x0] =	wrdreg $0x0  }
0xae: {  	s7 =	sshll.u32 s28, $0x1;
	[dreg:$0x2] =	wrdreg s5  }
0xaf: {  	[dreg:$0x3] =	wrdreg s7  }
0xb0: {  	[dreg:$0x4] =	wrdreg $0xC0  }
0xb1: {  	_ =	task [dreg:s9], $0x5FFFF  }
0xb2: {  	[dreg:$0x1] =	wrdreg $0xFFFFFFFF  }
0xb3: {  	[dreg:$0x0] =	wrdreg $0x60  }
0xb4: {  	[dreg:$0x2] =	wrdreg s24  }
0xb5: {  	[dreg:$0x3] =	wrdreg s15  }
0xb6: {  	[dreg:$0x4] =	wrdreg s16  }
0xb7: {  	[dreg:$0x5] =	wrdreg s17  }
0xb8: {  	[dreg:$0x6] =	wrdreg $0x9  }
0xb9: {  	_ =	task.clear_ibuf [dreg:s9], $0x7FFFF;
	_ =	strace $0x90000046  }
0xba: {  	s29 =	simm.s32 $0x9;
	_ =	strace $0x80000048  }
0xbb: {  	_ =	swait.ge [sflag:s29], $0x1  }
0xbc: {  	[sflag:s29] =	ssyncadd.s32 $0xFFFFFFFF  }
0xbd: {  	_ =	strace $0x90000048  }
0xbe: {  	_ =	sfence  }
0xbf: {  	s30 =	sld [smem:$0x0];
	_ =	sdelay $0x2  }
0xc0: {  	s31 =	sshll.u32 s1, $0xD;
	s1 =	sshrl.u32 s1, $0x2  }
0xc1: {  	s3 =	sand.u32 $0x4000, s31;
	s1 =	sadd.s32 s1, s30  }
0xc2: {  	s0 =	sor.u32 s3, s0;
	s1 =	sshll.u32 s1, $0x11  }
0xc3: {  	s0 =	sor.u32 s1, s0  }
0xc4: {  	s0 =	sadd.s32 $0x8F2B, s0  }
0xc5: {  	[sflag:s0] =	ssyncadd.remote.s32 $0x1  }
0xc6: {  	_ =	sfence.sel $0xFFFF  }
0xc7: {  	[dreg:$0x0] =	wrdreg $0xFFFFFFFF;
	(pc) =	sbr.abs _section_cstart, $3  }
0xc8: {  	[dreg:$0x1] =	wrdreg $0xFFFFFFFF  }
0xc9: {  	_ =	task.clear_ibuf [dreg:s9], $0x2FFFF;
	_ =	strace $0x9FFFFFFF  }
0xca: {  	(tm) =	ssettm $0x7FFFFFFF  }
0xcb: {  	_ =	shalt  }
tec
execute0_lowered:
.L_overlay_start_1:
0x0: {  	(tag) =	ssettag $0x1  }
0x1: {  	s6 =	srdreg.scid  }
0x2: {  	s1 =	rddreg [dreg:$0x0];
	s12 =	stileid.u32;
	s6 =	sand.u32 $0x1, s6  }
0x3: {  	s13 =	rddreg [dreg:$0x1];
	s12 =	sshll.u32 s12, $0xD;
	s14 =	sshll.u32 s6, $0xC  }
0x4: {  	s10 =	rddreg [dreg:$0x2];
	s14 =	sor.u32 s14, s12  }
0x5: {  	s8 =	rddreg [dreg:$0x3];
	s0 =	simm.s32 $0x0;
	s25 =	sor.u32 $0x200, s14  }
0x6: {  	[smem:$0x7FF] =	sst s0;
	s11 =	sadd.s32 $0x40E00, s1;
	s16 =	sadd.s32 s13, s25  }
0x7: {  	s9 =	sadd.s32 $0x20E00, s1;
	s26 =	sadd.s32 s10, s25;
	[dreg:$0x5] =	wrdreg s16  }
0x8: {  	s5 =	sadd.s32 $0xE00, s1;
	s17 =	sadd.s32 s8, s25;
	[dreg:$0x6] =	wrdreg s26  }
0x9: {  	s2 =	sadd.s32 $0x60E00, s1;
	s18 =	sadd.s32 s11, s25;
	[dreg:$0x7] =	wrdreg s17  }
0xa: {  	s3 =	sadd.s32 $0x80E00, s1;
	s19 =	sadd.s32 s9, s25;
	[dreg:$0x8] =	wrdreg s18  }
0xb: {  	s4 =	sadd.s32 $0xA0E00, s1;
	s20 =	sadd.s32 s5, s25;
	[dreg:$0x9] =	wrdreg s19  }
0xc: {  	s7 =	ssub.s32 $0x2, s6;
	s21 =	sadd.s32 s2, s25;
	[dreg:$0xa] =	wrdreg s20  }
0xd: {  	s6 =	sadd.s32 $0xC0E00, s1;
	s22 =	sadd.s32 s3, s25;
	[dreg:$0xb] =	wrdreg s21  }
0xe: {  	s15 =	sshrl.u32 s7, $0x1;
	s23 =	sadd.s32 s4, s25;
	[dreg:$0xc] =	wrdreg s22  }
0xf: {  	s12 =	sadd.s32 $0xE0E00, s1;
	s24 =	sadd.s32 s6, s25;
	[dreg:$0xd] =	wrdreg s23  }
0x10: {  	s7 =	ssub.s32 s7, s15;
	s15 =	sadd.s32 s12, s25;
	[dreg:$0xe] =	wrdreg s24  }
0x11: {  	[dreg:$0xf] =	wrdreg s15;
	s15 =	sor.u32 $0x400, s14;
	s16 =	sadd.s32 s8, s14  }
0x12: {  	s25 =	sadd.s32 s13, s15;
	[smem:$0x7E4] =	sst s16  }
0x13: {  	s26 =	sadd.s32 s10, s15;
	[dreg:$0x10] =	wrdreg s25  }
0x14: {  	s17 =	sadd.s32 s8, s15;
	[dreg:$0x11] =	wrdreg s26  }
0x15: {  	s18 =	sadd.s32 s11, s15;
	[dreg:$0x12] =	wrdreg s17  }
0x16: {  	s19 =	sadd.s32 s9, s15;
	[dreg:$0x13] =	wrdreg s18  }
0x17: {  	s20 =	sadd.s32 s5, s15;
	[dreg:$0x14] =	wrdreg s19  }
0x18: {  	s21 =	sadd.s32 s2, s15;
	[dreg:$0x15] =	wrdreg s20  }
0x19: {  	s22 =	sadd.s32 s3, s15;
	[dreg:$0x16] =	wrdreg s21  }
0x1a: {  	s23 =	sadd.s32 s4, s15;
	[dreg:$0x17] =	wrdreg s22  }
0x1b: {  	s24 =	sadd.s32 s6, s15;
	s15 =	sadd.s32 s12, s15;
	[dreg:$0x18] =	wrdreg s23  }
0x1c: {  	[dreg:$0x1a] =	wrdreg s15;
	s15 =	sor.u32 $0x600, s14  }
0x1d: {  	[dreg:$0x19] =	wrdreg s24;
	s25 =	sadd.s32 s13, s15  }
0x1e: {  	s26 =	sadd.s32 s10, s15;
	[dreg:$0x1b] =	wrdreg s25  }
0x1f: {  	s17 =	sadd.s32 s8, s15;
	[dreg:$0x1c] =	wrdreg s26  }
0x20: {  	s18 =	sadd.s32 s11, s15;
	[dreg:$0x1d] =	wrdreg s17  }
0x21: {  	s19 =	sadd.s32 s9, s15;
	[dreg:$0x1e] =	wrdreg s18  }
0x22: {  	s20 =	sadd.s32 s5, s15;
	[dreg:$0x1f] =	wrdreg s19  }
0x23: {  	s21 =	sadd.s32 s2, s15;
	[smem:$0x7C6] =	sst s20  }
0x24: {  	s22 =	sadd.s32 s3, s15;
	[smem:$0x7C7] =	sst s21  }
0x25: {  	s23 =	sadd.s32 s4, s15;
	[smem:$0x7C8] =	sst s22  }
0x26: {  	s24 =	sadd.s32 s6, s15;
	s15 =	sadd.s32 s12, s15;
	[smem:$0x7C9] =	sst s23  }
0x27: {  	[smem:$0x7CB] =	sst s15;
	s15 =	sor.u32 $0x800, s14  }
0x28: {  	[smem:$0x7CA] =	sst s24;
	s25 =	sadd.s32 s13, s15  }
0x29: {  	s26 =	sadd.s32 s10, s15;
	[smem:$0x7CC] =	sst s25  }
0x2a: {  	s17 =	sadd.s32 s8, s15;
	[smem:$0x7CD] =	sst s26  }
0x2b: {  	s18 =	sadd.s32 s11, s15;
	[smem:$0x7CE] =	sst s17  }
0x2c: {  	s19 =	sadd.s32 s9, s15;
	[smem:$0x7CF] =	sst s18  }
0x2d: {  	s20 =	sadd.s32 s5, s15;
	[smem:$0x7D0] =	sst s19  }
0x2e: {  	s21 =	sadd.s32 s2, s15;
	[smem:$0x7D1] =	sst s20  }
0x2f: {  	s22 =	sadd.s32 s3, s15;
	[smem:$0x7D2] =	sst s21  }
0x30: {  	s23 =	sadd.s32 s4, s15;
	[smem:$0x7D3] =	sst s22  }
0x31: {  	s24 =	sadd.s32 s6, s15;
	s15 =	sadd.s32 s12, s15;
	[smem:$0x7D4] =	sst s23  }
0x32: {  	[smem:$0x7D6] =	sst s15;
	s15 =	sor.u32 $0xA00, s14  }
0x33: {  	[smem:$0x7D5] =	sst s24;
	s25 =	sadd.s32 s13, s15  }
0x34: {  	s26 =	sadd.s32 s10, s15;
	[smem:$0x7D7] =	sst s25  }
0x35: {  	s17 =	sadd.s32 s8, s15;
	[smem:$0x7D8] =	sst s26  }
0x36: {  	s18 =	sadd.s32 s11, s15;
	[smem:$0x7D9] =	sst s17  }
0x37: {  	s19 =	sadd.s32 s9, s15;
	[smem:$0x7DA] =	sst s18  }
0x38: {  	s20 =	sadd.s32 s5, s15;
	[smem:$0x7DB] =	sst s19  }
0x39: {  	s21 =	sadd.s32 s2, s15;
	[smem:$0x7DC] =	sst s20  }
0x3a: {  	s22 =	sadd.s32 s3, s15;
	[smem:$0x7DD] =	sst s21  }
0x3b: {  	s23 =	sadd.s32 s4, s15;
	[smem:$0x7DE] =	sst s22  }
0x3c: {  	s24 =	sadd.s32 s6, s15;
	[smem:$0x7DF] =	sst s23  }
0x3d: {  	s15 =	sadd.s32 s12, s15;
	[smem:$0x7E0] =	sst s24  }
0x3e: {  	[smem:$0x7E1] =	sst s15;
	s25 =	sadd.s32 s13, s14  }
0x3f: {  	s26 =	sadd.s32 s10, s14;
	[smem:$0x7E2] =	sst s25  }
0x40: {  	s17 =	sadd.s32 s11, s14;
	[smem:$0x7E3] =	sst s26  }
0x41: {  	s18 =	sadd.s32 s9, s14;
	[smem:$0x7E5] =	sst s17  }
0x42: {  	s19 =	sadd.s32 s5, s14;
	[smem:$0x7E6] =	sst s18  }
0x43: {  	s20 =	sadd.s32 s2, s14;
	[smem:$0x7E7] =	sst s19  }
0x44: {  	s21 =	sadd.s32 s3, s14;
	[smem:$0x7E8] =	sst s20  }
0x45: {  	s22 =	sadd.s32 s4, s14;
	[smem:$0x7E9] =	sst s21  }
0x46: {  	s23 =	sadd.s32 s6, s14;
	[smem:$0x7EA] =	sst s22  }
0x47: {  	s24 =	sadd.s32 s12, s14;
	s15 =	sor.u32 $0xC00, s14;
	[smem:$0x7EB] =	sst s23  }
0x48: {  	s14 =	sor.u32 $0xE00, s14;
	[smem:$0x7EC] =	sst s24;
	s25 =	sadd.s32 s13, s15  }
0x49: {  	s13 =	sadd.s32 s13, s14;
	[smem:$0x7ED] =	sst s25  }
0x4a: {  	s26 =	sadd.s32 s10, s15;
	[smem:$0x7EE] =	sst s13  }
0x4b: {  	s10 =	sadd.s32 s10, s14;
	[smem:$0x7EF] =	sst s26  }
0x4c: {  	s16 =	sadd.s32 s8, s15;
	[smem:$0x7F0] =	sst s10  }
0x4d: {  	s8 =	sadd.s32 s8, s14;
	[smem:$0x7F1] =	sst s16  }
0x4e: {  	s17 =	sadd.s32 s11, s15;
	[smem:$0x7F2] =	sst s8  }
0x4f: {  	s31 =	sadd.s32 $0xA00, s1;
	s18 =	sadd.s32 s11, s14;
	[smem:$0x7F3] =	sst s17  }
0x50: {  	s1 =	smax.u32 s7, $0x1;
	s19 =	sadd.s32 s9, s15;
	[smem:$0x7F4] =	sst s18  }
0x51: {  	s7 =	simm.s32 $0xA000;
	s20 =	sadd.s32 s9, s14;
	[smem:$0x7F5] =	sst s19  }
0x52: {  	s21 =	sadd.s32 s5, s15;
	s5 =	sadd.s32 s5, s14;
	[smem:$0x7F6] =	sst s20  }
0x53: {  	s22 =	sadd.s32 s2, s15;
	s23 =	sadd.s32 s3, s15;
	[smem:$0x7F7] =	sst s21  }
0x54: {  	s24 =	sadd.s32 s4, s15;
	s28 =	sadd.s32 s4, s14;
	[smem:$0x7F8] =	sst s5  }
0x55: {  	s29 =	sadd.s32 s6, s14;
	s30 =	sadd.s32 s12, s14;
	[smem:$0x7F9] =	sst s22  }
0x56: {  	s4 =	simm.s32 $0x4000;
	s9 =	simm.s32 $0x3000;
	[smem:$0x7FA] =	sst s23  }
0x57: {  	s11 =	simm.s32 $0x7000;
	[smem:$0x7FB] =	sst s24;
	s25 =	sadd.s32 s6, s15  }
0x58: {  	s26 =	sadd.s32 s12, s15;
	s5 =	simm.s32 $0x6000;
	s6 =	simm.s32 $0x8000  }
0x59: {  	s8 =	simm.s32 $0xC000;
	s10 =	simm.s32 $0x5000;
	s12 =	simm.s32 $0x9000  }
0x5a: {  	s13 =	simm.s32 $0xB000;
	s15 =	simm.s32 $0x1;
	[smem:$0x7FC] =	sst s25  }
0x5b: {  	s16 =	simm.s32 $0x2;
	s17 =	simm.s32 $0x0;
	[smem:$0x7FD] =	sst s26  }
0x5c: {  	s25 =	sadd.s32 s2, s14;
	s26 =	sadd.s32 s3, s14;
	s2 =	simm.s32 $0x3  }
0x5d: {  	s3 =	simm.s32 $0x2000;
	s14 =	simm.s32 $0xD000;
	_ =	strace $0x80000047  }
.LBB2_1:
0x5e: {  	[tilespmem:s0], [sflag:$0x3] =	stream.linear.gather [hbm4b:s31+s0], $0x2000, $0x38;
	[tilespmem:$0xE000] =	vst v63  }
0x5f: {  	_ =	swait.ge [sflag:s2], $0x2000  }
0x60: {  	s18 =	sld [smem:$0x7E2]  }
0x61: {  	[sflag:s2] =	ssyncset.done $0x0  }
0x62: {  	s20 =	sld [smem:$0x7E3];
	[sflag:s2] =	ssyncadd.s32 $0xFFFFE000  }
0x63: {  	[tilespmem:s3], [sflag:$0x1] =	stream.linear.gather [hbm4b:s18+s0], $0x1000, $0x38;
	[tilespmem:$0xE000] =	vst v63  }
0x64: {  	s21 =	sld [smem:$0x7E4]  }
0x65: {  	[tilespmem:s4], [sflag:$0x1] =	stream.linear.gather [hbm4b:s20+s0], $0x1000, $0x38;
	[tilespmem:$0xE000] =	vst v63  }
0x66: {  	s22 =	sld [smem:$0x7E5]  }
0x67: {  	[tilespmem:s5], [sflag:$0x1] =	stream.linear.gather [hbm4b:s21+s0], $0x1000, $0x38;
	[tilespmem:$0xE000] =	vst v63  }
0x68: {  	s23 =	sld [smem:$0x7E6]  }
0x69: {  	[tilespmem:s6], [sflag:$0x1] =	stream.linear.gather [hbm4b:s22+s0], $0x1000, $0x38;
	[tilespmem:$0xE000] =	vst v63  }
0x6a: {  	s24 =	sld [smem:$0x7E7]  }
0x6b: {  	[tilespmem:s7], [sflag:$0x1] =	stream.linear.gather [hbm4b:s23+s0], $0x1000, $0x38;
	[tilespmem:$0xE000] =	vst v63  }
0x6c: {  	_ = 	snop  }
0x6d: {  	[tilespmem:s8], [sflag:$0x1] =	stream.linear.gather [hbm4b:s24+s0], $0x1000, $0x38;
	[tilespmem:$0xE000] =	vst v63  }
0x6e: {  	s19 =	rddreg [dreg:$0x5]  }
0x6f: {  	[tilespmem:s9], [sflag:$0x1] =	stream.linear.gather [hbm4b:s19+s0], $0x1000, $0x38;
	[tilespmem:$0xE000] =	vst v63  }
0x70: {  	s20 =	rddreg [dreg:$0x6]  }
0x71: {  	[tilespmem:s10], [sflag:$0x1] =	stream.linear.gather [hbm4b:s20+s0], $0x1000, $0x38;
	[tilespmem:$0xE000] =	vst v63  }
0x72: {  	s21 =	rddreg [dreg:$0x7]  }
0x73: {  	[tilespmem:s11], [sflag:$0x1] =	stream.linear.gather [hbm4b:s21+s0], $0x1000, $0x38;
	[tilespmem:$0xE000] =	vst v63  }
0x74: {  	s22 =	rddreg [dreg:$0x8]  }
0x75: {  	[tilespmem:s12], [sflag:$0x1] =	stream.linear.gather [hbm4b:s22+s0], $0x1000, $0x38;
	[tilespmem:$0xE000] =	vst v63  }
0x76: {  	s23 =	rddreg [dreg:$0x9]  }
0x77: {  	[tilespmem:s13], [sflag:$0x1] =	stream.linear.gather [hbm4b:s23+s0], $0x1000, $0x38;
	[tilespmem:$0xE000] =	vst v63  }
0x78: {  	s24 =	rddreg [dreg:$0xa]  }
0x79: {  	[tilespmem:s14], [sflag:$0x1] =	stream.linear.gather [hbm4b:s24+s0], $0x1000, $0x38;
	[tilespmem:$0xE000] =	vst v63  }
0x7a: {  	_ =	swait.ge [sflag:s15], $0x1000  }
0x7b: {  	[sflag:s15] =	ssyncset.done $0x0  }
0x7c: {  	[sflag:s15] =	ssyncadd.s32 $0xFFFFF000  }
0x7d: {  	_ =	swait.ge [sflag:s15], $0x1000  }
0x7e: {  	[sflag:s15] =	ssyncset.done $0x0  }
0x7f: {  	[sflag:s15] =	ssyncadd.s32 $0xFFFFF000  }
0x80: {  	_ =	swait.ge [sflag:s15], $0x1000  }
0x81: {  	[sflag:s15] =	ssyncset.done $0x0  }
0x82: {  	[sflag:s15] =	ssyncadd.s32 $0xFFFFF000  }
0x83: {  	_ =	swait.ge [sflag:s15], $0x1000  }
0x84: {  	[sflag:s15] =	ssyncset.done $0x0  }
0x85: {  	[sflag:s15] =	ssyncadd.s32 $0xFFFFF000  }
0x86: {  	_ =	swait.ge [sflag:s15], $0x1000  }
0x87: {  	[sflag:s15] =	ssyncset.done $0x0  }
0x88: {  	s18 =	simm.s32 $0xFFFFFF80;
	[sflag:s15] =	ssyncadd.s32 $0xFFFFF000  }
0x89: {  	s19 =	simm.s32 $0x2040;
	s20 =	simm.s32 $0x8040;
	_ =	swait.ge [sflag:s15], $0x1000  }
0x8a: {  	s21 =	simm.s32 $0xA040;
	s22 =	simm.s32 $0xC040;
	[sflag:s15] =	ssyncset.done $0x0  }
0x8b: {  	s23 =	simm.s32 $0x4040;
	s24 =	simm.s32 $0x6040;
	[sflag:s15] =	ssyncadd.s32 $0xFFFFF000  }
.LBB2_2:
0x8c: {  	v0 =	vld [tilespmem:s19+$0xFFFFFFC0]  }
0x8d: {  	v6 =	vld [tilespmem:s20+$0xFFFFFFC0]  }
0x8e: {  	v7 =	vld [tilespmem:s21+$0xFFFFFFC0]  }
0x8f: {  	v8 =	vld [tilespmem:s22+$0xFFFFFFC0]  }
0x90: {  	v13 =	vld [tilespmem:s19+$0xFFFFFFD0]  }
0x91: {  	v46 =	vld [tilespmem:s19+$0xFFFFFFE0]  }
0x92: {  	v14 =	vld [tilespmem:s20+$0xFFFFFFD0]  }
0x93: {  	v15 =	vld [tilespmem:s21+$0xFFFFFFD0]  }
0x94: {  	v16 =	vld [tilespmem:s22+$0xFFFFFFD0]  }
0x95: {  	v20 =	vld [tilespmem:s19+$0xFFFFFFF0]  }
0x96: {  	v23 =	vld [tilespmem:s20+$0xFFFFFFE0]  }
0x97: {  	v24 =	vld [tilespmem:s21+$0xFFFFFFE0]  }
0x98: {  	v25 =	vld [tilespmem:s22+$0xFFFFFFE0]  }
0x99: {  	v30 =	vld [tilespmem:s19+$0x0]  }
0x9a: {  	v32 =	vld [tilespmem:s20+$0xFFFFFFF0]  }
0x9b: {  	v33 =	vld [tilespmem:s21+$0xFFFFFFF0]  }
0x9c: {  	v35 =	vld [tilespmem:s22+$0xFFFFFFF0]  }
0x9d: {  	v41 =	vld [tilespmem:s19+$0x10]  }
0x9e: {  	v1 =	vadd.s32 $0x400, v0;
	v3 =	vld.idx.msk [tilespmem:v0+s0+$0x0], $0xffff  }
0x9f: {  	v2 =	vadd.s32 $0xC00, v0;
	v61 =	vld.idx.msk [tilespmem:v13+s0+$0x0], $0xffff  }
0xa0: {  	v4 =	vadd.s32 $0x1000, v0;
	v17 =	vld.idx.msk [tilespmem:v46+s0+$0x0], $0xffff  }
0xa1: {  	v5 =	vadd.s32 $0x800, v0;
	v27 =	vld.idx.msk [tilespmem:v20+s0+$0x0], $0xffff  }
0xa2: {  	v58 =	vadd.s32 $0x400, v13;
	v37 =	vld.idx.msk [tilespmem:v30+s0+$0x0], $0xffff  }
0xa3: {  	v59 =	vadd.s32 $0x800, v13;
	v1 =	vld.idx.msk [tilespmem:v1+s0+$0x0], $0xffff  }
0xa4: {  	v60 =	vadd.s32 $0xC00, v13;
	v2 =	vld.idx.msk [tilespmem:v2+s0+$0x0], $0xffff  }
0xa5: {  	v62 =	vadd.s32 $0x1000, v13;
	v4 =	vld.idx.msk [tilespmem:v4+s0+$0x0], $0xffff  }
0xa6: {  	v50 =	vadd.s32 $0x400, v46;
	v5 =	vld.idx.msk [tilespmem:v5+s0+$0x0], $0xffff  }
0xa7: {  	v51 =	vadd.s32 $0x800, v46;
	v63 =	vld.idx.msk [tilespmem:v58+s0+$0x0], $0xffff  }
0xa8: {  	v52 =	vadd.s32 $0xC00, v46;
	v47 =	vld.idx.msk [tilespmem:v59+s0+$0x0], $0xffff  }
0xa9: {  	v18 =	vadd.s32 $0x1000, v46;
	v48 =	vld.idx.msk [tilespmem:v60+s0+$0x0], $0xffff  }
0xaa: {  	v54 =	vadd.s32 $0x400, v20;
	v49 =	vld.idx.msk [tilespmem:v62+s0+$0x0], $0xffff  }
0xab: {  	v55 =	vadd.s32 $0x800, v20;
	v19 =	vld.idx.msk [tilespmem:v50+s0+$0x0], $0xffff  }
0xac: {  	v26 =	vadd.s32 $0xC00, v20;
	v21 =	vld.idx.msk [tilespmem:v51+s0+$0x0], $0xffff  }
0xad: {  	v28 =	vadd.s32 $0x1000, v20;
	v22 =	vld.idx.msk [tilespmem:v52+s0+$0x0], $0xffff  }
0xae: {  	v34 =	vadd.s32 $0x800, v30;
	v18 =	vld.idx.msk [tilespmem:v18+s0+$0x0], $0xffff  }
0xaf: {  	v36 =	vadd.s32 $0xC00, v30;
	v29 =	vld.idx.msk [tilespmem:v54+s0+$0x0], $0xffff  }
0xb0: {  	v38 =	vadd.s32 $0x1000, v30;
	v31 =	vld.idx.msk [tilespmem:v55+s0+$0x0], $0xffff  }
0xb1: {  	v10 =	vadd.s32 $0x1400, v0;
	v0 =	vadd.s32 $0x1800, v0;
	v26 =	vld.idx.msk [tilespmem:v26+s0+$0x0], $0xffff  }
0xb2: {  	v57 =	vmul.f32 $4.371138830e-08, v8;
	v28 =	vld.idx.msk [tilespmem:v28+s0+$0x0], $0xffff  }
0xb3: {  	v39 =	vadd.s32 $0x1400, v30;
	v34 =	vld.idx.msk [tilespmem:v34+s0+$0x0], $0xffff;
	v52 =	vmul.f32 $4.371138830e-08, v35;
	v11 =	vmul.f32 $4.371138830e-08, v3  }
0xb4: {  	v36 =	vld.idx.msk [tilespmem:v36+s0+$0x0], $0xffff;
	v3 =	vmul.f32 v6, v3;
	v42 =	vmul.f32 $4.371138830e-08, v61  }
0xb5: {  	v38 =	vld.idx.msk [tilespmem:v38+s0+$0x0], $0xffff;
	v9 =	vmul.f32 $4.371138830e-08, v1;
	v12 =	vmul.f32 v8, v2  }
0xb6: {  	v44 =	vadd.s32 $0x1400, v13;
	v0 =	vld.idx.msk [tilespmem:v0+s0+$0x0], $0xffff;
	v56 =	vmul.f32 v7, v11;
	v4 =	vmul.f32 v8, v4  }
0xb7: {  	v53 =	vadd.s32 $0x1400, v46;
	v5 =	vmul.f32 v7, v5;
	v2 =	vld.idx.msk [tilespmem:v10+s0+$0x0], $0xffff;
	v40 =	vmul.f32 $4.371138830e-08, v63  }
0xb8: {  	v45 =	vadd.s32 $0x1800, v13;
	v42 =	vmul.f32 v15, v42;
	v13 =	vmul.f32 v16, v49;
	v10 =	vld.idx.msk [tilespmem:v39+s0+$0x0], $0xffff  }
0xb9: {  	v8 =	vadd.s32 $0x1800, v46;
	v11 =	vmul.f32 v14, v63;
	v39 =	vld [tilespmem:s20+$0x0];
	v46 =	vmul.f32 $4.371138830e-08, v29  }
0xba: {  	v58 =	vadd.s32 $0x400, v41;
	v49 =	vmul.f32 v35, v26;
	v51 =	vmul.f32 v33, v31;
	v31 =	vld [tilespmem:s20+$0x10]  }
0xbb: {  	v43 =	vadd.s32 $0xC00, v41;
	v28 =	vmul.f32 v35, v28;
	v35 =	vld [tilespmem:s20+$0x20];
	v9 =	vmul.f32 v7, v9  }
0xbc: {  	v4 =	vsub.f32 v4, v56;
	v7 =	vld.idx.msk [tilespmem:v53+s0+$0x0], $0xffff;
	v56 =	vadd.s32 $0x1400, v20;
	v20 =	vadd.s32 $0x1800, v20  }
0xbd: {  	v5 =	vadd.f32 v57, v5;
	v57 =	vadd.s32 $0x400, v30;
	v13 =	vsub.f32 v13, v42;
	v42 =	vld [tilespmem:s22+$0x0]  }
0xbe: {  	v60 =	vmul.f32 $4.371138830e-08, v19;
	v30 =	vadd.s32 $0x1800, v30;
	v63 =	vmul.f32 v33, v46;
	v46 =	vld [tilespmem:s19+$0x20]  }
0xbf: {  	v19 =	vmul.f32 v23, v19;
	v3 =	vsub.f32 v3, v9;
	v9 =	vmul.f32 v14, v61;
	v14 =	vld.idx.msk [tilespmem:v58+s0+$0x0], $0xffff  }
0xc0: {  	v61 =	vmul.f32 $4.371138830e-08, v17;
	v17 =	vmul.f32 v23, v17;
	v23 =	vld.idx.msk [tilespmem:v43+s0+$0x0], $0xffff  }
0xc1: {  	v1 =	vmul.f32 v6, v1;
	v40 =	vmul.f32 v15, v40;
	v6 =	vld.idx.msk [tilespmem:v20+s0+$0x0], $0xffff  }
0xc2: {  	v59 =	vadd.s32 $0x800, v41;
	v3 =	vadd.f32 v12, v3;
	v20 =	vld.idx.msk [tilespmem:v57+s0+$0x0], $0xffff  }
0xc3: {  	v15 =	vmul.f32 v15, v47;
	v47 =	vadd.s32 $0x1400, v41;
	v40 =	vsub.f32 v9, v40;
	v9 =	vld.idx.msk [tilespmem:v30+s0+$0x0], $0xffff  }
0xc4: {  	v12 =	vmul.f32 v16, v48;
	v16 =	vmul.f32 $4.371138830e-08, v16;
	[tilespmem:s20+$0xFFFFFFC0] =	vst v3;
	v3 =	vld.idx.msk [tilespmem:v8+s0+$0x0], $0xffff  }
0xc5: {  	v62 =	vmul.f32 v32, v27;
	v8 =	vld.idx.msk [tilespmem:v56+s0+$0x0], $0xffff  }
0xc6: {  	v21 =	vmul.f32 v24, v21;
	v18 =	vmul.f32 v25, v18;
	v15 =	vadd.f32 v16, v15;
	v16 =	vld [tilespmem:s21+$0x0]  }
0xc7: {  	v13 =	vsub.f32 v13, v11;
	v11 =	vmul.f32 v24, v60;
	v30 =	vadd.f32 v12, v40;
	v40 =	vld.idx.msk [tilespmem:v59+s0+$0x0], $0xffff  }
0xc8: {  	v24 =	vmul.f32 v24, v61;
	v60 =	vmul.f32 v42, v38;
	v12 =	vld.idx.msk [tilespmem:v47+s0+$0x0], $0xffff  }
0xc9: {  	v48 =	vsub.f32 v62, v63;
	v63 =	vmul.f32 $4.371138830e-08, v42;
	v59 =	vmul.f32 v42, v36;
	v42 =	vld [tilespmem:s20+$0x30]  }
0xca: {  	v1 =	vsub.f32 v4, v1;
	[tilespmem:s21+$0xFFFFFFC0] =	vst v5;
	v5 =	vld.idx.msk [tilespmem:v44+s0+$0x0], $0xffff  }
0xcb: {  	v50 =	vmul.f32 $4.371138830e-08, v27;
	v54 =	vadd.s32 $0x400, v46;
	v18 =	vsub.f32 v18, v24;
	v44 =	vld.idx.msk [tilespmem:v41+s0+$0x0], $0xffff  }
0xcc: {  	v22 =	vmul.f32 v25, v22;
	v25 =	vmul.f32 $4.371138830e-08, v25;
	v55 =	vadd.s32 $0x800, v46;
	[tilespmem:s22+$0xFFFFFFC0] =	vst v1;
	v1 =	vld.idx.msk [tilespmem:v45+s0+$0x0], $0xffff  }
0xcd: {  	v45 =	vadd.s32 $0x1000, v41;
	v18 =	vsub.f32 v18, v19;
	v19 =	vmul.f32 v33, v50;
	v33 =	vld [tilespmem:s21+$0x10]  }
0xce: {  	v29 =	vmul.f32 v32, v29;
	v21 =	vadd.f32 v25, v21;
	v36 =	vld.idx.msk [tilespmem:v46+s0+$0x0], $0xffff  }
0xcf: {  	v25 =	vadd.f32 v52, v51;
	v57 =	vadd.s32 $0xC00, v46;
	v19 =	vsub.f32 v28, v19;
	v28 =	vld [tilespmem:s19+$0x30]  }
0xd0: {  	v58 =	vmul.f32 $4.371138830e-08, v37;
	v11 =	vsub.f32 v17, v11;
	v41 =	vadd.s32 $0x1800, v41;
	v38 =	vld.idx.msk [tilespmem:v54+s0+$0x0], $0xffff  }
0xd1: {  	v61 =	vadd.s32 $0x1000, v46;
	v56 =	vmul.f32 v39, v37;
	v62 =	vmul.f32 $4.371138830e-08, v14;
	v32 =	vld.idx.msk [tilespmem:v55+s0+$0x0], $0xffff  }
0xd2: {  	v22 =	vadd.f32 v22, v11;
	v14 =	vmul.f32 v31, v14;
	v53 =	vmul.f32 $4.371138830e-08, v20;
	v24 =	vld.idx.msk [tilespmem:v45+s0+$0x0], $0xffff  }
0xd3: {  	v17 =	vadd.f32 v49, v48;
	[tilespmem:s20+$0xFFFFFFD0] =	vst v30;
	v51 =	vmul.f32 v39, v20;
	v26 =	vmul.f32 v16, v58;
	v45 =	vld [tilespmem:s22+$0x10]  }
0xd4: {  	v48 =	vld.idx.msk [tilespmem:v57+s0+$0x0], $0xffff;
	v27 =	vmul.f32 v16, v53;
	v19 =	vsub.f32 v19, v29;
	v16 =	vmul.f32 v16, v34  }
0xd5: {  	v49 =	vmul.f32 v31, v44;
	v11 =	vld.idx.msk [tilespmem:v41+s0+$0x0], $0xffff;
	v26 =	vsub.f32 v60, v26;
	v29 =	vmul.f32 v33, v62  }
0xd6: {  	[tilespmem:s21+$0xFFFFFFD0] =	vst v15;
	v54 =	vmul.f32 v33, v40;
	v40 =	vld.idx.msk [tilespmem:v61+s0+$0x0], $0xffff;
	v61 =	vmul.f32 v35, v36;
	v50 =	vadd.s32 $0x400, v28  }
0xd7: {  	[tilespmem:s22+$0xFFFFFFD0] =	vst v13;
	v41 =	vadd.s32 $0x1400, v46;
	v53 =	vadd.s32 $0xC00, v28;
	v13 =	vsub.f32 v26, v51;
	v26 =	vld [tilespmem:s22+$0x20]  }
0xd8: {  	[tilespmem:s20+$0xFFFFFFE0] =	vst v22;
	v27 =	vsub.f32 v56, v27;
	v56 =	vmul.f32 $4.371138830e-08, v44;
	v52 =	vmul.f32 v45, v23;
	v23 =	vld [tilespmem:s21+$0x20]  }
0xd9: {  	[tilespmem:s20+$0xFFFFFFF0] =	vst v17;
	v15 =	vsub.f32 v49, v29;
	v60 =	vadd.s32 $0x1000, v28;
	v62 =	vadd.s32 $0x800, v28;
	v22 =	vld.idx.msk [tilespmem:v28+s0+$0x0], $0xffff  }
0xda: {  	[tilespmem:s21+$0xFFFFFFE0] =	vst v21;
	v27 =	vadd.f32 v59, v27;
	v55 =	vmul.f32 $4.371138830e-08, v45;
	v59 =	vmul.f32 v45, v24;
	v45 =	vld [tilespmem:s21+$0x30]  }
0xdb: {  	[tilespmem:s21+$0xFFFFFFF0] =	vst v25;
	v43 =	vmul.f32 $4.371138830e-08, v36;
	v46 =	vadd.s32 $0x1800, v46;
	v16 =	vadd.f32 v63, v16;
	v24 =	vld.idx.msk [tilespmem:v50+s0+$0x0], $0xffff  }
0xdc: {  	[tilespmem:s22+$0xFFFFFFE0] =	vst v18;
	v57 =	vmul.f32 $4.371138830e-08, v38;
	v58 =	vmul.f32 v33, v56;
	v15 =	vadd.f32 v52, v15;
	v63 =	vld.idx.msk [tilespmem:v53+s0+$0x0], $0xffff  }
0xdd: {  	[tilespmem:s22+$0xFFFFFFF0] =	vst v19;
	v18 =	vadd.f32 v55, v54;
	v44 =	vmul.f32 v26, v48;
	v47 =	vmul.f32 $4.371138830e-08, v26;
	v48 =	vld [tilespmem:s22+$0x30]  }
0xde: {  	v17 =	vsub.f32 v59, v58;
	v54 =	vld.idx.msk [tilespmem:v62+s0+$0x0], $0xffff;
	v62 =	vmul.f32 v35, v38;
	v20 =	vmul.f32 v23, v57  }
0xdf: {  	[tilespmem:s20+$0x0] =	vst v27;
	v51 =	vld.idx.msk [tilespmem:v60+s0+$0x0], $0xffff;
	v58 =	vadd.s32 $0x1400, v28;
	v32 =	vmul.f32 v23, v32;
	v53 =	vmul.f32 v23, v43  }
0xe0: {  	v4 =	vld [tilespmem:s23+$0xFFFFFFC0];
	[tilespmem:s21+$0x0] =	vst v16;
	v49 =	vsub.f32 v17, v14;
	v57 =	vmul.f32 v26, v40;
	v55 =	vmul.f32 $4.371138830e-08, v24  }
0xe1: {  	v37 =	vld [tilespmem:s23+$0xFFFFFFF0];
	[tilespmem:s22+$0x0] =	vst v13;
	v59 =	vmul.f32 $4.371138830e-08, v22;
	v22 =	vmul.f32 v42, v22;
	v20 =	vsub.f32 v61, v20  }
0xe2: {  	v16 =	vld.idx.msk [tilespmem:v46+s0+$0x0], $0xffff;
	[tilespmem:s20+$0x10] =	vst v15;
	v52 =	vadd.f32 v47, v32;
	v61 =	vadd.s32 $0x1800, v28;
	v25 =	vmul.f32 v45, v55  }
0xe3: {  	v56 =	vld [tilespmem:s23+$0xFFFFFFD0];
	[tilespmem:s21+$0x10] =	vst v18;
	v18 =	vsub.f32 v57, v53;
	v63 =	vmul.f32 v48, v63;
	v50 =	vadd.f32 v44, v20  }
0xe4: {  	v33 =	vld [tilespmem:s23+$0xFFFFFFE0];
	[tilespmem:s22+$0x10] =	vst v49;
	v34 =	vmul.f32 v45, v59;
	v17 =	vmul.f32 v48, v51;
	v32 =	vsub.f32 v22, v25  }
0xe5: {  	v60 =	vld.idx.msk [tilespmem:v41+s0+$0x0], $0xffff;
	v35 =	vmul.f32 v45, v54;
	v38 =	vmul.f32 $4.371138830e-08, v48;
	v18 =	vsub.f32 v18, v62;
	[tilespmem:s20+$0x20] =	vst v50  }
0xe6: {  	v41 =	vld [tilespmem:s23+$0x0];
	v21 =	vmul.f32 v42, v24;
	v17 =	vsub.f32 v17, v34;
	[tilespmem:s21+$0x20] =	vst v52;
	v14 =	vadd.f32 v63, v32  }
0xe7: {  	v39 =	vld.idx.msk [tilespmem:v58+s0+$0x0], $0xffff;
	v15 =	vadd.f32 v38, v35;
	[tilespmem:s22+$0x20] =	vst v18  }
0xe8: {  	v17 =	vsub.f32 v17, v21;
	v40 =	vld.idx.msk [tilespmem:v61+s0+$0x0], $0xffff;
	[tilespmem:s20+$0x30] =	vst v14  }
0xe9: {  	v5 =	vadd.f32 v56, v5;
	v42 =	vld [tilespmem:s23+$0x10];
	[tilespmem:s21+$0x30] =	vst v15  }
0xea: {  	v2 =	vadd.f32 v4, v2;
	v43 =	vld [tilespmem:s23+$0x20];
	[tilespmem:s22+$0x30] =	vst v17  }
0xeb: {  	[tilespmem:s23+$0xFFFFFFD0] =	vst v5;
	v44 =	vadd.f32 v33, v7;
	v45 =	vld [tilespmem:s23+$0x30]  }
0xec: {  	[tilespmem:s23+$0xFFFFFFC0] =	vst v2;
	v46 =	vadd.f32 v37, v8;
	v49 =	vld [tilespmem:s24+$0xFFFFFFD0]  }
0xed: {  	v47 =	vld [tilespmem:s24+$0xFFFFFFC0];
	v48 =	vadd.f32 v41, v10;
	[tilespmem:s23+$0xFFFFFFE0] =	vst v44  }
0xee: {  	[tilespmem:s23+$0xFFFFFFF0] =	vst v46;
	v4 =	vadd.f32 v42, v12;
	v50 =	vld [tilespmem:s24+$0xFFFFFFE0]  }
0xef: {  	[tilespmem:s23+$0x0] =	vst v48;
	v52 =	vld [tilespmem:s24+$0xFFFFFFF0];
	v51 =	vadd.f32 v43, v60  }
0xf0: {  	v54 =	vld [tilespmem:s24+$0x0];
	[tilespmem:s23+$0x10] =	vst v4;
	v53 =	vadd.f32 v45, v39  }
0xf1: {  	v1 =	vadd.f32 v49, v1;
	v55 =	vld [tilespmem:s24+$0x10];
	[tilespmem:s23+$0x20] =	vst v51  }
0xf2: {  	v0 =	vadd.f32 v47, v0;
	v56 =	vld [tilespmem:s24+$0x20];
	[tilespmem:s23+$0x30] =	vst v53  }
0xf3: {  	[tilespmem:s24+$0xFFFFFFD0] =	vst v1;
	v57 =	vadd.f32 v50, v3;
	v58 =	vld [tilespmem:s24+$0x30]  }
0xf4: {  	s18 =	sadd.s32 $0x80, s18;
	[tilespmem:s24+$0xFFFFFFC0] =	vst v0;
	v59 =	vadd.f32 v52, v6  }
0xf5: {  	p0 =	slt.u32 s18, $0xF80;
	[tilespmem:s24+$0xFFFFFFE0] =	vst v57;
	v60 =	vadd.f32 v54, v9  }
.Ltmp0:
0xf6: {  	[tilespmem:s24+$0xFFFFFFF0] =	vst v59;
	v61 =	vadd.f32 v55, v11;
	(pc) =	sbr.rel @p0 .LBB2_2-.Ltmp0, $4  }
0xf7: {  	[tilespmem:s24+$0x0] =	vst v60;
	v62 =	vadd.f32 v56, v16  }
0xf8: {  	[tilespmem:s24+$0x10] =	vst v61;
	v63 =	vadd.f32 v58, v40  }
0xf9: {  	s19 =	sadd.s32 $0x80, s19;
	s20 =	sadd.s32 $0x80, s20;
	s21 =	sadd.s32 $0x80, s21;
	[tilespmem:s24+$0x20] =	vst v62  }
0xfa: {  	s22 =	sadd.s32 $0x80, s22;
	s23 =	sadd.s32 $0x80, s23;
	[tilespmem:s24+$0x30] =	vst v63;
	s24 =	sadd.s32 $0x80, s24  }
0xfb: {  	s18 =	sld [smem:$0x7E8];
	_ =	sdelay $0x1  }
0xfc: {  	s21 =	sld [smem:$0x7E9]  }
0xfd: {  	[hbm4b:s18+s0] =	stream.linear.scatter [tilespmem:s4], [sflag:$0x2], $0x1000, $0x38;
	[tilespmem:$0xE000] =	vst v63  }
0xfe: {  	s22 =	sld [smem:$0x7EA]  }
0xff: {  	[hbm4b:s21+s0] =	stream.linear.scatter [tilespmem:s5], [sflag:$0x2], $0x1000, $0x38;
	[tilespmem:$0xE000] =	vst v63  }
0x100: {  	s23 =	sld [smem:$0x7EB]  }
0x101: {  	[hbm4b:s22+s0] =	stream.linear.scatter [tilespmem:s6], [sflag:$0x2], $0x1000, $0x38;
	[tilespmem:$0xE000] =	vst v63  }
0x102: {  	s24 =	sld [smem:$0x7EC]  }
0x103: {  	[hbm4b:s23+s0] =	stream.linear.scatter [tilespmem:s7], [sflag:$0x2], $0x1000, $0x38;
	[tilespmem:$0xE000] =	vst v63  }
0x104: {  	_ = 	snop  }
0x105: {  	[hbm4b:s24+s0] =	stream.linear.scatter [tilespmem:s8], [sflag:$0x2], $0x1000, $0x38;
	[tilespmem:$0xE000] =	vst v63  }
0x106: {  	_ =	swait.ge [sflag:s16], $0x1000  }
0x107: {  	[sflag:s16] =	ssyncset.done $0x0  }
0x108: {  	[sflag:s16] =	ssyncadd.s32 $0xFFFFF000  }
0x109: {  	_ =	swait.ge [sflag:s16], $0x1000  }
0x10a: {  	[sflag:s16] =	ssyncset.done $0x0  }
0x10b: {  	[sflag:s16] =	ssyncadd.s32 $0xFFFFF000  }
0x10c: {  	_ =	swait.ge [sflag:s16], $0x1000  }
0x10d: {  	[sflag:s16] =	ssyncset.done $0x0  }
0x10e: {  	[sflag:s16] =	ssyncadd.s32 $0xFFFFF000  }
0x10f: {  	_ =	swait.ge [sflag:s16], $0x1000  }
0x110: {  	[sflag:s16] =	ssyncset.done $0x0  }
0x111: {  	[sflag:s16] =	ssyncadd.s32 $0xFFFFF000  }
0x112: {  	_ =	swait.ge [sflag:s16], $0x1000  }
0x113: {  	[sflag:s16] =	ssyncset.done $0x0  }
0x114: {  	s19 =	rddreg [dreg:$0x10];
	[sflag:s16] =	ssyncadd.s32 $0xFFFFF000  }
0x115: {  	[tilespmem:s3], [sflag:$0x1] =	stream.linear.gather [hbm4b:s19+s0], $0x1000, $0x38;
	[tilespmem:$0xE000] =	vst v63  }
0x116: {  	s20 =	rddreg [dreg:$0x11]  }
0x117: {  	[tilespmem:s4], [sflag:$0x1] =	stream.linear.gather [hbm4b:s20+s0], $0x1000, $0x38;
	[tilespmem:$0xE000] =	vst v63  }
0x118: {  	s21 =	rddreg [dreg:$0x12]  }
0x119: {  	[tilespmem:s5], [sflag:$0x1] =	stream.linear.gather [hbm4b:s21+s0], $0x1000, $0x38;
	[tilespmem:$0xE000] =	vst v63  }
0x11a: {  	s22 =	rddreg [dreg:$0x13]  }
0x11b: {  	[tilespmem:s6], [sflag:$0x1] =	stream.linear.gather [hbm4b:s22+s0], $0x1000, $0x38;
	[tilespmem:$0xE000] =	vst v63  }
0x11c: {  	s23 =	rddreg [dreg:$0x14]  }
0x11d: {  	[tilespmem:s7], [sflag:$0x1] =	stream.linear.gather [hbm4b:s23+s0], $0x1000, $0x38;
	[tilespmem:$0xE000] =	vst v63  }
0x11e: {  	s24 =	rddreg [dreg:$0x15]  }
0x11f: {  	[tilespmem:s8], [sflag:$0x1] =	stream.linear.gather [hbm4b:s24+s0], $0x1000, $0x38;
	[tilespmem:$0xE000] =	vst v63  }
0x120: {  	_ =	swait.ge [sflag:s15], $0x1000  }
0x121: {  	[sflag:s15] =	ssyncset.done $0x0  }
0x122: {  	[sflag:s15] =	ssyncadd.s32 $0xFFFFF000  }
0x123: {  	_ =	swait.ge [sflag:s15], $0x1000  }
0x124: {  	[sflag:s15] =	ssyncset.done $0x0  }
0x125: {  	[sflag:s15] =	ssyncadd.s32 $0xFFFFF000  }
0x126: {  	_ =	swait.ge [sflag:s15], $0x1000  }
0x127: {  	[sflag:s15] =	ssyncset.done $0x0  }
0x128: {  	[sflag:s15] =	ssyncadd.s32 $0xFFFFF000  }
0x129: {  	_ =	swait.ge [sflag:s15], $0x1000  }
0x12a: {  	[sflag:s15] =	ssyncset.done $0x0  }
0x12b: {  	[sflag:s15] =	ssyncadd.s32 $0xFFFFF000  }
0x12c: {  	_ =	swait.ge [sflag:s15], $0x1000  }
0x12d: {  	[sflag:s15] =	ssyncset.done $0x0  }
0x12e: {  	s18 =	simm.s32 $0xFFFFFF80;
	[sflag:s15] =	ssyncadd.s32 $0xFFFFF000  }
0x12f: {  	s19 =	simm.s32 $0x7070;
	s20 =	simm.s32 $0x5070;
	_ =	swait.ge [sflag:s15], $0x1000  }
0x130: {  	s21 =	simm.s32 $0xD070;
	s22 =	simm.s32 $0xB070;
	[sflag:s15] =	ssyncset.done $0x0  }
0x131: {  	s23 =	simm.s32 $0x9070;
	s24 =	simm.s32 $0x3070;
	[sflag:s15] =	ssyncadd.s32 $0xFFFFF000  }
.LBB2_4:
0x132: {  	v0 =	vld [tilespmem:s24+$0xFFFFFF90]  }
0x133: {  	v6 =	vld [tilespmem:s23+$0xFFFFFF90]  }
0x134: {  	v7 =	vld [tilespmem:s22+$0xFFFFFF90]  }
0x135: {  	v8 =	vld [tilespmem:s21+$0xFFFFFF90]  }
0x136: {  	v13 =	vld [tilespmem:s24+$0xFFFFFFA0]  }
0x137: {  	v46 =	vld [tilespmem:s24+$0xFFFFFFB0]  }
0x138: {  	v14 =	vld [tilespmem:s23+$0xFFFFFFA0]  }
0x139: {  	v15 =	vld [tilespmem:s22+$0xFFFFFFA0]  }
0x13a: {  	v16 =	vld [tilespmem:s21+$0xFFFFFFA0]  }
0x13b: {  	v20 =	vld [tilespmem:s24+$0xFFFFFFC0]  }
0x13c: {  	v23 =	vld [tilespmem:s23+$0xFFFFFFB0]  }
0x13d: {  	v24 =	vld [tilespmem:s22+$0xFFFFFFB0]  }
0x13e: {  	v25 =	vld [tilespmem:s21+$0xFFFFFFB0]  }
0x13f: {  	v30 =	vld [tilespmem:s24+$0xFFFFFFD0]  }
0x140: {  	v32 =	vld [tilespmem:s23+$0xFFFFFFC0]  }
0x141: {  	v33 =	vld [tilespmem:s22+$0xFFFFFFC0]  }
0x142: {  	v35 =	vld [tilespmem:s21+$0xFFFFFFC0]  }
0x143: {  	v41 =	vld [tilespmem:s24+$0xFFFFFFE0]  }
0x144: {  	v1 =	vadd.s32 $0x400, v0;
	v3 =	vld.idx.msk [tilespmem:v0+s0+$0x0], $0xffff  }
0x145: {  	v2 =	vadd.s32 $0xC00, v0;
	v61 =	vld.idx.msk [tilespmem:v13+s0+$0x0], $0xffff  }
0x146: {  	v4 =	vadd.s32 $0x1000, v0;
	v17 =	vld.idx.msk [tilespmem:v46+s0+$0x0], $0xffff  }
0x147: {  	v5 =	vadd.s32 $0x800, v0;
	v27 =	vld.idx.msk [tilespmem:v20+s0+$0x0], $0xffff  }
0x148: {  	v58 =	vadd.s32 $0x400, v13;
	v37 =	vld.idx.msk [tilespmem:v30+s0+$0x0], $0xffff  }
0x149: {  	v59 =	vadd.s32 $0x800, v13;
	v1 =	vld.idx.msk [tilespmem:v1+s0+$0x0], $0xffff  }
0x14a: {  	v60 =	vadd.s32 $0xC00, v13;
	v2 =	vld.idx.msk [tilespmem:v2+s0+$0x0], $0xffff  }
0x14b: {  	v62 =	vadd.s32 $0x1000, v13;
	v4 =	vld.idx.msk [tilespmem:v4+s0+$0x0], $0xffff  }
0x14c: {  	v50 =	vadd.s32 $0x400, v46;
	v5 =	vld.idx.msk [tilespmem:v5+s0+$0x0], $0xffff  }
0x14d: {  	v51 =	vadd.s32 $0x800, v46;
	v63 =	vld.idx.msk [tilespmem:v58+s0+$0x0], $0xffff  }
0x14e: {  	v52 =	vadd.s32 $0xC00, v46;
	v47 =	vld.idx.msk [tilespmem:v59+s0+$0x0], $0xffff  }
0x14f: {  	v18 =	vadd.s32 $0x1000, v46;
	v48 =	vld.idx.msk [tilespmem:v60+s0+$0x0], $0xffff  }
0x150: {  	v54 =	vadd.s32 $0x400, v20;
	v49 =	vld.idx.msk [tilespmem:v62+s0+$0x0], $0xffff  }
0x151: {  	v55 =	vadd.s32 $0x800, v20;
	v19 =	vld.idx.msk [tilespmem:v50+s0+$0x0], $0xffff  }
0x152: {  	v26 =	vadd.s32 $0xC00, v20;
	v21 =	vld.idx.msk [tilespmem:v51+s0+$0x0], $0xffff  }
0x153: {  	v28 =	vadd.s32 $0x1000, v20;
	v22 =	vld.idx.msk [tilespmem:v52+s0+$0x0], $0xffff  }
0x154: {  	v34 =	vadd.s32 $0x800, v30;
	v18 =	vld.idx.msk [tilespmem:v18+s0+$0x0], $0xffff  }
0x155: {  	v36 =	vadd.s32 $0xC00, v30;
	v29 =	vld.idx.msk [tilespmem:v54+s0+$0x0], $0xffff  }
0x156: {  	v38 =	vadd.s32 $0x1000, v30;
	v31 =	vld.idx.msk [tilespmem:v55+s0+$0x0], $0xffff  }
0x157: {  	v10 =	vadd.s32 $0x1400, v0;
	v0 =	vadd.s32 $0x1800, v0;
	v26 =	vld.idx.msk [tilespmem:v26+s0+$0x0], $0xffff  }
0x158: {  	v57 =	vmul.f32 $4.371138830e-08, v8;
	v28 =	vld.idx.msk [tilespmem:v28+s0+$0x0], $0xffff  }
0x159: {  	v39 =	vadd.s32 $0x1400, v30;
	v34 =	vld.idx.msk [tilespmem:v34+s0+$0x0], $0xffff;
	v52 =	vmul.f32 $4.371138830e-08, v35;
	v11 =	vmul.f32 $4.371138830e-08, v3  }
0x15a: {  	v36 =	vld.idx.msk [tilespmem:v36+s0+$0x0], $0xffff;
	v3 =	vmul.f32 v6, v3;
	v42 =	vmul.f32 $4.371138830e-08, v61  }
0x15b: {  	v38 =	vld.idx.msk [tilespmem:v38+s0+$0x0], $0xffff;
	v9 =	vmul.f32 $4.371138830e-08, v1;
	v12 =	vmul.f32 v8, v2  }
0x15c: {  	v44 =	vadd.s32 $0x1400, v13;
	v0 =	vld.idx.msk [tilespmem:v0+s0+$0x0], $0xffff;
	v56 =	vmul.f32 v7, v11;
	v4 =	vmul.f32 v8, v4  }
0x15d: {  	v53 =	vadd.s32 $0x1400, v46;
	v5 =	vmul.f32 v7, v5;
	v2 =	vld.idx.msk [tilespmem:v10+s0+$0x0], $0xffff;
	v40 =	vmul.f32 $4.371138830e-08, v63  }
0x15e: {  	v45 =	vadd.s32 $0x1800, v13;
	v42 =	vmul.f32 v15, v42;
	v13 =	vmul.f32 v16, v49;
	v10 =	vld.idx.msk [tilespmem:v39+s0+$0x0], $0xffff  }
0x15f: {  	v8 =	vadd.s32 $0x1800, v46;
	v11 =	vmul.f32 v14, v63;
	v39 =	vld [tilespmem:s23+$0xFFFFFFD0];
	v46 =	vmul.f32 $4.371138830e-08, v29  }
0x160: {  	v58 =	vadd.s32 $0x400, v41;
	v49 =	vmul.f32 v35, v26;
	v51 =	vmul.f32 v33, v31;
	v31 =	vld [tilespmem:s23+$0xFFFFFFE0]  }
0x161: {  	v43 =	vadd.s32 $0xC00, v41;
	v28 =	vmul.f32 v35, v28;
	v35 =	vld [tilespmem:s23+$0xFFFFFFF0];
	v9 =	vmul.f32 v7, v9  }
0x162: {  	v4 =	vsub.f32 v4, v56;
	v7 =	vld.idx.msk [tilespmem:v53+s0+$0x0], $0xffff;
	v56 =	vadd.s32 $0x1400, v20;
	v20 =	vadd.s32 $0x1800, v20  }
0x163: {  	v5 =	vadd.f32 v57, v5;
	v57 =	vadd.s32 $0x400, v30;
	v13 =	vsub.f32 v13, v42;
	v42 =	vld [tilespmem:s21+$0xFFFFFFD0]  }
0x164: {  	v60 =	vmul.f32 $4.371138830e-08, v19;
	v30 =	vadd.s32 $0x1800, v30;
	v63 =	vmul.f32 v33, v46;
	v46 =	vld [tilespmem:s24+$0xFFFFFFF0]  }
0x165: {  	v19 =	vmul.f32 v23, v19;
	v3 =	vsub.f32 v3, v9;
	v9 =	vmul.f32 v14, v61;
	v14 =	vld.idx.msk [tilespmem:v58+s0+$0x0], $0xffff  }
0x166: {  	v61 =	vmul.f32 $4.371138830e-08, v17;
	v17 =	vmul.f32 v23, v17;
	v23 =	vld.idx.msk [tilespmem:v43+s0+$0x0], $0xffff  }
0x167: {  	v1 =	vmul.f32 v6, v1;
	v40 =	vmul.f32 v15, v40;
	v6 =	vld.idx.msk [tilespmem:v20+s0+$0x0], $0xffff  }
0x168: {  	v59 =	vadd.s32 $0x800, v41;
	v3 =	vadd.f32 v12, v3;
	v20 =	vld.idx.msk [tilespmem:v57+s0+$0x0], $0xffff  }
0x169: {  	v15 =	vmul.f32 v15, v47;
	v47 =	vadd.s32 $0x1400, v41;
	v40 =	vsub.f32 v9, v40;
	v9 =	vld.idx.msk [tilespmem:v30+s0+$0x0], $0xffff  }
0x16a: {  	v12 =	vmul.f32 v16, v48;
	v16 =	vmul.f32 $4.371138830e-08, v16;
	[tilespmem:s23+$0xFFFFFF90] =	vst v3;
	v3 =	vld.idx.msk [tilespmem:v8+s0+$0x0], $0xffff  }
0x16b: {  	v62 =	vmul.f32 v32, v27;
	v8 =	vld.idx.msk [tilespmem:v56+s0+$0x0], $0xffff  }
0x16c: {  	v21 =	vmul.f32 v24, v21;
	v18 =	vmul.f32 v25, v18;
	v15 =	vadd.f32 v16, v15;
	v16 =	vld [tilespmem:s22+$0xFFFFFFD0]  }
0x16d: {  	v13 =	vsub.f32 v13, v11;
	v11 =	vmul.f32 v24, v60;
	v30 =	vadd.f32 v12, v40;
	v40 =	vld.idx.msk [tilespmem:v59+s0+$0x0], $0xffff  }
0x16e: {  	v24 =	vmul.f32 v24, v61;
	v60 =	vmul.f32 v42, v38;
	v12 =	vld.idx.msk [tilespmem:v47+s0+$0x0], $0xffff  }
0x16f: {  	v48 =	vsub.f32 v62, v63;
	v63 =	vmul.f32 $4.371138830e-08, v42;
	v59 =	vmul.f32 v42, v36;
	v42 =	vld [tilespmem:s23+$0x0]  }
0x170: {  	v1 =	vsub.f32 v4, v1;
	[tilespmem:s22+$0xFFFFFF90] =	vst v5;
	v5 =	vld.idx.msk [tilespmem:v44+s0+$0x0], $0xffff  }
0x171: {  	v50 =	vmul.f32 $4.371138830e-08, v27;
	v54 =	vadd.s32 $0x400, v46;
	v18 =	vsub.f32 v18, v24;
	v44 =	vld.idx.msk [tilespmem:v41+s0+$0x0], $0xffff  }
0x172: {  	v22 =	vmul.f32 v25, v22;
	v25 =	vmul.f32 $4.371138830e-08, v25;
	v55 =	vadd.s32 $0x800, v46;
	[tilespmem:s21+$0xFFFFFF90] =	vst v1;
	v1 =	vld.idx.msk [tilespmem:v45+s0+$0x0], $0xffff  }
0x173: {  	v45 =	vadd.s32 $0x1000, v41;
	v18 =	vsub.f32 v18, v19;
	v19 =	vmul.f32 v33, v50;
	v33 =	vld [tilespmem:s22+$0xFFFFFFE0]  }
0x174: {  	v29 =	vmul.f32 v32, v29;
	v21 =	vadd.f32 v25, v21;
	v36 =	vld.idx.msk [tilespmem:v46+s0+$0x0], $0xffff  }
0x175: {  	v25 =	vadd.f32 v52, v51;
	v57 =	vadd.s32 $0xC00, v46;
	v19 =	vsub.f32 v28, v19;
	v28 =	vld [tilespmem:s24+$0x0]  }
0x176: {  	v58 =	vmul.f32 $4.371138830e-08, v37;
	v11 =	vsub.f32 v17, v11;
	v41 =	vadd.s32 $0x1800, v41;
	v38 =	vld.idx.msk [tilespmem:v54+s0+$0x0], $0xffff  }
0x177: {  	v61 =	vadd.s32 $0x1000, v46;
	v56 =	vmul.f32 v39, v37;
	v62 =	vmul.f32 $4.371138830e-08, v14;
	v32 =	vld.idx.msk [tilespmem:v55+s0+$0x0], $0xffff  }
0x178: {  	v22 =	vadd.f32 v22, v11;
	v14 =	vmul.f32 v31, v14;
	v53 =	vmul.f32 $4.371138830e-08, v20;
	v24 =	vld.idx.msk [tilespmem:v45+s0+$0x0], $0xffff  }
0x179: {  	v17 =	vadd.f32 v49, v48;
	[tilespmem:s23+$0xFFFFFFA0] =	vst v30;
	v51 =	vmul.f32 v39, v20;
	v26 =	vmul.f32 v16, v58;
	v45 =	vld [tilespmem:s21+$0xFFFFFFE0]  }
0x17a: {  	v48 =	vld.idx.msk [tilespmem:v57+s0+$0x0], $0xffff;
	v27 =	vmul.f32 v16, v53;
	v19 =	vsub.f32 v19, v29;
	v16 =	vmul.f32 v16, v34  }
0x17b: {  	v49 =	vmul.f32 v31, v44;
	v11 =	vld.idx.msk [tilespmem:v41+s0+$0x0], $0xffff;
	v26 =	vsub.f32 v60, v26;
	v29 =	vmul.f32 v33, v62  }
0x17c: {  	[tilespmem:s22+$0xFFFFFFA0] =	vst v15;
	v54 =	vmul.f32 v33, v40;
	v40 =	vld.idx.msk [tilespmem:v61+s0+$0x0], $0xffff;
	v61 =	vmul.f32 v35, v36;
	v50 =	vadd.s32 $0x400, v28  }
0x17d: {  	[tilespmem:s21+$0xFFFFFFA0] =	vst v13;
	v41 =	vadd.s32 $0x1400, v46;
	v53 =	vadd.s32 $0xC00, v28;
	v13 =	vsub.f32 v26, v51;
	v26 =	vld [tilespmem:s21+$0xFFFFFFF0]  }
0x17e: {  	[tilespmem:s23+$0xFFFFFFB0] =	vst v22;
	v27 =	vsub.f32 v56, v27;
	v56 =	vmul.f32 $4.371138830e-08, v44;
	v52 =	vmul.f32 v45, v23;
	v23 =	vld [tilespmem:s22+$0xFFFFFFF0]  }
0x17f: {  	[tilespmem:s23+$0xFFFFFFC0] =	vst v17;
	v15 =	vsub.f32 v49, v29;
	v60 =	vadd.s32 $0x1000, v28;
	v62 =	vadd.s32 $0x800, v28;
	v22 =	vld.idx.msk [tilespmem:v28+s0+$0x0], $0xffff  }
0x180: {  	[tilespmem:s22+$0xFFFFFFB0] =	vst v21;
	v27 =	vadd.f32 v59, v27;
	v55 =	vmul.f32 $4.371138830e-08, v45;
	v59 =	vmul.f32 v45, v24;
	v45 =	vld [tilespmem:s22+$0x0]  }
0x181: {  	[tilespmem:s22+$0xFFFFFFC0] =	vst v25;
	v43 =	vmul.f32 $4.371138830e-08, v36;
	v46 =	vadd.s32 $0x1800, v46;
	v16 =	vadd.f32 v63, v16;
	v24 =	vld.idx.msk [tilespmem:v50+s0+$0x0], $0xffff  }
0x182: {  	[tilespmem:s21+$0xFFFFFFB0] =	vst v18;
	v57 =	vmul.f32 $4.371138830e-08, v38;
	v58 =	vmul.f32 v33, v56;
	v15 =	vadd.f32 v52, v15;
	v63 =	vld.idx.msk [tilespmem:v53+s0+$0x0], $0xffff  }
0x183: {  	[tilespmem:s21+$0xFFFFFFC0] =	vst v19;
	v18 =	vadd.f32 v55, v54;
	v44 =	vmul.f32 v26, v48;
	v47 =	vmul.f32 $4.371138830e-08, v26;
	v48 =	vld [tilespmem:s21+$0x0]  }
0x184: {  	v17 =	vsub.f32 v59, v58;
	v54 =	vld.idx.msk [tilespmem:v62+s0+$0x0], $0xffff;
	v62 =	vmul.f32 v35, v38;
	v20 =	vmul.f32 v23, v57  }
0x185: {  	[tilespmem:s23+$0xFFFFFFD0] =	vst v27;
	v51 =	vld.idx.msk [tilespmem:v60+s0+$0x0], $0xffff;
	v58 =	vadd.s32 $0x1400, v28;
	v32 =	vmul.f32 v23, v32;
	v53 =	vmul.f32 v23, v43  }
0x186: {  	v4 =	vld [tilespmem:s20+$0xFFFFFF90];
	[tilespmem:s22+$0xFFFFFFD0] =	vst v16;
	v49 =	vsub.f32 v17, v14;
	v57 =	vmul.f32 v26, v40;
	v55 =	vmul.f32 $4.371138830e-08, v24  }
0x187: {  	v37 =	vld [tilespmem:s20+$0xFFFFFFC0];
	[tilespmem:s21+$0xFFFFFFD0] =	vst v13;
	v59 =	vmul.f32 $4.371138830e-08, v22;
	v22 =	vmul.f32 v42, v22;
	v20 =	vsub.f32 v61, v20  }
0x188: {  	v16 =	vld.idx.msk [tilespmem:v46+s0+$0x0], $0xffff;
	[tilespmem:s23+$0xFFFFFFE0] =	vst v15;
	v52 =	vadd.f32 v47, v32;
	v61 =	vadd.s32 $0x1800, v28;
	v25 =	vmul.f32 v45, v55  }
0x189: {  	v56 =	vld [tilespmem:s20+$0xFFFFFFA0];
	[tilespmem:s22+$0xFFFFFFE0] =	vst v18;
	v18 =	vsub.f32 v57, v53;
	v63 =	vmul.f32 v48, v63;
	v50 =	vadd.f32 v44, v20  }
0x18a: {  	v33 =	vld [tilespmem:s20+$0xFFFFFFB0];
	[tilespmem:s21+$0xFFFFFFE0] =	vst v49;
	v34 =	vmul.f32 v45, v59;
	v17 =	vmul.f32 v48, v51;
	v32 =	vsub.f32 v22, v25  }
0x18b: {  	v60 =	vld.idx.msk [tilespmem:v41+s0+$0x0], $0xffff;
	v35 =	vmul.f32 v45, v54;
	v38 =	vmul.f32 $4.371138830e-08, v48;
	v18 =	vsub.f32 v18, v62;
	[tilespmem:s23+$0xFFFFFFF0] =	vst v50  }
0x18c: {  	v41 =	vld [tilespmem:s20+$0xFFFFFFD0];
	v21 =	vmul.f32 v42, v24;
	v17 =	vsub.f32 v17, v34;
	[tilespmem:s22+$0xFFFFFFF0] =	vst v52;
	v14 =	vadd.f32 v63, v32  }
0x18d: {  	v39 =	vld.idx.msk [tilespmem:v58+s0+$0x0], $0xffff;
	v15 =	vadd.f32 v38, v35;
	[tilespmem:s21+$0xFFFFFFF0] =	vst v18  }
0x18e: {  	v17 =	vsub.f32 v17, v21;
	v40 =	vld.idx.msk [tilespmem:v61+s0+$0x0], $0xffff;
	[tilespmem:s23+$0x0] =	vst v14  }
0x18f: {  	v5 =	vadd.f32 v56, v5;
	v42 =	vld [tilespmem:s20+$0xFFFFFFE0];
	[tilespmem:s22+$0x0] =	vst v15  }
0x190: {  	v2 =	vadd.f32 v4, v2;
	v43 =	vld [tilespmem:s20+$0xFFFFFFF0];
	[tilespmem:s21+$0x0] =	vst v17  }
0x191: {  	[tilespmem:s20+$0xFFFFFFA0] =	vst v5;
	v44 =	vadd.f32 v33, v7;
	v45 =	vld [tilespmem:s20+$0x0]  }
0x192: {  	[tilespmem:s20+$0xFFFFFF90] =	vst v2;
	v46 =	vadd.f32 v37, v8;
	v49 =	vld [tilespmem:s19+$0xFFFFFFA0]  }
0x193: {  	v47 =	vld [tilespmem:s19+$0xFFFFFF90];
	v48 =	vadd.f32 v41, v10;
	[tilespmem:s20+$0xFFFFFFB0] =	vst v44  }
0x194: {  	[tilespmem:s20+$0xFFFFFFC0] =	vst v46;
	v4 =	vadd.f32 v42, v12;
	v50 =	vld [tilespmem:s19+$0xFFFFFFB0]  }
0x195: {  	[tilespmem:s20+$0xFFFFFFD0] =	vst v48;
	v52 =	vld [tilespmem:s19+$0xFFFFFFC0];
	v51 =	vadd.f32 v43, v60  }
0x196: {  	v54 =	vld [tilespmem:s19+$0xFFFFFFD0];
	[tilespmem:s20+$0xFFFFFFE0] =	vst v4;
	v53 =	vadd.f32 v45, v39  }
0x197: {  	v1 =	vadd.f32 v49, v1;
	v55 =	vld [tilespmem:s19+$0xFFFFFFE0];
	[tilespmem:s20+$0xFFFFFFF0] =	vst v51  }
0x198: {  	v0 =	vadd.f32 v47, v0;
	v56 =	vld [tilespmem:s19+$0xFFFFFFF0];
	[tilespmem:s20+$0x0] =	vst v53  }
0x199: {  	[tilespmem:s19+$0xFFFFFFA0] =	vst v1;
	v57 =	vadd.f32 v50, v3;
	v58 =	vld [tilespmem:s19+$0x0]  }
0x19a: {  	s18 =	sadd.s32 $0x80, s18;
	[tilespmem:s19+$0xFFFFFF90] =	vst v0;
	v59 =	vadd.f32 v52, v6  }
0x19b: {  	p0 =	slt.u32 s18, $0xF80;
	[tilespmem:s19+$0xFFFFFFB0] =	vst v57;
	v60 =	vadd.f32 v54, v9  }
.Ltmp1:
0x19c: {  	[tilespmem:s19+$0xFFFFFFC0] =	vst v59;
	v61 =	vadd.f32 v55, v11;
	(pc) =	sbr.rel @p0 .LBB2_4-.Ltmp1, $4  }
0x19d: {  	[tilespmem:s19+$0xFFFFFFD0] =	vst v60;
	v62 =	vadd.f32 v56, v16  }
0x19e: {  	[tilespmem:s19+$0xFFFFFFE0] =	vst v61;
	v63 =	vadd.f32 v58, v40  }
0x19f: {  	s24 =	sadd.s32 $0x80, s24;
	s23 =	sadd.s32 $0x80, s23;
	s22 =	sadd.s32 $0x80, s22;
	[tilespmem:s19+$0xFFFFFFF0] =	vst v62  }
0x1a0: {  	s21 =	sadd.s32 $0x80, s21;
	s20 =	sadd.s32 $0x80, s20;
	[tilespmem:s19+$0x0] =	vst v63;
	s19 =	sadd.s32 $0x80, s19  }
0x1a1: {  	s18 =	rddreg [dreg:$0xb]  }
0x1a2: {  	[hbm4b:s18+s0] =	stream.linear.scatter [tilespmem:s10], [sflag:$0x2], $0x1000, $0x38;
	[tilespmem:$0xE000] =	vst v63  }
0x1a3: {  	s21 =	rddreg [dreg:$0xc]  }
0x1a4: {  	[hbm4b:s21+s0] =	stream.linear.scatter [tilespmem:s11], [sflag:$0x2], $0x1000, $0x38;
	[tilespmem:$0xE000] =	vst v63  }
0x1a5: {  	s22 =	rddreg [dreg:$0xd]  }
0x1a6: {  	[hbm4b:s22+s0] =	stream.linear.scatter [tilespmem:s12], [sflag:$0x2], $0x1000, $0x38;
	[tilespmem:$0xE000] =	vst v63  }
0x1a7: {  	s23 =	rddreg [dreg:$0xe]  }
0x1a8: {  	[hbm4b:s23+s0] =	stream.linear.scatter [tilespmem:s13], [sflag:$0x2], $0x1000, $0x38;
	[tilespmem:$0xE000] =	vst v63  }
0x1a9: {  	s24 =	rddreg [dreg:$0xf]  }
0x1aa: {  	[hbm4b:s24+s0] =	stream.linear.scatter [tilespmem:s14], [sflag:$0x2], $0x1000, $0x38;
	[tilespmem:$0xE000] =	vst v63  }
0x1ab: {  	_ =	swait.ge [sflag:s16], $0x1000  }
0x1ac: {  	[sflag:s16] =	ssyncset.done $0x0  }
0x1ad: {  	[sflag:s16] =	ssyncadd.s32 $0xFFFFF000  }
0x1ae: {  	_ =	swait.ge [sflag:s16], $0x1000  }
0x1af: {  	[sflag:s16] =	ssyncset.done $0x0  }
0x1b0: {  	[sflag:s16] =	ssyncadd.s32 $0xFFFFF000  }
0x1b1: {  	_ =	swait.ge [sflag:s16], $0x1000  }
0x1b2: {  	[sflag:s16] =	ssyncset.done $0x0  }
0x1b3: {  	[sflag:s16] =	ssyncadd.s32 $0xFFFFF000  }
0x1b4: {  	_ =	swait.ge [sflag:s16], $0x1000  }
0x1b5: {  	[sflag:s16] =	ssyncset.done $0x0  }
0x1b6: {  	[sflag:s16] =	ssyncadd.s32 $0xFFFFF000  }
0x1b7: {  	_ =	swait.ge [sflag:s16], $0x1000  }
0x1b8: {  	[sflag:s16] =	ssyncset.done $0x0;
	s19 =	rddreg [dreg:$0x1b]  }
0x1b9: {  	s20 =	rddreg [dreg:$0x1c];
	[sflag:s16] =	ssyncadd.s32 $0xFFFFF000  }
0x1ba: {  	[tilespmem:s9], [sflag:$0x1] =	stream.linear.gather [hbm4b:s19+s0], $0x1000, $0x38;
	[tilespmem:$0xE000] =	vst v63  }
0x1bb: {  	s21 =	rddreg [dreg:$0x1d]  }
0x1bc: {  	[tilespmem:s10], [sflag:$0x1] =	stream.linear.gather [hbm4b:s20+s0], $0x1000, $0x38;
	[tilespmem:$0xE000] =	vst v63  }
0x1bd: {  	s22 =	rddreg [dreg:$0x1e]  }
0x1be: {  	[tilespmem:s11], [sflag:$0x1] =	stream.linear.gather [hbm4b:s21+s0], $0x1000, $0x38;
	[tilespmem:$0xE000] =	vst v63  }
0x1bf: {  	s23 =	rddreg [dreg:$0x1f]  }
0x1c0: {  	[tilespmem:s12], [sflag:$0x1] =	stream.linear.gather [hbm4b:s22+s0], $0x1000, $0x38;
	[tilespmem:$0xE000] =	vst v63  }
0x1c1: {  	s24 =	sld [smem:$0x7C6]  }
0x1c2: {  	[tilespmem:s13], [sflag:$0x1] =	stream.linear.gather [hbm4b:s23+s0], $0x1000, $0x38;
	[tilespmem:$0xE000] =	vst v63  }
0x1c3: {  	_ = 	snop  }
0x1c4: {  	[tilespmem:s14], [sflag:$0x1] =	stream.linear.gather [hbm4b:s24+s0], $0x1000, $0x38;
	[tilespmem:$0xE000] =	vst v63  }
0x1c5: {  	_ =	swait.ge [sflag:s15], $0x1000  }
0x1c6: {  	[sflag:s15] =	ssyncset.done $0x0  }
0x1c7: {  	[sflag:s15] =	ssyncadd.s32 $0xFFFFF000  }
0x1c8: {  	_ =	swait.ge [sflag:s15], $0x1000  }
0x1c9: {  	[sflag:s15] =	ssyncset.done $0x0  }
0x1ca: {  	[sflag:s15] =	ssyncadd.s32 $0xFFFFF000  }
0x1cb: {  	_ =	swait.ge [sflag:s15], $0x1000  }
0x1cc: {  	[sflag:s15] =	ssyncset.done $0x0  }
0x1cd: {  	[sflag:s15] =	ssyncadd.s32 $0xFFFFF000  }
0x1ce: {  	_ =	swait.ge [sflag:s15], $0x1000  }
0x1cf: {  	[sflag:s15] =	ssyncset.done $0x0  }
0x1d0: {  	[sflag:s15] =	ssyncadd.s32 $0xFFFFF000  }
0x1d1: {  	_ =	swait.ge [sflag:s15], $0x1000  }
0x1d2: {  	[sflag:s15] =	ssyncset.done $0x0  }
0x1d3: {  	s18 =	simm.s32 $0xFFFFFF80;
	[sflag:s15] =	ssyncadd.s32 $0xFFFFF000  }
0x1d4: {  	s19 =	simm.s32 $0x2040;
	s20 =	simm.s32 $0x8040;
	_ =	swait.ge [sflag:s15], $0x1000  }
0x1d5: {  	s21 =	simm.s32 $0xA040;
	s22 =	simm.s32 $0xC040;
	[sflag:s15] =	ssyncset.done $0x0  }
0x1d6: {  	s23 =	simm.s32 $0x4040;
	s24 =	simm.s32 $0x6040;
	[sflag:s15] =	ssyncadd.s32 $0xFFFFF000  }
.LBB2_6:
0x1d7: {  	v0 =	vld [tilespmem:s19+$0xFFFFFFC0]  }
0x1d8: {  	v6 =	vld [tilespmem:s20+$0xFFFFFFC0]  }
0x1d9: {  	v7 =	vld [tilespmem:s21+$0xFFFFFFC0]  }
0x1da: {  	v8 =	vld [tilespmem:s22+$0xFFFFFFC0]  }
0x1db: {  	v13 =	vld [tilespmem:s19+$0xFFFFFFD0]  }
0x1dc: {  	v46 =	vld [tilespmem:s19+$0xFFFFFFE0]  }
0x1dd: {  	v14 =	vld [tilespmem:s20+$0xFFFFFFD0]  }
0x1de: {  	v15 =	vld [tilespmem:s21+$0xFFFFFFD0]  }
0x1df: {  	v16 =	vld [tilespmem:s22+$0xFFFFFFD0]  }
0x1e0: {  	v20 =	vld [tilespmem:s19+$0xFFFFFFF0]  }
0x1e1: {  	v23 =	vld [tilespmem:s20+$0xFFFFFFE0]  }
0x1e2: {  	v24 =	vld [tilespmem:s21+$0xFFFFFFE0]  }
0x1e3: {  	v25 =	vld [tilespmem:s22+$0xFFFFFFE0]  }
0x1e4: {  	v30 =	vld [tilespmem:s19+$0x0]  }
0x1e5: {  	v32 =	vld [tilespmem:s20+$0xFFFFFFF0]  }
0x1e6: {  	v33 =	vld [tilespmem:s21+$0xFFFFFFF0]  }
0x1e7: {  	v35 =	vld [tilespmem:s22+$0xFFFFFFF0]  }
0x1e8: {  	v41 =	vld [tilespmem:s19+$0x10]  }
0x1e9: {  	v1 =	vadd.s32 $0x400, v0;
	v3 =	vld.idx.msk [tilespmem:v0+s0+$0x0], $0xffff  }
0x1ea: {  	v2 =	vadd.s32 $0xC00, v0;
	v61 =	vld.idx.msk [tilespmem:v13+s0+$0x0], $0xffff  }
0x1eb: {  	v4 =	vadd.s32 $0x1000, v0;
	v17 =	vld.idx.msk [tilespmem:v46+s0+$0x0], $0xffff  }
0x1ec: {  	v5 =	vadd.s32 $0x800, v0;
	v27 =	vld.idx.msk [tilespmem:v20+s0+$0x0], $0xffff  }
0x1ed: {  	v58 =	vadd.s32 $0x400, v13;
	v37 =	vld.idx.msk [tilespmem:v30+s0+$0x0], $0xffff  }
0x1ee: {  	v59 =	vadd.s32 $0x800, v13;
	v1 =	vld.idx.msk [tilespmem:v1+s0+$0x0], $0xffff  }
0x1ef: {  	v60 =	vadd.s32 $0xC00, v13;
	v2 =	vld.idx.msk [tilespmem:v2+s0+$0x0], $0xffff  }
0x1f0: {  	v62 =	vadd.s32 $0x1000, v13;
	v4 =	vld.idx.msk [tilespmem:v4+s0+$0x0], $0xffff  }
0x1f1: {  	v50 =	vadd.s32 $0x400, v46;
	v5 =	vld.idx.msk [tilespmem:v5+s0+$0x0], $0xffff  }
0x1f2: {  	v51 =	vadd.s32 $0x800, v46;
	v63 =	vld.idx.msk [tilespmem:v58+s0+$0x0], $0xffff  }
0x1f3: {  	v52 =	vadd.s32 $0xC00, v46;
	v47 =	vld.idx.msk [tilespmem:v59+s0+$0x0], $0xffff  }
0x1f4: {  	v18 =	vadd.s32 $0x1000, v46;
	v48 =	vld.idx.msk [tilespmem:v60+s0+$0x0], $0xffff  }
0x1f5: {  	v54 =	vadd.s32 $0x400, v20;
	v49 =	vld.idx.msk [tilespmem:v62+s0+$0x0], $0xffff  }
0x1f6: {  	v55 =	vadd.s32 $0x800, v20;
	v19 =	vld.idx.msk [tilespmem:v50+s0+$0x0], $0xffff  }
0x1f7: {  	v26 =	vadd.s32 $0xC00, v20;
	v21 =	vld.idx.msk [tilespmem:v51+s0+$0x0], $0xffff  }
0x1f8: {  	v28 =	vadd.s32 $0x1000, v20;
	v22 =	vld.idx.msk [tilespmem:v52+s0+$0x0], $0xffff  }
0x1f9: {  	v34 =	vadd.s32 $0x800, v30;
	v18 =	vld.idx.msk [tilespmem:v18+s0+$0x0], $0xffff  }
0x1fa: {  	v36 =	vadd.s32 $0xC00, v30;
	v29 =	vld.idx.msk [tilespmem:v54+s0+$0x0], $0xffff  }
0x1fb: {  	v38 =	vadd.s32 $0x1000, v30;
	v31 =	vld.idx.msk [tilespmem:v55+s0+$0x0], $0xffff  }
0x1fc: {  	v10 =	vadd.s32 $0x1400, v0;
	v0 =	vadd.s32 $0x1800, v0;
	v26 =	vld.idx.msk [tilespmem:v26+s0+$0x0], $0xffff  }
0x1fd: {  	v57 =	vmul.f32 $4.371138830e-08, v8;
	v28 =	vld.idx.msk [tilespmem:v28+s0+$0x0], $0xffff  }
0x1fe: {  	v39 =	vadd.s32 $0x1400, v30;
	v34 =	vld.idx.msk [tilespmem:v34+s0+$0x0], $0xffff;
	v52 =	vmul.f32 $4.371138830e-08, v35;
	v11 =	vmul.f32 $4.371138830e-08, v3  }
0x1ff: {  	v36 =	vld.idx.msk [tilespmem:v36+s0+$0x0], $0xffff;
	v3 =	vmul.f32 v6, v3;
	v42 =	vmul.f32 $4.371138830e-08, v61  }
0x200: {  	v38 =	vld.idx.msk [tilespmem:v38+s0+$0x0], $0xffff;
	v9 =	vmul.f32 $4.371138830e-08, v1;
	v12 =	vmul.f32 v8, v2  }
0x201: {  	v44 =	vadd.s32 $0x1400, v13;
	v0 =	vld.idx.msk [tilespmem:v0+s0+$0x0], $0xffff;
	v56 =	vmul.f32 v7, v11;
	v4 =	vmul.f32 v8, v4  }
0x202: {  	v53 =	vadd.s32 $0x1400, v46;
	v5 =	vmul.f32 v7, v5;
	v2 =	vld.idx.msk [tilespmem:v10+s0+$0x0], $0xffff;
	v40 =	vmul.f32 $4.371138830e-08, v63  }
0x203: {  	v45 =	vadd.s32 $0x1800, v13;
	v42 =	vmul.f32 v15, v42;
	v13 =	vmul.f32 v16, v49;
	v10 =	vld.idx.msk [tilespmem:v39+s0+$0x0], $0xffff  }
0x204: {  	v8 =	vadd.s32 $0x1800, v46;
	v11 =	vmul.f32 v14, v63;
	v39 =	vld [tilespmem:s20+$0x0];
	v46 =	vmul.f32 $4.371138830e-08, v29  }
0x205: {  	v58 =	vadd.s32 $0x400, v41;
	v49 =	vmul.f32 v35, v26;
	v51 =	vmul.f32 v33, v31;
	v31 =	vld [tilespmem:s20+$0x10]  }
0x206: {  	v43 =	vadd.s32 $0xC00, v41;
	v28 =	vmul.f32 v35, v28;
	v35 =	vld [tilespmem:s20+$0x20];
	v9 =	vmul.f32 v7, v9  }
0x207: {  	v4 =	vsub.f32 v4, v56;
	v7 =	vld.idx.msk [tilespmem:v53+s0+$0x0], $0xffff;
	v56 =	vadd.s32 $0x1400, v20;
	v20 =	vadd.s32 $0x1800, v20  }
0x208: {  	v5 =	vadd.f32 v57, v5;
	v57 =	vadd.s32 $0x400, v30;
	v13 =	vsub.f32 v13, v42;
	v42 =	vld [tilespmem:s22+$0x0]  }
0x209: {  	v60 =	vmul.f32 $4.371138830e-08, v19;
	v30 =	vadd.s32 $0x1800, v30;
	v63 =	vmul.f32 v33, v46;
	v46 =	vld [tilespmem:s19+$0x20]  }
0x20a: {  	v19 =	vmul.f32 v23, v19;
	v3 =	vsub.f32 v3, v9;
	v9 =	vmul.f32 v14, v61;
	v14 =	vld.idx.msk [tilespmem:v58+s0+$0x0], $0xffff  }
0x20b: {  	v61 =	vmul.f32 $4.371138830e-08, v17;
	v17 =	vmul.f32 v23, v17;
	v23 =	vld.idx.msk [tilespmem:v43+s0+$0x0], $0xffff  }
0x20c: {  	v1 =	vmul.f32 v6, v1;
	v40 =	vmul.f32 v15, v40;
	v6 =	vld.idx.msk [tilespmem:v20+s0+$0x0], $0xffff  }
0x20d: {  	v59 =	vadd.s32 $0x800, v41;
	v3 =	vadd.f32 v12, v3;
	v20 =	vld.idx.msk [tilespmem:v57+s0+$0x0], $0xffff  }
0x20e: {  	v15 =	vmul.f32 v15, v47;
	v47 =	vadd.s32 $0x1400, v41;
	v40 =	vsub.f32 v9, v40;
	v9 =	vld.idx.msk [tilespmem:v30+s0+$0x0], $0xffff  }
0x20f: {  	v12 =	vmul.f32 v16, v48;
	v16 =	vmul.f32 $4.371138830e-08, v16;
	[tilespmem:s20+$0xFFFFFFC0] =	vst v3;
	v3 =	vld.idx.msk [tilespmem:v8+s0+$0x0], $0xffff  }
0x210: {  	v62 =	vmul.f32 v32, v27;
	v8 =	vld.idx.msk [tilespmem:v56+s0+$0x0], $0xffff  }
0x211: {  	v21 =	vmul.f32 v24, v21;
	v18 =	vmul.f32 v25, v18;
	v15 =	vadd.f32 v16, v15;
	v16 =	vld [tilespmem:s21+$0x0]  }
0x212: {  	v13 =	vsub.f32 v13, v11;
	v11 =	vmul.f32 v24, v60;
	v30 =	vadd.f32 v12, v40;
	v40 =	vld.idx.msk [tilespmem:v59+s0+$0x0], $0xffff  }
0x213: {  	v24 =	vmul.f32 v24, v61;
	v60 =	vmul.f32 v42, v38;
	v12 =	vld.idx.msk [tilespmem:v47+s0+$0x0], $0xffff  }
0x214: {  	v48 =	vsub.f32 v62, v63;
	v63 =	vmul.f32 $4.371138830e-08, v42;
	v59 =	vmul.f32 v42, v36;
	v42 =	vld [tilespmem:s20+$0x30]  }
0x215: {  	v1 =	vsub.f32 v4, v1;
	[tilespmem:s21+$0xFFFFFFC0] =	vst v5;
	v5 =	vld.idx.msk [tilespmem:v44+s0+$0x0], $0xffff  }
0x216: {  	v50 =	vmul.f32 $4.371138830e-08, v27;
	v54 =	vadd.s32 $0x400, v46;
	v18 =	vsub.f32 v18, v24;
	v44 =	vld.idx.msk [tilespmem:v41+s0+$0x0], $0xffff  }
0x217: {  	v22 =	vmul.f32 v25, v22;
	v25 =	vmul.f32 $4.371138830e-08, v25;
	v55 =	vadd.s32 $0x800, v46;
	[tilespmem:s22+$0xFFFFFFC0] =	vst v1;
	v1 =	vld.idx.msk [tilespmem:v45+s0+$0x0], $0xffff  }
0x218: {  	v45 =	vadd.s32 $0x1000, v41;
	v18 =	vsub.f32 v18, v19;
	v19 =	vmul.f32 v33, v50;
	v33 =	vld [tilespmem:s21+$0x10]  }
0x219: {  	v29 =	vmul.f32 v32, v29;
	v21 =	vadd.f32 v25, v21;
	v36 =	vld.idx.msk [tilespmem:v46+s0+$0x0], $0xffff  }
0x21a: {  	v25 =	vadd.f32 v52, v51;
	v57 =	vadd.s32 $0xC00, v46;
	v19 =	vsub.f32 v28, v19;
	v28 =	vld [tilespmem:s19+$0x30]  }
0x21b: {  	v58 =	vmul.f32 $4.371138830e-08, v37;
	v11 =	vsub.f32 v17, v11;
	v41 =	vadd.s32 $0x1800, v41;
	v38 =	vld.idx.msk [tilespmem:v54+s0+$0x0], $0xffff  }
0x21c: {  	v61 =	vadd.s32 $0x1000, v46;
	v56 =	vmul.f32 v39, v37;
	v62 =	vmul.f32 $4.371138830e-08, v14;
	v32 =	vld.idx.msk [tilespmem:v55+s0+$0x0], $0xffff  }
0x21d: {  	v22 =	vadd.f32 v22, v11;
	v14 =	vmul.f32 v31, v14;
	v53 =	vmul.f32 $4.371138830e-08, v20;
	v24 =	vld.idx.msk [tilespmem:v45+s0+$0x0], $0xffff  }
0x21e: {  	v17 =	vadd.f32 v49, v48;
	[tilespmem:s20+$0xFFFFFFD0] =	vst v30;
	v51 =	vmul.f32 v39, v20;
	v26 =	vmul.f32 v16, v58;
	v45 =	vld [tilespmem:s22+$0x10]  }
0x21f: {  	v48 =	vld.idx.msk [tilespmem:v57+s0+$0x0], $0xffff;
	v27 =	vmul.f32 v16, v53;
	v19 =	vsub.f32 v19, v29;
	v16 =	vmul.f32 v16, v34  }
0x220: {  	v49 =	vmul.f32 v31, v44;
	v11 =	vld.idx.msk [tilespmem:v41+s0+$0x0], $0xffff;
	v26 =	vsub.f32 v60, v26;
	v29 =	vmul.f32 v33, v62  }
0x221: {  	[tilespmem:s21+$0xFFFFFFD0] =	vst v15;
	v54 =	vmul.f32 v33, v40;
	v40 =	vld.idx.msk [tilespmem:v61+s0+$0x0], $0xffff;
	v61 =	vmul.f32 v35, v36;
	v50 =	vadd.s32 $0x400, v28  }
0x222: {  	[tilespmem:s22+$0xFFFFFFD0] =	vst v13;
	v41 =	vadd.s32 $0x1400, v46;
	v53 =	vadd.s32 $0xC00, v28;
	v13 =	vsub.f32 v26, v51;
	v26 =	vld [tilespmem:s22+$0x20]  }
0x223: {  	[tilespmem:s20+$0xFFFFFFE0] =	vst v22;
	v27 =	vsub.f32 v56, v27;
	v56 =	vmul.f32 $4.371138830e-08, v44;
	v52 =	vmul.f32 v45, v23;
	v23 =	vld [tilespmem:s21+$0x20]  }
0x224: {  	[tilespmem:s20+$0xFFFFFFF0] =	vst v17;
	v15 =	vsub.f32 v49, v29;
	v60 =	vadd.s32 $0x1000, v28;
	v62 =	vadd.s32 $0x800, v28;
	v22 =	vld.idx.msk [tilespmem:v28+s0+$0x0], $0xffff  }
0x225: {  	[tilespmem:s21+$0xFFFFFFE0] =	vst v21;
	v27 =	vadd.f32 v59, v27;
	v55 =	vmul.f32 $4.371138830e-08, v45;
	v59 =	vmul.f32 v45, v24;
	v45 =	vld [tilespmem:s21+$0x30]  }
0x226: {  	[tilespmem:s21+$0xFFFFFFF0] =	vst v25;
	v43 =	vmul.f32 $4.371138830e-08, v36;
	v46 =	vadd.s32 $0x1800, v46;
	v16 =	vadd.f32 v63, v16;
	v24 =	vld.idx.msk [tilespmem:v50+s0+$0x0], $0xffff  }
0x227: {  	[tilespmem:s22+$0xFFFFFFE0] =	vst v18;
	v57 =	vmul.f32 $4.371138830e-08, v38;
	v58 =	vmul.f32 v33, v56;
	v15 =	vadd.f32 v52, v15;
	v63 =	vld.idx.msk [tilespmem:v53+s0+$0x0], $0xffff  }
0x228: {  	[tilespmem:s22+$0xFFFFFFF0] =	vst v19;
	v18 =	vadd.f32 v55, v54;
	v44 =	vmul.f32 v26, v48;
	v47 =	vmul.f32 $4.371138830e-08, v26;
	v48 =	vld [tilespmem:s22+$0x30]  }
0x229: {  	v17 =	vsub.f32 v59, v58;
	v54 =	vld.idx.msk [tilespmem:v62+s0+$0x0], $0xffff;
	v62 =	vmul.f32 v35, v38;
	v20 =	vmul.f32 v23, v57  }
0x22a: {  	[tilespmem:s20+$0x0] =	vst v27;
	v51 =	vld.idx.msk [tilespmem:v60+s0+$0x0], $0xffff;
	v58 =	vadd.s32 $0x1400, v28;
	v32 =	vmul.f32 v23, v32;
	v53 =	vmul.f32 v23, v43  }
0x22b: {  	v4 =	vld [tilespmem:s23+$0xFFFFFFC0];
	[tilespmem:s21+$0x0] =	vst v16;
	v49 =	vsub.f32 v17, v14;
	v57 =	vmul.f32 v26, v40;
	v55 =	vmul.f32 $4.371138830e-08, v24  }
0x22c: {  	v37 =	vld [tilespmem:s23+$0xFFFFFFF0];
	[tilespmem:s22+$0x0] =	vst v13;
	v59 =	vmul.f32 $4.371138830e-08, v22;
	v22 =	vmul.f32 v42, v22;
	v20 =	vsub.f32 v61, v20  }
0x22d: {  	v16 =	vld.idx.msk [tilespmem:v46+s0+$0x0], $0xffff;
	[tilespmem:s20+$0x10] =	vst v15;
	v52 =	vadd.f32 v47, v32;
	v61 =	vadd.s32 $0x1800, v28;
	v25 =	vmul.f32 v45, v55  }
0x22e: {  	v56 =	vld [tilespmem:s23+$0xFFFFFFD0];
	[tilespmem:s21+$0x10] =	vst v18;
	v18 =	vsub.f32 v57, v53;
	v63 =	vmul.f32 v48, v63;
	v50 =	vadd.f32 v44, v20  }
0x22f: {  	v33 =	vld [tilespmem:s23+$0xFFFFFFE0];
	[tilespmem:s22+$0x10] =	vst v49;
	v34 =	vmul.f32 v45, v59;
	v17 =	vmul.f32 v48, v51;
	v32 =	vsub.f32 v22, v25  }
0x230: {  	v60 =	vld.idx.msk [tilespmem:v41+s0+$0x0], $0xffff;
	v35 =	vmul.f32 v45, v54;
	v38 =	vmul.f32 $4.371138830e-08, v48;
	v18 =	vsub.f32 v18, v62;
	[tilespmem:s20+$0x20] =	vst v50  }
0x231: {  	v41 =	vld [tilespmem:s23+$0x0];
	v21 =	vmul.f32 v42, v24;
	v17 =	vsub.f32 v17, v34;
	[tilespmem:s21+$0x20] =	vst v52;
	v14 =	vadd.f32 v63, v32  }
0x232: {  	v39 =	vld.idx.msk [tilespmem:v58+s0+$0x0], $0xffff;
	v15 =	vadd.f32 v38, v35;
	[tilespmem:s22+$0x20] =	vst v18  }
0x233: {  	v17 =	vsub.f32 v17, v21;
	v40 =	vld.idx.msk [tilespmem:v61+s0+$0x0], $0xffff;
	[tilespmem:s20+$0x30] =	vst v14  }
0x234: {  	v5 =	vadd.f32 v56, v5;
	v42 =	vld [tilespmem:s23+$0x10];
	[tilespmem:s21+$0x30] =	vst v15  }
0x235: {  	v2 =	vadd.f32 v4, v2;
	v43 =	vld [tilespmem:s23+$0x20];
	[tilespmem:s22+$0x30] =	vst v17  }
0x236: {  	[tilespmem:s23+$0xFFFFFFD0] =	vst v5;
	v44 =	vadd.f32 v33, v7;
	v45 =	vld [tilespmem:s23+$0x30]  }
0x237: {  	[tilespmem:s23+$0xFFFFFFC0] =	vst v2;
	v46 =	vadd.f32 v37, v8;
	v49 =	vld [tilespmem:s24+$0xFFFFFFD0]  }
0x238: {  	v47 =	vld [tilespmem:s24+$0xFFFFFFC0];
	v48 =	vadd.f32 v41, v10;
	[tilespmem:s23+$0xFFFFFFE0] =	vst v44  }
0x239: {  	[tilespmem:s23+$0xFFFFFFF0] =	vst v46;
	v4 =	vadd.f32 v42, v12;
	v50 =	vld [tilespmem:s24+$0xFFFFFFE0]  }
0x23a: {  	[tilespmem:s23+$0x0] =	vst v48;
	v52 =	vld [tilespmem:s24+$0xFFFFFFF0];
	v51 =	vadd.f32 v43, v60  }
0x23b: {  	v54 =	vld [tilespmem:s24+$0x0];
	[tilespmem:s23+$0x10] =	vst v4;
	v53 =	vadd.f32 v45, v39  }
0x23c: {  	v1 =	vadd.f32 v49, v1;
	v55 =	vld [tilespmem:s24+$0x10];
	[tilespmem:s23+$0x20] =	vst v51  }
0x23d: {  	v0 =	vadd.f32 v47, v0;
	v56 =	vld [tilespmem:s24+$0x20];
	[tilespmem:s23+$0x30] =	vst v53  }
0x23e: {  	[tilespmem:s24+$0xFFFFFFD0] =	vst v1;
	v57 =	vadd.f32 v50, v3;
	v58 =	vld [tilespmem:s24+$0x30]  }
0x23f: {  	s18 =	sadd.s32 $0x80, s18;
	[tilespmem:s24+$0xFFFFFFC0] =	vst v0;
	v59 =	vadd.f32 v52, v6  }
0x240: {  	p0 =	slt.u32 s18, $0xF80;
	[tilespmem:s24+$0xFFFFFFE0] =	vst v57;
	v60 =	vadd.f32 v54, v9  }
.Ltmp2:
0x241: {  	[tilespmem:s24+$0xFFFFFFF0] =	vst v59;
	v61 =	vadd.f32 v55, v11;
	(pc) =	sbr.rel @p0 .LBB2_6-.Ltmp2, $4  }
0x242: {  	[tilespmem:s24+$0x0] =	vst v60;
	v62 =	vadd.f32 v56, v16  }
0x243: {  	[tilespmem:s24+$0x10] =	vst v61;
	v63 =	vadd.f32 v58, v40  }
0x244: {  	s19 =	sadd.s32 $0x80, s19;
	s20 =	sadd.s32 $0x80, s20;
	s21 =	sadd.s32 $0x80, s21;
	[tilespmem:s24+$0x20] =	vst v62  }
0x245: {  	s22 =	sadd.s32 $0x80, s22;
	s23 =	sadd.s32 $0x80, s23;
	[tilespmem:s24+$0x30] =	vst v63;
	s24 =	sadd.s32 $0x80, s24  }
0x246: {  	s18 =	rddreg [dreg:$0x16]  }
0x247: {  	[hbm4b:s18+s0] =	stream.linear.scatter [tilespmem:s4], [sflag:$0x2], $0x1000, $0x38;
	[tilespmem:$0xE000] =	vst v63  }
0x248: {  	s21 =	rddreg [dreg:$0x17]  }
0x249: {  	[hbm4b:s21+s0] =	stream.linear.scatter [tilespmem:s5], [sflag:$0x2], $0x1000, $0x38;
	[tilespmem:$0xE000] =	vst v63  }
0x24a: {  	s22 =	rddreg [dreg:$0x18]  }
0x24b: {  	[hbm4b:s22+s0] =	stream.linear.scatter [tilespmem:s6], [sflag:$0x2], $0x1000, $0x38;
	[tilespmem:$0xE000] =	vst v63  }
0x24c: {  	s23 =	rddreg [dreg:$0x19]  }
0x24d: {  	[hbm4b:s23+s0] =	stream.linear.scatter [tilespmem:s7], [sflag:$0x2], $0x1000, $0x38;
	[tilespmem:$0xE000] =	vst v63  }
0x24e: {  	s24 =	rddreg [dreg:$0x1a]  }
0x24f: {  	[hbm4b:s24+s0] =	stream.linear.scatter [tilespmem:s8], [sflag:$0x2], $0x1000, $0x38;
	[tilespmem:$0xE000] =	vst v63  }
0x250: {  	_ =	swait.ge [sflag:s16], $0x1000  }
0x251: {  	[sflag:s16] =	ssyncset.done $0x0  }
0x252: {  	[sflag:s16] =	ssyncadd.s32 $0xFFFFF000  }
0x253: {  	_ =	swait.ge [sflag:s16], $0x1000  }
0x254: {  	[sflag:s16] =	ssyncset.done $0x0  }
0x255: {  	[sflag:s16] =	ssyncadd.s32 $0xFFFFF000  }
0x256: {  	_ =	swait.ge [sflag:s16], $0x1000  }
0x257: {  	[sflag:s16] =	ssyncset.done $0x0  }
0x258: {  	[sflag:s16] =	ssyncadd.s32 $0xFFFFF000  }
0x259: {  	_ =	swait.ge [sflag:s16], $0x1000  }
0x25a: {  	[sflag:s16] =	ssyncset.done $0x0  }
0x25b: {  	[sflag:s16] =	ssyncadd.s32 $0xFFFFF000  }
0x25c: {  	_ =	swait.ge [sflag:s16], $0x1000  }
0x25d: {  	s19 =	sld [smem:$0x7CC]  }
0x25e: {  	[sflag:s16] =	ssyncset.done $0x0  }
0x25f: {  	s20 =	sld [smem:$0x7CD];
	[sflag:s16] =	ssyncadd.s32 $0xFFFFF000  }
0x260: {  	[tilespmem:s3], [sflag:$0x1] =	stream.linear.gather [hbm4b:s19+s0], $0x1000, $0x38;
	[tilespmem:$0xE000] =	vst v63  }
0x261: {  	s21 =	sld [smem:$0x7CE]  }
0x262: {  	[tilespmem:s4], [sflag:$0x1] =	stream.linear.gather [hbm4b:s20+s0], $0x1000, $0x38;
	[tilespmem:$0xE000] =	vst v63  }
0x263: {  	s22 =	sld [smem:$0x7CF]  }
0x264: {  	[tilespmem:s5], [sflag:$0x1] =	stream.linear.gather [hbm4b:s21+s0], $0x1000, $0x38;
	[tilespmem:$0xE000] =	vst v63  }
0x265: {  	s23 =	sld [smem:$0x7D0]  }
0x266: {  	[tilespmem:s6], [sflag:$0x1] =	stream.linear.gather [hbm4b:s22+s0], $0x1000, $0x38;
	[tilespmem:$0xE000] =	vst v63  }
0x267: {  	s24 =	sld [smem:$0x7D1]  }
0x268: {  	[tilespmem:s7], [sflag:$0x1] =	stream.linear.gather [hbm4b:s23+s0], $0x1000, $0x38;
	[tilespmem:$0xE000] =	vst v63  }
0x269: {  	_ = 	snop  }
0x26a: {  	[tilespmem:s8], [sflag:$0x1] =	stream.linear.gather [hbm4b:s24+s0], $0x1000, $0x38;
	[tilespmem:$0xE000] =	vst v63  }
0x26b: {  	_ =	swait.ge [sflag:s15], $0x1000  }
0x26c: {  	[sflag:s15] =	ssyncset.done $0x0  }
0x26d: {  	[sflag:s15] =	ssyncadd.s32 $0xFFFFF000  }
0x26e: {  	_ =	swait.ge [sflag:s15], $0x1000  }
0x26f: {  	[sflag:s15] =	ssyncset.done $0x0  }
0x270: {  	[sflag:s15] =	ssyncadd.s32 $0xFFFFF000  }
0x271: {  	_ =	swait.ge [sflag:s15], $0x1000  }
0x272: {  	[sflag:s15] =	ssyncset.done $0x0  }
0x273: {  	[sflag:s15] =	ssyncadd.s32 $0xFFFFF000  }
0x274: {  	_ =	swait.ge [sflag:s15], $0x1000  }
0x275: {  	[sflag:s15] =	ssyncset.done $0x0  }
0x276: {  	[sflag:s15] =	ssyncadd.s32 $0xFFFFF000  }
0x277: {  	_ =	swait.ge [sflag:s15], $0x1000  }
0x278: {  	[sflag:s15] =	ssyncset.done $0x0  }
0x279: {  	s18 =	simm.s32 $0xFFFFFF80;
	[sflag:s15] =	ssyncadd.s32 $0xFFFFF000  }
0x27a: {  	s19 =	simm.s32 $0x7070;
	s20 =	simm.s32 $0x5070;
	_ =	swait.ge [sflag:s15], $0x1000  }
0x27b: {  	s21 =	simm.s32 $0xD070;
	s22 =	simm.s32 $0xB070;
	[sflag:s15] =	ssyncset.done $0x0  }
0x27c: {  	s23 =	simm.s32 $0x9070;
	s24 =	simm.s32 $0x3070;
	[sflag:s15] =	ssyncadd.s32 $0xFFFFF000  }
.LBB2_8:
0x27d: {  	v0 =	vld [tilespmem:s24+$0xFFFFFF90]  }
0x27e: {  	v6 =	vld [tilespmem:s23+$0xFFFFFF90]  }
0x27f: {  	v7 =	vld [tilespmem:s22+$0xFFFFFF90]  }
0x280: {  	v8 =	vld [tilespmem:s21+$0xFFFFFF90]  }
0x281: {  	v13 =	vld [tilespmem:s24+$0xFFFFFFA0]  }
0x282: {  	v46 =	vld [tilespmem:s24+$0xFFFFFFB0]  }
0x283: {  	v14 =	vld [tilespmem:s23+$0xFFFFFFA0]  }
0x284: {  	v15 =	vld [tilespmem:s22+$0xFFFFFFA0]  }
0x285: {  	v16 =	vld [tilespmem:s21+$0xFFFFFFA0]  }
0x286: {  	v20 =	vld [tilespmem:s24+$0xFFFFFFC0]  }
0x287: {  	v23 =	vld [tilespmem:s23+$0xFFFFFFB0]  }
0x288: {  	v24 =	vld [tilespmem:s22+$0xFFFFFFB0]  }
0x289: {  	v25 =	vld [tilespmem:s21+$0xFFFFFFB0]  }
0x28a: {  	v30 =	vld [tilespmem:s24+$0xFFFFFFD0]  }
0x28b: {  	v32 =	vld [tilespmem:s23+$0xFFFFFFC0]  }
0x28c: {  	v33 =	vld [tilespmem:s22+$0xFFFFFFC0]  }
0x28d: {  	v35 =	vld [tilespmem:s21+$0xFFFFFFC0]  }
0x28e: {  	v41 =	vld [tilespmem:s24+$0xFFFFFFE0]  }
0x28f: {  	v1 =	vadd.s32 $0x400, v0;
	v3 =	vld.idx.msk [tilespmem:v0+s0+$0x0], $0xffff  }
0x290: {  	v2 =	vadd.s32 $0xC00, v0;
	v61 =	vld.idx.msk [tilespmem:v13+s0+$0x0], $0xffff  }
0x291: {  	v4 =	vadd.s32 $0x1000, v0;
	v17 =	vld.idx.msk [tilespmem:v46+s0+$0x0], $0xffff  }
0x292: {  	v5 =	vadd.s32 $0x800, v0;
	v27 =	vld.idx.msk [tilespmem:v20+s0+$0x0], $0xffff  }
0x293: {  	v58 =	vadd.s32 $0x400, v13;
	v37 =	vld.idx.msk [tilespmem:v30+s0+$0x0], $0xffff  }
0x294: {  	v59 =	vadd.s32 $0x800, v13;
	v1 =	vld.idx.msk [tilespmem:v1+s0+$0x0], $0xffff  }
0x295: {  	v60 =	vadd.s32 $0xC00, v13;
	v2 =	vld.idx.msk [tilespmem:v2+s0+$0x0], $0xffff  }
0x296: {  	v62 =	vadd.s32 $0x1000, v13;
	v4 =	vld.idx.msk [tilespmem:v4+s0+$0x0], $0xffff  }
0x297: {  	v50 =	vadd.s32 $0x400, v46;
	v5 =	vld.idx.msk [tilespmem:v5+s0+$0x0], $0xffff  }
0x298: {  	v51 =	vadd.s32 $0x800, v46;
	v63 =	vld.idx.msk [tilespmem:v58+s0+$0x0], $0xffff  }
0x299: {  	v52 =	vadd.s32 $0xC00, v46;
	v47 =	vld.idx.msk [tilespmem:v59+s0+$0x0], $0xffff  }
0x29a: {  	v18 =	vadd.s32 $0x1000, v46;
	v48 =	vld.idx.msk [tilespmem:v60+s0+$0x0], $0xffff  }
0x29b: {  	v54 =	vadd.s32 $0x400, v20;
	v49 =	vld.idx.msk [tilespmem:v62+s0+$0x0], $0xffff  }
0x29c: {  	v55 =	vadd.s32 $0x800, v20;
	v19 =	vld.idx.msk [tilespmem:v50+s0+$0x0], $0xffff  }
0x29d: {  	v26 =	vadd.s32 $0xC00, v20;
	v21 =	vld.idx.msk [tilespmem:v51+s0+$0x0], $0xffff  }
0x29e: {  	v28 =	vadd.s32 $0x1000, v20;
	v22 =	vld.idx.msk [tilespmem:v52+s0+$0x0], $0xffff  }
0x29f: {  	v34 =	vadd.s32 $0x800, v30;
	v18 =	vld.idx.msk [tilespmem:v18+s0+$0x0], $0xffff  }
0x2a0: {  	v36 =	vadd.s32 $0xC00, v30;
	v29 =	vld.idx.msk [tilespmem:v54+s0+$0x0], $0xffff  }
0x2a1: {  	v38 =	vadd.s32 $0x1000, v30;
	v31 =	vld.idx.msk [tilespmem:v55+s0+$0x0], $0xffff  }
0x2a2: {  	v10 =	vadd.s32 $0x1400, v0;
	v0 =	vadd.s32 $0x1800, v0;
	v26 =	vld.idx.msk [tilespmem:v26+s0+$0x0], $0xffff  }
0x2a3: {  	v57 =	vmul.f32 $4.371138830e-08, v8;
	v28 =	vld.idx.msk [tilespmem:v28+s0+$0x0], $0xffff  }
0x2a4: {  	v39 =	vadd.s32 $0x1400, v30;
	v34 =	vld.idx.msk [tilespmem:v34+s0+$0x0], $0xffff;
	v52 =	vmul.f32 $4.371138830e-08, v35;
	v11 =	vmul.f32 $4.371138830e-08, v3  }
0x2a5: {  	v36 =	vld.idx.msk [tilespmem:v36+s0+$0x0], $0xffff;
	v3 =	vmul.f32 v6, v3;
	v42 =	vmul.f32 $4.371138830e-08, v61  }
0x2a6: {  	v38 =	vld.idx.msk [tilespmem:v38+s0+$0x0], $0xffff;
	v9 =	vmul.f32 $4.371138830e-08, v1;
	v12 =	vmul.f32 v8, v2  }
0x2a7: {  	v44 =	vadd.s32 $0x1400, v13;
	v0 =	vld.idx.msk [tilespmem:v0+s0+$0x0], $0xffff;
	v56 =	vmul.f32 v7, v11;
	v4 =	vmul.f32 v8, v4  }
0x2a8: {  	v53 =	vadd.s32 $0x1400, v46;
	v5 =	vmul.f32 v7, v5;
	v2 =	vld.idx.msk [tilespmem:v10+s0+$0x0], $0xffff;
	v40 =	vmul.f32 $4.371138830e-08, v63  }
0x2a9: {  	v45 =	vadd.s32 $0x1800, v13;
	v42 =	vmul.f32 v15, v42;
	v13 =	vmul.f32 v16, v49;
	v10 =	vld.idx.msk [tilespmem:v39+s0+$0x0], $0xffff  }
0x2aa: {  	v8 =	vadd.s32 $0x1800, v46;
	v11 =	vmul.f32 v14, v63;
	v39 =	vld [tilespmem:s23+$0xFFFFFFD0];
	v46 =	vmul.f32 $4.371138830e-08, v29  }
0x2ab: {  	v58 =	vadd.s32 $0x400, v41;
	v49 =	vmul.f32 v35, v26;
	v51 =	vmul.f32 v33, v31;
	v31 =	vld [tilespmem:s23+$0xFFFFFFE0]  }
0x2ac: {  	v43 =	vadd.s32 $0xC00, v41;
	v28 =	vmul.f32 v35, v28;
	v35 =	vld [tilespmem:s23+$0xFFFFFFF0];
	v9 =	vmul.f32 v7, v9  }
0x2ad: {  	v4 =	vsub.f32 v4, v56;
	v7 =	vld.idx.msk [tilespmem:v53+s0+$0x0], $0xffff;
	v56 =	vadd.s32 $0x1400, v20;
	v20 =	vadd.s32 $0x1800, v20  }
0x2ae: {  	v5 =	vadd.f32 v57, v5;
	v57 =	vadd.s32 $0x400, v30;
	v13 =	vsub.f32 v13, v42;
	v42 =	vld [tilespmem:s21+$0xFFFFFFD0]  }
0x2af: {  	v60 =	vmul.f32 $4.371138830e-08, v19;
	v30 =	vadd.s32 $0x1800, v30;
	v63 =	vmul.f32 v33, v46;
	v46 =	vld [tilespmem:s24+$0xFFFFFFF0]  }
0x2b0: {  	v19 =	vmul.f32 v23, v19;
	v3 =	vsub.f32 v3, v9;
	v9 =	vmul.f32 v14, v61;
	v14 =	vld.idx.msk [tilespmem:v58+s0+$0x0], $0xffff  }
0x2b1: {  	v61 =	vmul.f32 $4.371138830e-08, v17;
	v17 =	vmul.f32 v23, v17;
	v23 =	vld.idx.msk [tilespmem:v43+s0+$0x0], $0xffff  }
0x2b2: {  	v1 =	vmul.f32 v6, v1;
	v40 =	vmul.f32 v15, v40;
	v6 =	vld.idx.msk [tilespmem:v20+s0+$0x0], $0xffff  }
0x2b3: {  	v59 =	vadd.s32 $0x800, v41;
	v3 =	vadd.f32 v12, v3;
	v20 =	vld.idx.msk [tilespmem:v57+s0+$0x0], $0xffff  }
0x2b4: {  	v15 =	vmul.f32 v15, v47;
	v47 =	vadd.s32 $0x1400, v41;
	v40 =	vsub.f32 v9, v40;
	v9 =	vld.idx.msk [tilespmem:v30+s0+$0x0], $0xffff  }
0x2b5: {  	v12 =	vmul.f32 v16, v48;
	v16 =	vmul.f32 $4.371138830e-08, v16;
	[tilespmem:s23+$0xFFFFFF90] =	vst v3;
	v3 =	vld.idx.msk [tilespmem:v8+s0+$0x0], $0xffff  }
0x2b6: {  	v62 =	vmul.f32 v32, v27;
	v8 =	vld.idx.msk [tilespmem:v56+s0+$0x0], $0xffff  }
0x2b7: {  	v21 =	vmul.f32 v24, v21;
	v18 =	vmul.f32 v25, v18;
	v15 =	vadd.f32 v16, v15;
	v16 =	vld [tilespmem:s22+$0xFFFFFFD0]  }
0x2b8: {  	v13 =	vsub.f32 v13, v11;
	v11 =	vmul.f32 v24, v60;
	v30 =	vadd.f32 v12, v40;
	v40 =	vld.idx.msk [tilespmem:v59+s0+$0x0], $0xffff  }
0x2b9: {  	v24 =	vmul.f32 v24, v61;
	v60 =	vmul.f32 v42, v38;
	v12 =	vld.idx.msk [tilespmem:v47+s0+$0x0], $0xffff  }
0x2ba: {  	v48 =	vsub.f32 v62, v63;
	v63 =	vmul.f32 $4.371138830e-08, v42;
	v59 =	vmul.f32 v42, v36;
	v42 =	vld [tilespmem:s23+$0x0]  }
0x2bb: {  	v1 =	vsub.f32 v4, v1;
	[tilespmem:s22+$0xFFFFFF90] =	vst v5;
	v5 =	vld.idx.msk [tilespmem:v44+s0+$0x0], $0xffff  }
0x2bc: {  	v50 =	vmul.f32 $4.371138830e-08, v27;
	v54 =	vadd.s32 $0x400, v46;
	v18 =	vsub.f32 v18, v24;
	v44 =	vld.idx.msk [tilespmem:v41+s0+$0x0], $0xffff  }
0x2bd: {  	v22 =	vmul.f32 v25, v22;
	v25 =	vmul.f32 $4.371138830e-08, v25;
	v55 =	vadd.s32 $0x800, v46;
	[tilespmem:s21+$0xFFFFFF90] =	vst v1;
	v1 =	vld.idx.msk [tilespmem:v45+s0+$0x0], $0xffff  }
0x2be: {  	v45 =	vadd.s32 $0x1000, v41;
	v18 =	vsub.f32 v18, v19;
	v19 =	vmul.f32 v33, v50;
	v33 =	vld [tilespmem:s22+$0xFFFFFFE0]  }
0x2bf: {  	v29 =	vmul.f32 v32, v29;
	v21 =	vadd.f32 v25, v21;
	v36 =	vld.idx.msk [tilespmem:v46+s0+$0x0], $0xffff  }
0x2c0: {  	v25 =	vadd.f32 v52, v51;
	v57 =	vadd.s32 $0xC00, v46;
	v19 =	vsub.f32 v28, v19;
	v28 =	vld [tilespmem:s24+$0x0]  }
0x2c1: {  	v58 =	vmul.f32 $4.371138830e-08, v37;
	v11 =	vsub.f32 v17, v11;
	v41 =	vadd.s32 $0x1800, v41;
	v38 =	vld.idx.msk [tilespmem:v54+s0+$0x0], $0xffff  }
0x2c2: {  	v61 =	vadd.s32 $0x1000, v46;
	v56 =	vmul.f32 v39, v37;
	v62 =	vmul.f32 $4.371138830e-08, v14;
	v32 =	vld.idx.msk [tilespmem:v55+s0+$0x0], $0xffff  }
0x2c3: {  	v22 =	vadd.f32 v22, v11;
	v14 =	vmul.f32 v31, v14;
	v53 =	vmul.f32 $4.371138830e-08, v20;
	v24 =	vld.idx.msk [tilespmem:v45+s0+$0x0], $0xffff  }
0x2c4: {  	v17 =	vadd.f32 v49, v48;
	[tilespmem:s23+$0xFFFFFFA0] =	vst v30;
	v51 =	vmul.f32 v39, v20;
	v26 =	vmul.f32 v16, v58;
	v45 =	vld [tilespmem:s21+$0xFFFFFFE0]  }
0x2c5: {  	v48 =	vld.idx.msk [tilespmem:v57+s0+$0x0], $0xffff;
	v27 =	vmul.f32 v16, v53;
	v19 =	vsub.f32 v19, v29;
	v16 =	vmul.f32 v16, v34  }
0x2c6: {  	v49 =	vmul.f32 v31, v44;
	v11 =	vld.idx.msk [tilespmem:v41+s0+$0x0], $0xffff;
	v26 =	vsub.f32 v60, v26;
	v29 =	vmul.f32 v33, v62  }
0x2c7: {  	[tilespmem:s22+$0xFFFFFFA0] =	vst v15;
	v54 =	vmul.f32 v33, v40;
	v40 =	vld.idx.msk [tilespmem:v61+s0+$0x0], $0xffff;
	v61 =	vmul.f32 v35, v36;
	v50 =	vadd.s32 $0x400, v28  }
0x2c8: {  	[tilespmem:s21+$0xFFFFFFA0] =	vst v13;
	v41 =	vadd.s32 $0x1400, v46;
	v53 =	vadd.s32 $0xC00, v28;
	v13 =	vsub.f32 v26, v51;
	v26 =	vld [tilespmem:s21+$0xFFFFFFF0]  }
0x2c9: {  	[tilespmem:s23+$0xFFFFFFB0] =	vst v22;
	v27 =	vsub.f32 v56, v27;
	v56 =	vmul.f32 $4.371138830e-08, v44;
	v52 =	vmul.f32 v45, v23;
	v23 =	vld [tilespmem:s22+$0xFFFFFFF0]  }
0x2ca: {  	[tilespmem:s23+$0xFFFFFFC0] =	vst v17;
	v15 =	vsub.f32 v49, v29;
	v60 =	vadd.s32 $0x1000, v28;
	v62 =	vadd.s32 $0x800, v28;
	v22 =	vld.idx.msk [tilespmem:v28+s0+$0x0], $0xffff  }
0x2cb: {  	[tilespmem:s22+$0xFFFFFFB0] =	vst v21;
	v27 =	vadd.f32 v59, v27;
	v55 =	vmul.f32 $4.371138830e-08, v45;
	v59 =	vmul.f32 v45, v24;
	v45 =	vld [tilespmem:s22+$0x0]  }
0x2cc: {  	[tilespmem:s22+$0xFFFFFFC0] =	vst v25;
	v43 =	vmul.f32 $4.371138830e-08, v36;
	v46 =	vadd.s32 $0x1800, v46;
	v16 =	vadd.f32 v63, v16;
	v24 =	vld.idx.msk [tilespmem:v50+s0+$0x0], $0xffff  }
0x2cd: {  	[tilespmem:s21+$0xFFFFFFB0] =	vst v18;
	v57 =	vmul.f32 $4.371138830e-08, v38;
	v58 =	vmul.f32 v33, v56;
	v15 =	vadd.f32 v52, v15;
	v63 =	vld.idx.msk [tilespmem:v53+s0+$0x0], $0xffff  }
0x2ce: {  	[tilespmem:s21+$0xFFFFFFC0] =	vst v19;
	v18 =	vadd.f32 v55, v54;
	v44 =	vmul.f32 v26, v48;
	v47 =	vmul.f32 $4.371138830e-08, v26;
	v48 =	vld [tilespmem:s21+$0x0]  }
0x2cf: {  	v17 =	vsub.f32 v59, v58;
	v54 =	vld.idx.msk [tilespmem:v62+s0+$0x0], $0xffff;
	v62 =	vmul.f32 v35, v38;
	v20 =	vmul.f32 v23, v57  }
0x2d0: {  	[tilespmem:s23+$0xFFFFFFD0] =	vst v27;
	v51 =	vld.idx.msk [tilespmem:v60+s0+$0x0], $0xffff;
	v58 =	vadd.s32 $0x1400, v28;
	v32 =	vmul.f32 v23, v32;
	v53 =	vmul.f32 v23, v43  }
0x2d1: {  	v4 =	vld [tilespmem:s20+$0xFFFFFF90];
	[tilespmem:s22+$0xFFFFFFD0] =	vst v16;
	v49 =	vsub.f32 v17, v14;
	v57 =	vmul.f32 v26, v40;
	v55 =	vmul.f32 $4.371138830e-08, v24  }
0x2d2: {  	v37 =	vld [tilespmem:s20+$0xFFFFFFC0];
	[tilespmem:s21+$0xFFFFFFD0] =	vst v13;
	v59 =	vmul.f32 $4.371138830e-08, v22;
	v22 =	vmul.f32 v42, v22;
	v20 =	vsub.f32 v61, v20  }
0x2d3: {  	v16 =	vld.idx.msk [tilespmem:v46+s0+$0x0], $0xffff;
	[tilespmem:s23+$0xFFFFFFE0] =	vst v15;
	v52 =	vadd.f32 v47, v32;
	v61 =	vadd.s32 $0x1800, v28;
	v25 =	vmul.f32 v45, v55  }
0x2d4: {  	v56 =	vld [tilespmem:s20+$0xFFFFFFA0];
	[tilespmem:s22+$0xFFFFFFE0] =	vst v18;
	v18 =	vsub.f32 v57, v53;
	v63 =	vmul.f32 v48, v63;
	v50 =	vadd.f32 v44, v20  }
0x2d5: {  	v33 =	vld [tilespmem:s20+$0xFFFFFFB0];
	[tilespmem:s21+$0xFFFFFFE0] =	vst v49;
	v34 =	vmul.f32 v45, v59;
	v17 =	vmul.f32 v48, v51;
	v32 =	vsub.f32 v22, v25  }
0x2d6: {  	v60 =	vld.idx.msk [tilespmem:v41+s0+$0x0], $0xffff;
	v35 =	vmul.f32 v45, v54;
	v38 =	vmul.f32 $4.371138830e-08, v48;
	v18 =	vsub.f32 v18, v62;
	[tilespmem:s23+$0xFFFFFFF0] =	vst v50  }
0x2d7: {  	v41 =	vld [tilespmem:s20+$0xFFFFFFD0];
	v21 =	vmul.f32 v42, v24;
	v17 =	vsub.f32 v17, v34;
	[tilespmem:s22+$0xFFFFFFF0] =	vst v52;
	v14 =	vadd.f32 v63, v32  }
0x2d8: {  	v39 =	vld.idx.msk [tilespmem:v58+s0+$0x0], $0xffff;
	v15 =	vadd.f32 v38, v35;
	[tilespmem:s21+$0xFFFFFFF0] =	vst v18  }
0x2d9: {  	v17 =	vsub.f32 v17, v21;
	v40 =	vld.idx.msk [tilespmem:v61+s0+$0x0], $0xffff;
	[tilespmem:s23+$0x0] =	vst v14  }
0x2da: {  	v5 =	vadd.f32 v56, v5;
	v42 =	vld [tilespmem:s20+$0xFFFFFFE0];
	[tilespmem:s22+$0x0] =	vst v15  }
0x2db: {  	v2 =	vadd.f32 v4, v2;
	v43 =	vld [tilespmem:s20+$0xFFFFFFF0];
	[tilespmem:s21+$0x0] =	vst v17  }
0x2dc: {  	[tilespmem:s20+$0xFFFFFFA0] =	vst v5;
	v44 =	vadd.f32 v33, v7;
	v45 =	vld [tilespmem:s20+$0x0]  }
0x2dd: {  	[tilespmem:s20+$0xFFFFFF90] =	vst v2;
	v46 =	vadd.f32 v37, v8;
	v49 =	vld [tilespmem:s19+$0xFFFFFFA0]  }
0x2de: {  	v47 =	vld [tilespmem:s19+$0xFFFFFF90];
	v48 =	vadd.f32 v41, v10;
	[tilespmem:s20+$0xFFFFFFB0] =	vst v44  }
0x2df: {  	[tilespmem:s20+$0xFFFFFFC0] =	vst v46;
	v4 =	vadd.f32 v42, v12;
	v50 =	vld [tilespmem:s19+$0xFFFFFFB0]  }
0x2e0: {  	[tilespmem:s20+$0xFFFFFFD0] =	vst v48;
	v52 =	vld [tilespmem:s19+$0xFFFFFFC0];
	v51 =	vadd.f32 v43, v60  }
0x2e1: {  	v54 =	vld [tilespmem:s19+$0xFFFFFFD0];
	[tilespmem:s20+$0xFFFFFFE0] =	vst v4;
	v53 =	vadd.f32 v45, v39  }
0x2e2: {  	v1 =	vadd.f32 v49, v1;
	v55 =	vld [tilespmem:s19+$0xFFFFFFE0];
	[tilespmem:s20+$0xFFFFFFF0] =	vst v51  }
0x2e3: {  	v0 =	vadd.f32 v47, v0;
	v56 =	vld [tilespmem:s19+$0xFFFFFFF0];
	[tilespmem:s20+$0x0] =	vst v53  }
0x2e4: {  	[tilespmem:s19+$0xFFFFFFA0] =	vst v1;
	v57 =	vadd.f32 v50, v3;
	v58 =	vld [tilespmem:s19+$0x0]  }
0x2e5: {  	s18 =	sadd.s32 $0x80, s18;
	[tilespmem:s19+$0xFFFFFF90] =	vst v0;
	v59 =	vadd.f32 v52, v6  }
0x2e6: {  	p0 =	slt.u32 s18, $0xF80;
	[tilespmem:s19+$0xFFFFFFB0] =	vst v57;
	v60 =	vadd.f32 v54, v9  }
.Ltmp3:
0x2e7: {  	[tilespmem:s19+$0xFFFFFFC0] =	vst v59;
	v61 =	vadd.f32 v55, v11;
	(pc) =	sbr.rel @p0 .LBB2_8-.Ltmp3, $4  }
0x2e8: {  	[tilespmem:s19+$0xFFFFFFD0] =	vst v60;
	v62 =	vadd.f32 v56, v16  }
0x2e9: {  	[tilespmem:s19+$0xFFFFFFE0] =	vst v61;
	v63 =	vadd.f32 v58, v40  }
0x2ea: {  	s24 =	sadd.s32 $0x80, s24;
	s23 =	sadd.s32 $0x80, s23;
	s22 =	sadd.s32 $0x80, s22;
	[tilespmem:s19+$0xFFFFFFF0] =	vst v62  }
0x2eb: {  	s21 =	sadd.s32 $0x80, s21;
	s20 =	sadd.s32 $0x80, s20;
	[tilespmem:s19+$0x0] =	vst v63;
	s19 =	sadd.s32 $0x80, s19  }
0x2ec: {  	s18 =	sld [smem:$0x7C7];
	_ =	sdelay $0x1  }
0x2ed: {  	s21 =	sld [smem:$0x7C8]  }
0x2ee: {  	[hbm4b:s18+s0] =	stream.linear.scatter [tilespmem:s10], [sflag:$0x2], $0x1000, $0x38;
	[tilespmem:$0xE000] =	vst v63  }
0x2ef: {  	s22 =	sld [smem:$0x7C9]  }
0x2f0: {  	[hbm4b:s21+s0] =	stream.linear.scatter [tilespmem:s11], [sflag:$0x2], $0x1000, $0x38;
	[tilespmem:$0xE000] =	vst v63  }
0x2f1: {  	s23 =	sld [smem:$0x7CA]  }
0x2f2: {  	[hbm4b:s22+s0] =	stream.linear.scatter [tilespmem:s12], [sflag:$0x2], $0x1000, $0x38;
	[tilespmem:$0xE000] =	vst v63  }
0x2f3: {  	s24 =	sld [smem:$0x7CB]  }
0x2f4: {  	[hbm4b:s23+s0] =	stream.linear.scatter [tilespmem:s13], [sflag:$0x2], $0x1000, $0x38;
	[tilespmem:$0xE000] =	vst v63  }
0x2f5: {  	_ = 	snop  }
0x2f6: {  	[hbm4b:s24+s0] =	stream.linear.scatter [tilespmem:s14], [sflag:$0x2], $0x1000, $0x38;
	[tilespmem:$0xE000] =	vst v63  }
0x2f7: {  	_ =	swait.ge [sflag:s16], $0x1000  }
0x2f8: {  	[sflag:s16] =	ssyncset.done $0x0  }
0x2f9: {  	[sflag:s16] =	ssyncadd.s32 $0xFFFFF000  }
0x2fa: {  	_ =	swait.ge [sflag:s16], $0x1000  }
0x2fb: {  	[sflag:s16] =	ssyncset.done $0x0  }
0x2fc: {  	[sflag:s16] =	ssyncadd.s32 $0xFFFFF000  }
0x2fd: {  	_ =	swait.ge [sflag:s16], $0x1000  }
0x2fe: {  	[sflag:s16] =	ssyncset.done $0x0  }
0x2ff: {  	[sflag:s16] =	ssyncadd.s32 $0xFFFFF000  }
0x300: {  	_ =	swait.ge [sflag:s16], $0x1000  }
0x301: {  	[sflag:s16] =	ssyncset.done $0x0  }
0x302: {  	[sflag:s16] =	ssyncadd.s32 $0xFFFFF000  }
0x303: {  	_ =	swait.ge [sflag:s16], $0x1000  }
0x304: {  	s19 =	sld [smem:$0x7D7]  }
0x305: {  	[sflag:s16] =	ssyncset.done $0x0  }
0x306: {  	s20 =	sld [smem:$0x7D8];
	[sflag:s16] =	ssyncadd.s32 $0xFFFFF000  }
0x307: {  	[tilespmem:s9], [sflag:$0x1] =	stream.linear.gather [hbm4b:s19+s0], $0x1000, $0x38;
	[tilespmem:$0xE000] =	vst v63  }
0x308: {  	s21 =	sld [smem:$0x7D9]  }
0x309: {  	[tilespmem:s10], [sflag:$0x1] =	stream.linear.gather [hbm4b:s20+s0], $0x1000, $0x38;
	[tilespmem:$0xE000] =	vst v63  }
0x30a: {  	s22 =	sld [smem:$0x7DA]  }
0x30b: {  	[tilespmem:s11], [sflag:$0x1] =	stream.linear.gather [hbm4b:s21+s0], $0x1000, $0x38;
	[tilespmem:$0xE000] =	vst v63  }
0x30c: {  	s23 =	sld [smem:$0x7DB]  }
0x30d: {  	[tilespmem:s12], [sflag:$0x1] =	stream.linear.gather [hbm4b:s22+s0], $0x1000, $0x38;
	[tilespmem:$0xE000] =	vst v63  }
0x30e: {  	s24 =	sld [smem:$0x7DC]  }
0x30f: {  	[tilespmem:s13], [sflag:$0x1] =	stream.linear.gather [hbm4b:s23+s0], $0x1000, $0x38;
	[tilespmem:$0xE000] =	vst v63  }
0x310: {  	_ = 	snop  }
0x311: {  	[tilespmem:s14], [sflag:$0x1] =	stream.linear.gather [hbm4b:s24+s0], $0x1000, $0x38;
	[tilespmem:$0xE000] =	vst v63  }
0x312: {  	_ =	swait.ge [sflag:s15], $0x1000  }
0x313: {  	[sflag:s15] =	ssyncset.done $0x0  }
0x314: {  	[sflag:s15] =	ssyncadd.s32 $0xFFFFF000  }
0x315: {  	_ =	swait.ge [sflag:s15], $0x1000  }
0x316: {  	[sflag:s15] =	ssyncset.done $0x0  }
0x317: {  	[sflag:s15] =	ssyncadd.s32 $0xFFFFF000  }
0x318: {  	_ =	swait.ge [sflag:s15], $0x1000  }
0x319: {  	[sflag:s15] =	ssyncset.done $0x0  }
0x31a: {  	[sflag:s15] =	ssyncadd.s32 $0xFFFFF000  }
0x31b: {  	_ =	swait.ge [sflag:s15], $0x1000  }
0x31c: {  	[sflag:s15] =	ssyncset.done $0x0  }
0x31d: {  	[sflag:s15] =	ssyncadd.s32 $0xFFFFF000  }
0x31e: {  	_ =	swait.ge [sflag:s15], $0x1000  }
0x31f: {  	[sflag:s15] =	ssyncset.done $0x0  }
0x320: {  	s18 =	simm.s32 $0xFFFFFF80;
	[sflag:s15] =	ssyncadd.s32 $0xFFFFF000  }
0x321: {  	s19 =	simm.s32 $0x2040;
	s20 =	simm.s32 $0x8040;
	_ =	swait.ge [sflag:s15], $0x1000  }
0x322: {  	s21 =	simm.s32 $0xA040;
	s22 =	simm.s32 $0xC040;
	[sflag:s15] =	ssyncset.done $0x0  }
0x323: {  	s23 =	simm.s32 $0x4040;
	s24 =	simm.s32 $0x6040;
	[sflag:s15] =	ssyncadd.s32 $0xFFFFF000  }
.LBB2_10:
0x324: {  	v0 =	vld [tilespmem:s19+$0xFFFFFFC0]  }
0x325: {  	v6 =	vld [tilespmem:s20+$0xFFFFFFC0]  }
0x326: {  	v7 =	vld [tilespmem:s21+$0xFFFFFFC0]  }
0x327: {  	v8 =	vld [tilespmem:s22+$0xFFFFFFC0]  }
0x328: {  	v13 =	vld [tilespmem:s19+$0xFFFFFFD0]  }
0x329: {  	v46 =	vld [tilespmem:s19+$0xFFFFFFE0]  }
0x32a: {  	v14 =	vld [tilespmem:s20+$0xFFFFFFD0]  }
0x32b: {  	v15 =	vld [tilespmem:s21+$0xFFFFFFD0]  }
0x32c: {  	v16 =	vld [tilespmem:s22+$0xFFFFFFD0]  }
0x32d: {  	v20 =	vld [tilespmem:s19+$0xFFFFFFF0]  }
0x32e: {  	v23 =	vld [tilespmem:s20+$0xFFFFFFE0]  }
0x32f: {  	v24 =	vld [tilespmem:s21+$0xFFFFFFE0]  }
0x330: {  	v25 =	vld [tilespmem:s22+$0xFFFFFFE0]  }
0x331: {  	v30 =	vld [tilespmem:s19+$0x0]  }
0x332: {  	v32 =	vld [tilespmem:s20+$0xFFFFFFF0]  }
0x333: {  	v33 =	vld [tilespmem:s21+$0xFFFFFFF0]  }
0x334: {  	v35 =	vld [tilespmem:s22+$0xFFFFFFF0]  }
0x335: {  	v41 =	vld [tilespmem:s19+$0x10]  }
0x336: {  	v1 =	vadd.s32 $0x400, v0;
	v3 =	vld.idx.msk [tilespmem:v0+s0+$0x0], $0xffff  }
0x337: {  	v2 =	vadd.s32 $0xC00, v0;
	v61 =	vld.idx.msk [tilespmem:v13+s0+$0x0], $0xffff  }
0x338: {  	v4 =	vadd.s32 $0x1000, v0;
	v17 =	vld.idx.msk [tilespmem:v46+s0+$0x0], $0xffff  }
0x339: {  	v5 =	vadd.s32 $0x800, v0;
	v27 =	vld.idx.msk [tilespmem:v20+s0+$0x0], $0xffff  }
0x33a: {  	v58 =	vadd.s32 $0x400, v13;
	v37 =	vld.idx.msk [tilespmem:v30+s0+$0x0], $0xffff  }
0x33b: {  	v59 =	vadd.s32 $0x800, v13;
	v1 =	vld.idx.msk [tilespmem:v1+s0+$0x0], $0xffff  }
0x33c: {  	v60 =	vadd.s32 $0xC00, v13;
	v2 =	vld.idx.msk [tilespmem:v2+s0+$0x0], $0xffff  }
0x33d: {  	v62 =	vadd.s32 $0x1000, v13;
	v4 =	vld.idx.msk [tilespmem:v4+s0+$0x0], $0xffff  }
0x33e: {  	v50 =	vadd.s32 $0x400, v46;
	v5 =	vld.idx.msk [tilespmem:v5+s0+$0x0], $0xffff  }
0x33f: {  	v51 =	vadd.s32 $0x800, v46;
	v63 =	vld.idx.msk [tilespmem:v58+s0+$0x0], $0xffff  }
0x340: {  	v52 =	vadd.s32 $0xC00, v46;
	v47 =	vld.idx.msk [tilespmem:v59+s0+$0x0], $0xffff  }
0x341: {  	v18 =	vadd.s32 $0x1000, v46;
	v48 =	vld.idx.msk [tilespmem:v60+s0+$0x0], $0xffff  }
0x342: {  	v54 =	vadd.s32 $0x400, v20;
	v49 =	vld.idx.msk [tilespmem:v62+s0+$0x0], $0xffff  }
0x343: {  	v55 =	vadd.s32 $0x800, v20;
	v19 =	vld.idx.msk [tilespmem:v50+s0+$0x0], $0xffff  }
0x344: {  	v26 =	vadd.s32 $0xC00, v20;
	v21 =	vld.idx.msk [tilespmem:v51+s0+$0x0], $0xffff  }
0x345: {  	v28 =	vadd.s32 $0x1000, v20;
	v22 =	vld.idx.msk [tilespmem:v52+s0+$0x0], $0xffff  }
0x346: {  	v34 =	vadd.s32 $0x800, v30;
	v18 =	vld.idx.msk [tilespmem:v18+s0+$0x0], $0xffff  }
0x347: {  	v36 =	vadd.s32 $0xC00, v30;
	v29 =	vld.idx.msk [tilespmem:v54+s0+$0x0], $0xffff  }
0x348: {  	v38 =	vadd.s32 $0x1000, v30;
	v31 =	vld.idx.msk [tilespmem:v55+s0+$0x0], $0xffff  }
0x349: {  	v10 =	vadd.s32 $0x1400, v0;
	v0 =	vadd.s32 $0x1800, v0;
	v26 =	vld.idx.msk [tilespmem:v26+s0+$0x0], $0xffff  }
0x34a: {  	v57 =	vmul.f32 $4.371138830e-08, v8;
	v28 =	vld.idx.msk [tilespmem:v28+s0+$0x0], $0xffff  }
0x34b: {  	v39 =	vadd.s32 $0x1400, v30;
	v34 =	vld.idx.msk [tilespmem:v34+s0+$0x0], $0xffff;
	v52 =	vmul.f32 $4.371138830e-08, v35;
	v11 =	vmul.f32 $4.371138830e-08, v3  }
0x34c: {  	v36 =	vld.idx.msk [tilespmem:v36+s0+$0x0], $0xffff;
	v3 =	vmul.f32 v6, v3;
	v42 =	vmul.f32 $4.371138830e-08, v61  }
0x34d: {  	v38 =	vld.idx.msk [tilespmem:v38+s0+$0x0], $0xffff;
	v9 =	vmul.f32 $4.371138830e-08, v1;
	v12 =	vmul.f32 v8, v2  }
0x34e: {  	v44 =	vadd.s32 $0x1400, v13;
	v0 =	vld.idx.msk [tilespmem:v0+s0+$0x0], $0xffff;
	v56 =	vmul.f32 v7, v11;
	v4 =	vmul.f32 v8, v4  }
0x34f: {  	v53 =	vadd.s32 $0x1400, v46;
	v5 =	vmul.f32 v7, v5;
	v2 =	vld.idx.msk [tilespmem:v10+s0+$0x0], $0xffff;
	v40 =	vmul.f32 $4.371138830e-08, v63  }
0x350: {  	v45 =	vadd.s32 $0x1800, v13;
	v42 =	vmul.f32 v15, v42;
	v13 =	vmul.f32 v16, v49;
	v10 =	vld.idx.msk [tilespmem:v39+s0+$0x0], $0xffff  }
0x351: {  	v8 =	vadd.s32 $0x1800, v46;
	v11 =	vmul.f32 v14, v63;
	v39 =	vld [tilespmem:s20+$0x0];
	v46 =	vmul.f32 $4.371138830e-08, v29  }
0x352: {  	v58 =	vadd.s32 $0x400, v41;
	v49 =	vmul.f32 v35, v26;
	v51 =	vmul.f32 v33, v31;
	v31 =	vld [tilespmem:s20+$0x10]  }
0x353: {  	v43 =	vadd.s32 $0xC00, v41;
	v28 =	vmul.f32 v35, v28;
	v35 =	vld [tilespmem:s20+$0x20];
	v9 =	vmul.f32 v7, v9  }
0x354: {  	v4 =	vsub.f32 v4, v56;
	v7 =	vld.idx.msk [tilespmem:v53+s0+$0x0], $0xffff;
	v56 =	vadd.s32 $0x1400, v20;
	v20 =	vadd.s32 $0x1800, v20  }
0x355: {  	v5 =	vadd.f32 v57, v5;
	v57 =	vadd.s32 $0x400, v30;
	v13 =	vsub.f32 v13, v42;
	v42 =	vld [tilespmem:s22+$0x0]  }
0x356: {  	v60 =	vmul.f32 $4.371138830e-08, v19;
	v30 =	vadd.s32 $0x1800, v30;
	v63 =	vmul.f32 v33, v46;
	v46 =	vld [tilespmem:s19+$0x20]  }
0x357: {  	v19 =	vmul.f32 v23, v19;
	v3 =	vsub.f32 v3, v9;
	v9 =	vmul.f32 v14, v61;
	v14 =	vld.idx.msk [tilespmem:v58+s0+$0x0], $0xffff  }
0x358: {  	v61 =	vmul.f32 $4.371138830e-08, v17;
	v17 =	vmul.f32 v23, v17;
	v23 =	vld.idx.msk [tilespmem:v43+s0+$0x0], $0xffff  }
0x359: {  	v1 =	vmul.f32 v6, v1;
	v40 =	vmul.f32 v15, v40;
	v6 =	vld.idx.msk [tilespmem:v20+s0+$0x0], $0xffff  }
0x35a: {  	v59 =	vadd.s32 $0x800, v41;
	v3 =	vadd.f32 v12, v3;
	v20 =	vld.idx.msk [tilespmem:v57+s0+$0x0], $0xffff  }
0x35b: {  	v15 =	vmul.f32 v15, v47;
	v47 =	vadd.s32 $0x1400, v41;
	v40 =	vsub.f32 v9, v40;
	v9 =	vld.idx.msk [tilespmem:v30+s0+$0x0], $0xffff  }
0x35c: {  	v12 =	vmul.f32 v16, v48;
	v16 =	vmul.f32 $4.371138830e-08, v16;
	[tilespmem:s20+$0xFFFFFFC0] =	vst v3;
	v3 =	vld.idx.msk [tilespmem:v8+s0+$0x0], $0xffff  }
0x35d: {  	v62 =	vmul.f32 v32, v27;
	v8 =	vld.idx.msk [tilespmem:v56+s0+$0x0], $0xffff  }
0x35e: {  	v21 =	vmul.f32 v24, v21;
	v18 =	vmul.f32 v25, v18;
	v15 =	vadd.f32 v16, v15;
	v16 =	vld [tilespmem:s21+$0x0]  }
0x35f: {  	v13 =	vsub.f32 v13, v11;
	v11 =	vmul.f32 v24, v60;
	v30 =	vadd.f32 v12, v40;
	v40 =	vld.idx.msk [tilespmem:v59+s0+$0x0], $0xffff  }
0x360: {  	v24 =	vmul.f32 v24, v61;
	v60 =	vmul.f32 v42, v38;
	v12 =	vld.idx.msk [tilespmem:v47+s0+$0x0], $0xffff  }
0x361: {  	v48 =	vsub.f32 v62, v63;
	v63 =	vmul.f32 $4.371138830e-08, v42;
	v59 =	vmul.f32 v42, v36;
	v42 =	vld [tilespmem:s20+$0x30]  }
0x362: {  	v1 =	vsub.f32 v4, v1;
	[tilespmem:s21+$0xFFFFFFC0] =	vst v5;
	v5 =	vld.idx.msk [tilespmem:v44+s0+$0x0], $0xffff  }
0x363: {  	v50 =	vmul.f32 $4.371138830e-08, v27;
	v54 =	vadd.s32 $0x400, v46;
	v18 =	vsub.f32 v18, v24;
	v44 =	vld.idx.msk [tilespmem:v41+s0+$0x0], $0xffff  }
0x364: {  	v22 =	vmul.f32 v25, v22;
	v25 =	vmul.f32 $4.371138830e-08, v25;
	v55 =	vadd.s32 $0x800, v46;
	[tilespmem:s22+$0xFFFFFFC0] =	vst v1;
	v1 =	vld.idx.msk [tilespmem:v45+s0+$0x0], $0xffff  }
0x365: {  	v45 =	vadd.s32 $0x1000, v41;
	v18 =	vsub.f32 v18, v19;
	v19 =	vmul.f32 v33, v50;
	v33 =	vld [tilespmem:s21+$0x10]  }
0x366: {  	v29 =	vmul.f32 v32, v29;
	v21 =	vadd.f32 v25, v21;
	v36 =	vld.idx.msk [tilespmem:v46+s0+$0x0], $0xffff  }
0x367: {  	v25 =	vadd.f32 v52, v51;
	v57 =	vadd.s32 $0xC00, v46;
	v19 =	vsub.f32 v28, v19;
	v28 =	vld [tilespmem:s19+$0x30]  }
0x368: {  	v58 =	vmul.f32 $4.371138830e-08, v37;
	v11 =	vsub.f32 v17, v11;
	v41 =	vadd.s32 $0x1800, v41;
	v38 =	vld.idx.msk [tilespmem:v54+s0+$0x0], $0xffff  }
0x369: {  	v61 =	vadd.s32 $0x1000, v46;
	v56 =	vmul.f32 v39, v37;
	v62 =	vmul.f32 $4.371138830e-08, v14;
	v32 =	vld.idx.msk [tilespmem:v55+s0+$0x0], $0xffff  }
0x36a: {  	v22 =	vadd.f32 v22, v11;
	v14 =	vmul.f32 v31, v14;
	v53 =	vmul.f32 $4.371138830e-08, v20;
	v24 =	vld.idx.msk [tilespmem:v45+s0+$0x0], $0xffff  }
0x36b: {  	v17 =	vadd.f32 v49, v48;
	[tilespmem:s20+$0xFFFFFFD0] =	vst v30;
	v51 =	vmul.f32 v39, v20;
	v26 =	vmul.f32 v16, v58;
	v45 =	vld [tilespmem:s22+$0x10]  }
0x36c: {  	v48 =	vld.idx.msk [tilespmem:v57+s0+$0x0], $0xffff;
	v27 =	vmul.f32 v16, v53;
	v19 =	vsub.f32 v19, v29;
	v16 =	vmul.f32 v16, v34  }
0x36d: {  	v49 =	vmul.f32 v31, v44;
	v11 =	vld.idx.msk [tilespmem:v41+s0+$0x0], $0xffff;
	v26 =	vsub.f32 v60, v26;
	v29 =	vmul.f32 v33, v62  }
0x36e: {  	[tilespmem:s21+$0xFFFFFFD0] =	vst v15;
	v54 =	vmul.f32 v33, v40;
	v40 =	vld.idx.msk [tilespmem:v61+s0+$0x0], $0xffff;
	v61 =	vmul.f32 v35, v36;
	v50 =	vadd.s32 $0x400, v28  }
0x36f: {  	[tilespmem:s22+$0xFFFFFFD0] =	vst v13;
	v41 =	vadd.s32 $0x1400, v46;
	v53 =	vadd.s32 $0xC00, v28;
	v13 =	vsub.f32 v26, v51;
	v26 =	vld [tilespmem:s22+$0x20]  }
0x370: {  	[tilespmem:s20+$0xFFFFFFE0] =	vst v22;
	v27 =	vsub.f32 v56, v27;
	v56 =	vmul.f32 $4.371138830e-08, v44;
	v52 =	vmul.f32 v45, v23;
	v23 =	vld [tilespmem:s21+$0x20]  }
0x371: {  	[tilespmem:s20+$0xFFFFFFF0] =	vst v17;
	v15 =	vsub.f32 v49, v29;
	v60 =	vadd.s32 $0x1000, v28;
	v62 =	vadd.s32 $0x800, v28;
	v22 =	vld.idx.msk [tilespmem:v28+s0+$0x0], $0xffff  }
0x372: {  	[tilespmem:s21+$0xFFFFFFE0] =	vst v21;
	v27 =	vadd.f32 v59, v27;
	v55 =	vmul.f32 $4.371138830e-08, v45;
	v59 =	vmul.f32 v45, v24;
	v45 =	vld [tilespmem:s21+$0x30]  }
0x373: {  	[tilespmem:s21+$0xFFFFFFF0] =	vst v25;
	v43 =	vmul.f32 $4.371138830e-08, v36;
	v46 =	vadd.s32 $0x1800, v46;
	v16 =	vadd.f32 v63, v16;
	v24 =	vld.idx.msk [tilespmem:v50+s0+$0x0], $0xffff  }
0x374: {  	[tilespmem:s22+$0xFFFFFFE0] =	vst v18;
	v57 =	vmul.f32 $4.371138830e-08, v38;
	v58 =	vmul.f32 v33, v56;
	v15 =	vadd.f32 v52, v15;
	v63 =	vld.idx.msk [tilespmem:v53+s0+$0x0], $0xffff  }
0x375: {  	[tilespmem:s22+$0xFFFFFFF0] =	vst v19;
	v18 =	vadd.f32 v55, v54;
	v44 =	vmul.f32 v26, v48;
	v47 =	vmul.f32 $4.371138830e-08, v26;
	v48 =	vld [tilespmem:s22+$0x30]  }
0x376: {  	v17 =	vsub.f32 v59, v58;
	v54 =	vld.idx.msk [tilespmem:v62+s0+$0x0], $0xffff;
	v62 =	vmul.f32 v35, v38;
	v20 =	vmul.f32 v23, v57  }
0x377: {  	[tilespmem:s20+$0x0] =	vst v27;
	v51 =	vld.idx.msk [tilespmem:v60+s0+$0x0], $0xffff;
	v58 =	vadd.s32 $0x1400, v28;
	v32 =	vmul.f32 v23, v32;
	v53 =	vmul.f32 v23, v43  }
0x378: {  	v4 =	vld [tilespmem:s23+$0xFFFFFFC0];
	[tilespmem:s21+$0x0] =	vst v16;
	v49 =	vsub.f32 v17, v14;
	v57 =	vmul.f32 v26, v40;
	v55 =	vmul.f32 $4.371138830e-08, v24  }
0x379: {  	v37 =	vld [tilespmem:s23+$0xFFFFFFF0];
	[tilespmem:s22+$0x0] =	vst v13;
	v59 =	vmul.f32 $4.371138830e-08, v22;
	v22 =	vmul.f32 v42, v22;
	v20 =	vsub.f32 v61, v20  }
0x37a: {  	v16 =	vld.idx.msk [tilespmem:v46+s0+$0x0], $0xffff;
	[tilespmem:s20+$0x10] =	vst v15;
	v52 =	vadd.f32 v47, v32;
	v61 =	vadd.s32 $0x1800, v28;
	v25 =	vmul.f32 v45, v55  }
0x37b: {  	v56 =	vld [tilespmem:s23+$0xFFFFFFD0];
	[tilespmem:s21+$0x10] =	vst v18;
	v18 =	vsub.f32 v57, v53;
	v63 =	vmul.f32 v48, v63;
	v50 =	vadd.f32 v44, v20  }
0x37c: {  	v33 =	vld [tilespmem:s23+$0xFFFFFFE0];
	[tilespmem:s22+$0x10] =	vst v49;
	v34 =	vmul.f32 v45, v59;
	v17 =	vmul.f32 v48, v51;
	v32 =	vsub.f32 v22, v25  }
0x37d: {  	v60 =	vld.idx.msk [tilespmem:v41+s0+$0x0], $0xffff;
	v35 =	vmul.f32 v45, v54;
	v38 =	vmul.f32 $4.371138830e-08, v48;
	v18 =	vsub.f32 v18, v62;
	[tilespmem:s20+$0x20] =	vst v50  }
0x37e: {  	v41 =	vld [tilespmem:s23+$0x0];
	v21 =	vmul.f32 v42, v24;
	v17 =	vsub.f32 v17, v34;
	[tilespmem:s21+$0x20] =	vst v52;
	v14 =	vadd.f32 v63, v32  }
0x37f: {  	v39 =	vld.idx.msk [tilespmem:v58+s0+$0x0], $0xffff;
	v15 =	vadd.f32 v38, v35;
	[tilespmem:s22+$0x20] =	vst v18  }
0x380: {  	v17 =	vsub.f32 v17, v21;
	v40 =	vld.idx.msk [tilespmem:v61+s0+$0x0], $0xffff;
	[tilespmem:s20+$0x30] =	vst v14  }
0x381: {  	v5 =	vadd.f32 v56, v5;
	v42 =	vld [tilespmem:s23+$0x10];
	[tilespmem:s21+$0x30] =	vst v15  }
0x382: {  	v2 =	vadd.f32 v4, v2;
	v43 =	vld [tilespmem:s23+$0x20];
	[tilespmem:s22+$0x30] =	vst v17  }
0x383: {  	[tilespmem:s23+$0xFFFFFFD0] =	vst v5;
	v44 =	vadd.f32 v33, v7;
	v45 =	vld [tilespmem:s23+$0x30]  }
0x384: {  	[tilespmem:s23+$0xFFFFFFC0] =	vst v2;
	v46 =	vadd.f32 v37, v8;
	v49 =	vld [tilespmem:s24+$0xFFFFFFD0]  }
0x385: {  	v47 =	vld [tilespmem:s24+$0xFFFFFFC0];
	v48 =	vadd.f32 v41, v10;
	[tilespmem:s23+$0xFFFFFFE0] =	vst v44  }
0x386: {  	[tilespmem:s23+$0xFFFFFFF0] =	vst v46;
	v4 =	vadd.f32 v42, v12;
	v50 =	vld [tilespmem:s24+$0xFFFFFFE0]  }
0x387: {  	[tilespmem:s23+$0x0] =	vst v48;
	v52 =	vld [tilespmem:s24+$0xFFFFFFF0];
	v51 =	vadd.f32 v43, v60  }
0x388: {  	v54 =	vld [tilespmem:s24+$0x0];
	[tilespmem:s23+$0x10] =	vst v4;
	v53 =	vadd.f32 v45, v39  }
0x389: {  	v1 =	vadd.f32 v49, v1;
	v55 =	vld [tilespmem:s24+$0x10];
	[tilespmem:s23+$0x20] =	vst v51  }
0x38a: {  	v0 =	vadd.f32 v47, v0;
	v56 =	vld [tilespmem:s24+$0x20];
	[tilespmem:s23+$0x30] =	vst v53  }
0x38b: {  	[tilespmem:s24+$0xFFFFFFD0] =	vst v1;
	v57 =	vadd.f32 v50, v3;
	v58 =	vld [tilespmem:s24+$0x30]  }
0x38c: {  	s18 =	sadd.s32 $0x80, s18;
	[tilespmem:s24+$0xFFFFFFC0] =	vst v0;
	v59 =	vadd.f32 v52, v6  }
0x38d: {  	p0 =	slt.u32 s18, $0xF80;
	[tilespmem:s24+$0xFFFFFFE0] =	vst v57;
	v60 =	vadd.f32 v54, v9  }
.Ltmp4:
0x38e: {  	[tilespmem:s24+$0xFFFFFFF0] =	vst v59;
	v61 =	vadd.f32 v55, v11;
	(pc) =	sbr.rel @p0 .LBB2_10-.Ltmp4, $4  }
0x38f: {  	[tilespmem:s24+$0x0] =	vst v60;
	v62 =	vadd.f32 v56, v16  }
0x390: {  	[tilespmem:s24+$0x10] =	vst v61;
	v63 =	vadd.f32 v58, v40  }
0x391: {  	s19 =	sadd.s32 $0x80, s19;
	s20 =	sadd.s32 $0x80, s20;
	s21 =	sadd.s32 $0x80, s21;
	[tilespmem:s24+$0x20] =	vst v62  }
0x392: {  	s22 =	sadd.s32 $0x80, s22;
	s23 =	sadd.s32 $0x80, s23;
	[tilespmem:s24+$0x30] =	vst v63;
	s24 =	sadd.s32 $0x80, s24  }
0x393: {  	s18 =	sld [smem:$0x7D2];
	_ =	sdelay $0x1  }
0x394: {  	s21 =	sld [smem:$0x7D3]  }
0x395: {  	[hbm4b:s18+s0] =	stream.linear.scatter [tilespmem:s4], [sflag:$0x2], $0x1000, $0x38;
	[tilespmem:$0xE000] =	vst v63  }
0x396: {  	s22 =	sld [smem:$0x7D4]  }
0x397: {  	[hbm4b:s21+s0] =	stream.linear.scatter [tilespmem:s5], [sflag:$0x2], $0x1000, $0x38;
	[tilespmem:$0xE000] =	vst v63  }
0x398: {  	s23 =	sld [smem:$0x7D5]  }
0x399: {  	[hbm4b:s22+s0] =	stream.linear.scatter [tilespmem:s6], [sflag:$0x2], $0x1000, $0x38;
	[tilespmem:$0xE000] =	vst v63  }
0x39a: {  	s24 =	sld [smem:$0x7D6]  }
0x39b: {  	[hbm4b:s23+s0] =	stream.linear.scatter [tilespmem:s7], [sflag:$0x2], $0x1000, $0x38;
	[tilespmem:$0xE000] =	vst v63  }
0x39c: {  	_ = 	snop  }
0x39d: {  	[hbm4b:s24+s0] =	stream.linear.scatter [tilespmem:s8], [sflag:$0x2], $0x1000, $0x38;
	[tilespmem:$0xE000] =	vst v63  }
0x39e: {  	_ =	swait.ge [sflag:s16], $0x1000  }
0x39f: {  	[sflag:s16] =	ssyncset.done $0x0  }
0x3a0: {  	[sflag:s16] =	ssyncadd.s32 $0xFFFFF000  }
0x3a1: {  	_ =	swait.ge [sflag:s16], $0x1000  }
0x3a2: {  	[sflag:s16] =	ssyncset.done $0x0  }
0x3a3: {  	[sflag:s16] =	ssyncadd.s32 $0xFFFFF000  }
0x3a4: {  	_ =	swait.ge [sflag:s16], $0x1000  }
0x3a5: {  	[sflag:s16] =	ssyncset.done $0x0  }
0x3a6: {  	[sflag:s16] =	ssyncadd.s32 $0xFFFFF000  }
0x3a7: {  	_ =	swait.ge [sflag:s16], $0x1000  }
0x3a8: {  	[sflag:s16] =	ssyncset.done $0x0  }
0x3a9: {  	[sflag:s16] =	ssyncadd.s32 $0xFFFFF000  }
0x3aa: {  	_ =	swait.ge [sflag:s16], $0x1000  }
0x3ab: {  	s19 =	sld [smem:$0x7ED]  }
0x3ac: {  	[sflag:s16] =	ssyncset.done $0x0  }
0x3ad: {  	s20 =	sld [smem:$0x7EF];
	[sflag:s16] =	ssyncadd.s32 $0xFFFFF000  }
0x3ae: {  	[tilespmem:s3], [sflag:$0x1] =	stream.linear.gather [hbm4b:s19+s0], $0x1000, $0x38;
	[tilespmem:$0xE000] =	vst v63  }
0x3af: {  	s21 =	sld [smem:$0x7F1]  }
0x3b0: {  	[tilespmem:s4], [sflag:$0x1] =	stream.linear.gather [hbm4b:s20+s0], $0x1000, $0x38;
	[tilespmem:$0xE000] =	vst v63  }
0x3b1: {  	s22 =	sld [smem:$0x7F3]  }
0x3b2: {  	[tilespmem:s5], [sflag:$0x1] =	stream.linear.gather [hbm4b:s21+s0], $0x1000, $0x38;
	[tilespmem:$0xE000] =	vst v63  }
0x3b3: {  	s23 =	sld [smem:$0x7F5]  }
0x3b4: {  	[tilespmem:s6], [sflag:$0x1] =	stream.linear.gather [hbm4b:s22+s0], $0x1000, $0x38;
	[tilespmem:$0xE000] =	vst v63  }
0x3b5: {  	s24 =	sld [smem:$0x7F7]  }
0x3b6: {  	[tilespmem:s7], [sflag:$0x1] =	stream.linear.gather [hbm4b:s23+s0], $0x1000, $0x38;
	[tilespmem:$0xE000] =	vst v63  }
0x3b7: {  	_ = 	snop  }
0x3b8: {  	[tilespmem:s8], [sflag:$0x1] =	stream.linear.gather [hbm4b:s24+s0], $0x1000, $0x38;
	[tilespmem:$0xE000] =	vst v63  }
0x3b9: {  	_ =	swait.ge [sflag:s15], $0x1000  }
0x3ba: {  	[sflag:s15] =	ssyncset.done $0x0  }
0x3bb: {  	[sflag:s15] =	ssyncadd.s32 $0xFFFFF000  }
0x3bc: {  	_ =	swait.ge [sflag:s15], $0x1000  }
0x3bd: {  	[sflag:s15] =	ssyncset.done $0x0  }
0x3be: {  	[sflag:s15] =	ssyncadd.s32 $0xFFFFF000  }
0x3bf: {  	_ =	swait.ge [sflag:s15], $0x1000  }
0x3c0: {  	[sflag:s15] =	ssyncset.done $0x0  }
0x3c1: {  	[sflag:s15] =	ssyncadd.s32 $0xFFFFF000  }
0x3c2: {  	_ =	swait.ge [sflag:s15], $0x1000  }
0x3c3: {  	[sflag:s15] =	ssyncset.done $0x0  }
0x3c4: {  	[sflag:s15] =	ssyncadd.s32 $0xFFFFF000  }
0x3c5: {  	_ =	swait.ge [sflag:s15], $0x1000  }
0x3c6: {  	[sflag:s15] =	ssyncset.done $0x0  }
0x3c7: {  	s18 =	simm.s32 $0xFFFFFF80;
	[sflag:s15] =	ssyncadd.s32 $0xFFFFF000  }
0x3c8: {  	s19 =	simm.s32 $0x7070;
	s20 =	simm.s32 $0x5070;
	_ =	swait.ge [sflag:s15], $0x1000  }
0x3c9: {  	s21 =	simm.s32 $0xD070;
	s22 =	simm.s32 $0xB070;
	[sflag:s15] =	ssyncset.done $0x0  }
0x3ca: {  	s23 =	simm.s32 $0x9070;
	s24 =	simm.s32 $0x3070;
	[sflag:s15] =	ssyncadd.s32 $0xFFFFF000  }
.LBB2_12:
0x3cb: {  	v0 =	vld [tilespmem:s24+$0xFFFFFF90]  }
0x3cc: {  	v6 =	vld [tilespmem:s23+$0xFFFFFF90]  }
0x3cd: {  	v7 =	vld [tilespmem:s22+$0xFFFFFF90]  }
0x3ce: {  	v8 =	vld [tilespmem:s21+$0xFFFFFF90]  }
0x3cf: {  	v13 =	vld [tilespmem:s24+$0xFFFFFFA0]  }
0x3d0: {  	v46 =	vld [tilespmem:s24+$0xFFFFFFB0]  }
0x3d1: {  	v14 =	vld [tilespmem:s23+$0xFFFFFFA0]  }
0x3d2: {  	v15 =	vld [tilespmem:s22+$0xFFFFFFA0]  }
0x3d3: {  	v16 =	vld [tilespmem:s21+$0xFFFFFFA0]  }
0x3d4: {  	v20 =	vld [tilespmem:s24+$0xFFFFFFC0]  }
0x3d5: {  	v23 =	vld [tilespmem:s23+$0xFFFFFFB0]  }
0x3d6: {  	v24 =	vld [tilespmem:s22+$0xFFFFFFB0]  }
0x3d7: {  	v25 =	vld [tilespmem:s21+$0xFFFFFFB0]  }
0x3d8: {  	v30 =	vld [tilespmem:s24+$0xFFFFFFD0]  }
0x3d9: {  	v32 =	vld [tilespmem:s23+$0xFFFFFFC0]  }
0x3da: {  	v33 =	vld [tilespmem:s22+$0xFFFFFFC0]  }
0x3db: {  	v35 =	vld [tilespmem:s21+$0xFFFFFFC0]  }
0x3dc: {  	v41 =	vld [tilespmem:s24+$0xFFFFFFE0]  }
0x3dd: {  	v1 =	vadd.s32 $0x400, v0;
	v3 =	vld.idx.msk [tilespmem:v0+s0+$0x0], $0xffff  }
0x3de: {  	v2 =	vadd.s32 $0xC00, v0;
	v61 =	vld.idx.msk [tilespmem:v13+s0+$0x0], $0xffff  }
0x3df: {  	v4 =	vadd.s32 $0x1000, v0;
	v17 =	vld.idx.msk [tilespmem:v46+s0+$0x0], $0xffff  }
0x3e0: {  	v5 =	vadd.s32 $0x800, v0;
	v27 =	vld.idx.msk [tilespmem:v20+s0+$0x0], $0xffff  }
0x3e1: {  	v58 =	vadd.s32 $0x400, v13;
	v37 =	vld.idx.msk [tilespmem:v30+s0+$0x0], $0xffff  }
0x3e2: {  	v59 =	vadd.s32 $0x800, v13;
	v1 =	vld.idx.msk [tilespmem:v1+s0+$0x0], $0xffff  }
0x3e3: {  	v60 =	vadd.s32 $0xC00, v13;
	v2 =	vld.idx.msk [tilespmem:v2+s0+$0x0], $0xffff  }
0x3e4: {  	v62 =	vadd.s32 $0x1000, v13;
	v4 =	vld.idx.msk [tilespmem:v4+s0+$0x0], $0xffff  }
0x3e5: {  	v50 =	vadd.s32 $0x400, v46;
	v5 =	vld.idx.msk [tilespmem:v5+s0+$0x0], $0xffff  }
0x3e6: {  	v51 =	vadd.s32 $0x800, v46;
	v63 =	vld.idx.msk [tilespmem:v58+s0+$0x0], $0xffff  }
0x3e7: {  	v52 =	vadd.s32 $0xC00, v46;
	v47 =	vld.idx.msk [tilespmem:v59+s0+$0x0], $0xffff  }
0x3e8: {  	v18 =	vadd.s32 $0x1000, v46;
	v48 =	vld.idx.msk [tilespmem:v60+s0+$0x0], $0xffff  }
0x3e9: {  	v54 =	vadd.s32 $0x400, v20;
	v49 =	vld.idx.msk [tilespmem:v62+s0+$0x0], $0xffff  }
0x3ea: {  	v55 =	vadd.s32 $0x800, v20;
	v19 =	vld.idx.msk [tilespmem:v50+s0+$0x0], $0xffff  }
0x3eb: {  	v26 =	vadd.s32 $0xC00, v20;
	v21 =	vld.idx.msk [tilespmem:v51+s0+$0x0], $0xffff  }
0x3ec: {  	v28 =	vadd.s32 $0x1000, v20;
	v22 =	vld.idx.msk [tilespmem:v52+s0+$0x0], $0xffff  }
0x3ed: {  	v34 =	vadd.s32 $0x800, v30;
	v18 =	vld.idx.msk [tilespmem:v18+s0+$0x0], $0xffff  }
0x3ee: {  	v36 =	vadd.s32 $0xC00, v30;
	v29 =	vld.idx.msk [tilespmem:v54+s0+$0x0], $0xffff  }
0x3ef: {  	v38 =	vadd.s32 $0x1000, v30;
	v31 =	vld.idx.msk [tilespmem:v55+s0+$0x0], $0xffff  }
0x3f0: {  	v10 =	vadd.s32 $0x1400, v0;
	v0 =	vadd.s32 $0x1800, v0;
	v26 =	vld.idx.msk [tilespmem:v26+s0+$0x0], $0xffff  }
0x3f1: {  	v57 =	vmul.f32 $4.371138830e-08, v8;
	v28 =	vld.idx.msk [tilespmem:v28+s0+$0x0], $0xffff  }
0x3f2: {  	v39 =	vadd.s32 $0x1400, v30;
	v34 =	vld.idx.msk [tilespmem:v34+s0+$0x0], $0xffff;
	v52 =	vmul.f32 $4.371138830e-08, v35;
	v11 =	vmul.f32 $4.371138830e-08, v3  }
0x3f3: {  	v36 =	vld.idx.msk [tilespmem:v36+s0+$0x0], $0xffff;
	v3 =	vmul.f32 v6, v3;
	v42 =	vmul.f32 $4.371138830e-08, v61  }
0x3f4: {  	v38 =	vld.idx.msk [tilespmem:v38+s0+$0x0], $0xffff;
	v9 =	vmul.f32 $4.371138830e-08, v1;
	v12 =	vmul.f32 v8, v2  }
0x3f5: {  	v44 =	vadd.s32 $0x1400, v13;
	v0 =	vld.idx.msk [tilespmem:v0+s0+$0x0], $0xffff;
	v56 =	vmul.f32 v7, v11;
	v4 =	vmul.f32 v8, v4  }
0x3f6: {  	v53 =	vadd.s32 $0x1400, v46;
	v5 =	vmul.f32 v7, v5;
	v2 =	vld.idx.msk [tilespmem:v10+s0+$0x0], $0xffff;
	v40 =	vmul.f32 $4.371138830e-08, v63  }
0x3f7: {  	v45 =	vadd.s32 $0x1800, v13;
	v42 =	vmul.f32 v15, v42;
	v13 =	vmul.f32 v16, v49;
	v10 =	vld.idx.msk [tilespmem:v39+s0+$0x0], $0xffff  }
0x3f8: {  	v8 =	vadd.s32 $0x1800, v46;
	v11 =	vmul.f32 v14, v63;
	v39 =	vld [tilespmem:s23+$0xFFFFFFD0];
	v46 =	vmul.f32 $4.371138830e-08, v29  }
0x3f9: {  	v58 =	vadd.s32 $0x400, v41;
	v49 =	vmul.f32 v35, v26;
	v51 =	vmul.f32 v33, v31;
	v31 =	vld [tilespmem:s23+$0xFFFFFFE0]  }
0x3fa: {  	v43 =	vadd.s32 $0xC00, v41;
	v28 =	vmul.f32 v35, v28;
	v35 =	vld [tilespmem:s23+$0xFFFFFFF0];
	v9 =	vmul.f32 v7, v9  }
0x3fb: {  	v4 =	vsub.f32 v4, v56;
	v7 =	vld.idx.msk [tilespmem:v53+s0+$0x0], $0xffff;
	v56 =	vadd.s32 $0x1400, v20;
	v20 =	vadd.s32 $0x1800, v20  }
0x3fc: {  	v5 =	vadd.f32 v57, v5;
	v57 =	vadd.s32 $0x400, v30;
	v13 =	vsub.f32 v13, v42;
	v42 =	vld [tilespmem:s21+$0xFFFFFFD0]  }
0x3fd: {  	v60 =	vmul.f32 $4.371138830e-08, v19;
	v30 =	vadd.s32 $0x1800, v30;
	v63 =	vmul.f32 v33, v46;
	v46 =	vld [tilespmem:s24+$0xFFFFFFF0]  }
0x3fe: {  	v19 =	vmul.f32 v23, v19;
	v3 =	vsub.f32 v3, v9;
	v9 =	vmul.f32 v14, v61;
	v14 =	vld.idx.msk [tilespmem:v58+s0+$0x0], $0xffff  }
0x3ff: {  	v61 =	vmul.f32 $4.371138830e-08, v17;
	v17 =	vmul.f32 v23, v17;
	v23 =	vld.idx.msk [tilespmem:v43+s0+$0x0], $0xffff  }
0x400: {  	v1 =	vmul.f32 v6, v1;
	v40 =	vmul.f32 v15, v40;
	v6 =	vld.idx.msk [tilespmem:v20+s0+$0x0], $0xffff  }
0x401: {  	v59 =	vadd.s32 $0x800, v41;
	v3 =	vadd.f32 v12, v3;
	v20 =	vld.idx.msk [tilespmem:v57+s0+$0x0], $0xffff  }
0x402: {  	v15 =	vmul.f32 v15, v47;
	v47 =	vadd.s32 $0x1400, v41;
	v40 =	vsub.f32 v9, v40;
	v9 =	vld.idx.msk [tilespmem:v30+s0+$0x0], $0xffff  }
0x403: {  	v12 =	vmul.f32 v16, v48;
	v16 =	vmul.f32 $4.371138830e-08, v16;
	[tilespmem:s23+$0xFFFFFF90] =	vst v3;
	v3 =	vld.idx.msk [tilespmem:v8+s0+$0x0], $0xffff  }
0x404: {  	v62 =	vmul.f32 v32, v27;
	v8 =	vld.idx.msk [tilespmem:v56+s0+$0x0], $0xffff  }
0x405: {  	v21 =	vmul.f32 v24, v21;
	v18 =	vmul.f32 v25, v18;
	v15 =	vadd.f32 v16, v15;
	v16 =	vld [tilespmem:s22+$0xFFFFFFD0]  }
0x406: {  	v13 =	vsub.f32 v13, v11;
	v11 =	vmul.f32 v24, v60;
	v30 =	vadd.f32 v12, v40;
	v40 =	vld.idx.msk [tilespmem:v59+s0+$0x0], $0xffff  }
0x407: {  	v24 =	vmul.f32 v24, v61;
	v60 =	vmul.f32 v42, v38;
	v12 =	vld.idx.msk [tilespmem:v47+s0+$0x0], $0xffff  }
0x408: {  	v48 =	vsub.f32 v62, v63;
	v63 =	vmul.f32 $4.371138830e-08, v42;
	v59 =	vmul.f32 v42, v36;
	v42 =	vld [tilespmem:s23+$0x0]  }
0x409: {  	v1 =	vsub.f32 v4, v1;
	[tilespmem:s22+$0xFFFFFF90] =	vst v5;
	v5 =	vld.idx.msk [tilespmem:v44+s0+$0x0], $0xffff  }
0x40a: {  	v50 =	vmul.f32 $4.371138830e-08, v27;
	v54 =	vadd.s32 $0x400, v46;
	v18 =	vsub.f32 v18, v24;
	v44 =	vld.idx.msk [tilespmem:v41+s0+$0x0], $0xffff  }
0x40b: {  	v22 =	vmul.f32 v25, v22;
	v25 =	vmul.f32 $4.371138830e-08, v25;
	v55 =	vadd.s32 $0x800, v46;
	[tilespmem:s21+$0xFFFFFF90] =	vst v1;
	v1 =	vld.idx.msk [tilespmem:v45+s0+$0x0], $0xffff  }
0x40c: {  	v45 =	vadd.s32 $0x1000, v41;
	v18 =	vsub.f32 v18, v19;
	v19 =	vmul.f32 v33, v50;
	v33 =	vld [tilespmem:s22+$0xFFFFFFE0]  }
0x40d: {  	v29 =	vmul.f32 v32, v29;
	v21 =	vadd.f32 v25, v21;
	v36 =	vld.idx.msk [tilespmem:v46+s0+$0x0], $0xffff  }
0x40e: {  	v25 =	vadd.f32 v52, v51;
	v57 =	vadd.s32 $0xC00, v46;
	v19 =	vsub.f32 v28, v19;
	v28 =	vld [tilespmem:s24+$0x0]  }
0x40f: {  	v58 =	vmul.f32 $4.371138830e-08, v37;
	v11 =	vsub.f32 v17, v11;
	v41 =	vadd.s32 $0x1800, v41;
	v38 =	vld.idx.msk [tilespmem:v54+s0+$0x0], $0xffff  }
0x410: {  	v61 =	vadd.s32 $0x1000, v46;
	v56 =	vmul.f32 v39, v37;
	v62 =	vmul.f32 $4.371138830e-08, v14;
	v32 =	vld.idx.msk [tilespmem:v55+s0+$0x0], $0xffff  }
0x411: {  	v22 =	vadd.f32 v22, v11;
	v14 =	vmul.f32 v31, v14;
	v53 =	vmul.f32 $4.371138830e-08, v20;
	v24 =	vld.idx.msk [tilespmem:v45+s0+$0x0], $0xffff  }
0x412: {  	v17 =	vadd.f32 v49, v48;
	[tilespmem:s23+$0xFFFFFFA0] =	vst v30;
	v51 =	vmul.f32 v39, v20;
	v26 =	vmul.f32 v16, v58;
	v45 =	vld [tilespmem:s21+$0xFFFFFFE0]  }
0x413: {  	v48 =	vld.idx.msk [tilespmem:v57+s0+$0x0], $0xffff;
	v27 =	vmul.f32 v16, v53;
	v19 =	vsub.f32 v19, v29;
	v16 =	vmul.f32 v16, v34  }
0x414: {  	v49 =	vmul.f32 v31, v44;
	v11 =	vld.idx.msk [tilespmem:v41+s0+$0x0], $0xffff;
	v26 =	vsub.f32 v60, v26;
	v29 =	vmul.f32 v33, v62  }
0x415: {  	[tilespmem:s22+$0xFFFFFFA0] =	vst v15;
	v54 =	vmul.f32 v33, v40;
	v40 =	vld.idx.msk [tilespmem:v61+s0+$0x0], $0xffff;
	v61 =	vmul.f32 v35, v36;
	v50 =	vadd.s32 $0x400, v28  }
0x416: {  	[tilespmem:s21+$0xFFFFFFA0] =	vst v13;
	v41 =	vadd.s32 $0x1400, v46;
	v53 =	vadd.s32 $0xC00, v28;
	v13 =	vsub.f32 v26, v51;
	v26 =	vld [tilespmem:s21+$0xFFFFFFF0]  }
0x417: {  	[tilespmem:s23+$0xFFFFFFB0] =	vst v22;
	v27 =	vsub.f32 v56, v27;
	v56 =	vmul.f32 $4.371138830e-08, v44;
	v52 =	vmul.f32 v45, v23;
	v23 =	vld [tilespmem:s22+$0xFFFFFFF0]  }
0x418: {  	[tilespmem:s23+$0xFFFFFFC0] =	vst v17;
	v15 =	vsub.f32 v49, v29;
	v60 =	vadd.s32 $0x1000, v28;
	v62 =	vadd.s32 $0x800, v28;
	v22 =	vld.idx.msk [tilespmem:v28+s0+$0x0], $0xffff  }
0x419: {  	[tilespmem:s22+$0xFFFFFFB0] =	vst v21;
	v27 =	vadd.f32 v59, v27;
	v55 =	vmul.f32 $4.371138830e-08, v45;
	v59 =	vmul.f32 v45, v24;
	v45 =	vld [tilespmem:s22+$0x0]  }
0x41a: {  	[tilespmem:s22+$0xFFFFFFC0] =	vst v25;
	v43 =	vmul.f32 $4.371138830e-08, v36;
	v46 =	vadd.s32 $0x1800, v46;
	v16 =	vadd.f32 v63, v16;
	v24 =	vld.idx.msk [tilespmem:v50+s0+$0x0], $0xffff  }
0x41b: {  	[tilespmem:s21+$0xFFFFFFB0] =	vst v18;
	v57 =	vmul.f32 $4.371138830e-08, v38;
	v58 =	vmul.f32 v33, v56;
	v15 =	vadd.f32 v52, v15;
	v63 =	vld.idx.msk [tilespmem:v53+s0+$0x0], $0xffff  }
0x41c: {  	[tilespmem:s21+$0xFFFFFFC0] =	vst v19;
	v18 =	vadd.f32 v55, v54;
	v44 =	vmul.f32 v26, v48;
	v47 =	vmul.f32 $4.371138830e-08, v26;
	v48 =	vld [tilespmem:s21+$0x0]  }
0x41d: {  	v17 =	vsub.f32 v59, v58;
	v54 =	vld.idx.msk [tilespmem:v62+s0+$0x0], $0xffff;
	v62 =	vmul.f32 v35, v38;
	v20 =	vmul.f32 v23, v57  }
0x41e: {  	[tilespmem:s23+$0xFFFFFFD0] =	vst v27;
	v51 =	vld.idx.msk [tilespmem:v60+s0+$0x0], $0xffff;
	v58 =	vadd.s32 $0x1400, v28;
	v32 =	vmul.f32 v23, v32;
	v53 =	vmul.f32 v23, v43  }
0x41f: {  	v4 =	vld [tilespmem:s20+$0xFFFFFF90];
	[tilespmem:s22+$0xFFFFFFD0] =	vst v16;
	v49 =	vsub.f32 v17, v14;
	v57 =	vmul.f32 v26, v40;
	v55 =	vmul.f32 $4.371138830e-08, v24  }
0x420: {  	v37 =	vld [tilespmem:s20+$0xFFFFFFC0];
	[tilespmem:s21+$0xFFFFFFD0] =	vst v13;
	v59 =	vmul.f32 $4.371138830e-08, v22;
	v22 =	vmul.f32 v42, v22;
	v20 =	vsub.f32 v61, v20  }
0x421: {  	v16 =	vld.idx.msk [tilespmem:v46+s0+$0x0], $0xffff;
	[tilespmem:s23+$0xFFFFFFE0] =	vst v15;
	v52 =	vadd.f32 v47, v32;
	v61 =	vadd.s32 $0x1800, v28;
	v25 =	vmul.f32 v45, v55  }
0x422: {  	v56 =	vld [tilespmem:s20+$0xFFFFFFA0];
	[tilespmem:s22+$0xFFFFFFE0] =	vst v18;
	v18 =	vsub.f32 v57, v53;
	v63 =	vmul.f32 v48, v63;
	v50 =	vadd.f32 v44, v20  }
0x423: {  	v33 =	vld [tilespmem:s20+$0xFFFFFFB0];
	[tilespmem:s21+$0xFFFFFFE0] =	vst v49;
	v34 =	vmul.f32 v45, v59;
	v17 =	vmul.f32 v48, v51;
	v32 =	vsub.f32 v22, v25  }
0x424: {  	v60 =	vld.idx.msk [tilespmem:v41+s0+$0x0], $0xffff;
	v35 =	vmul.f32 v45, v54;
	v38 =	vmul.f32 $4.371138830e-08, v48;
	v18 =	vsub.f32 v18, v62;
	[tilespmem:s23+$0xFFFFFFF0] =	vst v50  }
0x425: {  	v41 =	vld [tilespmem:s20+$0xFFFFFFD0];
	v21 =	vmul.f32 v42, v24;
	v17 =	vsub.f32 v17, v34;
	[tilespmem:s22+$0xFFFFFFF0] =	vst v52;
	v14 =	vadd.f32 v63, v32  }
0x426: {  	v39 =	vld.idx.msk [tilespmem:v58+s0+$0x0], $0xffff;
	v15 =	vadd.f32 v38, v35;
	[tilespmem:s21+$0xFFFFFFF0] =	vst v18  }
0x427: {  	v17 =	vsub.f32 v17, v21;
	v40 =	vld.idx.msk [tilespmem:v61+s0+$0x0], $0xffff;
	[tilespmem:s23+$0x0] =	vst v14  }
0x428: {  	v5 =	vadd.f32 v56, v5;
	v42 =	vld [tilespmem:s20+$0xFFFFFFE0];
	[tilespmem:s22+$0x0] =	vst v15  }
0x429: {  	v2 =	vadd.f32 v4, v2;
	v43 =	vld [tilespmem:s20+$0xFFFFFFF0];
	[tilespmem:s21+$0x0] =	vst v17  }
0x42a: {  	[tilespmem:s20+$0xFFFFFFA0] =	vst v5;
	v44 =	vadd.f32 v33, v7;
	v45 =	vld [tilespmem:s20+$0x0]  }
0x42b: {  	[tilespmem:s20+$0xFFFFFF90] =	vst v2;
	v46 =	vadd.f32 v37, v8;
	v49 =	vld [tilespmem:s19+$0xFFFFFFA0]  }
0x42c: {  	v47 =	vld [tilespmem:s19+$0xFFFFFF90];
	v48 =	vadd.f32 v41, v10;
	[tilespmem:s20+$0xFFFFFFB0] =	vst v44  }
0x42d: {  	[tilespmem:s20+$0xFFFFFFC0] =	vst v46;
	v4 =	vadd.f32 v42, v12;
	v50 =	vld [tilespmem:s19+$0xFFFFFFB0]  }
0x42e: {  	[tilespmem:s20+$0xFFFFFFD0] =	vst v48;
	v52 =	vld [tilespmem:s19+$0xFFFFFFC0];
	v51 =	vadd.f32 v43, v60  }
0x42f: {  	v54 =	vld [tilespmem:s19+$0xFFFFFFD0];
	[tilespmem:s20+$0xFFFFFFE0] =	vst v4;
	v53 =	vadd.f32 v45, v39  }
0x430: {  	v1 =	vadd.f32 v49, v1;
	v55 =	vld [tilespmem:s19+$0xFFFFFFE0];
	[tilespmem:s20+$0xFFFFFFF0] =	vst v51  }
0x431: {  	v0 =	vadd.f32 v47, v0;
	v56 =	vld [tilespmem:s19+$0xFFFFFFF0];
	[tilespmem:s20+$0x0] =	vst v53  }
0x432: {  	[tilespmem:s19+$0xFFFFFFA0] =	vst v1;
	v57 =	vadd.f32 v50, v3;
	v58 =	vld [tilespmem:s19+$0x0]  }
0x433: {  	s18 =	sadd.s32 $0x80, s18;
	[tilespmem:s19+$0xFFFFFF90] =	vst v0;
	v59 =	vadd.f32 v52, v6  }
0x434: {  	p0 =	slt.u32 s18, $0xF80;
	[tilespmem:s19+$0xFFFFFFB0] =	vst v57;
	v60 =	vadd.f32 v54, v9  }
.Ltmp5:
0x435: {  	[tilespmem:s19+$0xFFFFFFC0] =	vst v59;
	v61 =	vadd.f32 v55, v11;
	(pc) =	sbr.rel @p0 .LBB2_12-.Ltmp5, $4  }
0x436: {  	[tilespmem:s19+$0xFFFFFFD0] =	vst v60;
	v62 =	vadd.f32 v56, v16  }
0x437: {  	[tilespmem:s19+$0xFFFFFFE0] =	vst v61;
	v63 =	vadd.f32 v58, v40  }
0x438: {  	s24 =	sadd.s32 $0x80, s24;
	s23 =	sadd.s32 $0x80, s23;
	s22 =	sadd.s32 $0x80, s22;
	[tilespmem:s19+$0xFFFFFFF0] =	vst v62  }
0x439: {  	s21 =	sadd.s32 $0x80, s21;
	s20 =	sadd.s32 $0x80, s20;
	[tilespmem:s19+$0x0] =	vst v63;
	s19 =	sadd.s32 $0x80, s19  }
0x43a: {  	s18 =	sld [smem:$0x7DD];
	_ =	sdelay $0x1  }
0x43b: {  	s21 =	sld [smem:$0x7DE]  }
0x43c: {  	[hbm4b:s18+s0] =	stream.linear.scatter [tilespmem:s10], [sflag:$0x2], $0x1000, $0x38;
	[tilespmem:$0xE000] =	vst v63  }
0x43d: {  	s22 =	sld [smem:$0x7DF]  }
0x43e: {  	[hbm4b:s21+s0] =	stream.linear.scatter [tilespmem:s11], [sflag:$0x2], $0x1000, $0x38;
	[tilespmem:$0xE000] =	vst v63  }
0x43f: {  	s23 =	sld [smem:$0x7E0]  }
0x440: {  	[hbm4b:s22+s0] =	stream.linear.scatter [tilespmem:s12], [sflag:$0x2], $0x1000, $0x38;
	[tilespmem:$0xE000] =	vst v63  }
0x441: {  	s24 =	sld [smem:$0x7E1]  }
0x442: {  	[hbm4b:s23+s0] =	stream.linear.scatter [tilespmem:s13], [sflag:$0x2], $0x1000, $0x38;
	[tilespmem:$0xE000] =	vst v63  }
0x443: {  	_ = 	snop  }
0x444: {  	[hbm4b:s24+s0] =	stream.linear.scatter [tilespmem:s14], [sflag:$0x2], $0x1000, $0x38;
	[tilespmem:$0xE000] =	vst v63  }
0x445: {  	_ =	swait.ge [sflag:s16], $0x1000  }
0x446: {  	[sflag:s16] =	ssyncset.done $0x0  }
0x447: {  	[sflag:s16] =	ssyncadd.s32 $0xFFFFF000  }
0x448: {  	_ =	swait.ge [sflag:s16], $0x1000  }
0x449: {  	[sflag:s16] =	ssyncset.done $0x0  }
0x44a: {  	[sflag:s16] =	ssyncadd.s32 $0xFFFFF000  }
0x44b: {  	_ =	swait.ge [sflag:s16], $0x1000  }
0x44c: {  	[sflag:s16] =	ssyncset.done $0x0  }
0x44d: {  	[sflag:s16] =	ssyncadd.s32 $0xFFFFF000  }
0x44e: {  	_ =	swait.ge [sflag:s16], $0x1000  }
0x44f: {  	[sflag:s16] =	ssyncset.done $0x0  }
0x450: {  	[sflag:s16] =	ssyncadd.s32 $0xFFFFF000  }
0x451: {  	_ =	swait.ge [sflag:s16], $0x1000  }
0x452: {  	s19 =	sld [smem:$0x7EE]  }
0x453: {  	[sflag:s16] =	ssyncset.done $0x0  }
0x454: {  	s20 =	sld [smem:$0x7F0];
	[sflag:s16] =	ssyncadd.s32 $0xFFFFF000  }
0x455: {  	[tilespmem:s9], [sflag:$0x1] =	stream.linear.gather [hbm4b:s19+s0], $0x1000, $0x38;
	[tilespmem:$0xE000] =	vst v63  }
0x456: {  	s21 =	sld [smem:$0x7F2]  }
0x457: {  	[tilespmem:s10], [sflag:$0x1] =	stream.linear.gather [hbm4b:s20+s0], $0x1000, $0x38;
	[tilespmem:$0xE000] =	vst v63  }
0x458: {  	s22 =	sld [smem:$0x7F4]  }
0x459: {  	[tilespmem:s11], [sflag:$0x1] =	stream.linear.gather [hbm4b:s21+s0], $0x1000, $0x38;
	[tilespmem:$0xE000] =	vst v63  }
0x45a: {  	s23 =	sld [smem:$0x7F6]  }
0x45b: {  	[tilespmem:s12], [sflag:$0x1] =	stream.linear.gather [hbm4b:s22+s0], $0x1000, $0x38;
	[tilespmem:$0xE000] =	vst v63  }
0x45c: {  	s24 =	sld [smem:$0x7F8]  }
0x45d: {  	[tilespmem:s13], [sflag:$0x1] =	stream.linear.gather [hbm4b:s23+s0], $0x1000, $0x38;
	[tilespmem:$0xE000] =	vst v63  }
0x45e: {  	_ = 	snop  }
0x45f: {  	[tilespmem:s14], [sflag:$0x1] =	stream.linear.gather [hbm4b:s24+s0], $0x1000, $0x38;
	[tilespmem:$0xE000] =	vst v63  }
0x460: {  	_ =	swait.ge [sflag:s15], $0x1000  }
0x461: {  	[sflag:s15] =	ssyncset.done $0x0  }
0x462: {  	[sflag:s15] =	ssyncadd.s32 $0xFFFFF000  }
0x463: {  	_ =	swait.ge [sflag:s15], $0x1000  }
0x464: {  	[sflag:s15] =	ssyncset.done $0x0  }
0x465: {  	[sflag:s15] =	ssyncadd.s32 $0xFFFFF000  }
0x466: {  	_ =	swait.ge [sflag:s15], $0x1000  }
0x467: {  	[sflag:s15] =	ssyncset.done $0x0  }
0x468: {  	[sflag:s15] =	ssyncadd.s32 $0xFFFFF000  }
0x469: {  	_ =	swait.ge [sflag:s15], $0x1000  }
0x46a: {  	[sflag:s15] =	ssyncset.done $0x0  }
0x46b: {  	[sflag:s15] =	ssyncadd.s32 $0xFFFFF000  }
0x46c: {  	_ =	swait.ge [sflag:s15], $0x1000  }
0x46d: {  	[sflag:s15] =	ssyncset.done $0x0  }
0x46e: {  	s18 =	simm.s32 $0xFFFFFF80;
	[sflag:s15] =	ssyncadd.s32 $0xFFFFF000  }
0x46f: {  	s19 =	simm.s32 $0x2040;
	s20 =	simm.s32 $0x8040;
	_ =	swait.ge [sflag:s15], $0x1000  }
0x470: {  	s21 =	simm.s32 $0xA040;
	s22 =	simm.s32 $0xC040;
	[sflag:s15] =	ssyncset.done $0x0  }
0x471: {  	s23 =	simm.s32 $0x4040;
	s24 =	simm.s32 $0x6040;
	[sflag:s15] =	ssyncadd.s32 $0xFFFFF000  }
.LBB2_14:
0x472: {  	v0 =	vld [tilespmem:s19+$0xFFFFFFC0]  }
0x473: {  	v6 =	vld [tilespmem:s20+$0xFFFFFFC0]  }
0x474: {  	v7 =	vld [tilespmem:s21+$0xFFFFFFC0]  }
0x475: {  	v8 =	vld [tilespmem:s22+$0xFFFFFFC0]  }
0x476: {  	v13 =	vld [tilespmem:s19+$0xFFFFFFD0]  }
0x477: {  	v46 =	vld [tilespmem:s19+$0xFFFFFFE0]  }
0x478: {  	v14 =	vld [tilespmem:s20+$0xFFFFFFD0]  }
0x479: {  	v15 =	vld [tilespmem:s21+$0xFFFFFFD0]  }
0x47a: {  	v16 =	vld [tilespmem:s22+$0xFFFFFFD0]  }
0x47b: {  	v20 =	vld [tilespmem:s19+$0xFFFFFFF0]  }
0x47c: {  	v23 =	vld [tilespmem:s20+$0xFFFFFFE0]  }
0x47d: {  	v24 =	vld [tilespmem:s21+$0xFFFFFFE0]  }
0x47e: {  	v25 =	vld [tilespmem:s22+$0xFFFFFFE0]  }
0x47f: {  	v30 =	vld [tilespmem:s19+$0x0]  }
0x480: {  	v32 =	vld [tilespmem:s20+$0xFFFFFFF0]  }
0x481: {  	v33 =	vld [tilespmem:s21+$0xFFFFFFF0]  }
0x482: {  	v35 =	vld [tilespmem:s22+$0xFFFFFFF0]  }
0x483: {  	v41 =	vld [tilespmem:s19+$0x10]  }
0x484: {  	v1 =	vadd.s32 $0x400, v0;
	v3 =	vld.idx.msk [tilespmem:v0+s0+$0x0], $0xffff  }
0x485: {  	v2 =	vadd.s32 $0xC00, v0;
	v61 =	vld.idx.msk [tilespmem:v13+s0+$0x0], $0xffff  }
0x486: {  	v4 =	vadd.s32 $0x1000, v0;
	v17 =	vld.idx.msk [tilespmem:v46+s0+$0x0], $0xffff  }
0x487: {  	v5 =	vadd.s32 $0x800, v0;
	v27 =	vld.idx.msk [tilespmem:v20+s0+$0x0], $0xffff  }
0x488: {  	v58 =	vadd.s32 $0x400, v13;
	v37 =	vld.idx.msk [tilespmem:v30+s0+$0x0], $0xffff  }
0x489: {  	v59 =	vadd.s32 $0x800, v13;
	v1 =	vld.idx.msk [tilespmem:v1+s0+$0x0], $0xffff  }
0x48a: {  	v60 =	vadd.s32 $0xC00, v13;
	v2 =	vld.idx.msk [tilespmem:v2+s0+$0x0], $0xffff  }
0x48b: {  	v62 =	vadd.s32 $0x1000, v13;
	v4 =	vld.idx.msk [tilespmem:v4+s0+$0x0], $0xffff  }
0x48c: {  	v50 =	vadd.s32 $0x400, v46;
	v5 =	vld.idx.msk [tilespmem:v5+s0+$0x0], $0xffff  }
0x48d: {  	v51 =	vadd.s32 $0x800, v46;
	v63 =	vld.idx.msk [tilespmem:v58+s0+$0x0], $0xffff  }
0x48e: {  	v52 =	vadd.s32 $0xC00, v46;
	v47 =	vld.idx.msk [tilespmem:v59+s0+$0x0], $0xffff  }
0x48f: {  	v18 =	vadd.s32 $0x1000, v46;
	v48 =	vld.idx.msk [tilespmem:v60+s0+$0x0], $0xffff  }
0x490: {  	v54 =	vadd.s32 $0x400, v20;
	v49 =	vld.idx.msk [tilespmem:v62+s0+$0x0], $0xffff  }
0x491: {  	v55 =	vadd.s32 $0x800, v20;
	v19 =	vld.idx.msk [tilespmem:v50+s0+$0x0], $0xffff  }
0x492: {  	v26 =	vadd.s32 $0xC00, v20;
	v21 =	vld.idx.msk [tilespmem:v51+s0+$0x0], $0xffff  }
0x493: {  	v28 =	vadd.s32 $0x1000, v20;
	v22 =	vld.idx.msk [tilespmem:v52+s0+$0x0], $0xffff  }
0x494: {  	v34 =	vadd.s32 $0x800, v30;
	v18 =	vld.idx.msk [tilespmem:v18+s0+$0x0], $0xffff  }
0x495: {  	v36 =	vadd.s32 $0xC00, v30;
	v29 =	vld.idx.msk [tilespmem:v54+s0+$0x0], $0xffff  }
0x496: {  	v38 =	vadd.s32 $0x1000, v30;
	v31 =	vld.idx.msk [tilespmem:v55+s0+$0x0], $0xffff  }
0x497: {  	v10 =	vadd.s32 $0x1400, v0;
	v0 =	vadd.s32 $0x1800, v0;
	v26 =	vld.idx.msk [tilespmem:v26+s0+$0x0], $0xffff  }
0x498: {  	v57 =	vmul.f32 $4.371138830e-08, v8;
	v28 =	vld.idx.msk [tilespmem:v28+s0+$0x0], $0xffff  }
0x499: {  	v39 =	vadd.s32 $0x1400, v30;
	v34 =	vld.idx.msk [tilespmem:v34+s0+$0x0], $0xffff;
	v52 =	vmul.f32 $4.371138830e-08, v35;
	v11 =	vmul.f32 $4.371138830e-08, v3  }
0x49a: {  	v36 =	vld.idx.msk [tilespmem:v36+s0+$0x0], $0xffff;
	v3 =	vmul.f32 v6, v3;
	v42 =	vmul.f32 $4.371138830e-08, v61  }
0x49b: {  	v38 =	vld.idx.msk [tilespmem:v38+s0+$0x0], $0xffff;
	v9 =	vmul.f32 $4.371138830e-08, v1;
	v12 =	vmul.f32 v8, v2  }
0x49c: {  	v44 =	vadd.s32 $0x1400, v13;
	v0 =	vld.idx.msk [tilespmem:v0+s0+$0x0], $0xffff;
	v56 =	vmul.f32 v7, v11;
	v4 =	vmul.f32 v8, v4  }
0x49d: {  	v53 =	vadd.s32 $0x1400, v46;
	v5 =	vmul.f32 v7, v5;
	v2 =	vld.idx.msk [tilespmem:v10+s0+$0x0], $0xffff;
	v40 =	vmul.f32 $4.371138830e-08, v63  }
0x49e: {  	v45 =	vadd.s32 $0x1800, v13;
	v42 =	vmul.f32 v15, v42;
	v13 =	vmul.f32 v16, v49;
	v10 =	vld.idx.msk [tilespmem:v39+s0+$0x0], $0xffff  }
0x49f: {  	v8 =	vadd.s32 $0x1800, v46;
	v11 =	vmul.f32 v14, v63;
	v39 =	vld [tilespmem:s20+$0x0];
	v46 =	vmul.f32 $4.371138830e-08, v29  }
0x4a0: {  	v58 =	vadd.s32 $0x400, v41;
	v49 =	vmul.f32 v35, v26;
	v51 =	vmul.f32 v33, v31;
	v31 =	vld [tilespmem:s20+$0x10]  }
0x4a1: {  	v43 =	vadd.s32 $0xC00, v41;
	v28 =	vmul.f32 v35, v28;
	v35 =	vld [tilespmem:s20+$0x20];
	v9 =	vmul.f32 v7, v9  }
0x4a2: {  	v4 =	vsub.f32 v4, v56;
	v7 =	vld.idx.msk [tilespmem:v53+s0+$0x0], $0xffff;
	v56 =	vadd.s32 $0x1400, v20;
	v20 =	vadd.s32 $0x1800, v20  }
0x4a3: {  	v5 =	vadd.f32 v57, v5;
	v57 =	vadd.s32 $0x400, v30;
	v13 =	vsub.f32 v13, v42;
	v42 =	vld [tilespmem:s22+$0x0]  }
0x4a4: {  	v60 =	vmul.f32 $4.371138830e-08, v19;
	v30 =	vadd.s32 $0x1800, v30;
	v63 =	vmul.f32 v33, v46;
	v46 =	vld [tilespmem:s19+$0x20]  }
0x4a5: {  	v19 =	vmul.f32 v23, v19;
	v3 =	vsub.f32 v3, v9;
	v9 =	vmul.f32 v14, v61;
	v14 =	vld.idx.msk [tilespmem:v58+s0+$0x0], $0xffff  }
0x4a6: {  	v61 =	vmul.f32 $4.371138830e-08, v17;
	v17 =	vmul.f32 v23, v17;
	v23 =	vld.idx.msk [tilespmem:v43+s0+$0x0], $0xffff  }
0x4a7: {  	v1 =	vmul.f32 v6, v1;
	v40 =	vmul.f32 v15, v40;
	v6 =	vld.idx.msk [tilespmem:v20+s0+$0x0], $0xffff  }
0x4a8: {  	v59 =	vadd.s32 $0x800, v41;
	v3 =	vadd.f32 v12, v3;
	v20 =	vld.idx.msk [tilespmem:v57+s0+$0x0], $0xffff  }
0x4a9: {  	v15 =	vmul.f32 v15, v47;
	v47 =	vadd.s32 $0x1400, v41;
	v40 =	vsub.f32 v9, v40;
	v9 =	vld.idx.msk [tilespmem:v30+s0+$0x0], $0xffff  }
0x4aa: {  	v12 =	vmul.f32 v16, v48;
	v16 =	vmul.f32 $4.371138830e-08, v16;
	[tilespmem:s20+$0xFFFFFFC0] =	vst v3;
	v3 =	vld.idx.msk [tilespmem:v8+s0+$0x0], $0xffff  }
0x4ab: {  	v62 =	vmul.f32 v32, v27;
	v8 =	vld.idx.msk [tilespmem:v56+s0+$0x0], $0xffff  }
0x4ac: {  	v21 =	vmul.f32 v24, v21;
	v18 =	vmul.f32 v25, v18;
	v15 =	vadd.f32 v16, v15;
	v16 =	vld [tilespmem:s21+$0x0]  }
0x4ad: {  	v13 =	vsub.f32 v13, v11;
	v11 =	vmul.f32 v24, v60;
	v30 =	vadd.f32 v12, v40;
	v40 =	vld.idx.msk [tilespmem:v59+s0+$0x0], $0xffff  }
0x4ae: {  	v24 =	vmul.f32 v24, v61;
	v60 =	vmul.f32 v42, v38;
	v12 =	vld.idx.msk [tilespmem:v47+s0+$0x0], $0xffff  }
0x4af: {  	v48 =	vsub.f32 v62, v63;
	v63 =	vmul.f32 $4.371138830e-08, v42;
	v59 =	vmul.f32 v42, v36;
	v42 =	vld [tilespmem:s20+$0x30]  }
0x4b0: {  	v1 =	vsub.f32 v4, v1;
	[tilespmem:s21+$0xFFFFFFC0] =	vst v5;
	v5 =	vld.idx.msk [tilespmem:v44+s0+$0x0], $0xffff  }
0x4b1: {  	v50 =	vmul.f32 $4.371138830e-08, v27;
	v54 =	vadd.s32 $0x400, v46;
	v18 =	vsub.f32 v18, v24;
	v44 =	vld.idx.msk [tilespmem:v41+s0+$0x0], $0xffff  }
0x4b2: {  	v22 =	vmul.f32 v25, v22;
	v25 =	vmul.f32 $4.371138830e-08, v25;
	v55 =	vadd.s32 $0x800, v46;
	[tilespmem:s22+$0xFFFFFFC0] =	vst v1;
	v1 =	vld.idx.msk [tilespmem:v45+s0+$0x0], $0xffff  }
0x4b3: {  	v45 =	vadd.s32 $0x1000, v41;
	v18 =	vsub.f32 v18, v19;
	v19 =	vmul.f32 v33, v50;
	v33 =	vld [tilespmem:s21+$0x10]  }
0x4b4: {  	v29 =	vmul.f32 v32, v29;
	v21 =	vadd.f32 v25, v21;
	v36 =	vld.idx.msk [tilespmem:v46+s0+$0x0], $0xffff  }
0x4b5: {  	v25 =	vadd.f32 v52, v51;
	v57 =	vadd.s32 $0xC00, v46;
	v19 =	vsub.f32 v28, v19;
	v28 =	vld [tilespmem:s19+$0x30]  }
0x4b6: {  	v58 =	vmul.f32 $4.371138830e-08, v37;
	v11 =	vsub.f32 v17, v11;
	v41 =	vadd.s32 $0x1800, v41;
	v38 =	vld.idx.msk [tilespmem:v54+s0+$0x0], $0xffff  }
0x4b7: {  	v61 =	vadd.s32 $0x1000, v46;
	v56 =	vmul.f32 v39, v37;
	v62 =	vmul.f32 $4.371138830e-08, v14;
	v32 =	vld.idx.msk [tilespmem:v55+s0+$0x0], $0xffff  }
0x4b8: {  	v22 =	vadd.f32 v22, v11;
	v14 =	vmul.f32 v31, v14;
	v53 =	vmul.f32 $4.371138830e-08, v20;
	v24 =	vld.idx.msk [tilespmem:v45+s0+$0x0], $0xffff  }
0x4b9: {  	v17 =	vadd.f32 v49, v48;
	[tilespmem:s20+$0xFFFFFFD0] =	vst v30;
	v51 =	vmul.f32 v39, v20;
	v26 =	vmul.f32 v16, v58;
	v45 =	vld [tilespmem:s22+$0x10]  }
0x4ba: {  	v48 =	vld.idx.msk [tilespmem:v57+s0+$0x0], $0xffff;
	v27 =	vmul.f32 v16, v53;
	v19 =	vsub.f32 v19, v29;
	v16 =	vmul.f32 v16, v34  }
0x4bb: {  	v49 =	vmul.f32 v31, v44;
	v11 =	vld.idx.msk [tilespmem:v41+s0+$0x0], $0xffff;
	v26 =	vsub.f32 v60, v26;
	v29 =	vmul.f32 v33, v62  }
0x4bc: {  	[tilespmem:s21+$0xFFFFFFD0] =	vst v15;
	v54 =	vmul.f32 v33, v40;
	v40 =	vld.idx.msk [tilespmem:v61+s0+$0x0], $0xffff;
	v61 =	vmul.f32 v35, v36;
	v50 =	vadd.s32 $0x400, v28  }
0x4bd: {  	[tilespmem:s22+$0xFFFFFFD0] =	vst v13;
	v41 =	vadd.s32 $0x1400, v46;
	v53 =	vadd.s32 $0xC00, v28;
	v13 =	vsub.f32 v26, v51;
	v26 =	vld [tilespmem:s22+$0x20]  }
0x4be: {  	[tilespmem:s20+$0xFFFFFFE0] =	vst v22;
	v27 =	vsub.f32 v56, v27;
	v56 =	vmul.f32 $4.371138830e-08, v44;
	v52 =	vmul.f32 v45, v23;
	v23 =	vld [tilespmem:s21+$0x20]  }
0x4bf: {  	[tilespmem:s20+$0xFFFFFFF0] =	vst v17;
	v15 =	vsub.f32 v49, v29;
	v60 =	vadd.s32 $0x1000, v28;
	v62 =	vadd.s32 $0x800, v28;
	v22 =	vld.idx.msk [tilespmem:v28+s0+$0x0], $0xffff  }
0x4c0: {  	[tilespmem:s21+$0xFFFFFFE0] =	vst v21;
	v27 =	vadd.f32 v59, v27;
	v55 =	vmul.f32 $4.371138830e-08, v45;
	v59 =	vmul.f32 v45, v24;
	v45 =	vld [tilespmem:s21+$0x30]  }
0x4c1: {  	[tilespmem:s21+$0xFFFFFFF0] =	vst v25;
	v43 =	vmul.f32 $4.371138830e-08, v36;
	v46 =	vadd.s32 $0x1800, v46;
	v16 =	vadd.f32 v63, v16;
	v24 =	vld.idx.msk [tilespmem:v50+s0+$0x0], $0xffff  }
0x4c2: {  	[tilespmem:s22+$0xFFFFFFE0] =	vst v18;
	v57 =	vmul.f32 $4.371138830e-08, v38;
	v58 =	vmul.f32 v33, v56;
	v15 =	vadd.f32 v52, v15;
	v63 =	vld.idx.msk [tilespmem:v53+s0+$0x0], $0xffff  }
0x4c3: {  	[tilespmem:s22+$0xFFFFFFF0] =	vst v19;
	v18 =	vadd.f32 v55, v54;
	v44 =	vmul.f32 v26, v48;
	v47 =	vmul.f32 $4.371138830e-08, v26;
	v48 =	vld [tilespmem:s22+$0x30]  }
0x4c4: {  	v17 =	vsub.f32 v59, v58;
	v54 =	vld.idx.msk [tilespmem:v62+s0+$0x0], $0xffff;
	v62 =	vmul.f32 v35, v38;
	v20 =	vmul.f32 v23, v57  }
0x4c5: {  	[tilespmem:s20+$0x0] =	vst v27;
	v51 =	vld.idx.msk [tilespmem:v60+s0+$0x0], $0xffff;
	v58 =	vadd.s32 $0x1400, v28;
	v32 =	vmul.f32 v23, v32;
	v53 =	vmul.f32 v23, v43  }
0x4c6: {  	v4 =	vld [tilespmem:s23+$0xFFFFFFC0];
	[tilespmem:s21+$0x0] =	vst v16;
	v49 =	vsub.f32 v17, v14;
	v57 =	vmul.f32 v26, v40;
	v55 =	vmul.f32 $4.371138830e-08, v24  }
0x4c7: {  	v37 =	vld [tilespmem:s23+$0xFFFFFFF0];
	[tilespmem:s22+$0x0] =	vst v13;
	v59 =	vmul.f32 $4.371138830e-08, v22;
	v22 =	vmul.f32 v42, v22;
	v20 =	vsub.f32 v61, v20  }
0x4c8: {  	v16 =	vld.idx.msk [tilespmem:v46+s0+$0x0], $0xffff;
	[tilespmem:s20+$0x10] =	vst v15;
	v52 =	vadd.f32 v47, v32;
	v61 =	vadd.s32 $0x1800, v28;
	v25 =	vmul.f32 v45, v55  }
0x4c9: {  	v56 =	vld [tilespmem:s23+$0xFFFFFFD0];
	[tilespmem:s21+$0x10] =	vst v18;
	v18 =	vsub.f32 v57, v53;
	v63 =	vmul.f32 v48, v63;
	v50 =	vadd.f32 v44, v20  }
0x4ca: {  	v33 =	vld [tilespmem:s23+$0xFFFFFFE0];
	[tilespmem:s22+$0x10] =	vst v49;
	v34 =	vmul.f32 v45, v59;
	v17 =	vmul.f32 v48, v51;
	v32 =	vsub.f32 v22, v25  }
0x4cb: {  	v60 =	vld.idx.msk [tilespmem:v41+s0+$0x0], $0xffff;
	v35 =	vmul.f32 v45, v54;
	v38 =	vmul.f32 $4.371138830e-08, v48;
	v18 =	vsub.f32 v18, v62;
	[tilespmem:s20+$0x20] =	vst v50  }
0x4cc: {  	v41 =	vld [tilespmem:s23+$0x0];
	v21 =	vmul.f32 v42, v24;
	v17 =	vsub.f32 v17, v34;
	[tilespmem:s21+$0x20] =	vst v52;
	v14 =	vadd.f32 v63, v32  }
0x4cd: {  	v39 =	vld.idx.msk [tilespmem:v58+s0+$0x0], $0xffff;
	v15 =	vadd.f32 v38, v35;
	[tilespmem:s22+$0x20] =	vst v18  }
0x4ce: {  	v17 =	vsub.f32 v17, v21;
	v40 =	vld.idx.msk [tilespmem:v61+s0+$0x0], $0xffff;
	[tilespmem:s20+$0x30] =	vst v14  }
0x4cf: {  	v5 =	vadd.f32 v56, v5;
	v42 =	vld [tilespmem:s23+$0x10];
	[tilespmem:s21+$0x30] =	vst v15  }
0x4d0: {  	v2 =	vadd.f32 v4, v2;
	v43 =	vld [tilespmem:s23+$0x20];
	[tilespmem:s22+$0x30] =	vst v17  }
0x4d1: {  	[tilespmem:s23+$0xFFFFFFD0] =	vst v5;
	v44 =	vadd.f32 v33, v7;
	v45 =	vld [tilespmem:s23+$0x30]  }
0x4d2: {  	[tilespmem:s23+$0xFFFFFFC0] =	vst v2;
	v46 =	vadd.f32 v37, v8;
	v49 =	vld [tilespmem:s24+$0xFFFFFFD0]  }
0x4d3: {  	v47 =	vld [tilespmem:s24+$0xFFFFFFC0];
	v48 =	vadd.f32 v41, v10;
	[tilespmem:s23+$0xFFFFFFE0] =	vst v44  }
0x4d4: {  	[tilespmem:s23+$0xFFFFFFF0] =	vst v46;
	v4 =	vadd.f32 v42, v12;
	v50 =	vld [tilespmem:s24+$0xFFFFFFE0]  }
0x4d5: {  	[tilespmem:s23+$0x0] =	vst v48;
	v52 =	vld [tilespmem:s24+$0xFFFFFFF0];
	v51 =	vadd.f32 v43, v60  }
0x4d6: {  	v54 =	vld [tilespmem:s24+$0x0];
	[tilespmem:s23+$0x10] =	vst v4;
	v53 =	vadd.f32 v45, v39  }
0x4d7: {  	v1 =	vadd.f32 v49, v1;
	v55 =	vld [tilespmem:s24+$0x10];
	[tilespmem:s23+$0x20] =	vst v51  }
0x4d8: {  	v0 =	vadd.f32 v47, v0;
	v56 =	vld [tilespmem:s24+$0x20];
	[tilespmem:s23+$0x30] =	vst v53  }
0x4d9: {  	[tilespmem:s24+$0xFFFFFFD0] =	vst v1;
	v57 =	vadd.f32 v50, v3;
	v58 =	vld [tilespmem:s24+$0x30]  }
0x4da: {  	s18 =	sadd.s32 $0x80, s18;
	[tilespmem:s24+$0xFFFFFFC0] =	vst v0;
	v59 =	vadd.f32 v52, v6  }
0x4db: {  	p0 =	slt.u32 s18, $0xF80;
	[tilespmem:s24+$0xFFFFFFE0] =	vst v57;
	v60 =	vadd.f32 v54, v9  }
.Ltmp6:
0x4dc: {  	[tilespmem:s24+$0xFFFFFFF0] =	vst v59;
	v61 =	vadd.f32 v55, v11;
	(pc) =	sbr.rel @p0 .LBB2_14-.Ltmp6, $4  }
0x4dd: {  	[tilespmem:s24+$0x0] =	vst v60;
	v62 =	vadd.f32 v56, v16  }
0x4de: {  	[tilespmem:s24+$0x10] =	vst v61;
	v63 =	vadd.f32 v58, v40  }
0x4df: {  	s19 =	sadd.s32 $0x80, s19;
	s20 =	sadd.s32 $0x80, s20;
	s21 =	sadd.s32 $0x80, s21;
	[tilespmem:s24+$0x20] =	vst v62  }
0x4e0: {  	s22 =	sadd.s32 $0x80, s22;
	s23 =	sadd.s32 $0x80, s23;
	[tilespmem:s24+$0x30] =	vst v63;
	s24 =	sadd.s32 $0x80, s24  }
0x4e1: {  	s18 =	sld [smem:$0x7F9];
	_ =	sdelay $0x1  }
0x4e2: {  	s21 =	sld [smem:$0x7FA]  }
0x4e3: {  	[hbm4b:s18+s0] =	stream.linear.scatter [tilespmem:s4], [sflag:$0x2], $0x1000, $0x38;
	[tilespmem:$0xE000] =	vst v63  }
0x4e4: {  	s22 =	sld [smem:$0x7FB]  }
0x4e5: {  	[hbm4b:s21+s0] =	stream.linear.scatter [tilespmem:s5], [sflag:$0x2], $0x1000, $0x38;
	[tilespmem:$0xE000] =	vst v63  }
0x4e6: {  	s23 =	sld [smem:$0x7FC]  }
0x4e7: {  	[hbm4b:s22+s0] =	stream.linear.scatter [tilespmem:s6], [sflag:$0x2], $0x1000, $0x38;
	[tilespmem:$0xE000] =	vst v63  }
0x4e8: {  	s24 =	sld [smem:$0x7FD]  }
0x4e9: {  	[hbm4b:s23+s0] =	stream.linear.scatter [tilespmem:s7], [sflag:$0x2], $0x1000, $0x38;
	[tilespmem:$0xE000] =	vst v63  }
0x4ea: {  	_ = 	snop  }
0x4eb: {  	[hbm4b:s24+s0] =	stream.linear.scatter [tilespmem:s8], [sflag:$0x2], $0x1000, $0x38;
	[tilespmem:$0xE000] =	vst v63  }
0x4ec: {  	_ =	swait.ge [sflag:s15], $0x1000  }
0x4ed: {  	[sflag:s15] =	ssyncset.done $0x0  }
0x4ee: {  	[sflag:s15] =	ssyncadd.s32 $0xFFFFF000  }
0x4ef: {  	_ =	swait.ge [sflag:s15], $0x1000  }
0x4f0: {  	[sflag:s15] =	ssyncset.done $0x0  }
0x4f1: {  	[sflag:s15] =	ssyncadd.s32 $0xFFFFF000  }
0x4f2: {  	_ =	swait.ge [sflag:s15], $0x1000  }
0x4f3: {  	[sflag:s15] =	ssyncset.done $0x0  }
0x4f4: {  	[sflag:s15] =	ssyncadd.s32 $0xFFFFF000  }
0x4f5: {  	_ =	swait.ge [sflag:s15], $0x1000  }
0x4f6: {  	[sflag:s15] =	ssyncset.done $0x0  }
0x4f7: {  	[sflag:s15] =	ssyncadd.s32 $0xFFFFF000  }
0x4f8: {  	_ =	swait.ge [sflag:s15], $0x1000  }
0x4f9: {  	[sflag:s15] =	ssyncset.done $0x0  }
0x4fa: {  	s19 =	simm.s32 $0x7070;
	[sflag:s15] =	ssyncadd.s32 $0xFFFFF000  }
0x4fb: {  	s20 =	simm.s32 $0x5070;
	s18 =	simm.s32 $0xFFFFFF80;
	_ =	swait.ge [sflag:s15], $0x1000  }
0x4fc: {  	s21 =	simm.s32 $0xD070;
	s22 =	simm.s32 $0xB070;
	[sflag:s15] =	ssyncset.done $0x0  }
0x4fd: {  	s23 =	simm.s32 $0x9070;
	s24 =	simm.s32 $0x3070;
	[sflag:s15] =	ssyncadd.s32 $0xFFFFF000  }
.LBB2_16:
0x4fe: {  	v0 =	vld [tilespmem:s24+$0xFFFFFF90]  }
0x4ff: {  	v6 =	vld [tilespmem:s23+$0xFFFFFF90]  }
0x500: {  	v7 =	vld [tilespmem:s22+$0xFFFFFF90]  }
0x501: {  	v8 =	vld [tilespmem:s21+$0xFFFFFF90]  }
0x502: {  	v13 =	vld [tilespmem:s24+$0xFFFFFFA0]  }
0x503: {  	v46 =	vld [tilespmem:s24+$0xFFFFFFB0]  }
0x504: {  	v14 =	vld [tilespmem:s23+$0xFFFFFFA0]  }
0x505: {  	v15 =	vld [tilespmem:s22+$0xFFFFFFA0]  }
0x506: {  	v16 =	vld [tilespmem:s21+$0xFFFFFFA0]  }
0x507: {  	v20 =	vld [tilespmem:s24+$0xFFFFFFC0]  }
0x508: {  	v23 =	vld [tilespmem:s23+$0xFFFFFFB0]  }
0x509: {  	v24 =	vld [tilespmem:s22+$0xFFFFFFB0]  }
0x50a: {  	v25 =	vld [tilespmem:s21+$0xFFFFFFB0]  }
0x50b: {  	v30 =	vld [tilespmem:s24+$0xFFFFFFD0]  }
0x50c: {  	v32 =	vld [tilespmem:s23+$0xFFFFFFC0]  }
0x50d: {  	v33 =	vld [tilespmem:s22+$0xFFFFFFC0]  }
0x50e: {  	v35 =	vld [tilespmem:s21+$0xFFFFFFC0]  }
0x50f: {  	v41 =	vld [tilespmem:s24+$0xFFFFFFE0]  }
0x510: {  	v1 =	vadd.s32 $0x400, v0;
	v3 =	vld.idx.msk [tilespmem:v0+s0+$0x0], $0xffff  }
0x511: {  	v2 =	vadd.s32 $0xC00, v0;
	v61 =	vld.idx.msk [tilespmem:v13+s0+$0x0], $0xffff  }
0x512: {  	v4 =	vadd.s32 $0x1000, v0;
	v17 =	vld.idx.msk [tilespmem:v46+s0+$0x0], $0xffff  }
0x513: {  	v5 =	vadd.s32 $0x800, v0;
	v27 =	vld.idx.msk [tilespmem:v20+s0+$0x0], $0xffff  }
0x514: {  	v58 =	vadd.s32 $0x400, v13;
	v37 =	vld.idx.msk [tilespmem:v30+s0+$0x0], $0xffff  }
0x515: {  	v59 =	vadd.s32 $0x800, v13;
	v1 =	vld.idx.msk [tilespmem:v1+s0+$0x0], $0xffff  }
0x516: {  	v60 =	vadd.s32 $0xC00, v13;
	v2 =	vld.idx.msk [tilespmem:v2+s0+$0x0], $0xffff  }
0x517: {  	v62 =	vadd.s32 $0x1000, v13;
	v4 =	vld.idx.msk [tilespmem:v4+s0+$0x0], $0xffff  }
0x518: {  	v50 =	vadd.s32 $0x400, v46;
	v5 =	vld.idx.msk [tilespmem:v5+s0+$0x0], $0xffff  }
0x519: {  	v51 =	vadd.s32 $0x800, v46;
	v63 =	vld.idx.msk [tilespmem:v58+s0+$0x0], $0xffff  }
0x51a: {  	v52 =	vadd.s32 $0xC00, v46;
	v47 =	vld.idx.msk [tilespmem:v59+s0+$0x0], $0xffff  }
0x51b: {  	v18 =	vadd.s32 $0x1000, v46;
	v48 =	vld.idx.msk [tilespmem:v60+s0+$0x0], $0xffff  }
0x51c: {  	v54 =	vadd.s32 $0x400, v20;
	v49 =	vld.idx.msk [tilespmem:v62+s0+$0x0], $0xffff  }
0x51d: {  	v55 =	vadd.s32 $0x800, v20;
	v19 =	vld.idx.msk [tilespmem:v50+s0+$0x0], $0xffff  }
0x51e: {  	v26 =	vadd.s32 $0xC00, v20;
	v21 =	vld.idx.msk [tilespmem:v51+s0+$0x0], $0xffff  }
0x51f: {  	v28 =	vadd.s32 $0x1000, v20;
	v22 =	vld.idx.msk [tilespmem:v52+s0+$0x0], $0xffff  }
0x520: {  	v34 =	vadd.s32 $0x800, v30;
	v18 =	vld.idx.msk [tilespmem:v18+s0+$0x0], $0xffff  }
0x521: {  	v36 =	vadd.s32 $0xC00, v30;
	v29 =	vld.idx.msk [tilespmem:v54+s0+$0x0], $0xffff  }
0x522: {  	v38 =	vadd.s32 $0x1000, v30;
	v31 =	vld.idx.msk [tilespmem:v55+s0+$0x0], $0xffff  }
0x523: {  	v10 =	vadd.s32 $0x1400, v0;
	v0 =	vadd.s32 $0x1800, v0;
	v26 =	vld.idx.msk [tilespmem:v26+s0+$0x0], $0xffff  }
0x524: {  	v57 =	vmul.f32 $4.371138830e-08, v8;
	v28 =	vld.idx.msk [tilespmem:v28+s0+$0x0], $0xffff  }
0x525: {  	v39 =	vadd.s32 $0x1400, v30;
	v34 =	vld.idx.msk [tilespmem:v34+s0+$0x0], $0xffff;
	v52 =	vmul.f32 $4.371138830e-08, v35;
	v11 =	vmul.f32 $4.371138830e-08, v3  }
0x526: {  	v36 =	vld.idx.msk [tilespmem:v36+s0+$0x0], $0xffff;
	v3 =	vmul.f32 v6, v3;
	v42 =	vmul.f32 $4.371138830e-08, v61  }
0x527: {  	v38 =	vld.idx.msk [tilespmem:v38+s0+$0x0], $0xffff;
	v9 =	vmul.f32 $4.371138830e-08, v1;
	v12 =	vmul.f32 v8, v2  }
0x528: {  	v44 =	vadd.s32 $0x1400, v13;
	v0 =	vld.idx.msk [tilespmem:v0+s0+$0x0], $0xffff;
	v56 =	vmul.f32 v7, v11;
	v4 =	vmul.f32 v8, v4  }
0x529: {  	v53 =	vadd.s32 $0x1400, v46;
	v5 =	vmul.f32 v7, v5;
	v2 =	vld.idx.msk [tilespmem:v10+s0+$0x0], $0xffff;
	v40 =	vmul.f32 $4.371138830e-08, v63  }
0x52a: {  	v45 =	vadd.s32 $0x1800, v13;
	v42 =	vmul.f32 v15, v42;
	v13 =	vmul.f32 v16, v49;
	v10 =	vld.idx.msk [tilespmem:v39+s0+$0x0], $0xffff  }
0x52b: {  	v8 =	vadd.s32 $0x1800, v46;
	v11 =	vmul.f32 v14, v63;
	v39 =	vld [tilespmem:s23+$0xFFFFFFD0];
	v46 =	vmul.f32 $4.371138830e-08, v29  }
0x52c: {  	v58 =	vadd.s32 $0x400, v41;
	v49 =	vmul.f32 v35, v26;
	v51 =	vmul.f32 v33, v31;
	v31 =	vld [tilespmem:s23+$0xFFFFFFE0]  }
0x52d: {  	v43 =	vadd.s32 $0xC00, v41;
	v28 =	vmul.f32 v35, v28;
	v35 =	vld [tilespmem:s23+$0xFFFFFFF0];
	v9 =	vmul.f32 v7, v9  }
0x52e: {  	v4 =	vsub.f32 v4, v56;
	v7 =	vld.idx.msk [tilespmem:v53+s0+$0x0], $0xffff;
	v56 =	vadd.s32 $0x1400, v20;
	v20 =	vadd.s32 $0x1800, v20  }
0x52f: {  	v5 =	vadd.f32 v57, v5;
	v57 =	vadd.s32 $0x400, v30;
	v13 =	vsub.f32 v13, v42;
	v42 =	vld [tilespmem:s21+$0xFFFFFFD0]  }
0x530: {  	v60 =	vmul.f32 $4.371138830e-08, v19;
	v30 =	vadd.s32 $0x1800, v30;
	v63 =	vmul.f32 v33, v46;
	v46 =	vld [tilespmem:s24+$0xFFFFFFF0]  }
0x531: {  	v19 =	vmul.f32 v23, v19;
	v3 =	vsub.f32 v3, v9;
	v9 =	vmul.f32 v14, v61;
	v14 =	vld.idx.msk [tilespmem:v58+s0+$0x0], $0xffff  }
0x532: {  	v61 =	vmul.f32 $4.371138830e-08, v17;
	v17 =	vmul.f32 v23, v17;
	v23 =	vld.idx.msk [tilespmem:v43+s0+$0x0], $0xffff  }
0x533: {  	v1 =	vmul.f32 v6, v1;
	v40 =	vmul.f32 v15, v40;
	v6 =	vld.idx.msk [tilespmem:v20+s0+$0x0], $0xffff  }
0x534: {  	v59 =	vadd.s32 $0x800, v41;
	v3 =	vadd.f32 v12, v3;
	v20 =	vld.idx.msk [tilespmem:v57+s0+$0x0], $0xffff  }
0x535: {  	v15 =	vmul.f32 v15, v47;
	v47 =	vadd.s32 $0x1400, v41;
	v40 =	vsub.f32 v9, v40;
	v9 =	vld.idx.msk [tilespmem:v30+s0+$0x0], $0xffff  }
0x536: {  	v12 =	vmul.f32 v16, v48;
	v16 =	vmul.f32 $4.371138830e-08, v16;
	[tilespmem:s23+$0xFFFFFF90] =	vst v3;
	v3 =	vld.idx.msk [tilespmem:v8+s0+$0x0], $0xffff  }
0x537: {  	v62 =	vmul.f32 v32, v27;
	v8 =	vld.idx.msk [tilespmem:v56+s0+$0x0], $0xffff  }
0x538: {  	v21 =	vmul.f32 v24, v21;
	v18 =	vmul.f32 v25, v18;
	v15 =	vadd.f32 v16, v15;
	v16 =	vld [tilespmem:s22+$0xFFFFFFD0]  }
0x539: {  	v13 =	vsub.f32 v13, v11;
	v11 =	vmul.f32 v24, v60;
	v30 =	vadd.f32 v12, v40;
	v40 =	vld.idx.msk [tilespmem:v59+s0+$0x0], $0xffff  }
0x53a: {  	v24 =	vmul.f32 v24, v61;
	v60 =	vmul.f32 v42, v38;
	v12 =	vld.idx.msk [tilespmem:v47+s0+$0x0], $0xffff  }
0x53b: {  	v48 =	vsub.f32 v62, v63;
	v63 =	vmul.f32 $4.371138830e-08, v42;
	v59 =	vmul.f32 v42, v36;
	v42 =	vld [tilespmem:s23+$0x0]  }
0x53c: {  	v1 =	vsub.f32 v4, v1;
	[tilespmem:s22+$0xFFFFFF90] =	vst v5;
	v5 =	vld.idx.msk [tilespmem:v44+s0+$0x0], $0xffff  }
0x53d: {  	v50 =	vmul.f32 $4.371138830e-08, v27;
	v54 =	vadd.s32 $0x400, v46;
	v18 =	vsub.f32 v18, v24;
	v44 =	vld.idx.msk [tilespmem:v41+s0+$0x0], $0xffff  }
0x53e: {  	v22 =	vmul.f32 v25, v22;
	v25 =	vmul.f32 $4.371138830e-08, v25;
	v55 =	vadd.s32 $0x800, v46;
	[tilespmem:s21+$0xFFFFFF90] =	vst v1;
	v1 =	vld.idx.msk [tilespmem:v45+s0+$0x0], $0xffff  }
0x53f: {  	v45 =	vadd.s32 $0x1000, v41;
	v18 =	vsub.f32 v18, v19;
	v19 =	vmul.f32 v33, v50;
	v33 =	vld [tilespmem:s22+$0xFFFFFFE0]  }
0x540: {  	v29 =	vmul.f32 v32, v29;
	v21 =	vadd.f32 v25, v21;
	v36 =	vld.idx.msk [tilespmem:v46+s0+$0x0], $0xffff  }
0x541: {  	v25 =	vadd.f32 v52, v51;
	v57 =	vadd.s32 $0xC00, v46;
	v19 =	vsub.f32 v28, v19;
	v28 =	vld [tilespmem:s24+$0x0]  }
0x542: {  	v58 =	vmul.f32 $4.371138830e-08, v37;
	v11 =	vsub.f32 v17, v11;
	v41 =	vadd.s32 $0x1800, v41;
	v38 =	vld.idx.msk [tilespmem:v54+s0+$0x0], $0xffff  }
0x543: {  	v61 =	vadd.s32 $0x1000, v46;
	v56 =	vmul.f32 v39, v37;
	v62 =	vmul.f32 $4.371138830e-08, v14;
	v32 =	vld.idx.msk [tilespmem:v55+s0+$0x0], $0xffff  }
0x544: {  	v22 =	vadd.f32 v22, v11;
	v14 =	vmul.f32 v31, v14;
	v53 =	vmul.f32 $4.371138830e-08, v20;
	v24 =	vld.idx.msk [tilespmem:v45+s0+$0x0], $0xffff  }
0x545: {  	v17 =	vadd.f32 v49, v48;
	[tilespmem:s23+$0xFFFFFFA0] =	vst v30;
	v51 =	vmul.f32 v39, v20;
	v26 =	vmul.f32 v16, v58;
	v45 =	vld [tilespmem:s21+$0xFFFFFFE0]  }
0x546: {  	v48 =	vld.idx.msk [tilespmem:v57+s0+$0x0], $0xffff;
	v27 =	vmul.f32 v16, v53;
	v19 =	vsub.f32 v19, v29;
	v16 =	vmul.f32 v16, v34  }
0x547: {  	v49 =	vmul.f32 v31, v44;
	v11 =	vld.idx.msk [tilespmem:v41+s0+$0x0], $0xffff;
	v26 =	vsub.f32 v60, v26;
	v29 =	vmul.f32 v33, v62  }
0x548: {  	[tilespmem:s22+$0xFFFFFFA0] =	vst v15;
	v54 =	vmul.f32 v33, v40;
	v40 =	vld.idx.msk [tilespmem:v61+s0+$0x0], $0xffff;
	v61 =	vmul.f32 v35, v36;
	v50 =	vadd.s32 $0x400, v28  }
0x549: {  	[tilespmem:s21+$0xFFFFFFA0] =	vst v13;
	v41 =	vadd.s32 $0x1400, v46;
	v53 =	vadd.s32 $0xC00, v28;
	v13 =	vsub.f32 v26, v51;
	v26 =	vld [tilespmem:s21+$0xFFFFFFF0]  }
0x54a: {  	[tilespmem:s23+$0xFFFFFFB0] =	vst v22;
	v27 =	vsub.f32 v56, v27;
	v56 =	vmul.f32 $4.371138830e-08, v44;
	v52 =	vmul.f32 v45, v23;
	v23 =	vld [tilespmem:s22+$0xFFFFFFF0]  }
0x54b: {  	[tilespmem:s23+$0xFFFFFFC0] =	vst v17;
	v15 =	vsub.f32 v49, v29;
	v60 =	vadd.s32 $0x1000, v28;
	v62 =	vadd.s32 $0x800, v28;
	v22 =	vld.idx.msk [tilespmem:v28+s0+$0x0], $0xffff  }
0x54c: {  	[tilespmem:s22+$0xFFFFFFB0] =	vst v21;
	v27 =	vadd.f32 v59, v27;
	v55 =	vmul.f32 $4.371138830e-08, v45;
	v59 =	vmul.f32 v45, v24;
	v45 =	vld [tilespmem:s22+$0x0]  }
0x54d: {  	[tilespmem:s22+$0xFFFFFFC0] =	vst v25;
	v43 =	vmul.f32 $4.371138830e-08, v36;
	v46 =	vadd.s32 $0x1800, v46;
	v16 =	vadd.f32 v63, v16;
	v24 =	vld.idx.msk [tilespmem:v50+s0+$0x0], $0xffff  }
0x54e: {  	[tilespmem:s21+$0xFFFFFFB0] =	vst v18;
	v57 =	vmul.f32 $4.371138830e-08, v38;
	v58 =	vmul.f32 v33, v56;
	v15 =	vadd.f32 v52, v15;
	v63 =	vld.idx.msk [tilespmem:v53+s0+$0x0], $0xffff  }
0x54f: {  	[tilespmem:s21+$0xFFFFFFC0] =	vst v19;
	v18 =	vadd.f32 v55, v54;
	v44 =	vmul.f32 v26, v48;
	v47 =	vmul.f32 $4.371138830e-08, v26;
	v48 =	vld [tilespmem:s21+$0x0]  }
0x550: {  	v17 =	vsub.f32 v59, v58;
	v54 =	vld.idx.msk [tilespmem:v62+s0+$0x0], $0xffff;
	v62 =	vmul.f32 v35, v38;
	v20 =	vmul.f32 v23, v57  }
0x551: {  	[tilespmem:s23+$0xFFFFFFD0] =	vst v27;
	v51 =	vld.idx.msk [tilespmem:v60+s0+$0x0], $0xffff;
	v58 =	vadd.s32 $0x1400, v28;
	v32 =	vmul.f32 v23, v32;
	v53 =	vmul.f32 v23, v43  }
0x552: {  	v4 =	vld [tilespmem:s20+$0xFFFFFF90];
	[tilespmem:s22+$0xFFFFFFD0] =	vst v16;
	v49 =	vsub.f32 v17, v14;
	v57 =	vmul.f32 v26, v40;
	v55 =	vmul.f32 $4.371138830e-08, v24  }
0x553: {  	v37 =	vld [tilespmem:s20+$0xFFFFFFC0];
	[tilespmem:s21+$0xFFFFFFD0] =	vst v13;
	v59 =	vmul.f32 $4.371138830e-08, v22;
	v22 =	vmul.f32 v42, v22;
	v20 =	vsub.f32 v61, v20  }
0x554: {  	v16 =	vld.idx.msk [tilespmem:v46+s0+$0x0], $0xffff;
	[tilespmem:s23+$0xFFFFFFE0] =	vst v15;
	v52 =	vadd.f32 v47, v32;
	v61 =	vadd.s32 $0x1800, v28;
	v25 =	vmul.f32 v45, v55  }
0x555: {  	v56 =	vld [tilespmem:s20+$0xFFFFFFA0];
	[tilespmem:s22+$0xFFFFFFE0] =	vst v18;
	v18 =	vsub.f32 v57, v53;
	v63 =	vmul.f32 v48, v63;
	v50 =	vadd.f32 v44, v20  }
0x556: {  	v33 =	vld [tilespmem:s20+$0xFFFFFFB0];
	[tilespmem:s21+$0xFFFFFFE0] =	vst v49;
	v34 =	vmul.f32 v45, v59;
	v17 =	vmul.f32 v48, v51;
	v32 =	vsub.f32 v22, v25  }
0x557: {  	v60 =	vld.idx.msk [tilespmem:v41+s0+$0x0], $0xffff;
	v35 =	vmul.f32 v45, v54;
	v38 =	vmul.f32 $4.371138830e-08, v48;
	v18 =	vsub.f32 v18, v62;
	[tilespmem:s23+$0xFFFFFFF0] =	vst v50  }
0x558: {  	v41 =	vld [tilespmem:s20+$0xFFFFFFD0];
	v21 =	vmul.f32 v42, v24;
	v17 =	vsub.f32 v17, v34;
	[tilespmem:s22+$0xFFFFFFF0] =	vst v52;
	v14 =	vadd.f32 v63, v32  }
0x559: {  	v39 =	vld.idx.msk [tilespmem:v58+s0+$0x0], $0xffff;
	v15 =	vadd.f32 v38, v35;
	[tilespmem:s21+$0xFFFFFFF0] =	vst v18  }
0x55a: {  	v17 =	vsub.f32 v17, v21;
	v40 =	vld.idx.msk [tilespmem:v61+s0+$0x0], $0xffff;
	[tilespmem:s23+$0x0] =	vst v14  }
0x55b: {  	v5 =	vadd.f32 v56, v5;
	v42 =	vld [tilespmem:s20+$0xFFFFFFE0];
	[tilespmem:s22+$0x0] =	vst v15  }
0x55c: {  	v2 =	vadd.f32 v4, v2;
	v43 =	vld [tilespmem:s20+$0xFFFFFFF0];
	[tilespmem:s21+$0x0] =	vst v17  }
0x55d: {  	[tilespmem:s20+$0xFFFFFFA0] =	vst v5;
	v44 =	vadd.f32 v33, v7;
	v45 =	vld [tilespmem:s20+$0x0]  }
0x55e: {  	[tilespmem:s20+$0xFFFFFF90] =	vst v2;
	v46 =	vadd.f32 v37, v8;
	v49 =	vld [tilespmem:s19+$0xFFFFFFA0]  }
0x55f: {  	v47 =	vld [tilespmem:s19+$0xFFFFFF90];
	v48 =	vadd.f32 v41, v10;
	[tilespmem:s20+$0xFFFFFFB0] =	vst v44  }
0x560: {  	[tilespmem:s20+$0xFFFFFFC0] =	vst v46;
	v4 =	vadd.f32 v42, v12;
	v50 =	vld [tilespmem:s19+$0xFFFFFFB0]  }
0x561: {  	[tilespmem:s20+$0xFFFFFFD0] =	vst v48;
	v52 =	vld [tilespmem:s19+$0xFFFFFFC0];
	v51 =	vadd.f32 v43, v60  }
0x562: {  	v54 =	vld [tilespmem:s19+$0xFFFFFFD0];
	[tilespmem:s20+$0xFFFFFFE0] =	vst v4;
	v53 =	vadd.f32 v45, v39  }
0x563: {  	v1 =	vadd.f32 v49, v1;
	v55 =	vld [tilespmem:s19+$0xFFFFFFE0];
	[tilespmem:s20+$0xFFFFFFF0] =	vst v51  }
0x564: {  	v0 =	vadd.f32 v47, v0;
	v56 =	vld [tilespmem:s19+$0xFFFFFFF0];
	[tilespmem:s20+$0x0] =	vst v53  }
0x565: {  	[tilespmem:s19+$0xFFFFFFA0] =	vst v1;
	v57 =	vadd.f32 v50, v3;
	v58 =	vld [tilespmem:s19+$0x0]  }
0x566: {  	s18 =	sadd.s32 $0x80, s18;
	[tilespmem:s19+$0xFFFFFF90] =	vst v0;
	v59 =	vadd.f32 v52, v6  }
0x567: {  	p0 =	slt.u32 s18, $0xF80;
	[tilespmem:s19+$0xFFFFFFB0] =	vst v57;
	v60 =	vadd.f32 v54, v9  }
.Ltmp7:
0x568: {  	[tilespmem:s19+$0xFFFFFFC0] =	vst v59;
	v61 =	vadd.f32 v55, v11;
	(pc) =	sbr.rel @p0 .LBB2_16-.Ltmp7, $4  }
0x569: {  	[tilespmem:s19+$0xFFFFFFD0] =	vst v60;
	v62 =	vadd.f32 v56, v16  }
0x56a: {  	[tilespmem:s19+$0xFFFFFFE0] =	vst v61;
	v63 =	vadd.f32 v58, v40  }
0x56b: {  	s24 =	sadd.s32 $0x80, s24;
	s23 =	sadd.s32 $0x80, s23;
	s22 =	sadd.s32 $0x80, s22;
	[tilespmem:s19+$0xFFFFFFF0] =	vst v62  }
0x56c: {  	s21 =	sadd.s32 $0x80, s21;
	s20 =	sadd.s32 $0x80, s20;
	[tilespmem:s19+$0x0] =	vst v63;
	s19 =	sadd.s32 $0x80, s19  }
0x56d: {  	[hbm4b:s25+s0] =	stream.linear.scatter [tilespmem:s10], [sflag:$0x2], $0x1000, $0x38;
	[tilespmem:$0xE000] =	vst v63  }
0x56e: {  	_ = 	snop  }
0x56f: {  	[hbm4b:s26+s0] =	stream.linear.scatter [tilespmem:s11], [sflag:$0x2], $0x1000, $0x38;
	[tilespmem:$0xE000] =	vst v63  }
0x570: {  	_ = 	snop  }
0x571: {  	[hbm4b:s28+s0] =	stream.linear.scatter [tilespmem:s12], [sflag:$0x2], $0x1000, $0x38;
	[tilespmem:$0xE000] =	vst v63  }
0x572: {  	_ = 	snop  }
0x573: {  	[hbm4b:s29+s0] =	stream.linear.scatter [tilespmem:s13], [sflag:$0x2], $0x1000, $0x38;
	[tilespmem:$0xE000] =	vst v63  }
0x574: {  	_ = 	snop  }
0x575: {  	[hbm4b:s30+s0] =	stream.linear.scatter [tilespmem:s14], [sflag:$0x2], $0x1000, $0x38;
	[tilespmem:$0xE000] =	vst v63  }
0x576: {  	_ =	swait.ge [sflag:s16], $0x1000  }
0x577: {  	[sflag:s16] =	ssyncset.done $0x0  }
0x578: {  	[sflag:s16] =	ssyncadd.s32 $0xFFFFF000  }
0x579: {  	_ =	swait.ge [sflag:s16], $0x1000  }
0x57a: {  	[sflag:s16] =	ssyncset.done $0x0  }
0x57b: {  	[sflag:s16] =	ssyncadd.s32 $0xFFFFF000  }
0x57c: {  	_ =	swait.ge [sflag:s16], $0x1000  }
0x57d: {  	[sflag:s16] =	ssyncset.done $0x0  }
0x57e: {  	[sflag:s16] =	ssyncadd.s32 $0xFFFFF000  }
0x57f: {  	_ =	swait.ge [sflag:s16], $0x1000  }
0x580: {  	[sflag:s16] =	ssyncset.done $0x0  }
0x581: {  	[sflag:s16] =	ssyncadd.s32 $0xFFFFF000  }
0x582: {  	_ =	swait.ge [sflag:s16], $0x1000  }
0x583: {  	[sflag:s16] =	ssyncset.done $0x0  }
0x584: {  	[sflag:s16] =	ssyncadd.s32 $0xFFFFF000  }
0x585: {  	_ =	swait.ge [sflag:s16], $0x1000  }
0x586: {  	[sflag:s16] =	ssyncset.done $0x0  }
0x587: {  	[sflag:s16] =	ssyncadd.s32 $0xFFFFF000  }
0x588: {  	_ =	swait.ge [sflag:s16], $0x1000  }
0x589: {  	[sflag:s16] =	ssyncset.done $0x0  }
0x58a: {  	[sflag:s16] =	ssyncadd.s32 $0xFFFFF000  }
0x58b: {  	_ =	swait.ge [sflag:s16], $0x1000  }
0x58c: {  	[sflag:s16] =	ssyncset.done $0x0  }
0x58d: {  	s17 =	sadd.s32 $0x1, s17;
	[sflag:s16] =	ssyncadd.s32 $0xFFFFF000  }
0x58e: {  	p0 =	sne.s32 s17, s1;
	_ =	swait.ge [sflag:s16], $0x1000  }
.Ltmp8:
0x58f: {  	[sflag:s16] =	ssyncset.done $0x0;
	(pc) =	sbr.rel @p0 .LBB2_1-.Ltmp8, $4  }
0x590: {  	[sflag:s16] =	ssyncadd.s32 $0xFFFFF000  }
0x591: {  	_ =	swait.ge [sflag:s16], $0x1000  }
0x592: {  	[sflag:s16] =	ssyncset.done $0x0  }
0x593: {  	[sflag:s16] =	ssyncadd.s32 $0xFFFFF000  }
0x594: {  	_ =	sfence.sel $0x180000  }
0x595: {  	[bflag:$0x0] =	sbarrier.arrive $0xFFFF  }
0x596: {  	_ =	strace $0x90000047  }
0x597: {  	s0 =	stileid.u32;
	[bflag:$0x2] =	sbarrier.arrive $0xFFFF  }
0x598: {  	p0 =	sne.s32 s0, $0x0;
	s0 =	rddreg [dreg:$0x4]  }
0x599: {  	s0 =	sadd.s32 @!p0 $0x100000, s0  }
0x59a: {  	[sflag:s0] =	ssyncadd.tile.s32 @!p0 $0x1;
	_ =	shalt  }
.Lfunc_end2:
_tile_overlayer_lowered:
.L_overlay_start_2:
0x59b: {  	(tag) =	ssettag $0x2  }
0x59c: {  	s0 =	rddreg [dreg:$0x0];
	s2 =	stileid.u32  }
0x59d: {  	s1 =	rddreg [dreg:$0x1];
	p0 =	sne.s32 s2, $0x0  }
0x59e: {  	s3 =	rddreg [dreg:$0x2];
	[bflag:$0x3] =	sbarrier.arrive $0xFFFF;
	s2 =	simm.s32 @!p0 $0x1C03  }
0x59f: {  	[timem:s3], [sflag:s2] =	dma.local @!p0 [hbm:s0], s1  }
0x5a0: {  	s0 =	simm.s32 @!p0 $0x3  }
0x5a1: {  	_ =	swait.ge @!p0 [sflag:s0], s1  }
0x5a2: {  	s1 =	ssub.s32 @!p0 $0x0, s1;
	[sflag:s0] =	ssyncset.done @!p0 $0x0  }
0x5a3: {  	[sflag:s0] =	ssyncadd.s32 @!p0 s1  }
0x5a4: {  	[bflag:$0x3] =	sbarrier.arrive $0xFFFF  }
0x5a5: {  	_ =	shalt  }

</sc_bundles>
